<compile_context>
chip_gen: v7x
topology: tpu7x:2x2x1
jax: 0.10.2.dev20260603
libtpu: 0.0.44.dev20260713+nightly
codegen_flags: <defaults>
</compile_context>

<pallas_src>
import dataclasses

import jax
import jax.numpy as jnp
from jax import lax
from jax.experimental import pallas as pl
from jax.experimental.pallas import tpu as pltpu
from jax.experimental.pallas import tpu_sc as plsc

B, N, E = 2, 10000, 160000
IMG, LOC, D, MID = 1024, 5, 128, 128
KG, TL, KGE, R, CONN = 1000, 8, 4000, 8, 4
VOCAB, NC = 10000, 3000

AW = 128
NP = 10240
CH = 128
EPS = E // 16
NCH = 80
ZR = 640
CROW = NP // CH

BN = 2000
KB = 1376
KEYS_PAD = 11008


def _img_proj_body(feat_ref, loc_ref, Wi_ref, bi_ref, Wl_ref, bl_ref,
                   Wr1_ref, Wr2_ref, br_ref,
                   x_ref, node0_ref, y1_ref, y2_ref):
    x = jax.lax.dot_general(
        feat_ref[...], Wi_ref[...], (((1,), (0,)), ((), ())),
        preferred_element_type=jnp.float32) + bi_ref[...]
    locp = jax.lax.dot_general(
        loc_ref[...], Wl_ref[...], (((1,), (0,)), ((), ())),
        preferred_element_type=jnp.float32) + bl_ref[...]
    x_ref[...] = x
    node0_ref[...] = x + locp
    y1_ref[...] = jax.lax.dot_general(
        x, Wr1_ref[...], (((1,), (0,)), ((), ())),
        preferred_element_type=jnp.float32)
    y2_ref[...] = jax.lax.dot_general(
        x, Wr2_ref[...], (((1,), (0,)), ((), ())),
        preferred_element_type=jnp.float32) + br_ref[...]


def _img_proj(feat, loc, Wi, bi, Wl, bl, Wr1, Wr2, br):
    nb = (B * N) // BN
    grid = (nb,)
    row = lambda i: (i, 0)
    rep = lambda i: (0, 0)
    out_sd = jax.ShapeDtypeStruct((B * N, D), jnp.float32)
    out_aw = jax.ShapeDtypeStruct((B * N, AW), jnp.float32)
    return pl.pallas_call(
        _img_proj_body,
        grid=grid,
        in_specs=[
            pl.BlockSpec((BN, IMG), row),
            pl.BlockSpec((BN, LOC), row),
            pl.BlockSpec((IMG, D), rep),
            pl.BlockSpec((1, D), rep),
            pl.BlockSpec((LOC, D), rep),
            pl.BlockSpec((1, D), rep),
            pl.BlockSpec((D, D), rep),
            pl.BlockSpec((D, D), rep),
            pl.BlockSpec((1, D), rep),
        ],
        out_specs=[pl.BlockSpec((BN, D), row), pl.BlockSpec((BN, D), row),
                   pl.BlockSpec((BN, AW), row), pl.BlockSpec((BN, D), row)],
        out_shape=[out_sd, out_sd, out_aw, out_sd],
        compiler_params=pltpu.CompilerParams(
            dimension_semantics=("arbitrary",)),
    )(feat, loc, Wi, bi, Wl, bl, Wr1, Wr2, br)


def _sc_params():
    cp = pltpu.CompilerParams()
    if "needs_layout_passes" in pltpu.CompilerParams.__dataclass_fields__:
        cp = dataclasses.replace(cp, needs_layout_passes=False)
    return cp


def _cnt_body(pk_hbm, cnt_hbm, i2_v, zbuf, lcnt, iidx, cnt_sh):
    c = lax.axis_index("c")
    s = lax.axis_index("s")

    @pl.loop(0, CROW)
    def _(i):
        for g in range(CH // 16):
            lcnt[i, pl.ds(g * 16, 16)] = jnp.zeros((16,), jnp.float32)
            zbuf[0, pl.ds(g * 16, 16)] = jnp.zeros((16,), jnp.float32)

    for g in range(CROW // 16):
        iidx[pl.ds(g * 16, 16)] = lax.iota(jnp.int32, 16) + g * 16

    @pl.when(s < CROW // 8)
    def _():
        for t in range(8):
            pltpu.sync_copy(zbuf, cnt_sh.at[pl.ds(s * 8 + t, 1)])

    pltpu.sync_copy(pk_hbm.at[c, s], i2_v)
    plsc.subcore_barrier()

    @pl.loop(0, NCH)
    def _(j):
        for g in range(CH // 16):
            v = i2_v[j, pl.ds(g * 16, 16)]
            plsc.addupdate_scatter(
                lcnt, [lax.shift_right_logical(v, 22),
                       lax.bitwise_and(lax.shift_right_logical(v, 15), 127)],
                jnp.ones((16,), jnp.float32))

    pltpu.sync_copy(lcnt, cnt_sh.at[iidx], add=True)
    plsc.subcore_barrier()

    @pl.when(s < CROW // 8)
    def _():
        pltpu.sync_copy(cnt_sh.at[pl.ds(s * 8, 8)],
                        cnt_hbm.at[c].at[pl.ds(s * 8, 8)])


def _edge_cnt(pk):
    mesh = plsc.VectorSubcoreMesh(core_axis_name="c", subcore_axis_name="s")
    return pl.kernel(
        _cnt_body,
        out_type=jax.ShapeDtypeStruct((B, CROW, CH), jnp.float32),
        mesh=mesh,
        scratch_types=[
            pltpu.VMEM((NCH, CH), jnp.int32),
            pltpu.VMEM((1, CH), jnp.float32),
            pltpu.VMEM((CROW, CH), jnp.float32),
            pltpu.VMEM((CROW,), jnp.int32),
            pltpu.VMEM_SHARED((CROW, CH), jnp.float32),
        ],
        compiler_params=_sc_params(),
    )(pk)


def _make_seg(nch, npad, zr):

    def body(xa_hbm, pk_hbm, out_hbm, pk_v, i1a, i2a, i1b, i2b,
             bufa, bufb, acc_sh, sema, semb):
        c = lax.axis_index("c")
        s = lax.axis_index("s")

        @pl.loop(0, CH)
        def _(i):
            for g in range(AW // 16):
                bufa[i, pl.ds(g * 16, 16)] = jnp.zeros((16,), jnp.float32)
        base = s * zr
        nfull, rem = divmod(zr, CH)
        for t in range(nfull):
            pltpu.sync_copy(bufa, acc_sh.at[pl.ds(base + t * CH, CH)])
        if rem:
            pltpu.sync_copy(bufa.at[pl.ds(0, rem)],
                            acc_sh.at[pl.ds(base + nfull * CH, rem)])

        pltpu.sync_copy(pk_hbm.at[c, s], pk_v)
        plsc.subcore_barrier()

        def _unpack(j, i1c, i2c):
            for g in range(CH // 16):
                v = pk_v[j, pl.ds(g * 16, 16)]
                i1c[0, pl.ds(g * 16, 16)] = lax.bitwise_and(v, 32767)
                i2c[0, pl.ds(g * 16, 16)] = lax.shift_right_logical(v, 15)

        _unpack(0, i1a, i2a)
        pltpu.make_async_copy(xa_hbm.at[i1a.at[0]], bufa, sema).start()

        @pl.loop(0, nch, step=2)
        def _(j):
            _unpack(j + 1, i1b, i2b)
            pltpu.make_async_copy(xa_hbm.at[i1b.at[0]], bufb, semb).start()
            pltpu.make_async_copy(xa_hbm.at[i1a.at[0]], bufa, sema).wait()
            pltpu.sync_copy(bufa, acc_sh.at[i2a.at[0]], add=True)

            @pl.when(j + 2 < nch)
            def _():
                _unpack(j + 2, i1a, i2a)
                pltpu.make_async_copy(xa_hbm.at[i1a.at[0]], bufa,
                                      sema).start()
            pltpu.make_async_copy(xa_hbm.at[i1b.at[0]], bufb, semb).wait()
            pltpu.sync_copy(bufb, acc_sh.at[i2b.at[0]], add=True)

        plsc.subcore_barrier()
        pltpu.sync_copy(acc_sh.at[pl.ds(base, zr)],
                        out_hbm.at[c].at[pl.ds(base, zr)])

    def call(xa, pk):
        mesh = plsc.VectorSubcoreMesh(core_axis_name="c",
                                      subcore_axis_name="s")
        return pl.kernel(
            body,
            out_type=jax.ShapeDtypeStruct((B, npad, AW), jnp.float32),
            mesh=mesh,
            scratch_types=[
                pltpu.VMEM((nch, CH), jnp.int32),
                pltpu.VMEM((1, CH), jnp.int32),
                pltpu.VMEM((1, CH), jnp.int32),
                pltpu.VMEM((1, CH), jnp.int32),
                pltpu.VMEM((1, CH), jnp.int32),
                pltpu.VMEM((CH, AW), jnp.float32),
                pltpu.VMEM((CH, AW), jnp.float32),
                pltpu.VMEM_SHARED((npad, AW), jnp.float32),
                pltpu.SemaphoreType.DMA,
                pltpu.SemaphoreType.DMA,
            ],
            compiler_params=_sc_params(),
        )(xa, pk)

    return call


_edge_seg = _make_seg(NCH, NP, ZR)

KGP = 1024
KNCH = 4
_kg_seg = _make_seg(KNCH, KGP, KGP // 16)


def _attn_body(keys_ref, valid_ref, qp_ref, Wk_ref, v_ref, gvec_ref,
               Wre_ref, bre_ref, out_ref, num_ref, den_ref):
    k = pl.program_id(1)
    nb = pl.num_programs(1)

    @pl.when(k == 0)
    def _():
        num_ref[...] = jnp.zeros_like(num_ref)
        den_ref[...] = jnp.zeros_like(den_ref)

    keys = keys_ref[0]
    kp = jax.lax.dot_general(
        keys, Wk_ref[...], (((1,), (0,)), ((), ())),
        preferred_element_type=jnp.float32)
    qp = qp_ref[0]
    valid = valid_ref[0]
    v = v_ref[...]
    for r in range(R):
        t = jnp.tanh(kp + qp[r:r + 1, :])
        s = jnp.sum(t * v, axis=1, keepdims=True)
        es = jnp.where(valid.T > 0.0, jnp.exp(s), 0.0)
        num_ref[r:r + 1, :] += jax.lax.dot_general(
            es, keys, (((0,), (0,)), ((), ())),
            preferred_element_type=jnp.float32)
        den_ref[r:r + 1, :] += jnp.broadcast_to(jnp.sum(es), (1, D))

    @pl.when(k == nb - 1)
    def _():
        node_re = num_ref[...] / den_ref[...]
        pooled = jax.lax.dot_general(
            gvec_ref[0], node_re, (((1,), (0,)), ((), ())),
            preferred_element_type=jnp.float32)
        out_ref[0] = jax.lax.dot_general(
            pooled, Wre_ref[...], (((1,), (0,)), ((), ())),
            preferred_element_type=jnp.float32) + bre_ref[...]


def _attention(keys_p, valid_p, qp, Wk, v_att, gvec, Wre, bre):
    nb = KEYS_PAD // KB
    grid = (B, nb)
    return pl.pallas_call(
        _attn_body,
        grid=grid,
        in_specs=[
            pl.BlockSpec((1, KB, D), lambda b, k: (b, k, 0)),
            pl.BlockSpec((1, 1, KB), lambda b, k: (b * nb + k, 0, 0)),
            pl.BlockSpec((1, R, MID), lambda b, k: (b, 0, 0)),
            pl.BlockSpec((D, MID), lambda b, k: (0, 0)),
            pl.BlockSpec((1, MID), lambda b, k: (0, 0)),
            pl.BlockSpec((1, 1, R), lambda b, k: (b, 0, 0)),
            pl.BlockSpec((D, NC), lambda b, k: (0, 0)),
            pl.BlockSpec((1, NC), lambda b, k: (0, 0)),
        ],
        out_specs=pl.BlockSpec((1, 1, NC), lambda b, k: (b, 0, 0)),
        out_shape=jax.ShapeDtypeStruct((B, 1, NC), jnp.float32),
        scratch_shapes=[
            pltpu.VMEM((R, D), jnp.float32),
            pltpu.VMEM((R, D), jnp.float32),
        ],
        compiler_params=pltpu.CompilerParams(
            dimension_semantics=("parallel", "arbitrary")),
    )(keys_p, valid_p, qp, Wk, v_att, gvec, Wre, bre)


def _lang(tokens, embed, W, b):
    emb = embed[tokens]
    m = (tokens != 1).astype(jnp.float32)[..., None]
    pooled = (emb * m).sum(-2) / jnp.clip(m.sum(-2), 1.0, None)
    return jnp.tanh(pooled @ W + b)


def kernel(img_feat, img_loc, img_node1_id_list, img_node2_id_list, kg_entity,
           kg_e1_ids_list, kg_e2_ids_list, kg_edge, r_nodes, r_connects,
           r_type, W_img, b_img, W_loc, b_loc, W_rel, b_rel, embed, W_lang,
           b_lang, Wq, Wk, v_att, W_reason, b_reason):
    Wr1, Wr2 = W_rel[:D], W_rel[D:]
    x, node0, xa, y2 = _img_proj(
        img_feat.reshape(B * N, IMG), img_loc.reshape(B * N, LOC),
        W_img, b_img.reshape(1, D), W_loc, b_loc.reshape(1, D),
        Wr1, Wr2, b_rel.reshape(1, D))
    x = x.reshape(B, N, D)
    node0 = node0.reshape(B, N, D)
    y2 = y2.reshape(B, N, D)

    def _prep(idx, pad_val, offs):
        t = idx.reshape(B, 16, EPS).astype(jnp.int32) + offs
        pad = jnp.full((B, 16, NCH * CH - EPS), pad_val, jnp.int32)
        return jnp.concatenate([t, pad], axis=2).reshape(B, 16, NCH, CH)

    boffs = (jnp.arange(B, dtype=jnp.int32) * N)[:, None, None]
    i1p = _prep(img_node1_id_list, 0, boffs)
    i2p = _prep(img_node2_id_list, N, 0)
    pk = jnp.bitwise_or(jnp.left_shift(i2p, 15), i1p)
    acc = _edge_seg(xa, pk)
    cnt = _edge_cnt(pk).reshape(B, NP)[:, :N]
    node = node0 + acc[:, :N, :] + cnt[..., None] * y2

    kg_node = _lang(kg_entity, embed, W_lang, b_lang)
    kg_mask = jnp.sum(kg_entity == 1, axis=2) != TL
    kg_edge_f = _lang(kg_edge, embed, W_lang, b_lang)
    r_feat = _lang(r_nodes, embed, W_lang, b_lang)

    T = jnp.concatenate([kg_node.reshape(B * KG, D),
                         kg_edge_f.reshape(B * KGE, D)], axis=0)
    koffs = (jnp.arange(B, dtype=jnp.int32) * KG)[:, None]
    src = jnp.concatenate(
        [kg_e1_ids_list.astype(jnp.int32) + koffs,
         (B * KG + jnp.arange(B * KGE, dtype=jnp.int32)).reshape(B, KGE)],
        axis=1)
    dst = jnp.concatenate([kg_e2_ids_list.astype(jnp.int32)] * 2, axis=1)
    kpk = jnp.bitwise_or(jnp.left_shift(dst, 15), src).reshape(B, 16, -1)
    kpk = jnp.concatenate(
        [kpk, jnp.full((B, 16, KNCH * CH - kpk.shape[2]), KG << 15,
                       jnp.int32)], axis=2).reshape(B, 16, KNCH, CH)
    kg_node = kg_node + _kg_seg(T, kpk)[:, :KG, :]

    keys = jnp.concatenate([node, kg_node], axis=1)
    pad = KEYS_PAD - (N + KG)
    keys_p = jnp.pad(keys, ((0, 0), (0, pad), (0, 0)))
    valid = jnp.concatenate(
        [jnp.ones((B, N), jnp.float32), kg_mask.astype(jnp.float32),
         jnp.zeros((B, pad), jnp.float32)], axis=1)
    qp = r_feat @ Wq

    gate = (r_type[..., 0] != 0).astype(jnp.float32)
    conn_oh = jnp.sum(
        jax.nn.one_hot(r_connects, R, dtype=jnp.float32), axis=2)
    G = conn_oh + jax.vmap(jnp.diag)(gate)
    gvec = jnp.mean(G, axis=1, keepdims=True)

    out = _attention(keys_p, valid.reshape(B * (KEYS_PAD // KB), 1, KB), qp,
                     Wk, v_att.reshape(1, MID), gvec, W_reason,
                     b_reason.reshape(1, NC))
    return out.reshape(B, NC)

# --- scband reference (transcript-rebuilt; emitter-appended) ---
"""Pipeline reference for scband-rfnet-38482906972459 (READ-ONLY COPY).

The authoritative reference and input builder live on the scoring server;
editing this copy changes nothing except your own understanding.
"""

import jax, jax.numpy as jnp
import numpy as np

B, N, E = 2, 10000, 160000
IMG, LOC, D, MID = 1024, 5, 128, 128
KG, TL, KGE, R, CONN = 1000, 8, 4000, 8, 4
VOCAB, NC = 10000, 3000


def setup_inputs(seed: int = 0):
    key = jax.random.key(seed)
    ks = jax.random.split(key, 24)
    s = lambda k, sh: (jax.random.normal(k, sh, jnp.float32) * 0.02)
    inp = {}
    inp['img_feat'] = jax.random.normal(ks[0], (B, N, IMG), jnp.float32)
    inp['img_loc'] = jax.random.uniform(ks[1], (B, N, LOC), jnp.float32)
    inp['img_node1_id_list'] = jax.random.randint(ks[2], (B, E), 0, N)
    inp['img_node2_id_list'] = jax.random.randint(ks[3], (B, E), 0, N)
    inp['kg_entity'] = jax.random.randint(ks[4], (B, KG, TL), 0, VOCAB)
    inp['kg_e1_ids_list'] = jax.random.randint(ks[5], (B, KGE), 0, KG)
    inp['kg_e2_ids_list'] = jax.random.randint(ks[6], (B, KGE), 0, KG)
    inp['kg_edge'] = jax.random.randint(ks[7], (B, KGE, TL), 0, VOCAB)
    inp['r_nodes'] = jax.random.randint(ks[8], (B, R, TL), 0, VOCAB)
    inp['r_connects'] = jax.random.randint(ks[9], (B, R, CONN), 0, R)
    inp['r_type'] = jax.random.randint(ks[10], (B, R, 1), 0, 3)
    inp['W_img'] = s(ks[11], (IMG, D)); inp['b_img'] = jnp.zeros((D,), jnp.float32)
    inp['W_loc'] = s(ks[12], (LOC, D)); inp['b_loc'] = jnp.zeros((D,), jnp.float32)
    inp['W_rel'] = s(ks[13], (2 * D, D)); inp['b_rel'] = jnp.zeros((D,), jnp.float32)
    inp['embed'] = s(ks[14], (VOCAB, D))
    inp['W_lang'] = s(ks[15], (D, D)); inp['b_lang'] = jnp.zeros((D,), jnp.float32)
    inp['Wq'] = s(ks[16], (D, MID)); inp['Wk'] = s(ks[17], (D, MID))
    inp['v_att'] = s(ks[18], (MID,))
    inp['W_reason'] = s(ks[19], (D, NC)); inp['b_reason'] = jnp.zeros((NC,), jnp.float32)
    return inp


def _gather(x, idx):
    return jax.vmap(lambda xb, ib: xb[ib])(x, idx)


def _scatter_add(idx, vals, n):
    return jax.vmap(lambda ib, vb: jnp.zeros((n, vb.shape[-1]), vb.dtype).at[ib].add(vb))(idx, vals)


def _lang(tokens, embed, W, b):
    emb = embed[tokens]
    m = (tokens != 1).astype(jnp.float32)[..., None]
    pooled = (emb * m).sum(-2) / jnp.clip(m.sum(-2), 1.0, None)
    return jnp.tanh(pooled @ W + b)


def reference(img_feat, img_loc, img_node1_id_list, img_node2_id_list, kg_entity,
              kg_e1_ids_list, kg_e2_ids_list, kg_edge, r_nodes, r_connects, r_type,
              W_img, b_img, W_loc, b_loc, W_rel, b_rel, embed, W_lang, b_lang,
              Wq, Wk, v_att, W_reason, b_reason):
    # img_fc / img_loc_fc
    x = img_feat @ W_img + b_img
    loc = img_loc @ W_loc + b_loc
    node = x + loc
    # per-batch edge feature construction: gather endpoint feats, concat, img_rel_fc
    n1 = _gather(x, img_node1_id_list)
    n2 = _gather(x, img_node2_id_list)
    edge = jnp.concatenate([n1, n2], axis=-1) @ W_rel + b_rel
    # DGL graph message passing: scatter-add edge messages to dst nodes
    node = node + _scatter_add(img_node2_id_list, edge, node.shape[1])
    # language encoder over KG entities / edges (pad id = 1)
    kg_node = _lang(kg_entity, embed, W_lang, b_lang)
    kg_mask = jnp.sum(kg_entity == 1, axis=2) != kg_entity.shape[2]
    kg_edge_f = _lang(kg_edge, embed, W_lang, b_lang)
    msg = _gather(kg_node, kg_e1_ids_list) + kg_edge_f
    kg_node = kg_node + _scatter_add(kg_e2_ids_list, msg, kg_node.shape[1])
    # reason-graph node feats + Find attention over concat(img, kg) nodes
    r_feat = _lang(r_nodes, embed, W_lang, b_lang)
    keys = jnp.concatenate([node, kg_node], axis=1)
    valid = jnp.concatenate([jnp.ones(node.shape[:2], bool), kg_mask], axis=1)
    qp = r_feat @ Wq
    kp = keys @ Wk
    scores = jnp.einsum('brkm,m->brk', jnp.tanh(qp[:, :, None, :] + kp[:, None, :, :]), v_att)
    scores = jnp.where(valid[:, None, :], scores, -1e9)
    attn = jax.nn.softmax(scores, axis=-1)
    node_re = attn @ keys
    # propagate along reason-graph connections
    msg_r = jax.vmap(lambda xb, ib: xb[ib])(node_re, r_connects).sum(axis=2)
    gate = (r_type != 0).astype(jnp.float32)
    node_re = node_re * gate + msg_r
    pooled = node_re.mean(axis=1)
    return pooled @ W_reason + b_reason

if __name__ == "__main__":
    import jax
    _d = setup_inputs()
    print(jax.jit(kernel)(*tuple(_d.values())))

</pallas_src>

<mosaic_0001>
#map = affine_map<(d0, d1) -> (0, 0)>
#map1 = affine_map<(d0, d1) -> (0, 0, 0, 0)>
#map2 = affine_map<(d0, d1) -> (0, 0, 0)>
module attributes {stable_mosaic.version = 14 : i64} {
  func.func @body(%arg0: i32, %arg1: i32, %arg2: memref<20000x128xf32, #tpu.memory_space<hbm>>, %arg3: memref<2x16x80x128xi32, #tpu.memory_space<hbm>>, %arg4: memref<2x10240x128xf32, #tpu.memory_space<hbm>>, %arg5: memref<80x128xi32, #tpu.memory_space<vmem>>, %arg6: memref<1x128xi32, #tpu.memory_space<vmem>>, %arg7: memref<1x128xi32, #tpu.memory_space<vmem>>, %arg8: memref<1x128xi32, #tpu.memory_space<vmem>>, %arg9: memref<1x128xi32, #tpu.memory_space<vmem>>, %arg10: memref<128x128xf32, #tpu.memory_space<vmem>>, %arg11: memref<128x128xf32, #tpu.memory_space<vmem>>, %arg12: memref<10240x128xf32, #tpu.memory_space<vmem_shared>>, %arg13: memref<!tpu.dma_semaphore, #tpu.memory_space<semaphore_mem>>, %arg14: memref<!tpu.dma_semaphore, #tpu.memory_space<semaphore_mem>>) attributes {dimension_semantics = [#tpu.dimension_semantics<core_parallel>, #tpu.dimension_semantics<subcore_parallel>], iteration_bounds = array<i64: 2, 16>, scalar_prefetch = 0 : i64, scratch_operands = 10 : i64, tpu.core_type = #tpu.core_type<sc_vector_subcore>, window_params = [{transform_indices = #map}, {transform_indices = #map1}, {transform_indices = #map2}]} {
    %scan3A = arith.constant 0 : i32
    %scan3A_0 = arith.constant 128 : i32
    %scan3A_1 = arith.addi %scan3A, %scan3A_0 : i32
    %scan3A_2 = arith.constant 1 : i32
    scf.for %scan3A_166 = %scan3A to %scan3A_1 step %scan3A_2  : i32 {
      %mul3A_167 = arith.constant 1 : i32
      %mul3A_168 = arith.muli %scan3A_166, %mul3A_167 : i32
      %add3A_169 = arith.constant 0 : i32
      %add3A_170 = arith.addi %add3A_169, %mul3A_168 : i32
      %broadcast_in_dim3A = arith.constant 0.000000e+00 : f32
      %broadcast_in_dim3A_171 = vector.broadcast %broadcast_in_dim3A : f32 to vector<16xf32>
      %swap3A_172 = arith.index_cast %add3A_170 : i32 to index
      %swap3A_173 = arith.constant 0 : index
      %swap3A_174 = tpu.vector_load %arg10[%swap3A_172, %swap3A_173] {strides = array<i32>} : memref<128x128xf32, #tpu.memory_space<vmem>>, vector<16xf32>,
      tpu.vector_store %arg10[%swap3A_172, %swap3A_173], %broadcast_in_dim3A_171 {strides = array<i32>} : memref<128x128xf32, #tpu.memory_space<vmem>>, vector<16xf32>,
      %broadcast_in_dim3A_175 = arith.constant 0.000000e+00 : f32
      %broadcast_in_dim3A_176 = vector.broadcast %broadcast_in_dim3A_175 : f32 to vector<16xf32>
      %swap3A_177 = arith.index_cast %add3A_170 : i32 to index
      %swap3A_178 = arith.constant 16 : index
      %swap3A_179 = tpu.vector_load %arg10[%swap3A_177, %swap3A_178] {strides = array<i32>} : memref<128x128xf32, #tpu.memory_space<vmem>>, vector<16xf32>,
      tpu.vector_store %arg10[%swap3A_177, %swap3A_178], %broadcast_in_dim3A_176 {strides = array<i32>} : memref<128x128xf32, #tpu.memory_space<vmem>>, vector<16xf32>,
      %broadcast_in_dim3A_180 = arith.constant 0.000000e+00 : f32
      %broadcast_in_dim3A_181 = vector.broadcast %broadcast_in_dim3A_180 : f32 to vector<16xf32>
      %swap3A_182 = arith.index_cast %add3A_170 : i32 to index
      %swap3A_183 = arith.constant 32 : index
      %swap3A_184 = tpu.vector_load %arg10[%swap3A_182, %swap3A_183] {strides = array<i32>} : memref<128x128xf32, #tpu.memory_space<vmem>>, vector<16xf32>,
      tpu.vector_store %arg10[%swap3A_182, %swap3A_183], %broadcast_in_dim3A_181 {strides = array<i32>} : memref<128x128xf32, #tpu.memory_space<vmem>>, vector<16xf32>,
      %broadcast_in_dim3A_185 = arith.constant 0.000000e+00 : f32
      %broadcast_in_dim3A_186 = vector.broadcast %broadcast_in_dim3A_185 : f32 to vector<16xf32>
      %swap3A_187 = arith.index_cast %add3A_170 : i32 to index
      %swap3A_188 = arith.constant 48 : index
      %swap3A_189 = tpu.vector_load %arg10[%swap3A_187, %swap3A_188] {strides = array<i32>} : memref<128x128xf32, #tpu.memory_space<vmem>>, vector<16xf32>,
      tpu.vector_store %arg10[%swap3A_187, %swap3A_188], %broadcast_in_dim3A_186 {strides = array<i32>} : memref<128x128xf32, #tpu.memory_space<vmem>>, vector<16xf32>,
      %broadcast_in_dim3A_190 = arith.constant 0.000000e+00 : f32
      %broadcast_in_dim3A_191 = vector.broadcast %broadcast_in_dim3A_190 : f32 to vector<16xf32>
      %swap3A_192 = arith.index_cast %add3A_170 : i32 to index
      %swap3A_193 = arith.constant 64 : index
      %swap3A_194 = tpu.vector_load %arg10[%swap3A_192, %swap3A_193] {strides = array<i32>} : memref<128x128xf32, #tpu.memory_space<vmem>>, vector<16xf32>,
      tpu.vector_store %arg10[%swap3A_192, %swap3A_193], %broadcast_in_dim3A_191 {strides = array<i32>} : memref<128x128xf32, #tpu.memory_space<vmem>>, vector<16xf32>,
      %broadcast_in_dim3A_195 = arith.constant 0.000000e+00 : f32
      %broadcast_in_dim3A_196 = vector.broadcast %broadcast_in_dim3A_195 : f32 to vector<16xf32>
      %swap3A_197 = arith.index_cast %add3A_170 : i32 to index
      %swap3A_198 = arith.constant 80 : index
      %swap3A_199 = tpu.vector_load %arg10[%swap3A_197, %swap3A_198] {strides = array<i32>} : memref<128x128xf32, #tpu.memory_space<vmem>>, vector<16xf32>,
      tpu.vector_store %arg10[%swap3A_197, %swap3A_198], %broadcast_in_dim3A_196 {strides = array<i32>} : memref<128x128xf32, #tpu.memory_space<vmem>>, vector<16xf32>,
      %broadcast_in_dim3A_200 = arith.constant 0.000000e+00 : f32
      %broadcast_in_dim3A_201 = vector.broadcast %broadcast_in_dim3A_200 : f32 to vector<16xf32>
      %swap3A_202 = arith.index_cast %add3A_170 : i32 to index
      %swap3A_203 = arith.constant 96 : index
      %swap3A_204 = tpu.vector_load %arg10[%swap3A_202, %swap3A_203] {strides = array<i32>} : memref<128x128xf32, #tpu.memory_space<vmem>>, vector<16xf32>,
      tpu.vector_store %arg10[%swap3A_202, %swap3A_203], %broadcast_in_dim3A_201 {strides = array<i32>} : memref<128x128xf32, #tpu.memory_space<vmem>>, vector<16xf32>,
      %broadcast_in_dim3A_205 = arith.constant 0.000000e+00 : f32
      %broadcast_in_dim3A_206 = vector.broadcast %broadcast_in_dim3A_205 : f32 to vector<16xf32>
      %swap3A_207 = arith.index_cast %add3A_170 : i32 to index
      %swap3A_208 = arith.constant 112 : index
      %swap3A_209 = tpu.vector_load %arg10[%swap3A_207, %swap3A_208] {strides = array<i32>} : memref<128x128xf32, #tpu.memory_space<vmem>>, vector<16xf32>,
      tpu.vector_store %arg10[%swap3A_207, %swap3A_208], %broadcast_in_dim3A_206 {strides = array<i32>} : memref<128x128xf32, #tpu.memory_space<vmem>>, vector<16xf32>,
    }
    %scan3A_3 = arith.constant 128 : i32
    %mul3A = arith.constant 640 : i32
    %mul3A_4 = arith.muli %arg1, %mul3A : i32
    %add3A = arith.constant 0 : i32
    %add3A_5 = arith.addi %mul3A_4, %add3A : i32
    "tpu.region"() ({
      %run_scoped3A = tpu.sem_alloc : memref<!tpu.dma_semaphore, #tpu.memory_space<semaphore_mem>>
      %dma_start3A_166 = arith.constant 0 : i32
      %dma_start3A_167 = tpu.memref_slice %arg12[%add3A_5, %dma_start3A_166] : memref<10240x128xf32, #tpu.memory_space<vmem_shared>> -> memref<128x128xf32, #tpu.memory_space<vmem_shared>>
      %dma_start3A_168 = arith.constant 0 : i32
      %dma_start3A_169 = tpu.memref_slice %arg12[%add3A_5, %dma_start3A_168] : memref<10240x128xf32, #tpu.memory_space<vmem_shared>> -> memref<128x128xf32, #tpu.memory_space<vmem_shared>>
      tpu.enqueue_dma source(%arg10 : memref<128x128xf32, #tpu.memory_space<vmem>>) target(%dma_start3A_169 : memref<128x128xf32, #tpu.memory_space<vmem_shared>>) target_semaphore(%run_scoped3A : memref<!tpu.dma_semaphore, #tpu.memory_space<semaphore_mem>>)
      %dma_wait3A = arith.constant 0 : i32
      %dma_wait3A_170 = tpu.memref_slice %arg12[%add3A_5, %dma_wait3A] : memref<10240x128xf32, #tpu.memory_space<vmem_shared>> -> memref<128x128xf32, #tpu.memory_space<vmem_shared>>
      %dma_wait3A_171 = arith.constant 0 : i32
      %dma_wait3A_172 = tpu.memref_slice %arg12[%add3A_5, %dma_wait3A_171] : memref<10240x128xf32, #tpu.memory_space<vmem_shared>> -> memref<128x128xf32, #tpu.memory_space<vmem_shared>>
      tpu.wait_dma2 semaphore(%run_scoped3A : memref<!tpu.dma_semaphore, #tpu.memory_space<semaphore_mem>>) src(%arg10 : memref<128x128xf32, #tpu.memory_space<vmem>>) dst(%dma_wait3A_172 : memref<128x128xf32, #tpu.memory_space<vmem_shared>>)
      tpu.yield
    }) : () -> ()
    %add3A_6 = arith.constant 128 : i32
    %add3A_7 = arith.addi %mul3A_4, %add3A_6 : i32
    "tpu.region"() ({
      %run_scoped3A = tpu.sem_alloc : memref<!tpu.dma_semaphore, #tpu.memory_space<semaphore_mem>>
      %dma_start3A_166 = arith.constant 0 : i32
      %dma_start3A_167 = tpu.memref_slice %arg12[%add3A_7, %dma_start3A_166] : memref<10240x128xf32, #tpu.memory_space<vmem_shared>> -> memref<128x128xf32, #tpu.memory_space<vmem_shared>>
      %dma_start3A_168 = arith.constant 0 : i32
      %dma_start3A_169 = tpu.memref_slice %arg12[%add3A_7, %dma_start3A_168] : memref<10240x128xf32, #tpu.memory_space<vmem_shared>> -> memref<128x128xf32, #tpu.memory_space<vmem_shared>>
      tpu.enqueue_dma source(%arg10 : memref<128x128xf32, #tpu.memory_space<vmem>>) target(%dma_start3A_169 : memref<128x128xf32, #tpu.memory_space<vmem_shared>>) target_semaphore(%run_scoped3A : memref<!tpu.dma_semaphore, #tpu.memory_space<semaphore_mem>>)
      %dma_wait3A = arith.constant 0 : i32
      %dma_wait3A_170 = tpu.memref_slice %arg12[%add3A_7, %dma_wait3A] : memref<10240x128xf32, #tpu.memory_space<vmem_shared>> -> memref<128x128xf32, #tpu.memory_space<vmem_shared>>
      %dma_wait3A_171 = arith.constant 0 : i32
      %dma_wait3A_172 = tpu.memref_slice %arg12[%add3A_7, %dma_wait3A_171] : memref<10240x128xf32, #tpu.memory_space<vmem_shared>> -> memref<128x128xf32, #tpu.memory_space<vmem_shared>>
      tpu.wait_dma2 semaphore(%run_scoped3A : memref<!tpu.dma_semaphore, #tpu.memory_space<semaphore_mem>>) src(%arg10 : memref<128x128xf32, #tpu.memory_space<vmem>>) dst(%dma_wait3A_172 : memref<128x128xf32, #tpu.memory_space<vmem_shared>>)
      tpu.yield
    }) : () -> ()
    %add3A_8 = arith.constant 256 : i32
    %add3A_9 = arith.addi %mul3A_4, %add3A_8 : i32
    "tpu.region"() ({
      %run_scoped3A = tpu.sem_alloc : memref<!tpu.dma_semaphore, #tpu.memory_space<semaphore_mem>>
      %dma_start3A_166 = arith.constant 0 : i32
      %dma_start3A_167 = tpu.memref_slice %arg12[%add3A_9, %dma_start3A_166] : memref<10240x128xf32, #tpu.memory_space<vmem_shared>> -> memref<128x128xf32, #tpu.memory_space<vmem_shared>>
      %dma_start3A_168 = arith.constant 0 : i32
      %dma_start3A_169 = tpu.memref_slice %arg12[%add3A_9, %dma_start3A_168] : memref<10240x128xf32, #tpu.memory_space<vmem_shared>> -> memref<128x128xf32, #tpu.memory_space<vmem_shared>>
      tpu.enqueue_dma source(%arg10 : memref<128x128xf32, #tpu.memory_space<vmem>>) target(%dma_start3A_169 : memref<128x128xf32, #tpu.memory_space<vmem_shared>>) target_semaphore(%run_scoped3A : memref<!tpu.dma_semaphore, #tpu.memory_space<semaphore_mem>>)
      %dma_wait3A = arith.constant 0 : i32
      %dma_wait3A_170 = tpu.memref_slice %arg12[%add3A_9, %dma_wait3A] : memref<10240x128xf32, #tpu.memory_space<vmem_shared>> -> memref<128x128xf32, #tpu.memory_space<vmem_shared>>
      %dma_wait3A_171 = arith.constant 0 : i32
      %dma_wait3A_172 = tpu.memref_slice %arg12[%add3A_9, %dma_wait3A_171] : memref<10240x128xf32, #tpu.memory_space<vmem_shared>> -> memref<128x128xf32, #tpu.memory_space<vmem_shared>>
      tpu.wait_dma2 semaphore(%run_scoped3A : memref<!tpu.dma_semaphore, #tpu.memory_space<semaphore_mem>>) src(%arg10 : memref<128x128xf32, #tpu.memory_space<vmem>>) dst(%dma_wait3A_172 : memref<128x128xf32, #tpu.memory_space<vmem_shared>>)
      tpu.yield
    }) : () -> ()
    %add3A_10 = arith.constant 384 : i32
    %add3A_11 = arith.addi %mul3A_4, %add3A_10 : i32
    "tpu.region"() ({
      %run_scoped3A = tpu.sem_alloc : memref<!tpu.dma_semaphore, #tpu.memory_space<semaphore_mem>>
      %dma_start3A_166 = arith.constant 0 : i32
      %dma_start3A_167 = tpu.memref_slice %arg12[%add3A_11, %dma_start3A_166] : memref<10240x128xf32, #tpu.memory_space<vmem_shared>> -> memref<128x128xf32, #tpu.memory_space<vmem_shared>>
      %dma_start3A_168 = arith.constant 0 : i32
      %dma_start3A_169 = tpu.memref_slice %arg12[%add3A_11, %dma_start3A_168] : memref<10240x128xf32, #tpu.memory_space<vmem_shared>> -> memref<128x128xf32, #tpu.memory_space<vmem_shared>>
      tpu.enqueue_dma source(%arg10 : memref<128x128xf32, #tpu.memory_space<vmem>>) target(%dma_start3A_169 : memref<128x128xf32, #tpu.memory_space<vmem_shared>>) target_semaphore(%run_scoped3A : memref<!tpu.dma_semaphore, #tpu.memory_space<semaphore_mem>>)
      %dma_wait3A = arith.constant 0 : i32
      %dma_wait3A_170 = tpu.memref_slice %arg12[%add3A_11, %dma_wait3A] : memref<10240x128xf32, #tpu.memory_space<vmem_shared>> -> memref<128x128xf32, #tpu.memory_space<vmem_shared>>
      %dma_wait3A_171 = arith.constant 0 : i32
      %dma_wait3A_172 = tpu.memref_slice %arg12[%add3A_11, %dma_wait3A_171] : memref<10240x128xf32, #tpu.memory_space<vmem_shared>> -> memref<128x128xf32, #tpu.memory_space<vmem_shared>>
      tpu.wait_dma2 semaphore(%run_scoped3A : memref<!tpu.dma_semaphore, #tpu.memory_space<semaphore_mem>>) src(%arg10 : memref<128x128xf32, #tpu.memory_space<vmem>>) dst(%dma_wait3A_172 : memref<128x128xf32, #tpu.memory_space<vmem_shared>>)
      tpu.yield
    }) : () -> ()
    %add3A_12 = arith.constant 512 : i32
    %add3A_13 = arith.addi %mul3A_4, %add3A_12 : i32
    "tpu.region"() ({
      %run_scoped3A = tpu.sem_alloc : memref<!tpu.dma_semaphore, #tpu.memory_space<semaphore_mem>>
      %dma_start3A_166 = arith.constant 0 : i32
      %dma_start3A_167 = tpu.memref_slice %arg12[%add3A_13, %dma_start3A_166] : memref<10240x128xf32, #tpu.memory_space<vmem_shared>> -> memref<128x128xf32, #tpu.memory_space<vmem_shared>>
      %dma_start3A_168 = arith.constant 0 : i32
      %dma_start3A_169 = tpu.memref_slice %arg12[%add3A_13, %dma_start3A_168] : memref<10240x128xf32, #tpu.memory_space<vmem_shared>> -> memref<128x128xf32, #tpu.memory_space<vmem_shared>>
      tpu.enqueue_dma source(%arg10 : memref<128x128xf32, #tpu.memory_space<vmem>>) target(%dma_start3A_169 : memref<128x128xf32, #tpu.memory_space<vmem_shared>>) target_semaphore(%run_scoped3A : memref<!tpu.dma_semaphore, #tpu.memory_space<semaphore_mem>>)
      %dma_wait3A = arith.constant 0 : i32
      %dma_wait3A_170 = tpu.memref_slice %arg12[%add3A_13, %dma_wait3A] : memref<10240x128xf32, #tpu.memory_space<vmem_shared>> -> memref<128x128xf32, #tpu.memory_space<vmem_shared>>
      %dma_wait3A_171 = arith.constant 0 : i32
      %dma_wait3A_172 = tpu.memref_slice %arg12[%add3A_13, %dma_wait3A_171] : memref<10240x128xf32, #tpu.memory_space<vmem_shared>> -> memref<128x128xf32, #tpu.memory_space<vmem_shared>>
      tpu.wait_dma2 semaphore(%run_scoped3A : memref<!tpu.dma_semaphore, #tpu.memory_space<semaphore_mem>>) src(%arg10 : memref<128x128xf32, #tpu.memory_space<vmem>>) dst(%dma_wait3A_172 : memref<128x128xf32, #tpu.memory_space<vmem_shared>>)
      tpu.yield
    }) : () -> ()
    "tpu.region"() ({
      %run_scoped3A = tpu.sem_alloc : memref<!tpu.dma_semaphore, #tpu.memory_space<semaphore_mem>>
      %dma_start3A_166 = arith.constant 0 : i32
      %dma_start3A_167 = arith.constant 0 : i32
      %dma_start3A_168 = tpu.memref_slice %arg3[%arg0, %arg1, %dma_start3A_166, %dma_start3A_167] : memref<2x16x80x128xi32, #tpu.memory_space<hbm>> -> memref<1x1x80x128xi32, #tpu.memory_space<hbm>>
      %dma_start3A_169 = tpu.memref_squeeze %dma_start3A_168 : memref<1x1x80x128xi32, #tpu.memory_space<hbm>> -> memref<80x128xi32, #tpu.memory_space<hbm>>
      %dma_start3A_170 = arith.constant 0 : i32
      %dma_start3A_171 = arith.constant 0 : i32
      %dma_start3A_172 = tpu.memref_slice %arg3[%arg0, %arg1, %dma_start3A_170, %dma_start3A_171] : memref<2x16x80x128xi32, #tpu.memory_space<hbm>> -> memref<1x1x80x128xi32, #tpu.memory_space<hbm>>
      %dma_start3A_173 = tpu.memref_squeeze %dma_start3A_172 : memref<1x1x80x128xi32, #tpu.memory_space<hbm>> -> memref<80x128xi32, #tpu.memory_space<hbm>>
      tpu.enqueue_dma source(%dma_start3A_173 : memref<80x128xi32, #tpu.memory_space<hbm>>) target(%arg5 : memref<80x128xi32, #tpu.memory_space<vmem>>) target_semaphore(%run_scoped3A : memref<!tpu.dma_semaphore, #tpu.memory_space<semaphore_mem>>)
      %dma_wait3A = arith.constant 0 : i32
      %dma_wait3A_174 = arith.constant 0 : i32
      %dma_wait3A_175 = tpu.memref_slice %arg3[%arg0, %arg1, %dma_wait3A, %dma_wait3A_174] : memref<2x16x80x128xi32, #tpu.memory_space<hbm>> -> memref<1x1x80x128xi32, #tpu.memory_space<hbm>>
      %dma_wait3A_176 = tpu.memref_squeeze %dma_wait3A_175 : memref<1x1x80x128xi32, #tpu.memory_space<hbm>> -> memref<80x128xi32, #tpu.memory_space<hbm>>
      %dma_wait3A_177 = arith.constant 0 : i32
      %dma_wait3A_178 = arith.constant 0 : i32
      %dma_wait3A_179 = tpu.memref_slice %arg3[%arg0, %arg1, %dma_wait3A_177, %dma_wait3A_178] : memref<2x16x80x128xi32, #tpu.memory_space<hbm>> -> memref<1x1x80x128xi32, #tpu.memory_space<hbm>>
      %dma_wait3A_180 = tpu.memref_squeeze %dma_wait3A_179 : memref<1x1x80x128xi32, #tpu.memory_space<hbm>> -> memref<80x128xi32, #tpu.memory_space<hbm>>
      tpu.wait_dma2 semaphore(%run_scoped3A : memref<!tpu.dma_semaphore, #tpu.memory_space<semaphore_mem>>) src(%dma_wait3A_180 : memref<80x128xi32, #tpu.memory_space<hbm>>) dst(%arg5 : memref<80x128xi32, #tpu.memory_space<vmem>>)
      tpu.yield
    }) : () -> ()
    %barrier3A = arith.constant 0 : index
    tpu.barrier barrier_id(%barrier3A)
    %get3A = arith.constant 0 : i32
    %get3A_14 = arith.index_cast %get3A : i32 to index
    %get3A_15 = arith.constant 0 : index
    %get3A_16 = tpu.vector_load %arg5[%get3A_14, %get3A_15] {strides = array<i32>} : memref<80x128xi32, #tpu.memory_space<vmem>>, vector<16xi32>,
    %and3A = arith.constant 32767 : i32
    %and3A_17 = vector.broadcast %and3A : i32 to vector<16xi32>
    %and3A_18 = arith.andi %get3A_16, %and3A_17 : vector<16xi32>
    %swap3A = arith.constant 0 : i32
    %swap3A_19 = arith.index_cast %swap3A : i32 to index
    %swap3A_20 = arith.constant 0 : index
    %swap3A_21 = tpu.vector_load %arg6[%swap3A_19, %swap3A_20] {strides = array<i32>} : memref<1x128xi32, #tpu.memory_space<vmem>>, vector<16xi32>,
    tpu.vector_store %arg6[%swap3A_19, %swap3A_20], %and3A_18 {strides = array<i32>} : memref<1x128xi32, #tpu.memory_space<vmem>>, vector<16xi32>,
    %shift_right_logical3A = arith.constant 15 : i32
    %shift_right_logical3A_22 = vector.broadcast %shift_right_logical3A : i32 to vector<16xi32>
    %shift_right_logical3A_23 = arith.shrui %get3A_16, %shift_right_logical3A_22 : vector<16xi32>
    %swap3A_24 = arith.constant 0 : i32
    %swap3A_25 = arith.index_cast %swap3A_24 : i32 to index
    %swap3A_26 = arith.constant 0 : index
    %swap3A_27 = tpu.vector_load %arg7[%swap3A_25, %swap3A_26] {strides = array<i32>} : memref<1x128xi32, #tpu.memory_space<vmem>>, vector<16xi32>,
    tpu.vector_store %arg7[%swap3A_25, %swap3A_26], %shift_right_logical3A_23 {strides = array<i32>} : memref<1x128xi32, #tpu.memory_space<vmem>>, vector<16xi32>,
    %get3A_28 = arith.constant 0 : i32
    %get3A_29 = arith.index_cast %get3A_28 : i32 to index
    %get3A_30 = arith.constant 16 : index
    %get3A_31 = tpu.vector_load %arg5[%get3A_29, %get3A_30] {strides = array<i32>} : memref<80x128xi32, #tpu.memory_space<vmem>>, vector<16xi32>,
    %and3A_32 = arith.constant 32767 : i32
    %and3A_33 = vector.broadcast %and3A_32 : i32 to vector<16xi32>
    %and3A_34 = arith.andi %get3A_31, %and3A_33 : vector<16xi32>
    %swap3A_35 = arith.constant 0 : i32
    %swap3A_36 = arith.index_cast %swap3A_35 : i32 to index
    %swap3A_37 = arith.constant 16 : index
    %swap3A_38 = tpu.vector_load %arg6[%swap3A_36, %swap3A_37] {strides = array<i32>} : memref<1x128xi32, #tpu.memory_space<vmem>>, vector<16xi32>,
    tpu.vector_store %arg6[%swap3A_36, %swap3A_37], %and3A_34 {strides = array<i32>} : memref<1x128xi32, #tpu.memory_space<vmem>>, vector<16xi32>,
    %shift_right_logical3A_39 = arith.constant 15 : i32
    %shift_right_logical3A_40 = vector.broadcast %shift_right_logical3A_39 : i32 to vector<16xi32>
    %shift_right_logical3A_41 = arith.shrui %get3A_31, %shift_right_logical3A_40 : vector<16xi32>
    %swap3A_42 = arith.constant 0 : i32
    %swap3A_43 = arith.index_cast %swap3A_42 : i32 to index
    %swap3A_44 = arith.constant 16 : index
    %swap3A_45 = tpu.vector_load %arg7[%swap3A_43, %swap3A_44] {strides = array<i32>} : memref<1x128xi32, #tpu.memory_space<vmem>>, vector<16xi32>,
    tpu.vector_store %arg7[%swap3A_43, %swap3A_44], %shift_right_logical3A_41 {strides = array<i32>} : memref<1x128xi32, #tpu.memory_space<vmem>>, vector<16xi32>,
    %get3A_46 = arith.constant 0 : i32
    %get3A_47 = arith.index_cast %get3A_46 : i32 to index
    %get3A_48 = arith.constant 32 : index
    %get3A_49 = tpu.vector_load %arg5[%get3A_47, %get3A_48] {strides = array<i32>} : memref<80x128xi32, #tpu.memory_space<vmem>>, vector<16xi32>,
    %and3A_50 = arith.constant 32767 : i32
    %and3A_51 = vector.broadcast %and3A_50 : i32 to vector<16xi32>
    %and3A_52 = arith.andi %get3A_49, %and3A_51 : vector<16xi32>
    %swap3A_53 = arith.constant 0 : i32
    %swap3A_54 = arith.index_cast %swap3A_53 : i32 to index
    %swap3A_55 = arith.constant 32 : index
    %swap3A_56 = tpu.vector_load %arg6[%swap3A_54, %swap3A_55] {strides = array<i32>} : memref<1x128xi32, #tpu.memory_space<vmem>>, vector<16xi32>,
    tpu.vector_store %arg6[%swap3A_54, %swap3A_55], %and3A_52 {strides = array<i32>} : memref<1x128xi32, #tpu.memory_space<vmem>>, vector<16xi32>,
    %shift_right_logical3A_57 = arith.constant 15 : i32
    %shift_right_logical3A_58 = vector.broadcast %shift_right_logical3A_57 : i32 to vector<16xi32>
    %shift_right_logical3A_59 = arith.shrui %get3A_49, %shift_right_logical3A_58 : vector<16xi32>
    %swap3A_60 = arith.constant 0 : i32
    %swap3A_61 = arith.index_cast %swap3A_60 : i32 to index
    %swap3A_62 = arith.constant 32 : index
    %swap3A_63 = tpu.vector_load %arg7[%swap3A_61, %swap3A_62] {strides = array<i32>} : memref<1x128xi32, #tpu.memory_space<vmem>>, vector<16xi32>,
    tpu.vector_store %arg7[%swap3A_61, %swap3A_62], %shift_right_logical3A_59 {strides = array<i32>} : memref<1x128xi32, #tpu.memory_space<vmem>>, vector<16xi32>,
    %get3A_64 = arith.constant 0 : i32
    %get3A_65 = arith.index_cast %get3A_64 : i32 to index
    %get3A_66 = arith.constant 48 : index
    %get3A_67 = tpu.vector_load %arg5[%get3A_65, %get3A_66] {strides = array<i32>} : memref<80x128xi32, #tpu.memory_space<vmem>>, vector<16xi32>,
    %and3A_68 = arith.constant 32767 : i32
    %and3A_69 = vector.broadcast %and3A_68 : i32 to vector<16xi32>
    %and3A_70 = arith.andi %get3A_67, %and3A_69 : vector<16xi32>
    %swap3A_71 = arith.constant 0 : i32
    %swap3A_72 = arith.index_cast %swap3A_71 : i32 to index
    %swap3A_73 = arith.constant 48 : index
    %swap3A_74 = tpu.vector_load %arg6[%swap3A_72, %swap3A_73] {strides = array<i32>} : memref<1x128xi32, #tpu.memory_space<vmem>>, vector<16xi32>,
    tpu.vector_store %arg6[%swap3A_72, %swap3A_73], %and3A_70 {strides = array<i32>} : memref<1x128xi32, #tpu.memory_space<vmem>>, vector<16xi32>,
    %shift_right_logical3A_75 = arith.constant 15 : i32
    %shift_right_logical3A_76 = vector.broadcast %shift_right_logical3A_75 : i32 to vector<16xi32>
    %shift_right_logical3A_77 = arith.shrui %get3A_67, %shift_right_logical3A_76 : vector<16xi32>
    %swap3A_78 = arith.constant 0 : i32
    %swap3A_79 = arith.index_cast %swap3A_78 : i32 to index
    %swap3A_80 = arith.constant 48 : index
    %swap3A_81 = tpu.vector_load %arg7[%swap3A_79, %swap3A_80] {strides = array<i32>} : memref<1x128xi32, #tpu.memory_space<vmem>>, vector<16xi32>,
    tpu.vector_store %arg7[%swap3A_79, %swap3A_80], %shift_right_logical3A_77 {strides = array<i32>} : memref<1x128xi32, #tpu.memory_space<vmem>>, vector<16xi32>,
    %get3A_82 = arith.constant 0 : i32
    %get3A_83 = arith.index_cast %get3A_82 : i32 to index
    %get3A_84 = arith.constant 64 : index
    %get3A_85 = tpu.vector_load %arg5[%get3A_83, %get3A_84] {strides = array<i32>} : memref<80x128xi32, #tpu.memory_space<vmem>>, vector<16xi32>,
    %and3A_86 = arith.constant 32767 : i32
    %and3A_87 = vector.broadcast %and3A_86 : i32 to vector<16xi32>
    %and3A_88 = arith.andi %get3A_85, %and3A_87 : vector<16xi32>
    %swap3A_89 = arith.constant 0 : i32
    %swap3A_90 = arith.index_cast %swap3A_89 : i32 to index
    %swap3A_91 = arith.constant 64 : index
    %swap3A_92 = tpu.vector_load %arg6[%swap3A_90, %swap3A_91] {strides = array<i32>} : memref<1x128xi32, #tpu.memory_space<vmem>>, vector<16xi32>,
    tpu.vector_store %arg6[%swap3A_90, %swap3A_91], %and3A_88 {strides = array<i32>} : memref<1x128xi32, #tpu.memory_space<vmem>>, vector<16xi32>,
    %shift_right_logical3A_93 = arith.constant 15 : i32
    %shift_right_logical3A_94 = vector.broadcast %shift_right_logical3A_93 : i32 to vector<16xi32>
    %shift_right_logical3A_95 = arith.shrui %get3A_85, %shift_right_logical3A_94 : vector<16xi32>
    %swap3A_96 = arith.constant 0 : i32
    %swap3A_97 = arith.index_cast %swap3A_96 : i32 to index
    %swap3A_98 = arith.constant 64 : index
    %swap3A_99 = tpu.vector_load %arg7[%swap3A_97, %swap3A_98] {strides = array<i32>} : memref<1x128xi32, #tpu.memory_space<vmem>>, vector<16xi32>,
    tpu.vector_store %arg7[%swap3A_97, %swap3A_98], %shift_right_logical3A_95 {strides = array<i32>} : memref<1x128xi32, #tpu.memory_space<vmem>>, vector<16xi32>,
    %get3A_100 = arith.constant 0 : i32
    %get3A_101 = arith.index_cast %get3A_100 : i32 to index
    %get3A_102 = arith.constant 80 : index
    %get3A_103 = tpu.vector_load %arg5[%get3A_101, %get3A_102] {strides = array<i32>} : memref<80x128xi32, #tpu.memory_space<vmem>>, vector<16xi32>,
    %and3A_104 = arith.constant 32767 : i32
    %and3A_105 = vector.broadcast %and3A_104 : i32 to vector<16xi32>
    %and3A_106 = arith.andi %get3A_103, %and3A_105 : vector<16xi32>
    %swap3A_107 = arith.constant 0 : i32
    %swap3A_108 = arith.index_cast %swap3A_107 : i32 to index
    %swap3A_109 = arith.constant 80 : index
    %swap3A_110 = tpu.vector_load %arg6[%swap3A_108, %swap3A_109] {strides = array<i32>} : memref<1x128xi32, #tpu.memory_space<vmem>>, vector<16xi32>,
    tpu.vector_store %arg6[%swap3A_108, %swap3A_109], %and3A_106 {strides = array<i32>} : memref<1x128xi32, #tpu.memory_space<vmem>>, vector<16xi32>,
    %shift_right_logical3A_111 = arith.constant 15 : i32
    %shift_right_logical3A_112 = vector.broadcast %shift_right_logical3A_111 : i32 to vector<16xi32>
    %shift_right_logical3A_113 = arith.shrui %get3A_103, %shift_right_logical3A_112 : vector<16xi32>
    %swap3A_114 = arith.constant 0 : i32
    %swap3A_115 = arith.index_cast %swap3A_114 : i32 to index
    %swap3A_116 = arith.constant 80 : index
    %swap3A_117 = tpu.vector_load %arg7[%swap3A_115, %swap3A_116] {strides = array<i32>} : memref<1x128xi32, #tpu.memory_space<vmem>>, vector<16xi32>,
    tpu.vector_store %arg7[%swap3A_115, %swap3A_116], %shift_right_logical3A_113 {strides = array<i32>} : memref<1x128xi32, #tpu.memory_space<vmem>>, vector<16xi32>,
    %get3A_118 = arith.constant 0 : i32
    %get3A_119 = arith.index_cast %get3A_118 : i32 to index
    %get3A_120 = arith.constant 96 : index
    %get3A_121 = tpu.vector_load %arg5[%get3A_119, %get3A_120] {strides = array<i32>} : memref<80x128xi32, #tpu.memory_space<vmem>>, vector<16xi32>,
    %and3A_122 = arith.constant 32767 : i32
    %and3A_123 = vector.broadcast %and3A_122 : i32 to vector<16xi32>
    %and3A_124 = arith.andi %get3A_121, %and3A_123 : vector<16xi32>
    %swap3A_125 = arith.constant 0 : i32
    %swap3A_126 = arith.index_cast %swap3A_125 : i32 to index
    %swap3A_127 = arith.constant 96 : index
    %swap3A_128 = tpu.vector_load %arg6[%swap3A_126, %swap3A_127] {strides = array<i32>} : memref<1x128xi32, #tpu.memory_space<vmem>>, vector<16xi32>,
    tpu.vector_store %arg6[%swap3A_126, %swap3A_127], %and3A_124 {strides = array<i32>} : memref<1x128xi32, #tpu.memory_space<vmem>>, vector<16xi32>,
    %shift_right_logical3A_129 = arith.constant 15 : i32
    %shift_right_logical3A_130 = vector.broadcast %shift_right_logical3A_129 : i32 to vector<16xi32>
    %shift_right_logical3A_131 = arith.shrui %get3A_121, %shift_right_logical3A_130 : vector<16xi32>
    %swap3A_132 = arith.constant 0 : i32
    %swap3A_133 = arith.index_cast %swap3A_132 : i32 to index
    %swap3A_134 = arith.constant 96 : index
    %swap3A_135 = tpu.vector_load %arg7[%swap3A_133, %swap3A_134] {strides = array<i32>} : memref<1x128xi32, #tpu.memory_space<vmem>>, vector<16xi32>,
    tpu.vector_store %arg7[%swap3A_133, %swap3A_134], %shift_right_logical3A_131 {strides = array<i32>} : memref<1x128xi32, #tpu.memory_space<vmem>>, vector<16xi32>,
    %get3A_136 = arith.constant 0 : i32
    %get3A_137 = arith.index_cast %get3A_136 : i32 to index
    %get3A_138 = arith.constant 112 : index
    %get3A_139 = tpu.vector_load %arg5[%get3A_137, %get3A_138] {strides = array<i32>} : memref<80x128xi32, #tpu.memory_space<vmem>>, vector<16xi32>,
    %and3A_140 = arith.constant 32767 : i32
    %and3A_141 = vector.broadcast %and3A_140 : i32 to vector<16xi32>
    %and3A_142 = arith.andi %get3A_139, %and3A_141 : vector<16xi32>
    %swap3A_143 = arith.constant 0 : i32
    %swap3A_144 = arith.index_cast %swap3A_143 : i32 to index
    %swap3A_145 = arith.constant 112 : index
    %swap3A_146 = tpu.vector_load %arg6[%swap3A_144, %swap3A_145] {strides = array<i32>} : memref<1x128xi32, #tpu.memory_space<vmem>>, vector<16xi32>,
    tpu.vector_store %arg6[%swap3A_144, %swap3A_145], %and3A_142 {strides = array<i32>} : memref<1x128xi32, #tpu.memory_space<vmem>>, vector<16xi32>,
    %shift_right_logical3A_147 = arith.constant 15 : i32
    %shift_right_logical3A_148 = vector.broadcast %shift_right_logical3A_147 : i32 to vector<16xi32>
    %shift_right_logical3A_149 = arith.shrui %get3A_139, %shift_right_logical3A_148 : vector<16xi32>
    %swap3A_150 = arith.constant 0 : i32
    %swap3A_151 = arith.index_cast %swap3A_150 : i32 to index
    %swap3A_152 = arith.constant 112 : index
    %swap3A_153 = tpu.vector_load %arg7[%swap3A_151, %swap3A_152] {strides = array<i32>} : memref<1x128xi32, #tpu.memory_space<vmem>>, vector<16xi32>,
    tpu.vector_store %arg7[%swap3A_151, %swap3A_152], %shift_right_logical3A_149 {strides = array<i32>} : memref<1x128xi32, #tpu.memory_space<vmem>>, vector<16xi32>,
    %dma_start3A = arith.constant 0 : i32
    %dma_start3A_154 = arith.constant 0 : i32
    %dma_start3A_155 = tpu.memref_slice %arg6[%dma_start3A, %dma_start3A_154] : memref<1x128xi32, #tpu.memory_space<vmem>> -> memref<1x128xi32, #tpu.memory_space<vmem>>
    %dma_start3A_156 = tpu.memref_squeeze %dma_start3A_155 : memref<1x128xi32, #tpu.memory_space<vmem>> -> memref<128xi32, #tpu.memory_space<vmem>>
    %dma_start3A_157 = arith.constant 0 : i32
    %dma_start3A_158 = arith.constant 0 : i32
    %dma_start3A_159 = tpu.memref_slice %arg2[%dma_start3A_157, %dma_start3A_158] : memref<20000x128xf32, #tpu.memory_space<hbm>> -> memref<20000x128xf32, #tpu.memory_space<hbm>>
    tpu.enqueue_indirect_dma source(%dma_start3A_159 : memref<20000x128xf32, #tpu.memory_space<hbm>>) target(%arg10 : memref<128x128xf32, #tpu.memory_space<vmem>>) offsets(%dma_start3A_156 : memref<128xi32, #tpu.memory_space<vmem>>) semaphore(%arg13 : memref<!tpu.dma_semaphore, #tpu.memory_space<semaphore_mem>>)
    %scan3A_160 = arith.constant 0 : i32
    %scan3A_161 = arith.constant 40 : i32
    %scan3A_162 = arith.addi %scan3A_160, %scan3A_161 : i32
    %scan3A_163 = arith.constant 1 : i32
    scf.for %scan3A_166 = %scan3A_160 to %scan3A_162 step %scan3A_163  : i32 {
      %mul3A_167 = arith.constant 2 : i32
      %mul3A_168 = arith.muli %scan3A_166, %mul3A_167 : i32
      %add3A_169 = arith.constant 0 : i32
      %add3A_170 = arith.addi %add3A_169, %mul3A_168 : i32
      %add3A_171 = arith.constant 1 : i32
      %add3A_172 = arith.addi %add3A_170, %add3A_171 : i32
      %get3A_173 = arith.index_cast %add3A_172 : i32 to index
      %get3A_174 = arith.constant 0 : index
      %get3A_175 = tpu.vector_load %arg5[%get3A_173, %get3A_174] {strides = array<i32>} : memref<80x128xi32, #tpu.memory_space<vmem>>, vector<16xi32>,
      %and3A_176 = arith.constant 32767 : i32
      %and3A_177 = vector.broadcast %and3A_176 : i32 to vector<16xi32>
      %and3A_178 = arith.andi %get3A_175, %and3A_177 : vector<16xi32>
      %swap3A_179 = arith.constant 0 : i32
      %swap3A_180 = arith.index_cast %swap3A_179 : i32 to index
      %swap3A_181 = arith.constant 0 : index
      %swap3A_182 = tpu.vector_load %arg8[%swap3A_180, %swap3A_181] {strides = array<i32>} : memref<1x128xi32, #tpu.memory_space<vmem>>, vector<16xi32>,
      tpu.vector_store %arg8[%swap3A_180, %swap3A_181], %and3A_178 {strides = array<i32>} : memref<1x128xi32, #tpu.memory_space<vmem>>, vector<16xi32>,
      %shift_right_logical3A_183 = arith.constant 15 : i32
      %shift_right_logical3A_184 = vector.broadcast %shift_right_logical3A_183 : i32 to vector<16xi32>
      %shift_right_logical3A_185 = arith.shrui %get3A_175, %shift_right_logical3A_184 : vector<16xi32>
      %swap3A_186 = arith.constant 0 : i32
      %swap3A_187 = arith.index_cast %swap3A_186 : i32 to index
      %swap3A_188 = arith.constant 0 : index
      %swap3A_189 = tpu.vector_load %arg9[%swap3A_187, %swap3A_188] {strides = array<i32>} : memref<1x128xi32, #tpu.memory_space<vmem>>, vector<16xi32>,
      tpu.vector_store %arg9[%swap3A_187, %swap3A_188], %shift_right_logical3A_185 {strides = array<i32>} : memref<1x128xi32, #tpu.memory_space<vmem>>, vector<16xi32>,
      %get3A_190 = arith.index_cast %add3A_172 : i32 to index
      %get3A_191 = arith.constant 16 : index
      %get3A_192 = tpu.vector_load %arg5[%get3A_190, %get3A_191] {strides = array<i32>} : memref<80x128xi32, #tpu.memory_space<vmem>>, vector<16xi32>,
      %and3A_193 = arith.constant 32767 : i32
      %and3A_194 = vector.broadcast %and3A_193 : i32 to vector<16xi32>
      %and3A_195 = arith.andi %get3A_192, %and3A_194 : vector<16xi32>
      %swap3A_196 = arith.constant 0 : i32
      %swap3A_197 = arith.index_cast %swap3A_196 : i32 to index
      %swap3A_198 = arith.constant 16 : index
      %swap3A_199 = tpu.vector_load %arg8[%swap3A_197, %swap3A_198] {strides = array<i32>} : memref<1x128xi32, #tpu.memory_space<vmem>>, vector<16xi32>,
      tpu.vector_store %arg8[%swap3A_197, %swap3A_198], %and3A_195 {strides = array<i32>} : memref<1x128xi32, #tpu.memory_space<vmem>>, vector<16xi32>,
      %shift_right_logical3A_200 = arith.constant 15 : i32
      %shift_right_logical3A_201 = vector.broadcast %shift_right_logical3A_200 : i32 to vector<16xi32>
      %shift_right_logical3A_202 = arith.shrui %get3A_192, %shift_right_logical3A_201 : vector<16xi32>
      %swap3A_203 = arith.constant 0 : i32
      %swap3A_204 = arith.index_cast %swap3A_203 : i32 to index
      %swap3A_205 = arith.constant 16 : index
      %swap3A_206 = tpu.vector_load %arg9[%swap3A_204, %swap3A_205] {strides = array<i32>} : memref<1x128xi32, #tpu.memory_space<vmem>>, vector<16xi32>,
      tpu.vector_store %arg9[%swap3A_204, %swap3A_205], %shift_right_logical3A_202 {strides = array<i32>} : memref<1x128xi32, #tpu.memory_space<vmem>>, vector<16xi32>,
      %get3A_207 = arith.index_cast %add3A_172 : i32 to index
      %get3A_208 = arith.constant 32 : index
      %get3A_209 = tpu.vector_load %arg5[%get3A_207, %get3A_208] {strides = array<i32>} : memref<80x128xi32, #tpu.memory_space<vmem>>, vector<16xi32>,
      %and3A_210 = arith.constant 32767 : i32
      %and3A_211 = vector.broadcast %and3A_210 : i32 to vector<16xi32>
      %and3A_212 = arith.andi %get3A_209, %and3A_211 : vector<16xi32>
      %swap3A_213 = arith.constant 0 : i32
      %swap3A_214 = arith.index_cast %swap3A_213 : i32 to index
      %swap3A_215 = arith.constant 32 : index
      %swap3A_216 = tpu.vector_load %arg8[%swap3A_214, %swap3A_215] {strides = array<i32>} : memref<1x128xi32, #tpu.memory_space<vmem>>, vector<16xi32>,
      tpu.vector_store %arg8[%swap3A_214, %swap3A_215], %and3A_212 {strides = array<i32>} : memref<1x128xi32, #tpu.memory_space<vmem>>, vector<16xi32>,
      %shift_right_logical3A_217 = arith.constant 15 : i32
      %shift_right_logical3A_218 = vector.broadcast %shift_right_logical3A_217 : i32 to vector<16xi32>
      %shift_right_logical3A_219 = arith.shrui %get3A_209, %shift_right_logical3A_218 : vector<16xi32>
      %swap3A_220 = arith.constant 0 : i32
      %swap3A_221 = arith.index_cast %swap3A_220 : i32 to index
      %swap3A_222 = arith.constant 32 : index
      %swap3A_223 = tpu.vector_load %arg9[%swap3A_221, %swap3A_222] {strides = array<i32>} : memref<1x128xi32, #tpu.memory_space<vmem>>, vector<16xi32>,
      tpu.vector_store %arg9[%swap3A_221, %swap3A_222], %shift_right_logical3A_219 {strides = array<i32>} : memref<1x128xi32, #tpu.memory_space<vmem>>, vector<16xi32>,
      %get3A_224 = arith.index_cast %add3A_172 : i32 to index
      %get3A_225 = arith.constant 48 : index
      %get3A_226 = tpu.vector_load %arg5[%get3A_224, %get3A_225] {strides = array<i32>} : memref<80x128xi32, #tpu.memory_space<vmem>>, vector<16xi32>,
      %and3A_227 = arith.constant 32767 : i32
      %and3A_228 = vector.broadcast %and3A_227 : i32 to vector<16xi32>
      %and3A_229 = arith.andi %get3A_226, %and3A_228 : vector<16xi32>
      %swap3A_230 = arith.constant 0 : i32
      %swap3A_231 = arith.index_cast %swap3A_230 : i32 to index
      %swap3A_232 = arith.constant 48 : index
      %swap3A_233 = tpu.vector_load %arg8[%swap3A_231, %swap3A_232] {strides = array<i32>} : memref<1x128xi32, #tpu.memory_space<vmem>>, vector<16xi32>,
      tpu.vector_store %arg8[%swap3A_231, %swap3A_232], %and3A_229 {strides = array<i32>} : memref<1x128xi32, #tpu.memory_space<vmem>>, vector<16xi32>,
      %shift_right_logical3A_234 = arith.constant 15 : i32
      %shift_right_logical3A_235 = vector.broadcast %shift_right_logical3A_234 : i32 to vector<16xi32>
      %shift_right_logical3A_236 = arith.shrui %get3A_226, %shift_right_logical3A_235 : vector<16xi32>
      %swap3A_237 = arith.constant 0 : i32
      %swap3A_238 = arith.index_cast %swap3A_237 : i32 to index
      %swap3A_239 = arith.constant 48 : index
      %swap3A_240 = tpu.vector_load %arg9[%swap3A_238, %swap3A_239] {strides = array<i32>} : memref<1x128xi32, #tpu.memory_space<vmem>>, vector<16xi32>,
      tpu.vector_store %arg9[%swap3A_238, %swap3A_239], %shift_right_logical3A_236 {strides = array<i32>} : memref<1x128xi32, #tpu.memory_space<vmem>>, vector<16xi32>,
      %get3A_241 = arith.index_cast %add3A_172 : i32 to index
      %get3A_242 = arith.constant 64 : index
      %get3A_243 = tpu.vector_load %arg5[%get3A_241, %get3A_242] {strides = array<i32>} : memref<80x128xi32, #tpu.memory_space<vmem>>, vector<16xi32>,
      %and3A_244 = arith.constant 32767 : i32
      %and3A_245 = vector.broadcast %and3A_244 : i32 to vector<16xi32>
      %and3A_246 = arith.andi %get3A_243, %and3A_245 : vector<16xi32>
      %swap3A_247 = arith.constant 0 : i32
      %swap3A_248 = arith.index_cast %swap3A_247 : i32 to index
      %swap3A_249 = arith.constant 64 : index
      %swap3A_250 = tpu.vector_load %arg8[%swap3A_248, %swap3A_249] {strides = array<i32>} : memref<1x128xi32, #tpu.memory_space<vmem>>, vector<16xi32>,
      tpu.vector_store %arg8[%swap3A_248, %swap3A_249], %and3A_246 {strides = array<i32>} : memref<1x128xi32, #tpu.memory_space<vmem>>, vector<16xi32>,
      %shift_right_logical3A_251 = arith.constant 15 : i32
      %shift_right_logical3A_252 = vector.broadcast %shift_right_logical3A_251 : i32 to vector<16xi32>
      %shift_right_logical3A_253 = arith.shrui %get3A_243, %shift_right_logical3A_252 : vector<16xi32>
      %swap3A_254 = arith.constant 0 : i32
      %swap3A_255 = arith.index_cast %swap3A_254 : i32 to index
      %swap3A_256 = arith.constant 64 : index
      %swap3A_257 = tpu.vector_load %arg9[%swap3A_255, %swap3A_256] {strides = array<i32>} : memref<1x128xi32, #tpu.memory_space<vmem>>, vector<16xi32>,
      tpu.vector_store %arg9[%swap3A_255, %swap3A_256], %shift_right_logical3A_253 {strides = array<i32>} : memref<1x128xi32, #tpu.memory_space<vmem>>, vector<16xi32>,
      %get3A_258 = arith.index_cast %add3A_172 : i32 to index
      %get3A_259 = arith.constant 80 : index
      %get3A_260 = tpu.vector_load %arg5[%get3A_258, %get3A_259] {strides = array<i32>} : memref<80x128xi32, #tpu.memory_space<vmem>>, vector<16xi32>,
      %and3A_261 = arith.constant 32767 : i32
      %and3A_262 = vector.broadcast %and3A_261 : i32 to vector<16xi32>
      %and3A_263 = arith.andi %get3A_260, %and3A_262 : vector<16xi32>
      %swap3A_264 = arith.constant 0 : i32
      %swap3A_265 = arith.index_cast %swap3A_264 : i32 to index
      %swap3A_266 = arith.constant 80 : index
      %swap3A_267 = tpu.vector_load %arg8[%swap3A_265, %swap3A_266] {strides = array<i32>} : memref<1x128xi32, #tpu.memory_space<vmem>>, vector<16xi32>,
      tpu.vector_store %arg8[%swap3A_265, %swap3A_266], %and3A_263 {strides = array<i32>} : memref<1x128xi32, #tpu.memory_space<vmem>>, vector<16xi32>,
      %shift_right_logical3A_268 = arith.constant 15 : i32
      %shift_right_logical3A_269 = vector.broadcast %shift_right_logical3A_268 : i32 to vector<16xi32>
      %shift_right_logical3A_270 = arith.shrui %get3A_260, %shift_right_logical3A_269 : vector<16xi32>
      %swap3A_271 = arith.constant 0 : i32
      %swap3A_272 = arith.index_cast %swap3A_271 : i32 to index
      %swap3A_273 = arith.constant 80 : index
      %swap3A_274 = tpu.vector_load %arg9[%swap3A_272, %swap3A_273] {strides = array<i32>} : memref<1x128xi32, #tpu.memory_space<vmem>>, vector<16xi32>,
      tpu.vector_store %arg9[%swap3A_272, %swap3A_273], %shift_right_logical3A_270 {strides = array<i32>} : memref<1x128xi32, #tpu.memory_space<vmem>>, vector<16xi32>,
      %get3A_275 = arith.index_cast %add3A_172 : i32 to index
      %get3A_276 = arith.constant 96 : index
      %get3A_277 = tpu.vector_load %arg5[%get3A_275, %get3A_276] {strides = array<i32>} : memref<80x128xi32, #tpu.memory_space<vmem>>, vector<16xi32>,
      %and3A_278 = arith.constant 32767 : i32
      %and3A_279 = vector.broadcast %and3A_278 : i32 to vector<16xi32>
      %and3A_280 = arith.andi %get3A_277, %and3A_279 : vector<16xi32>
      %swap3A_281 = arith.constant 0 : i32
      %swap3A_282 = arith.index_cast %swap3A_281 : i32 to index
      %swap3A_283 = arith.constant 96 : index
      %swap3A_284 = tpu.vector_load %arg8[%swap3A_282, %swap3A_283] {strides = array<i32>} : memref<1x128xi32, #tpu.memory_space<vmem>>, vector<16xi32>,
      tpu.vector_store %arg8[%swap3A_282, %swap3A_283], %and3A_280 {strides = array<i32>} : memref<1x128xi32, #tpu.memory_space<vmem>>, vector<16xi32>,
      %shift_right_logical3A_285 = arith.constant 15 : i32
      %shift_right_logical3A_286 = vector.broadcast %shift_right_logical3A_285 : i32 to vector<16xi32>
      %shift_right_logical3A_287 = arith.shrui %get3A_277, %shift_right_logical3A_286 : vector<16xi32>
      %swap3A_288 = arith.constant 0 : i32
      %swap3A_289 = arith.index_cast %swap3A_288 : i32 to index
      %swap3A_290 = arith.constant 96 : index
      %swap3A_291 = tpu.vector_load %arg9[%swap3A_289, %swap3A_290] {strides = array<i32>} : memref<1x128xi32, #tpu.memory_space<vmem>>, vector<16xi32>,
      tpu.vector_store %arg9[%swap3A_289, %swap3A_290], %shift_right_logical3A_287 {strides = array<i32>} : memref<1x128xi32, #tpu.memory_space<vmem>>, vector<16xi32>,
      %get3A_292 = arith.index_cast %add3A_172 : i32 to index
      %get3A_293 = arith.constant 112 : index
      %get3A_294 = tpu.vector_load %arg5[%get3A_292, %get3A_293] {strides = array<i32>} : memref<80x128xi32, #tpu.memory_space<vmem>>, vector<16xi32>,
      %and3A_295 = arith.constant 32767 : i32
      %and3A_296 = vector.broadcast %and3A_295 : i32 to vector<16xi32>
      %and3A_297 = arith.andi %get3A_294, %and3A_296 : vector<16xi32>
      %swap3A_298 = arith.constant 0 : i32
      %swap3A_299 = arith.index_cast %swap3A_298 : i32 to index
      %swap3A_300 = arith.constant 112 : index
      %swap3A_301 = tpu.vector_load %arg8[%swap3A_299, %swap3A_300] {strides = array<i32>} : memref<1x128xi32, #tpu.memory_space<vmem>>, vector<16xi32>,
      tpu.vector_store %arg8[%swap3A_299, %swap3A_300], %and3A_297 {strides = array<i32>} : memref<1x128xi32, #tpu.memory_space<vmem>>, vector<16xi32>,
      %shift_right_logical3A_302 = arith.constant 15 : i32
      %shift_right_logical3A_303 = vector.broadcast %shift_right_logical3A_302 : i32 to vector<16xi32>
      %shift_right_logical3A_304 = arith.shrui %get3A_294, %shift_right_logical3A_303 : vector<16xi32>
      %swap3A_305 = arith.constant 0 : i32
      %swap3A_306 = arith.index_cast %swap3A_305 : i32 to index
      %swap3A_307 = arith.constant 112 : index
      %swap3A_308 = tpu.vector_load %arg9[%swap3A_306, %swap3A_307] {strides = array<i32>} : memref<1x128xi32, #tpu.memory_space<vmem>>, vector<16xi32>,
      tpu.vector_store %arg9[%swap3A_306, %swap3A_307], %shift_right_logical3A_304 {strides = array<i32>} : memref<1x128xi32, #tpu.memory_space<vmem>>, vector<16xi32>,
      %dma_start3A_309 = arith.constant 0 : i32
      %dma_start3A_310 = arith.constant 0 : i32
      %dma_start3A_311 = tpu.memref_slice %arg8[%dma_start3A_309, %dma_start3A_310] : memref<1x128xi32, #tpu.memory_space<vmem>> -> memref<1x128xi32, #tpu.memory_space<vmem>>
      %dma_start3A_312 = tpu.memref_squeeze %dma_start3A_311 : memref<1x128xi32, #tpu.memory_space<vmem>> -> memref<128xi32, #tpu.memory_space<vmem>>
      %dma_start3A_313 = arith.constant 0 : i32
      %dma_start3A_314 = arith.constant 0 : i32
      %dma_start3A_315 = tpu.memref_slice %arg2[%dma_start3A_313, %dma_start3A_314] : memref<20000x128xf32, #tpu.memory_space<hbm>> -> memref<20000x128xf32, #tpu.memory_space<hbm>>
      tpu.enqueue_indirect_dma source(%dma_start3A_315 : memref<20000x128xf32, #tpu.memory_space<hbm>>) target(%arg11 : memref<128x128xf32, #tpu.memory_space<vmem>>) offsets(%dma_start3A_312 : memref<128xi32, #tpu.memory_space<vmem>>) semaphore(%arg14 : memref<!tpu.dma_semaphore, #tpu.memory_space<semaphore_mem>>)
      %dma_wait3A = arith.constant 0 : i32
      %dma_wait3A_316 = arith.constant 0 : i32
      %dma_wait3A_317 = tpu.memref_slice %arg6[%dma_wait3A, %dma_wait3A_316] : memref<1x128xi32, #tpu.memory_space<vmem>> -> memref<1x128xi32, #tpu.memory_space<vmem>>
      %dma_wait3A_318 = tpu.memref_squeeze %dma_wait3A_317 : memref<1x128xi32, #tpu.memory_space<vmem>> -> memref<128xi32, #tpu.memory_space<vmem>>
      %dma_wait3A_319 = arith.constant 0 : i32
      %dma_wait3A_320 = arith.constant 0 : i32
      %dma_wait3A_321 = tpu.memref_slice %arg2[%dma_wait3A_319, %dma_wait3A_320] : memref<20000x128xf32, #tpu.memory_space<hbm>> -> memref<20000x128xf32, #tpu.memory_space<hbm>>
      tpu.wait_indirect_dma semaphore(%arg13 : memref<!tpu.dma_semaphore, #tpu.memory_space<semaphore_mem>>) src(%dma_wait3A_321 : memref<20000x128xf32, #tpu.memory_space<hbm>>) dst(%arg10 : memref<128x128xf32, #tpu.memory_space<vmem>>)
      %run_scoped3A = arith.constant 0 : i32
      "tpu.region"() ({
        %run_scoped3A_334 = tpu.sem_alloc : memref<!tpu.dma_semaphore, #tpu.memory_space<semaphore_mem>>
        %dma_start3A_335 = arith.constant 0 : i32
        %dma_start3A_336 = tpu.memref_slice %arg7[%run_scoped3A, %dma_start3A_335] : memref<1x128xi32, #tpu.memory_space<vmem>> -> memref<1x128xi32, #tpu.memory_space<vmem>>
        %dma_start3A_337 = tpu.memref_squeeze %dma_start3A_336 : memref<1x128xi32, #tpu.memory_space<vmem>> -> memref<128xi32, #tpu.memory_space<vmem>>
        %dma_start3A_338 = arith.constant 0 : i32
        %dma_start3A_339 = arith.constant 0 : i32
        %dma_start3A_340 = tpu.memref_slice %arg12[%dma_start3A_338, %dma_start3A_339] : memref<10240x128xf32, #tpu.memory_space<vmem_shared>> -> memref<10240x128xf32, #tpu.memory_space<vmem_shared>>
        tpu.enqueue_indirect_dma source(%arg10 : memref<128x128xf32, #tpu.memory_space<vmem>>) target(%dma_start3A_340 : memref<10240x128xf32, #tpu.memory_space<vmem_shared>>) offsets(%dma_start3A_337 : memref<128xi32, #tpu.memory_space<vmem>>) semaphore(%run_scoped3A_334 : memref<!tpu.dma_semaphore, #tpu.memory_space<semaphore_mem>>) {add = true}
        %dma_wait3A_341 = arith.constant 0 : i32
        %dma_wait3A_342 = tpu.memref_slice %arg7[%run_scoped3A, %dma_wait3A_341] : memref<1x128xi32, #tpu.memory_space<vmem>> -> memref<1x128xi32, #tpu.memory_space<vmem>>
        %dma_wait3A_343 = tpu.memref_squeeze %dma_wait3A_342 : memref<1x128xi32, #tpu.memory_space<vmem>> -> memref<128xi32, #tpu.memory_space<vmem>>
        %dma_wait3A_344 = arith.constant 0 : i32
        %dma_wait3A_345 = arith.constant 0 : i32
        %dma_wait3A_346 = tpu.memref_slice %arg12[%dma_wait3A_344, %dma_wait3A_345] : memref<10240x128xf32, #tpu.memory_space<vmem_shared>> -> memref<10240x128xf32, #tpu.memory_space<vmem_shared>>
        tpu.wait_indirect_dma semaphore(%run_scoped3A_334 : memref<!tpu.dma_semaphore, #tpu.memory_space<semaphore_mem>>) src(%arg10 : memref<128x128xf32, #tpu.memory_space<vmem>>) dst(%dma_wait3A_346 : memref<10240x128xf32, #tpu.memory_space<vmem_shared>>)
        tpu.yield
      }) : () -> ()
      %add3A_322 = arith.constant 2 : i32
      %add3A_323 = arith.addi %add3A_170, %add3A_322 : i32
      %lt3A = arith.constant 80 : i32
      %lt3A_324 = arith.cmpi slt, %add3A_323, %lt3A : i32
      %convert_element_type3A = arith.extui %lt3A_324 : i1 to i32
      %cond3A = arith.constant 0 : i32
      %cond3A_325 = arith.cmpi ne, %convert_element_type3A, %cond3A : i32
      scf.if %cond3A_325 {
        %add3A_334 = arith.constant 2 : i32
        %add3A_335 = arith.addi %add3A_170, %add3A_334 : i32
        %get3A_336 = arith.index_cast %add3A_335 : i32 to index
        %get3A_337 = arith.constant 0 : index
        %get3A_338 = tpu.vector_load %arg5[%get3A_336, %get3A_337] {strides = array<i32>} : memref<80x128xi32, #tpu.memory_space<vmem>>, vector<16xi32>,
        %and3A_339 = arith.constant 32767 : i32
        %and3A_340 = vector.broadcast %and3A_339 : i32 to vector<16xi32>
        %and3A_341 = arith.andi %get3A_338, %and3A_340 : vector<16xi32>
        %swap3A_342 = arith.constant 0 : i32
        %swap3A_343 = arith.index_cast %swap3A_342 : i32 to index
        %swap3A_344 = arith.constant 0 : index
        %swap3A_345 = tpu.vector_load %arg6[%swap3A_343, %swap3A_344] {strides = array<i32>} : memref<1x128xi32, #tpu.memory_space<vmem>>, vector<16xi32>,
        tpu.vector_store %arg6[%swap3A_343, %swap3A_344], %and3A_341 {strides = array<i32>} : memref<1x128xi32, #tpu.memory_space<vmem>>, vector<16xi32>,
        %shift_right_logical3A_346 = arith.constant 15 : i32
        %shift_right_logical3A_347 = vector.broadcast %shift_right_logical3A_346 : i32 to vector<16xi32>
        %shift_right_logical3A_348 = arith.shrui %get3A_338, %shift_right_logical3A_347 : vector<16xi32>
        %swap3A_349 = arith.constant 0 : i32
        %swap3A_350 = arith.index_cast %swap3A_349 : i32 to index
        %swap3A_351 = arith.constant 0 : index
        %swap3A_352 = tpu.vector_load %arg7[%swap3A_350, %swap3A_351] {strides = array<i32>} : memref<1x128xi32, #tpu.memory_space<vmem>>, vector<16xi32>,
        tpu.vector_store %arg7[%swap3A_350, %swap3A_351], %shift_right_logical3A_348 {strides = array<i32>} : memref<1x128xi32, #tpu.memory_space<vmem>>, vector<16xi32>,
        %get3A_353 = arith.index_cast %add3A_335 : i32 to index
        %get3A_354 = arith.constant 16 : index
        %get3A_355 = tpu.vector_load %arg5[%get3A_353, %get3A_354] {strides = array<i32>} : memref<80x128xi32, #tpu.memory_space<vmem>>, vector<16xi32>,
        %and3A_356 = arith.constant 32767 : i32
        %and3A_357 = vector.broadcast %and3A_356 : i32 to vector<16xi32>
        %and3A_358 = arith.andi %get3A_355, %and3A_357 : vector<16xi32>
        %swap3A_359 = arith.constant 0 : i32
        %swap3A_360 = arith.index_cast %swap3A_359 : i32 to index
        %swap3A_361 = arith.constant 16 : index
        %swap3A_362 = tpu.vector_load %arg6[%swap3A_360, %swap3A_361] {strides = array<i32>} : memref<1x128xi32, #tpu.memory_space<vmem>>, vector<16xi32>,
        tpu.vector_store %arg6[%swap3A_360, %swap3A_361], %and3A_358 {strides = array<i32>} : memref<1x128xi32, #tpu.memory_space<vmem>>, vector<16xi32>,
        %shift_right_logical3A_363 = arith.constant 15 : i32
        %shift_right_logical3A_364 = vector.broadcast %shift_right_logical3A_363 : i32 to vector<16xi32>
        %shift_right_logical3A_365 = arith.shrui %get3A_355, %shift_right_logical3A_364 : vector<16xi32>
        %swap3A_366 = arith.constant 0 : i32
        %swap3A_367 = arith.index_cast %swap3A_366 : i32 to index
        %swap3A_368 = arith.constant 16 : index
        %swap3A_369 = tpu.vector_load %arg7[%swap3A_367, %swap3A_368] {strides = array<i32>} : memref<1x128xi32, #tpu.memory_space<vmem>>, vector<16xi32>,
        tpu.vector_store %arg7[%swap3A_367, %swap3A_368], %shift_right_logical3A_365 {strides = array<i32>} : memref<1x128xi32, #tpu.memory_space<vmem>>, vector<16xi32>,
        %get3A_370 = arith.index_cast %add3A_335 : i32 to index
        %get3A_371 = arith.constant 32 : index
        %get3A_372 = tpu.vector_load %arg5[%get3A_370, %get3A_371] {strides = array<i32>} : memref<80x128xi32, #tpu.memory_space<vmem>>, vector<16xi32>,
        %and3A_373 = arith.constant 32767 : i32
        %and3A_374 = vector.broadcast %and3A_373 : i32 to vector<16xi32>
        %and3A_375 = arith.andi %get3A_372, %and3A_374 : vector<16xi32>
        %swap3A_376 = arith.constant 0 : i32
        %swap3A_377 = arith.index_cast %swap3A_376 : i32 to index
        %swap3A_378 = arith.constant 32 : index
        %swap3A_379 = tpu.vector_load %arg6[%swap3A_377, %swap3A_378] {strides = array<i32>} : memref<1x128xi32, #tpu.memory_space<vmem>>, vector<16xi32>,
        tpu.vector_store %arg6[%swap3A_377, %swap3A_378], %and3A_375 {strides = array<i32>} : memref<1x128xi32, #tpu.memory_space<vmem>>, vector<16xi32>,
        %shift_right_logical3A_380 = arith.constant 15 : i32
        %shift_right_logical3A_381 = vector.broadcast %shift_right_logical3A_380 : i32 to vector<16xi32>
        %shift_right_logical3A_382 = arith.shrui %get3A_372, %shift_right_logical3A_381 : vector<16xi32>
        %swap3A_383 = arith.constant 0 : i32
        %swap3A_384 = arith.index_cast %swap3A_383 : i32 to index
        %swap3A_385 = arith.constant 32 : index
        %swap3A_386 = tpu.vector_load %arg7[%swap3A_384, %swap3A_385] {strides = array<i32>} : memref<1x128xi32, #tpu.memory_space<vmem>>, vector<16xi32>,
        tpu.vector_store %arg7[%swap3A_384, %swap3A_385], %shift_right_logical3A_382 {strides = array<i32>} : memref<1x128xi32, #tpu.memory_space<vmem>>, vector<16xi32>,
        %get3A_387 = arith.index_cast %add3A_335 : i32 to index
        %get3A_388 = arith.constant 48 : index
        %get3A_389 = tpu.vector_load %arg5[%get3A_387, %get3A_388] {strides = array<i32>} : memref<80x128xi32, #tpu.memory_space<vmem>>, vector<16xi32>,
        %and3A_390 = arith.constant 32767 : i32
        %and3A_391 = vector.broadcast %and3A_390 : i32 to vector<16xi32>
        %and3A_392 = arith.andi %get3A_389, %and3A_391 : vector<16xi32>
        %swap3A_393 = arith.constant 0 : i32
        %swap3A_394 = arith.index_cast %swap3A_393 : i32 to index
        %swap3A_395 = arith.constant 48 : index
        %swap3A_396 = tpu.vector_load %arg6[%swap3A_394, %swap3A_395] {strides = array<i32>} : memref<1x128xi32, #tpu.memory_space<vmem>>, vector<16xi32>,
        tpu.vector_store %arg6[%swap3A_394, %swap3A_395], %and3A_392 {strides = array<i32>} : memref<1x128xi32, #tpu.memory_space<vmem>>, vector<16xi32>,
        %shift_right_logical3A_397 = arith.constant 15 : i32
        %shift_right_logical3A_398 = vector.broadcast %shift_right_logical3A_397 : i32 to vector<16xi32>
        %shift_right_logical3A_399 = arith.shrui %get3A_389, %shift_right_logical3A_398 : vector<16xi32>
        %swap3A_400 = arith.constant 0 : i32
        %swap3A_401 = arith.index_cast %swap3A_400 : i32 to index
        %swap3A_402 = arith.constant 48 : index
        %swap3A_403 = tpu.vector_load %arg7[%swap3A_401, %swap3A_402] {strides = array<i32>} : memref<1x128xi32, #tpu.memory_space<vmem>>, vector<16xi32>,
        tpu.vector_store %arg7[%swap3A_401, %swap3A_402], %shift_right_logical3A_399 {strides = array<i32>} : memref<1x128xi32, #tpu.memory_space<vmem>>, vector<16xi32>,
        %get3A_404 = arith.index_cast %add3A_335 : i32 to index
        %get3A_405 = arith.constant 64 : index
        %get3A_406 = tpu.vector_load %arg5[%get3A_404, %get3A_405] {strides = array<i32>} : memref<80x128xi32, #tpu.memory_space<vmem>>, vector<16xi32>,
        %and3A_407 = arith.constant 32767 : i32
        %and3A_408 = vector.broadcast %and3A_407 : i32 to vector<16xi32>
        %and3A_409 = arith.andi %get3A_406, %and3A_408 : vector<16xi32>
        %swap3A_410 = arith.constant 0 : i32
        %swap3A_411 = arith.index_cast %swap3A_410 : i32 to index
        %swap3A_412 = arith.constant 64 : index
        %swap3A_413 = tpu.vector_load %arg6[%swap3A_411, %swap3A_412] {strides = array<i32>} : memref<1x128xi32, #tpu.memory_space<vmem>>, vector<16xi32>,
        tpu.vector_store %arg6[%swap3A_411, %swap3A_412], %and3A_409 {strides = array<i32>} : memref<1x128xi32, #tpu.memory_space<vmem>>, vector<16xi32>,
        %shift_right_logical3A_414 = arith.constant 15 : i32
        %shift_right_logical3A_415 = vector.broadcast %shift_right_logical3A_414 : i32 to vector<16xi32>
        %shift_right_logical3A_416 = arith.shrui %get3A_406, %shift_right_logical3A_415 : vector<16xi32>
        %swap3A_417 = arith.constant 0 : i32
        %swap3A_418 = arith.index_cast %swap3A_417 : i32 to index
        %swap3A_419 = arith.constant 64 : index
        %swap3A_420 = tpu.vector_load %arg7[%swap3A_418, %swap3A_419] {strides = array<i32>} : memref<1x128xi32, #tpu.memory_space<vmem>>, vector<16xi32>,
        tpu.vector_store %arg7[%swap3A_418, %swap3A_419], %shift_right_logical3A_416 {strides = array<i32>} : memref<1x128xi32, #tpu.memory_space<vmem>>, vector<16xi32>,
        %get3A_421 = arith.index_cast %add3A_335 : i32 to index
        %get3A_422 = arith.constant 80 : index
        %get3A_423 = tpu.vector_load %arg5[%get3A_421, %get3A_422] {strides = array<i32>} : memref<80x128xi32, #tpu.memory_space<vmem>>, vector<16xi32>,
        %and3A_424 = arith.constant 32767 : i32
        %and3A_425 = vector.broadcast %and3A_424 : i32 to vector<16xi32>
        %and3A_426 = arith.andi %get3A_423, %and3A_425 : vector<16xi32>
        %swap3A_427 = arith.constant 0 : i32
        %swap3A_428 = arith.index_cast %swap3A_427 : i32 to index
        %swap3A_429 = arith.constant 80 : index
        %swap3A_430 = tpu.vector_load %arg6[%swap3A_428, %swap3A_429] {strides = array<i32>} : memref<1x128xi32, #tpu.memory_space<vmem>>, vector<16xi32>,
        tpu.vector_store %arg6[%swap3A_428, %swap3A_429], %and3A_426 {strides = array<i32>} : memref<1x128xi32, #tpu.memory_space<vmem>>, vector<16xi32>,
        %shift_right_logical3A_431 = arith.constant 15 : i32
        %shift_right_logical3A_432 = vector.broadcast %shift_right_logical3A_431 : i32 to vector<16xi32>
        %shift_right_logical3A_433 = arith.shrui %get3A_423, %shift_right_logical3A_432 : vector<16xi32>
        %swap3A_434 = arith.constant 0 : i32
        %swap3A_435 = arith.index_cast %swap3A_434 : i32 to index
        %swap3A_436 = arith.constant 80 : index
        %swap3A_437 = tpu.vector_load %arg7[%swap3A_435, %swap3A_436] {strides = array<i32>} : memref<1x128xi32, #tpu.memory_space<vmem>>, vector<16xi32>,
        tpu.vector_store %arg7[%swap3A_435, %swap3A_436], %shift_right_logical3A_433 {strides = array<i32>} : memref<1x128xi32, #tpu.memory_space<vmem>>, vector<16xi32>,
        %get3A_438 = arith.index_cast %add3A_335 : i32 to index
        %get3A_439 = arith.constant 96 : index
        %get3A_440 = tpu.vector_load %arg5[%get3A_438, %get3A_439] {strides = array<i32>} : memref<80x128xi32, #tpu.memory_space<vmem>>, vector<16xi32>,
        %and3A_441 = arith.constant 32767 : i32
        %and3A_442 = vector.broadcast %and3A_441 : i32 to vector<16xi32>
        %and3A_443 = arith.andi %get3A_440, %and3A_442 : vector<16xi32>
        %swap3A_444 = arith.constant 0 : i32
        %swap3A_445 = arith.index_cast %swap3A_444 : i32 to index
        %swap3A_446 = arith.constant 96 : index
        %swap3A_447 = tpu.vector_load %arg6[%swap3A_445, %swap3A_446] {strides = array<i32>} : memref<1x128xi32, #tpu.memory_space<vmem>>, vector<16xi32>,
        tpu.vector_store %arg6[%swap3A_445, %swap3A_446], %and3A_443 {strides = array<i32>} : memref<1x128xi32, #tpu.memory_space<vmem>>, vector<16xi32>,
        %shift_right_logical3A_448 = arith.constant 15 : i32
        %shift_right_logical3A_449 = vector.broadcast %shift_right_logical3A_448 : i32 to vector<16xi32>
        %shift_right_logical3A_450 = arith.shrui %get3A_440, %shift_right_logical3A_449 : vector<16xi32>
        %swap3A_451 = arith.constant 0 : i32
        %swap3A_452 = arith.index_cast %swap3A_451 : i32 to index
        %swap3A_453 = arith.constant 96 : index
        %swap3A_454 = tpu.vector_load %arg7[%swap3A_452, %swap3A_453] {strides = array<i32>} : memref<1x128xi32, #tpu.memory_space<vmem>>, vector<16xi32>,
        tpu.vector_store %arg7[%swap3A_452, %swap3A_453], %shift_right_logical3A_450 {strides = array<i32>} : memref<1x128xi32, #tpu.memory_space<vmem>>, vector<16xi32>,
        %get3A_455 = arith.index_cast %add3A_335 : i32 to index
        %get3A_456 = arith.constant 112 : index
        %get3A_457 = tpu.vector_load %arg5[%get3A_455, %get3A_456] {strides = array<i32>} : memref<80x128xi32, #tpu.memory_space<vmem>>, vector<16xi32>,
        %and3A_458 = arith.constant 32767 : i32
        %and3A_459 = vector.broadcast %and3A_458 : i32 to vector<16xi32>
        %and3A_460 = arith.andi %get3A_457, %and3A_459 : vector<16xi32>
        %swap3A_461 = arith.constant 0 : i32
        %swap3A_462 = arith.index_cast %swap3A_461 : i32 to index
        %swap3A_463 = arith.constant 112 : index
        %swap3A_464 = tpu.vector_load %arg6[%swap3A_462, %swap3A_463] {strides = array<i32>} : memref<1x128xi32, #tpu.memory_space<vmem>>, vector<16xi32>,
        tpu.vector_store %arg6[%swap3A_462, %swap3A_463], %and3A_460 {strides = array<i32>} : memref<1x128xi32, #tpu.memory_space<vmem>>, vector<16xi32>,
        %shift_right_logical3A_465 = arith.constant 15 : i32
        %shift_right_logical3A_466 = vector.broadcast %shift_right_logical3A_465 : i32 to vector<16xi32>
        %shift_right_logical3A_467 = arith.shrui %get3A_457, %shift_right_logical3A_466 : vector<16xi32>
        %swap3A_468 = arith.constant 0 : i32
        %swap3A_469 = arith.index_cast %swap3A_468 : i32 to index
        %swap3A_470 = arith.constant 112 : index
        %swap3A_471 = tpu.vector_load %arg7[%swap3A_469, %swap3A_470] {strides = array<i32>} : memref<1x128xi32, #tpu.memory_space<vmem>>, vector<16xi32>,
        tpu.vector_store %arg7[%swap3A_469, %swap3A_470], %shift_right_logical3A_467 {strides = array<i32>} : memref<1x128xi32, #tpu.memory_space<vmem>>, vector<16xi32>,
        %dma_start3A_472 = arith.constant 0 : i32
        %dma_start3A_473 = arith.constant 0 : i32
        %dma_start3A_474 = tpu.memref_slice %arg6[%dma_start3A_472, %dma_start3A_473] : memref<1x128xi32, #tpu.memory_space<vmem>> -> memref<1x128xi32, #tpu.memory_space<vmem>>
        %dma_start3A_475 = tpu.memref_squeeze %dma_start3A_474 : memref<1x128xi32, #tpu.memory_space<vmem>> -> memref<128xi32, #tpu.memory_space<vmem>>
        %dma_start3A_476 = arith.constant 0 : i32
        %dma_start3A_477 = arith.constant 0 : i32
        %dma_start3A_478 = tpu.memref_slice %arg2[%dma_start3A_476, %dma_start3A_477] : memref<20000x128xf32, #tpu.memory_space<hbm>> -> memref<20000x128xf32, #tpu.memory_space<hbm>>
        tpu.enqueue_indirect_dma source(%dma_start3A_478 : memref<20000x128xf32, #tpu.memory_space<hbm>>) target(%arg10 : memref<128x128xf32, #tpu.memory_space<vmem>>) offsets(%dma_start3A_475 : memref<128xi32, #tpu.memory_space<vmem>>) semaphore(%arg13 : memref<!tpu.dma_semaphore, #tpu.memory_space<semaphore_mem>>)
      } else {
      }
      %dma_wait3A_326 = arith.constant 0 : i32
      %dma_wait3A_327 = arith.constant 0 : i32
      %dma_wait3A_328 = tpu.memref_slice %arg8[%dma_wait3A_326, %dma_wait3A_327] : memref<1x128xi32, #tpu.memory_space<vmem>> -> memref<1x128xi32, #tpu.memory_space<vmem>>
      %dma_wait3A_329 = tpu.memref_squeeze %dma_wait3A_328 : memref<1x128xi32, #tpu.memory_space<vmem>> -> memref<128xi32, #tpu.memory_space<vmem>>
      %dma_wait3A_330 = arith.constant 0 : i32
      %dma_wait3A_331 = arith.constant 0 : i32
      %dma_wait3A_332 = tpu.memref_slice %arg2[%dma_wait3A_330, %dma_wait3A_331] : memref<20000x128xf32, #tpu.memory_space<hbm>> -> memref<20000x128xf32, #tpu.memory_space<hbm>>
      tpu.wait_indirect_dma semaphore(%arg14 : memref<!tpu.dma_semaphore, #tpu.memory_space<semaphore_mem>>) src(%dma_wait3A_332 : memref<20000x128xf32, #tpu.memory_space<hbm>>) dst(%arg11 : memref<128x128xf32, #tpu.memory_space<vmem>>)
      %run_scoped3A_333 = arith.constant 0 : i32
      "tpu.region"() ({
        %run_scoped3A_334 = tpu.sem_alloc : memref<!tpu.dma_semaphore, #tpu.memory_space<semaphore_mem>>
        %dma_start3A_335 = arith.constant 0 : i32
        %dma_start3A_336 = tpu.memref_slice %arg9[%run_scoped3A_333, %dma_start3A_335] : memref<1x128xi32, #tpu.memory_space<vmem>> -> memref<1x128xi32, #tpu.memory_space<vmem>>
        %dma_start3A_337 = tpu.memref_squeeze %dma_start3A_336 : memref<1x128xi32, #tpu.memory_space<vmem>> -> memref<128xi32, #tpu.memory_space<vmem>>
        %dma_start3A_338 = arith.constant 0 : i32
        %dma_start3A_339 = arith.constant 0 : i32
        %dma_start3A_340 = tpu.memref_slice %arg12[%dma_start3A_338, %dma_start3A_339] : memref<10240x128xf32, #tpu.memory_space<vmem_shared>> -> memref<10240x128xf32, #tpu.memory_space<vmem_shared>>
        tpu.enqueue_indirect_dma source(%arg11 : memref<128x128xf32, #tpu.memory_space<vmem>>) target(%dma_start3A_340 : memref<10240x128xf32, #tpu.memory_space<vmem_shared>>) offsets(%dma_start3A_337 : memref<128xi32, #tpu.memory_space<vmem>>) semaphore(%run_scoped3A_334 : memref<!tpu.dma_semaphore, #tpu.memory_space<semaphore_mem>>) {add = true}
        %dma_wait3A_341 = arith.constant 0 : i32
        %dma_wait3A_342 = tpu.memref_slice %arg9[%run_scoped3A_333, %dma_wait3A_341] : memref<1x128xi32, #tpu.memory_space<vmem>> -> memref<1x128xi32, #tpu.memory_space<vmem>>
        %dma_wait3A_343 = tpu.memref_squeeze %dma_wait3A_342 : memref<1x128xi32, #tpu.memory_space<vmem>> -> memref<128xi32, #tpu.memory_space<vmem>>
        %dma_wait3A_344 = arith.constant 0 : i32
        %dma_wait3A_345 = arith.constant 0 : i32
        %dma_wait3A_346 = tpu.memref_slice %arg12[%dma_wait3A_344, %dma_wait3A_345] : memref<10240x128xf32, #tpu.memory_space<vmem_shared>> -> memref<10240x128xf32, #tpu.memory_space<vmem_shared>>
        tpu.wait_indirect_dma semaphore(%run_scoped3A_334 : memref<!tpu.dma_semaphore, #tpu.memory_space<semaphore_mem>>) src(%arg11 : memref<128x128xf32, #tpu.memory_space<vmem>>) dst(%dma_wait3A_346 : memref<10240x128xf32, #tpu.memory_space<vmem_shared>>)
        tpu.yield
      }) : () -> ()
    }
    %scan3A_164 = arith.constant 40 : i32
    %barrier3A_165 = arith.constant 0 : index
    tpu.barrier barrier_id(%barrier3A_165)
    "tpu.region"() ({
      %run_scoped3A = tpu.sem_alloc : memref<!tpu.dma_semaphore, #tpu.memory_space<semaphore_mem>>
      %dma_start3A_166 = arith.constant 0 : i32
      %dma_start3A_167 = arith.constant 0 : i32
      %dma_start3A_168 = tpu.memref_slice %arg4[%arg0, %dma_start3A_166, %dma_start3A_167] : memref<2x10240x128xf32, #tpu.memory_space<hbm>> -> memref<1x10240x128xf32, #tpu.memory_space<hbm>>
      %dma_start3A_169 = tpu.memref_squeeze %dma_start3A_168 : memref<1x10240x128xf32, #tpu.memory_space<hbm>> -> memref<10240x128xf32, #tpu.memory_space<hbm>>
      %dma_start3A_170 = arith.constant 0 : i32
      %dma_start3A_171 = tpu.memref_slice %dma_start3A_169[%mul3A_4, %dma_start3A_170] : memref<10240x128xf32, #tpu.memory_space<hbm>> -> memref<640x128xf32, #tpu.memory_space<hbm>>
      %dma_start3A_172 = arith.constant 0 : i32
      %dma_start3A_173 = tpu.memref_slice %arg12[%mul3A_4, %dma_start3A_172] : memref<10240x128xf32, #tpu.memory_space<vmem_shared>> -> memref<640x128xf32, #tpu.memory_space<vmem_shared>>
      tpu.enqueue_dma source(%dma_start3A_173 : memref<640x128xf32, #tpu.memory_space<vmem_shared>>) target(%dma_start3A_171 : memref<640x128xf32, #tpu.memory_space<hbm>>) target_semaphore(%run_scoped3A : memref<!tpu.dma_semaphore, #tpu.memory_space<semaphore_mem>>)
      %dma_wait3A = arith.constant 0 : i32
      %dma_wait3A_174 = arith.constant 0 : i32
      %dma_wait3A_175 = tpu.memref_slice %arg4[%arg0, %dma_wait3A, %dma_wait3A_174] : memref<2x10240x128xf32, #tpu.memory_space<hbm>> -> memref<1x10240x128xf32, #tpu.memory_space<hbm>>
      %dma_wait3A_176 = tpu.memref_squeeze %dma_wait3A_175 : memref<1x10240x128xf32, #tpu.memory_space<hbm>> -> memref<10240x128xf32, #tpu.memory_space<hbm>>
      %dma_wait3A_177 = arith.constant 0 : i32
      %dma_wait3A_178 = tpu.memref_slice %dma_wait3A_176[%mul3A_4, %dma_wait3A_177] : memref<10240x128xf32, #tpu.memory_space<hbm>> -> memref<640x128xf32, #tpu.memory_space<hbm>>
      %dma_wait3A_179 = arith.constant 0 : i32
      %dma_wait3A_180 = tpu.memref_slice %arg12[%mul3A_4, %dma_wait3A_179] : memref<10240x128xf32, #tpu.memory_space<vmem_shared>> -> memref<640x128xf32, #tpu.memory_space<vmem_shared>>
      tpu.wait_dma2 semaphore(%run_scoped3A : memref<!tpu.dma_semaphore, #tpu.memory_space<semaphore_mem>>) src(%dma_wait3A_180 : memref<640x128xf32, #tpu.memory_space<vmem_shared>>) dst(%dma_wait3A_178 : memref<640x128xf32, #tpu.memory_space<hbm>>)
      tpu.yield
    }) : () -> ()
    return
  }
}

#map = affine_map<(d0, d1) -> (0, 0)>
#map1 = affine_map<(d0, d1) -> (0, 0, 0, 0)>
#map2 = affine_map<(d0, d1) -> (0, 0, 0)>
module attributes {stable_mosaic.version = 14 : i64} {
  func.func @body(%arg0: i32, %arg1: i32, %arg2: memref<10000x128xf32, #tpu.memory_space<hbm>>, %arg3: memref<2x16x4x128xi32, #tpu.memory_space<hbm>>, %arg4: memref<2x1024x128xf32, #tpu.memory_space<hbm>>, %arg5: memref<4x128xi32, #tpu.memory_space<vmem>>, %arg6: memref<1x128xi32, #tpu.memory_space<vmem>>, %arg7: memref<1x128xi32, #tpu.memory_space<vmem>>, %arg8: memref<1x128xi32, #tpu.memory_space<vmem>>, %arg9: memref<1x128xi32, #tpu.memory_space<vmem>>, %arg10: memref<128x128xf32, #tpu.memory_space<vmem>>, %arg11: memref<128x128xf32, #tpu.memory_space<vmem>>, %arg12: memref<1024x128xf32, #tpu.memory_space<vmem_shared>>, %arg13: memref<!tpu.dma_semaphore, #tpu.memory_space<semaphore_mem>>, %arg14: memref<!tpu.dma_semaphore, #tpu.memory_space<semaphore_mem>>) attributes {dimension_semantics = [#tpu.dimension_semantics<core_parallel>, #tpu.dimension_semantics<subcore_parallel>], iteration_bounds = array<i64: 2, 16>, scalar_prefetch = 0 : i64, scratch_operands = 10 : i64, tpu.core_type = #tpu.core_type<sc_vector_subcore>, window_params = [{transform_indices = #map}, {transform_indices = #map1}, {transform_indices = #map2}]} {
    %scan3A = arith.constant 0 : i32
    %scan3A_0 = arith.constant 128 : i32
    %scan3A_1 = arith.addi %scan3A, %scan3A_0 : i32
    %scan3A_2 = arith.constant 1 : i32
    scf.for %scan3A_158 = %scan3A to %scan3A_1 step %scan3A_2  : i32 {
      %mul3A_159 = arith.constant 1 : i32
      %mul3A_160 = arith.muli %scan3A_158, %mul3A_159 : i32
      %add3A_161 = arith.constant 0 : i32
      %add3A_162 = arith.addi %add3A_161, %mul3A_160 : i32
      %broadcast_in_dim3A = arith.constant 0.000000e+00 : f32
      %broadcast_in_dim3A_163 = vector.broadcast %broadcast_in_dim3A : f32 to vector<16xf32>
      %swap3A_164 = arith.index_cast %add3A_162 : i32 to index
      %swap3A_165 = arith.constant 0 : index
      %swap3A_166 = tpu.vector_load %arg10[%swap3A_164, %swap3A_165] {strides = array<i32>} : memref<128x128xf32, #tpu.memory_space<vmem>>, vector<16xf32>,
      tpu.vector_store %arg10[%swap3A_164, %swap3A_165], %broadcast_in_dim3A_163 {strides = array<i32>} : memref<128x128xf32, #tpu.memory_space<vmem>>, vector<16xf32>,
      %broadcast_in_dim3A_167 = arith.constant 0.000000e+00 : f32
      %broadcast_in_dim3A_168 = vector.broadcast %broadcast_in_dim3A_167 : f32 to vector<16xf32>
      %swap3A_169 = arith.index_cast %add3A_162 : i32 to index
      %swap3A_170 = arith.constant 16 : index
      %swap3A_171 = tpu.vector_load %arg10[%swap3A_169, %swap3A_170] {strides = array<i32>} : memref<128x128xf32, #tpu.memory_space<vmem>>, vector<16xf32>,
      tpu.vector_store %arg10[%swap3A_169, %swap3A_170], %broadcast_in_dim3A_168 {strides = array<i32>} : memref<128x128xf32, #tpu.memory_space<vmem>>, vector<16xf32>,
      %broadcast_in_dim3A_172 = arith.constant 0.000000e+00 : f32
      %broadcast_in_dim3A_173 = vector.broadcast %broadcast_in_dim3A_172 : f32 to vector<16xf32>
      %swap3A_174 = arith.index_cast %add3A_162 : i32 to index
      %swap3A_175 = arith.constant 32 : index
      %swap3A_176 = tpu.vector_load %arg10[%swap3A_174, %swap3A_175] {strides = array<i32>} : memref<128x128xf32, #tpu.memory_space<vmem>>, vector<16xf32>,
      tpu.vector_store %arg10[%swap3A_174, %swap3A_175], %broadcast_in_dim3A_173 {strides = array<i32>} : memref<128x128xf32, #tpu.memory_space<vmem>>, vector<16xf32>,
      %broadcast_in_dim3A_177 = arith.constant 0.000000e+00 : f32
      %broadcast_in_dim3A_178 = vector.broadcast %broadcast_in_dim3A_177 : f32 to vector<16xf32>
      %swap3A_179 = arith.index_cast %add3A_162 : i32 to index
      %swap3A_180 = arith.constant 48 : index
      %swap3A_181 = tpu.vector_load %arg10[%swap3A_179, %swap3A_180] {strides = array<i32>} : memref<128x128xf32, #tpu.memory_space<vmem>>, vector<16xf32>,
      tpu.vector_store %arg10[%swap3A_179, %swap3A_180], %broadcast_in_dim3A_178 {strides = array<i32>} : memref<128x128xf32, #tpu.memory_space<vmem>>, vector<16xf32>,
      %broadcast_in_dim3A_182 = arith.constant 0.000000e+00 : f32
      %broadcast_in_dim3A_183 = vector.broadcast %broadcast_in_dim3A_182 : f32 to vector<16xf32>
      %swap3A_184 = arith.index_cast %add3A_162 : i32 to index
      %swap3A_185 = arith.constant 64 : index
      %swap3A_186 = tpu.vector_load %arg10[%swap3A_184, %swap3A_185] {strides = array<i32>} : memref<128x128xf32, #tpu.memory_space<vmem>>, vector<16xf32>,
      tpu.vector_store %arg10[%swap3A_184, %swap3A_185], %broadcast_in_dim3A_183 {strides = array<i32>} : memref<128x128xf32, #tpu.memory_space<vmem>>, vector<16xf32>,
      %broadcast_in_dim3A_187 = arith.constant 0.000000e+00 : f32
      %broadcast_in_dim3A_188 = vector.broadcast %broadcast_in_dim3A_187 : f32 to vector<16xf32>
      %swap3A_189 = arith.index_cast %add3A_162 : i32 to index
      %swap3A_190 = arith.constant 80 : index
      %swap3A_191 = tpu.vector_load %arg10[%swap3A_189, %swap3A_190] {strides = array<i32>} : memref<128x128xf32, #tpu.memory_space<vmem>>, vector<16xf32>,
      tpu.vector_store %arg10[%swap3A_189, %swap3A_190], %broadcast_in_dim3A_188 {strides = array<i32>} : memref<128x128xf32, #tpu.memory_space<vmem>>, vector<16xf32>,
      %broadcast_in_dim3A_192 = arith.constant 0.000000e+00 : f32
      %broadcast_in_dim3A_193 = vector.broadcast %broadcast_in_dim3A_192 : f32 to vector<16xf32>
      %swap3A_194 = arith.index_cast %add3A_162 : i32 to index
      %swap3A_195 = arith.constant 96 : index
      %swap3A_196 = tpu.vector_load %arg10[%swap3A_194, %swap3A_195] {strides = array<i32>} : memref<128x128xf32, #tpu.memory_space<vmem>>, vector<16xf32>,
      tpu.vector_store %arg10[%swap3A_194, %swap3A_195], %broadcast_in_dim3A_193 {strides = array<i32>} : memref<128x128xf32, #tpu.memory_space<vmem>>, vector<16xf32>,
      %broadcast_in_dim3A_197 = arith.constant 0.000000e+00 : f32
      %broadcast_in_dim3A_198 = vector.broadcast %broadcast_in_dim3A_197 : f32 to vector<16xf32>
      %swap3A_199 = arith.index_cast %add3A_162 : i32 to index
      %swap3A_200 = arith.constant 112 : index
      %swap3A_201 = tpu.vector_load %arg10[%swap3A_199, %swap3A_200] {strides = array<i32>} : memref<128x128xf32, #tpu.memory_space<vmem>>, vector<16xf32>,
      tpu.vector_store %arg10[%swap3A_199, %swap3A_200], %broadcast_in_dim3A_198 {strides = array<i32>} : memref<128x128xf32, #tpu.memory_space<vmem>>, vector<16xf32>,
    }
    %scan3A_3 = arith.constant 128 : i32
    %mul3A = arith.constant 64 : i32
    %mul3A_4 = arith.muli %arg1, %mul3A : i32
    %add3A = arith.constant 0 : i32
    %add3A_5 = arith.addi %mul3A_4, %add3A : i32
    "tpu.region"() ({
      %run_scoped3A = tpu.sem_alloc : memref<!tpu.dma_semaphore, #tpu.memory_space<semaphore_mem>>
      %dma_start3A_158 = arith.constant 0 : i32
      %dma_start3A_159 = arith.constant 0 : i32
      %dma_start3A_160 = tpu.memref_slice %arg10[%dma_start3A_158, %dma_start3A_159] : memref<128x128xf32, #tpu.memory_space<vmem>> -> memref<64x128xf32, #tpu.memory_space<vmem>>
      %dma_start3A_161 = arith.constant 0 : i32
      %dma_start3A_162 = tpu.memref_slice %arg12[%add3A_5, %dma_start3A_161] : memref<1024x128xf32, #tpu.memory_space<vmem_shared>> -> memref<64x128xf32, #tpu.memory_space<vmem_shared>>
      %dma_start3A_163 = arith.constant 0 : i32
      %dma_start3A_164 = tpu.memref_slice %arg12[%add3A_5, %dma_start3A_163] : memref<1024x128xf32, #tpu.memory_space<vmem_shared>> -> memref<64x128xf32, #tpu.memory_space<vmem_shared>>
      %dma_start3A_165 = arith.constant 0 : i32
      %dma_start3A_166 = arith.constant 0 : i32
      %dma_start3A_167 = tpu.memref_slice %arg10[%dma_start3A_165, %dma_start3A_166] : memref<128x128xf32, #tpu.memory_space<vmem>> -> memref<64x128xf32, #tpu.memory_space<vmem>>
      tpu.enqueue_dma source(%dma_start3A_167 : memref<64x128xf32, #tpu.memory_space<vmem>>) target(%dma_start3A_164 : memref<64x128xf32, #tpu.memory_space<vmem_shared>>) target_semaphore(%run_scoped3A : memref<!tpu.dma_semaphore, #tpu.memory_space<semaphore_mem>>)
      %dma_wait3A = arith.constant 0 : i32
      %dma_wait3A_168 = arith.constant 0 : i32
      %dma_wait3A_169 = tpu.memref_slice %arg10[%dma_wait3A, %dma_wait3A_168] : memref<128x128xf32, #tpu.memory_space<vmem>> -> memref<64x128xf32, #tpu.memory_space<vmem>>
      %dma_wait3A_170 = arith.constant 0 : i32
      %dma_wait3A_171 = tpu.memref_slice %arg12[%add3A_5, %dma_wait3A_170] : memref<1024x128xf32, #tpu.memory_space<vmem_shared>> -> memref<64x128xf32, #tpu.memory_space<vmem_shared>>
      %dma_wait3A_172 = arith.constant 0 : i32
      %dma_wait3A_173 = tpu.memref_slice %arg12[%add3A_5, %dma_wait3A_172] : memref<1024x128xf32, #tpu.memory_space<vmem_shared>> -> memref<64x128xf32, #tpu.memory_space<vmem_shared>>
      %dma_wait3A_174 = arith.constant 0 : i32
      %dma_wait3A_175 = arith.constant 0 : i32
      %dma_wait3A_176 = tpu.memref_slice %arg10[%dma_wait3A_174, %dma_wait3A_175] : memref<128x128xf32, #tpu.memory_space<vmem>> -> memref<64x128xf32, #tpu.memory_space<vmem>>
      tpu.wait_dma2 semaphore(%run_scoped3A : memref<!tpu.dma_semaphore, #tpu.memory_space<semaphore_mem>>) src(%dma_wait3A_176 : memref<64x128xf32, #tpu.memory_space<vmem>>) dst(%dma_wait3A_173 : memref<64x128xf32, #tpu.memory_space<vmem_shared>>)
      tpu.yield
    }) : () -> ()
    "tpu.region"() ({
      %run_scoped3A = tpu.sem_alloc : memref<!tpu.dma_semaphore, #tpu.memory_space<semaphore_mem>>
      %dma_start3A_158 = arith.constant 0 : i32
      %dma_start3A_159 = arith.constant 0 : i32
      %dma_start3A_160 = tpu.memref_slice %arg3[%arg0, %arg1, %dma_start3A_158, %dma_start3A_159] : memref<2x16x4x128xi32, #tpu.memory_space<hbm>> -> memref<1x1x4x128xi32, #tpu.memory_space<hbm>>
      %dma_start3A_161 = tpu.memref_squeeze %dma_start3A_160 : memref<1x1x4x128xi32, #tpu.memory_space<hbm>> -> memref<4x128xi32, #tpu.memory_space<hbm>>
      %dma_start3A_162 = arith.constant 0 : i32
      %dma_start3A_163 = arith.constant 0 : i32
      %dma_start3A_164 = tpu.memref_slice %arg3[%arg0, %arg1, %dma_start3A_162, %dma_start3A_163] : memref<2x16x4x128xi32, #tpu.memory_space<hbm>> -> memref<1x1x4x128xi32, #tpu.memory_space<hbm>>
      %dma_start3A_165 = tpu.memref_squeeze %dma_start3A_164 : memref<1x1x4x128xi32, #tpu.memory_space<hbm>> -> memref<4x128xi32, #tpu.memory_space<hbm>>
      tpu.enqueue_dma source(%dma_start3A_165 : memref<4x128xi32, #tpu.memory_space<hbm>>) target(%arg5 : memref<4x128xi32, #tpu.memory_space<vmem>>) target_semaphore(%run_scoped3A : memref<!tpu.dma_semaphore, #tpu.memory_space<semaphore_mem>>)
      %dma_wait3A = arith.constant 0 : i32
      %dma_wait3A_166 = arith.constant 0 : i32
      %dma_wait3A_167 = tpu.memref_slice %arg3[%arg0, %arg1, %dma_wait3A, %dma_wait3A_166] : memref<2x16x4x128xi32, #tpu.memory_space<hbm>> -> memref<1x1x4x128xi32, #tpu.memory_space<hbm>>
      %dma_wait3A_168 = tpu.memref_squeeze %dma_wait3A_167 : memref<1x1x4x128xi32, #tpu.memory_space<hbm>> -> memref<4x128xi32, #tpu.memory_space<hbm>>
      %dma_wait3A_169 = arith.constant 0 : i32
      %dma_wait3A_170 = arith.constant 0 : i32
      %dma_wait3A_171 = tpu.memref_slice %arg3[%arg0, %arg1, %dma_wait3A_169, %dma_wait3A_170] : memref<2x16x4x128xi32, #tpu.memory_space<hbm>> -> memref<1x1x4x128xi32, #tpu.memory_space<hbm>>
      %dma_wait3A_172 = tpu.memref_squeeze %dma_wait3A_171 : memref<1x1x4x128xi32, #tpu.memory_space<hbm>> -> memref<4x128xi32, #tpu.memory_space<hbm>>
      tpu.wait_dma2 semaphore(%run_scoped3A : memref<!tpu.dma_semaphore, #tpu.memory_space<semaphore_mem>>) src(%dma_wait3A_172 : memref<4x128xi32, #tpu.memory_space<hbm>>) dst(%arg5 : memref<4x128xi32, #tpu.memory_space<vmem>>)
      tpu.yield
    }) : () -> ()
    %barrier3A = arith.constant 0 : index
    tpu.barrier barrier_id(%barrier3A)
    %get3A = arith.constant 0 : i32
    %get3A_6 = arith.index_cast %get3A : i32 to index
    %get3A_7 = arith.constant 0 : index
    %get3A_8 = tpu.vector_load %arg5[%get3A_6, %get3A_7] {strides = array<i32>} : memref<4x128xi32, #tpu.memory_space<vmem>>, vector<16xi32>,
    %and3A = arith.constant 32767 : i32
    %and3A_9 = vector.broadcast %and3A : i32 to vector<16xi32>
    %and3A_10 = arith.andi %get3A_8, %and3A_9 : vector<16xi32>
    %swap3A = arith.constant 0 : i32
    %swap3A_11 = arith.index_cast %swap3A : i32 to index
    %swap3A_12 = arith.constant 0 : index
    %swap3A_13 = tpu.vector_load %arg6[%swap3A_11, %swap3A_12] {strides = array<i32>} : memref<1x128xi32, #tpu.memory_space<vmem>>, vector<16xi32>,
    tpu.vector_store %arg6[%swap3A_11, %swap3A_12], %and3A_10 {strides = array<i32>} : memref<1x128xi32, #tpu.memory_space<vmem>>, vector<16xi32>,
    %shift_right_logical3A = arith.constant 15 : i32
    %shift_right_logical3A_14 = vector.broadcast %shift_right_logical3A : i32 to vector<16xi32>
    %shift_right_logical3A_15 = arith.shrui %get3A_8, %shift_right_logical3A_14 : vector<16xi32>
    %swap3A_16 = arith.constant 0 : i32
    %swap3A_17 = arith.index_cast %swap3A_16 : i32 to index
    %swap3A_18 = arith.constant 0 : index
    %swap3A_19 = tpu.vector_load %arg7[%swap3A_17, %swap3A_18] {strides = array<i32>} : memref<1x128xi32, #tpu.memory_space<vmem>>, vector<16xi32>,
    tpu.vector_store %arg7[%swap3A_17, %swap3A_18], %shift_right_logical3A_15 {strides = array<i32>} : memref<1x128xi32, #tpu.memory_space<vmem>>, vector<16xi32>,
    %get3A_20 = arith.constant 0 : i32
    %get3A_21 = arith.index_cast %get3A_20 : i32 to index
    %get3A_22 = arith.constant 16 : index
    %get3A_23 = tpu.vector_load %arg5[%get3A_21, %get3A_22] {strides = array<i32>} : memref<4x128xi32, #tpu.memory_space<vmem>>, vector<16xi32>,
    %and3A_24 = arith.constant 32767 : i32
    %and3A_25 = vector.broadcast %and3A_24 : i32 to vector<16xi32>
    %and3A_26 = arith.andi %get3A_23, %and3A_25 : vector<16xi32>
    %swap3A_27 = arith.constant 0 : i32
    %swap3A_28 = arith.index_cast %swap3A_27 : i32 to index
    %swap3A_29 = arith.constant 16 : index
    %swap3A_30 = tpu.vector_load %arg6[%swap3A_28, %swap3A_29] {strides = array<i32>} : memref<1x128xi32, #tpu.memory_space<vmem>>, vector<16xi32>,
    tpu.vector_store %arg6[%swap3A_28, %swap3A_29], %and3A_26 {strides = array<i32>} : memref<1x128xi32, #tpu.memory_space<vmem>>, vector<16xi32>,
    %shift_right_logical3A_31 = arith.constant 15 : i32
    %shift_right_logical3A_32 = vector.broadcast %shift_right_logical3A_31 : i32 to vector<16xi32>
    %shift_right_logical3A_33 = arith.shrui %get3A_23, %shift_right_logical3A_32 : vector<16xi32>
    %swap3A_34 = arith.constant 0 : i32
    %swap3A_35 = arith.index_cast %swap3A_34 : i32 to index
    %swap3A_36 = arith.constant 16 : index
    %swap3A_37 = tpu.vector_load %arg7[%swap3A_35, %swap3A_36] {strides = array<i32>} : memref<1x128xi32, #tpu.memory_space<vmem>>, vector<16xi32>,
    tpu.vector_store %arg7[%swap3A_35, %swap3A_36], %shift_right_logical3A_33 {strides = array<i32>} : memref<1x128xi32, #tpu.memory_space<vmem>>, vector<16xi32>,
    %get3A_38 = arith.constant 0 : i32
    %get3A_39 = arith.index_cast %get3A_38 : i32 to index
    %get3A_40 = arith.constant 32 : index
    %get3A_41 = tpu.vector_load %arg5[%get3A_39, %get3A_40] {strides = array<i32>} : memref<4x128xi32, #tpu.memory_space<vmem>>, vector<16xi32>,
    %and3A_42 = arith.constant 32767 : i32
    %and3A_43 = vector.broadcast %and3A_42 : i32 to vector<16xi32>
    %and3A_44 = arith.andi %get3A_41, %and3A_43 : vector<16xi32>
    %swap3A_45 = arith.constant 0 : i32
    %swap3A_46 = arith.index_cast %swap3A_45 : i32 to index
    %swap3A_47 = arith.constant 32 : index
    %swap3A_48 = tpu.vector_load %arg6[%swap3A_46, %swap3A_47] {strides = array<i32>} : memref<1x128xi32, #tpu.memory_space<vmem>>, vector<16xi32>,
    tpu.vector_store %arg6[%swap3A_46, %swap3A_47], %and3A_44 {strides = array<i32>} : memref<1x128xi32, #tpu.memory_space<vmem>>, vector<16xi32>,
    %shift_right_logical3A_49 = arith.constant 15 : i32
    %shift_right_logical3A_50 = vector.broadcast %shift_right_logical3A_49 : i32 to vector<16xi32>
    %shift_right_logical3A_51 = arith.shrui %get3A_41, %shift_right_logical3A_50 : vector<16xi32>
    %swap3A_52 = arith.constant 0 : i32
    %swap3A_53 = arith.index_cast %swap3A_52 : i32 to index
    %swap3A_54 = arith.constant 32 : index
    %swap3A_55 = tpu.vector_load %arg7[%swap3A_53, %swap3A_54] {strides = array<i32>} : memref<1x128xi32, #tpu.memory_space<vmem>>, vector<16xi32>,
    tpu.vector_store %arg7[%swap3A_53, %swap3A_54], %shift_right_logical3A_51 {strides = array<i32>} : memref<1x128xi32, #tpu.memory_space<vmem>>, vector<16xi32>,
    %get3A_56 = arith.constant 0 : i32
    %get3A_57 = arith.index_cast %get3A_56 : i32 to index
    %get3A_58 = arith.constant 48 : index
    %get3A_59 = tpu.vector_load %arg5[%get3A_57, %get3A_58] {strides = array<i32>} : memref<4x128xi32, #tpu.memory_space<vmem>>, vector<16xi32>,
    %and3A_60 = arith.constant 32767 : i32
    %and3A_61 = vector.broadcast %and3A_60 : i32 to vector<16xi32>
    %and3A_62 = arith.andi %get3A_59, %and3A_61 : vector<16xi32>
    %swap3A_63 = arith.constant 0 : i32
    %swap3A_64 = arith.index_cast %swap3A_63 : i32 to index
    %swap3A_65 = arith.constant 48 : index
    %swap3A_66 = tpu.vector_load %arg6[%swap3A_64, %swap3A_65] {strides = array<i32>} : memref<1x128xi32, #tpu.memory_space<vmem>>, vector<16xi32>,
    tpu.vector_store %arg6[%swap3A_64, %swap3A_65], %and3A_62 {strides = array<i32>} : memref<1x128xi32, #tpu.memory_space<vmem>>, vector<16xi32>,
    %shift_right_logical3A_67 = arith.constant 15 : i32
    %shift_right_logical3A_68 = vector.broadcast %shift_right_logical3A_67 : i32 to vector<16xi32>
    %shift_right_logical3A_69 = arith.shrui %get3A_59, %shift_right_logical3A_68 : vector<16xi32>
    %swap3A_70 = arith.constant 0 : i32
    %swap3A_71 = arith.index_cast %swap3A_70 : i32 to index
    %swap3A_72 = arith.constant 48 : index
    %swap3A_73 = tpu.vector_load %arg7[%swap3A_71, %swap3A_72] {strides = array<i32>} : memref<1x128xi32, #tpu.memory_space<vmem>>, vector<16xi32>,
    tpu.vector_store %arg7[%swap3A_71, %swap3A_72], %shift_right_logical3A_69 {strides = array<i32>} : memref<1x128xi32, #tpu.memory_space<vmem>>, vector<16xi32>,
    %get3A_74 = arith.constant 0 : i32
    %get3A_75 = arith.index_cast %get3A_74 : i32 to index
    %get3A_76 = arith.constant 64 : index
    %get3A_77 = tpu.vector_load %arg5[%get3A_75, %get3A_76] {strides = array<i32>} : memref<4x128xi32, #tpu.memory_space<vmem>>, vector<16xi32>,
    %and3A_78 = arith.constant 32767 : i32
    %and3A_79 = vector.broadcast %and3A_78 : i32 to vector<16xi32>
    %and3A_80 = arith.andi %get3A_77, %and3A_79 : vector<16xi32>
    %swap3A_81 = arith.constant 0 : i32
    %swap3A_82 = arith.index_cast %swap3A_81 : i32 to index
    %swap3A_83 = arith.constant 64 : index
    %swap3A_84 = tpu.vector_load %arg6[%swap3A_82, %swap3A_83] {strides = array<i32>} : memref<1x128xi32, #tpu.memory_space<vmem>>, vector<16xi32>,
    tpu.vector_store %arg6[%swap3A_82, %swap3A_83], %and3A_80 {strides = array<i32>} : memref<1x128xi32, #tpu.memory_space<vmem>>, vector<16xi32>,
    %shift_right_logical3A_85 = arith.constant 15 : i32
    %shift_right_logical3A_86 = vector.broadcast %shift_right_logical3A_85 : i32 to vector<16xi32>
    %shift_right_logical3A_87 = arith.shrui %get3A_77, %shift_right_logical3A_86 : vector<16xi32>
    %swap3A_88 = arith.constant 0 : i32
    %swap3A_89 = arith.index_cast %swap3A_88 : i32 to index
    %swap3A_90 = arith.constant 64 : index
    %swap3A_91 = tpu.vector_load %arg7[%swap3A_89, %swap3A_90] {strides = array<i32>} : memref<1x128xi32, #tpu.memory_space<vmem>>, vector<16xi32>,
    tpu.vector_store %arg7[%swap3A_89, %swap3A_90], %shift_right_logical3A_87 {strides = array<i32>} : memref<1x128xi32, #tpu.memory_space<vmem>>, vector<16xi32>,
    %get3A_92 = arith.constant 0 : i32
    %get3A_93 = arith.index_cast %get3A_92 : i32 to index
    %get3A_94 = arith.constant 80 : index
    %get3A_95 = tpu.vector_load %arg5[%get3A_93, %get3A_94] {strides = array<i32>} : memref<4x128xi32, #tpu.memory_space<vmem>>, vector<16xi32>,
    %and3A_96 = arith.constant 32767 : i32
    %and3A_97 = vector.broadcast %and3A_96 : i32 to vector<16xi32>
    %and3A_98 = arith.andi %get3A_95, %and3A_97 : vector<16xi32>
    %swap3A_99 = arith.constant 0 : i32
    %swap3A_100 = arith.index_cast %swap3A_99 : i32 to index
    %swap3A_101 = arith.constant 80 : index
    %swap3A_102 = tpu.vector_load %arg6[%swap3A_100, %swap3A_101] {strides = array<i32>} : memref<1x128xi32, #tpu.memory_space<vmem>>, vector<16xi32>,
    tpu.vector_store %arg6[%swap3A_100, %swap3A_101], %and3A_98 {strides = array<i32>} : memref<1x128xi32, #tpu.memory_space<vmem>>, vector<16xi32>,
    %shift_right_logical3A_103 = arith.constant 15 : i32
    %shift_right_logical3A_104 = vector.broadcast %shift_right_logical3A_103 : i32 to vector<16xi32>
    %shift_right_logical3A_105 = arith.shrui %get3A_95, %shift_right_logical3A_104 : vector<16xi32>
    %swap3A_106 = arith.constant 0 : i32
    %swap3A_107 = arith.index_cast %swap3A_106 : i32 to index
    %swap3A_108 = arith.constant 80 : index
    %swap3A_109 = tpu.vector_load %arg7[%swap3A_107, %swap3A_108] {strides = array<i32>} : memref<1x128xi32, #tpu.memory_space<vmem>>, vector<16xi32>,
    tpu.vector_store %arg7[%swap3A_107, %swap3A_108], %shift_right_logical3A_105 {strides = array<i32>} : memref<1x128xi32, #tpu.memory_space<vmem>>, vector<16xi32>,
    %get3A_110 = arith.constant 0 : i32
    %get3A_111 = arith.index_cast %get3A_110 : i32 to index
    %get3A_112 = arith.constant 96 : index
    %get3A_113 = tpu.vector_load %arg5[%get3A_111, %get3A_112] {strides = array<i32>} : memref<4x128xi32, #tpu.memory_space<vmem>>, vector<16xi32>,
    %and3A_114 = arith.constant 32767 : i32
    %and3A_115 = vector.broadcast %and3A_114 : i32 to vector<16xi32>
    %and3A_116 = arith.andi %get3A_113, %and3A_115 : vector<16xi32>
    %swap3A_117 = arith.constant 0 : i32
    %swap3A_118 = arith.index_cast %swap3A_117 : i32 to index
    %swap3A_119 = arith.constant 96 : index
    %swap3A_120 = tpu.vector_load %arg6[%swap3A_118, %swap3A_119] {strides = array<i32>} : memref<1x128xi32, #tpu.memory_space<vmem>>, vector<16xi32>,
    tpu.vector_store %arg6[%swap3A_118, %swap3A_119], %and3A_116 {strides = array<i32>} : memref<1x128xi32, #tpu.memory_space<vmem>>, vector<16xi32>,
    %shift_right_logical3A_121 = arith.constant 15 : i32
    %shift_right_logical3A_122 = vector.broadcast %shift_right_logical3A_121 : i32 to vector<16xi32>
    %shift_right_logical3A_123 = arith.shrui %get3A_113, %shift_right_logical3A_122 : vector<16xi32>
    %swap3A_124 = arith.constant 0 : i32
    %swap3A_125 = arith.index_cast %swap3A_124 : i32 to index
    %swap3A_126 = arith.constant 96 : index
    %swap3A_127 = tpu.vector_load %arg7[%swap3A_125, %swap3A_126] {strides = array<i32>} : memref<1x128xi32, #tpu.memory_space<vmem>>, vector<16xi32>,
    tpu.vector_store %arg7[%swap3A_125, %swap3A_126], %shift_right_logical3A_123 {strides = array<i32>} : memref<1x128xi32, #tpu.memory_space<vmem>>, vector<16xi32>,
    %get3A_128 = arith.constant 0 : i32
    %get3A_129 = arith.index_cast %get3A_128 : i32 to index
    %get3A_130 = arith.constant 112 : index
    %get3A_131 = tpu.vector_load %arg5[%get3A_129, %get3A_130] {strides = array<i32>} : memref<4x128xi32, #tpu.memory_space<vmem>>, vector<16xi32>,
    %and3A_132 = arith.constant 32767 : i32
    %and3A_133 = vector.broadcast %and3A_132 : i32 to vector<16xi32>
    %and3A_134 = arith.andi %get3A_131, %and3A_133 : vector<16xi32>
    %swap3A_135 = arith.constant 0 : i32
    %swap3A_136 = arith.index_cast %swap3A_135 : i32 to index
    %swap3A_137 = arith.constant 112 : index
    %swap3A_138 = tpu.vector_load %arg6[%swap3A_136, %swap3A_137] {strides = array<i32>} : memref<1x128xi32, #tpu.memory_space<vmem>>, vector<16xi32>,
    tpu.vector_store %arg6[%swap3A_136, %swap3A_137], %and3A_134 {strides = array<i32>} : memref<1x128xi32, #tpu.memory_space<vmem>>, vector<16xi32>,
    %shift_right_logical3A_139 = arith.constant 15 : i32
    %shift_right_logical3A_140 = vector.broadcast %shift_right_logical3A_139 : i32 to vector<16xi32>
    %shift_right_logical3A_141 = arith.shrui %get3A_131, %shift_right_logical3A_140 : vector<16xi32>
    %swap3A_142 = arith.constant 0 : i32
    %swap3A_143 = arith.index_cast %swap3A_142 : i32 to index
    %swap3A_144 = arith.constant 112 : index
    %swap3A_145 = tpu.vector_load %arg7[%swap3A_143, %swap3A_144] {strides = array<i32>} : memref<1x128xi32, #tpu.memory_space<vmem>>, vector<16xi32>,
    tpu.vector_store %arg7[%swap3A_143, %swap3A_144], %shift_right_logical3A_141 {strides = array<i32>} : memref<1x128xi32, #tpu.memory_space<vmem>>, vector<16xi32>,
    %dma_start3A = arith.constant 0 : i32
    %dma_start3A_146 = arith.constant 0 : i32
    %dma_start3A_147 = tpu.memref_slice %arg6[%dma_start3A, %dma_start3A_146] : memref<1x128xi32, #tpu.memory_space<vmem>> -> memref<1x128xi32, #tpu.memory_space<vmem>>
    %dma_start3A_148 = tpu.memref_squeeze %dma_start3A_147 : memref<1x128xi32, #tpu.memory_space<vmem>> -> memref<128xi32, #tpu.memory_space<vmem>>
    %dma_start3A_149 = arith.constant 0 : i32
    %dma_start3A_150 = arith.constant 0 : i32
    %dma_start3A_151 = tpu.memref_slice %arg2[%dma_start3A_149, %dma_start3A_150] : memref<10000x128xf32, #tpu.memory_space<hbm>> -> memref<10000x128xf32, #tpu.memory_space<hbm>>
    tpu.enqueue_indirect_dma source(%dma_start3A_151 : memref<10000x128xf32, #tpu.memory_space<hbm>>) target(%arg10 : memref<128x128xf32, #tpu.memory_space<vmem>>) offsets(%dma_start3A_148 : memref<128xi32, #tpu.memory_space<vmem>>) semaphore(%arg13 : memref<!tpu.dma_semaphore, #tpu.memory_space<semaphore_mem>>)
    %scan3A_152 = arith.constant 0 : i32
    %scan3A_153 = arith.constant 2 : i32
    %scan3A_154 = arith.addi %scan3A_152, %scan3A_153 : i32
    %scan3A_155 = arith.constant 1 : i32
    scf.for %scan3A_158 = %scan3A_152 to %scan3A_154 step %scan3A_155  : i32 {
      %mul3A_159 = arith.constant 2 : i32
      %mul3A_160 = arith.muli %scan3A_158, %mul3A_159 : i32
      %add3A_161 = arith.constant 0 : i32
      %add3A_162 = arith.addi %add3A_161, %mul3A_160 : i32
      %add3A_163 = arith.constant 1 : i32
      %add3A_164 = arith.addi %add3A_162, %add3A_163 : i32
      %get3A_165 = arith.index_cast %add3A_164 : i32 to index
      %get3A_166 = arith.constant 0 : index
      %get3A_167 = tpu.vector_load %arg5[%get3A_165, %get3A_166] {strides = array<i32>} : memref<4x128xi32, #tpu.memory_space<vmem>>, vector<16xi32>,
      %and3A_168 = arith.constant 32767 : i32
      %and3A_169 = vector.broadcast %and3A_168 : i32 to vector<16xi32>
      %and3A_170 = arith.andi %get3A_167, %and3A_169 : vector<16xi32>
      %swap3A_171 = arith.constant 0 : i32
      %swap3A_172 = arith.index_cast %swap3A_171 : i32 to index
      %swap3A_173 = arith.constant 0 : index
      %swap3A_174 = tpu.vector_load %arg8[%swap3A_172, %swap3A_173] {strides = array<i32>} : memref<1x128xi32, #tpu.memory_space<vmem>>, vector<16xi32>,
      tpu.vector_store %arg8[%swap3A_172, %swap3A_173], %and3A_170 {strides = array<i32>} : memref<1x128xi32, #tpu.memory_space<vmem>>, vector<16xi32>,
      %shift_right_logical3A_175 = arith.constant 15 : i32
      %shift_right_logical3A_176 = vector.broadcast %shift_right_logical3A_175 : i32 to vector<16xi32>
      %shift_right_logical3A_177 = arith.shrui %get3A_167, %shift_right_logical3A_176 : vector<16xi32>
      %swap3A_178 = arith.constant 0 : i32
      %swap3A_179 = arith.index_cast %swap3A_178 : i32 to index
      %swap3A_180 = arith.constant 0 : index
      %swap3A_181 = tpu.vector_load %arg9[%swap3A_179, %swap3A_180] {strides = array<i32>} : memref<1x128xi32, #tpu.memory_space<vmem>>, vector<16xi32>,
      tpu.vector_store %arg9[%swap3A_179, %swap3A_180], %shift_right_logical3A_177 {strides = array<i32>} : memref<1x128xi32, #tpu.memory_space<vmem>>, vector<16xi32>,
      %get3A_182 = arith.index_cast %add3A_164 : i32 to index
      %get3A_183 = arith.constant 16 : index
      %get3A_184 = tpu.vector_load %arg5[%get3A_182, %get3A_183] {strides = array<i32>} : memref<4x128xi32, #tpu.memory_space<vmem>>, vector<16xi32>,
      %and3A_185 = arith.constant 32767 : i32
      %and3A_186 = vector.broadcast %and3A_185 : i32 to vector<16xi32>
      %and3A_187 = arith.andi %get3A_184, %and3A_186 : vector<16xi32>
      %swap3A_188 = arith.constant 0 : i32
      %swap3A_189 = arith.index_cast %swap3A_188 : i32 to index
      %swap3A_190 = arith.constant 16 : index
      %swap3A_191 = tpu.vector_load %arg8[%swap3A_189, %swap3A_190] {strides = array<i32>} : memref<1x128xi32, #tpu.memory_space<vmem>>, vector<16xi32>,
      tpu.vector_store %arg8[%swap3A_189, %swap3A_190], %and3A_187 {strides = array<i32>} : memref<1x128xi32, #tpu.memory_space<vmem>>, vector<16xi32>,
      %shift_right_logical3A_192 = arith.constant 15 : i32
      %shift_right_logical3A_193 = vector.broadcast %shift_right_logical3A_192 : i32 to vector<16xi32>
      %shift_right_logical3A_194 = arith.shrui %get3A_184, %shift_right_logical3A_193 : vector<16xi32>
      %swap3A_195 = arith.constant 0 : i32
      %swap3A_196 = arith.index_cast %swap3A_195 : i32 to index
      %swap3A_197 = arith.constant 16 : index
      %swap3A_198 = tpu.vector_load %arg9[%swap3A_196, %swap3A_197] {strides = array<i32>} : memref<1x128xi32, #tpu.memory_space<vmem>>, vector<16xi32>,
      tpu.vector_store %arg9[%swap3A_196, %swap3A_197], %shift_right_logical3A_194 {strides = array<i32>} : memref<1x128xi32, #tpu.memory_space<vmem>>, vector<16xi32>,
      %get3A_199 = arith.index_cast %add3A_164 : i32 to index
      %get3A_200 = arith.constant 32 : index
      %get3A_201 = tpu.vector_load %arg5[%get3A_199, %get3A_200] {strides = array<i32>} : memref<4x128xi32, #tpu.memory_space<vmem>>, vector<16xi32>,
      %and3A_202 = arith.constant 32767 : i32
      %and3A_203 = vector.broadcast %and3A_202 : i32 to vector<16xi32>
      %and3A_204 = arith.andi %get3A_201, %and3A_203 : vector<16xi32>
      %swap3A_205 = arith.constant 0 : i32
      %swap3A_206 = arith.index_cast %swap3A_205 : i32 to index
      %swap3A_207 = arith.constant 32 : index
      %swap3A_208 = tpu.vector_load %arg8[%swap3A_206, %swap3A_207] {strides = array<i32>} : memref<1x128xi32, #tpu.memory_space<vmem>>, vector<16xi32>,
      tpu.vector_store %arg8[%swap3A_206, %swap3A_207], %and3A_204 {strides = array<i32>} : memref<1x128xi32, #tpu.memory_space<vmem>>, vector<16xi32>,
      %shift_right_logical3A_209 = arith.constant 15 : i32
      %shift_right_logical3A_210 = vector.broadcast %shift_right_logical3A_209 : i32 to vector<16xi32>
      %shift_right_logical3A_211 = arith.shrui %get3A_201, %shift_right_logical3A_210 : vector<16xi32>
      %swap3A_212 = arith.constant 0 : i32
      %swap3A_213 = arith.index_cast %swap3A_212 : i32 to index
      %swap3A_214 = arith.constant 32 : index
      %swap3A_215 = tpu.vector_load %arg9[%swap3A_213, %swap3A_214] {strides = array<i32>} : memref<1x128xi32, #tpu.memory_space<vmem>>, vector<16xi32>,
      tpu.vector_store %arg9[%swap3A_213, %swap3A_214], %shift_right_logical3A_211 {strides = array<i32>} : memref<1x128xi32, #tpu.memory_space<vmem>>, vector<16xi32>,
      %get3A_216 = arith.index_cast %add3A_164 : i32 to index
      %get3A_217 = arith.constant 48 : index
      %get3A_218 = tpu.vector_load %arg5[%get3A_216, %get3A_217] {strides = array<i32>} : memref<4x128xi32, #tpu.memory_space<vmem>>, vector<16xi32>,
      %and3A_219 = arith.constant 32767 : i32
      %and3A_220 = vector.broadcast %and3A_219 : i32 to vector<16xi32>
      %and3A_221 = arith.andi %get3A_218, %and3A_220 : vector<16xi32>
      %swap3A_222 = arith.constant 0 : i32
      %swap3A_223 = arith.index_cast %swap3A_222 : i32 to index
      %swap3A_224 = arith.constant 48 : index
      %swap3A_225 = tpu.vector_load %arg8[%swap3A_223, %swap3A_224] {strides = array<i32>} : memref<1x128xi32, #tpu.memory_space<vmem>>, vector<16xi32>,
      tpu.vector_store %arg8[%swap3A_223, %swap3A_224], %and3A_221 {strides = array<i32>} : memref<1x128xi32, #tpu.memory_space<vmem>>, vector<16xi32>,
      %shift_right_logical3A_226 = arith.constant 15 : i32
      %shift_right_logical3A_227 = vector.broadcast %shift_right_logical3A_226 : i32 to vector<16xi32>
      %shift_right_logical3A_228 = arith.shrui %get3A_218, %shift_right_logical3A_227 : vector<16xi32>
      %swap3A_229 = arith.constant 0 : i32
      %swap3A_230 = arith.index_cast %swap3A_229 : i32 to index
      %swap3A_231 = arith.constant 48 : index
      %swap3A_232 = tpu.vector_load %arg9[%swap3A_230, %swap3A_231] {strides = array<i32>} : memref<1x128xi32, #tpu.memory_space<vmem>>, vector<16xi32>,
      tpu.vector_store %arg9[%swap3A_230, %swap3A_231], %shift_right_logical3A_228 {strides = array<i32>} : memref<1x128xi32, #tpu.memory_space<vmem>>, vector<16xi32>,
      %get3A_233 = arith.index_cast %add3A_164 : i32 to index
      %get3A_234 = arith.constant 64 : index
      %get3A_235 = tpu.vector_load %arg5[%get3A_233, %get3A_234] {strides = array<i32>} : memref<4x128xi32, #tpu.memory_space<vmem>>, vector<16xi32>,
      %and3A_236 = arith.constant 32767 : i32
      %and3A_237 = vector.broadcast %and3A_236 : i32 to vector<16xi32>
      %and3A_238 = arith.andi %get3A_235, %and3A_237 : vector<16xi32>
      %swap3A_239 = arith.constant 0 : i32
      %swap3A_240 = arith.index_cast %swap3A_239 : i32 to index
      %swap3A_241 = arith.constant 64 : index
      %swap3A_242 = tpu.vector_load %arg8[%swap3A_240, %swap3A_241] {strides = array<i32>} : memref<1x128xi32, #tpu.memory_space<vmem>>, vector<16xi32>,
      tpu.vector_store %arg8[%swap3A_240, %swap3A_241], %and3A_238 {strides = array<i32>} : memref<1x128xi32, #tpu.memory_space<vmem>>, vector<16xi32>,
      %shift_right_logical3A_243 = arith.constant 15 : i32
      %shift_right_logical3A_244 = vector.broadcast %shift_right_logical3A_243 : i32 to vector<16xi32>
      %shift_right_logical3A_245 = arith.shrui %get3A_235, %shift_right_logical3A_244 : vector<16xi32>
      %swap3A_246 = arith.constant 0 : i32
      %swap3A_247 = arith.index_cast %swap3A_246 : i32 to index
      %swap3A_248 = arith.constant 64 : index
      %swap3A_249 = tpu.vector_load %arg9[%swap3A_247, %swap3A_248] {strides = array<i32>} : memref<1x128xi32, #tpu.memory_space<vmem>>, vector<16xi32>,
      tpu.vector_store %arg9[%swap3A_247, %swap3A_248], %shift_right_logical3A_245 {strides = array<i32>} : memref<1x128xi32, #tpu.memory_space<vmem>>, vector<16xi32>,
      %get3A_250 = arith.index_cast %add3A_164 : i32 to index
      %get3A_251 = arith.constant 80 : index
      %get3A_252 = tpu.vector_load %arg5[%get3A_250, %get3A_251] {strides = array<i32>} : memref<4x128xi32, #tpu.memory_space<vmem>>, vector<16xi32>,
      %and3A_253 = arith.constant 32767 : i32
      %and3A_254 = vector.broadcast %and3A_253 : i32 to vector<16xi32>
      %and3A_255 = arith.andi %get3A_252, %and3A_254 : vector<16xi32>
      %swap3A_256 = arith.constant 0 : i32
      %swap3A_257 = arith.index_cast %swap3A_256 : i32 to index
      %swap3A_258 = arith.constant 80 : index
      %swap3A_259 = tpu.vector_load %arg8[%swap3A_257, %swap3A_258] {strides = array<i32>} : memref<1x128xi32, #tpu.memory_space<vmem>>, vector<16xi32>,
      tpu.vector_store %arg8[%swap3A_257, %swap3A_258], %and3A_255 {strides = array<i32>} : memref<1x128xi32, #tpu.memory_space<vmem>>, vector<16xi32>,
      %shift_right_logical3A_260 = arith.constant 15 : i32
      %shift_right_logical3A_261 = vector.broadcast %shift_right_logical3A_260 : i32 to vector<16xi32>
      %shift_right_logical3A_262 = arith.shrui %get3A_252, %shift_right_logical3A_261 : vector<16xi32>
      %swap3A_263 = arith.constant 0 : i32
      %swap3A_264 = arith.index_cast %swap3A_263 : i32 to index
      %swap3A_265 = arith.constant 80 : index
      %swap3A_266 = tpu.vector_load %arg9[%swap3A_264, %swap3A_265] {strides = array<i32>} : memref<1x128xi32, #tpu.memory_space<vmem>>, vector<16xi32>,
      tpu.vector_store %arg9[%swap3A_264, %swap3A_265], %shift_right_logical3A_262 {strides = array<i32>} : memref<1x128xi32, #tpu.memory_space<vmem>>, vector<16xi32>,
      %get3A_267 = arith.index_cast %add3A_164 : i32 to index
      %get3A_268 = arith.constant 96 : index
      %get3A_269 = tpu.vector_load %arg5[%get3A_267, %get3A_268] {strides = array<i32>} : memref<4x128xi32, #tpu.memory_space<vmem>>, vector<16xi32>,
      %and3A_270 = arith.constant 32767 : i32
      %and3A_271 = vector.broadcast %and3A_270 : i32 to vector<16xi32>
      %and3A_272 = arith.andi %get3A_269, %and3A_271 : vector<16xi32>
      %swap3A_273 = arith.constant 0 : i32
      %swap3A_274 = arith.index_cast %swap3A_273 : i32 to index
      %swap3A_275 = arith.constant 96 : index
      %swap3A_276 = tpu.vector_load %arg8[%swap3A_274, %swap3A_275] {strides = array<i32>} : memref<1x128xi32, #tpu.memory_space<vmem>>, vector<16xi32>,
      tpu.vector_store %arg8[%swap3A_274, %swap3A_275], %and3A_272 {strides = array<i32>} : memref<1x128xi32, #tpu.memory_space<vmem>>, vector<16xi32>,
      %shift_right_logical3A_277 = arith.constant 15 : i32
      %shift_right_logical3A_278 = vector.broadcast %shift_right_logical3A_277 : i32 to vector<16xi32>
      %shift_right_logical3A_279 = arith.shrui %get3A_269, %shift_right_logical3A_278 : vector<16xi32>
      %swap3A_280 = arith.constant 0 : i32
      %swap3A_281 = arith.index_cast %swap3A_280 : i32 to index
      %swap3A_282 = arith.constant 96 : index
      %swap3A_283 = tpu.vector_load %arg9[%swap3A_281, %swap3A_282] {strides = array<i32>} : memref<1x128xi32, #tpu.memory_space<vmem>>, vector<16xi32>,
      tpu.vector_store %arg9[%swap3A_281, %swap3A_282], %shift_right_logical3A_279 {strides = array<i32>} : memref<1x128xi32, #tpu.memory_space<vmem>>, vector<16xi32>,
      %get3A_284 = arith.index_cast %add3A_164 : i32 to index
      %get3A_285 = arith.constant 112 : index
      %get3A_286 = tpu.vector_load %arg5[%get3A_284, %get3A_285] {strides = array<i32>} : memref<4x128xi32, #tpu.memory_space<vmem>>, vector<16xi32>,
      %and3A_287 = arith.constant 32767 : i32
      %and3A_288 = vector.broadcast %and3A_287 : i32 to vector<16xi32>
      %and3A_289 = arith.andi %get3A_286, %and3A_288 : vector<16xi32>
      %swap3A_290 = arith.constant 0 : i32
      %swap3A_291 = arith.index_cast %swap3A_290 : i32 to index
      %swap3A_292 = arith.constant 112 : index
      %swap3A_293 = tpu.vector_load %arg8[%swap3A_291, %swap3A_292] {strides = array<i32>} : memref<1x128xi32, #tpu.memory_space<vmem>>, vector<16xi32>,
      tpu.vector_store %arg8[%swap3A_291, %swap3A_292], %and3A_289 {strides = array<i32>} : memref<1x128xi32, #tpu.memory_space<vmem>>, vector<16xi32>,
      %shift_right_logical3A_294 = arith.constant 15 : i32
      %shift_right_logical3A_295 = vector.broadcast %shift_right_logical3A_294 : i32 to vector<16xi32>
      %shift_right_logical3A_296 = arith.shrui %get3A_286, %shift_right_logical3A_295 : vector<16xi32>
      %swap3A_297 = arith.constant 0 : i32
      %swap3A_298 = arith.index_cast %swap3A_297 : i32 to index
      %swap3A_299 = arith.constant 112 : index
      %swap3A_300 = tpu.vector_load %arg9[%swap3A_298, %swap3A_299] {strides = array<i32>} : memref<1x128xi32, #tpu.memory_space<vmem>>, vector<16xi32>,
      tpu.vector_store %arg9[%swap3A_298, %swap3A_299], %shift_right_logical3A_296 {strides = array<i32>} : memref<1x128xi32, #tpu.memory_space<vmem>>, vector<16xi32>,
      %dma_start3A_301 = arith.constant 0 : i32
      %dma_start3A_302 = arith.constant 0 : i32
      %dma_start3A_303 = tpu.memref_slice %arg8[%dma_start3A_301, %dma_start3A_302] : memref<1x128xi32, #tpu.memory_space<vmem>> -> memref<1x128xi32, #tpu.memory_space<vmem>>
      %dma_start3A_304 = tpu.memref_squeeze %dma_start3A_303 : memref<1x128xi32, #tpu.memory_space<vmem>> -> memref<128xi32, #tpu.memory_space<vmem>>
      %dma_start3A_305 = arith.constant 0 : i32
      %dma_start3A_306 = arith.constant 0 : i32
      %dma_start3A_307 = tpu.memref_slice %arg2[%dma_start3A_305, %dma_start3A_306] : memref<10000x128xf32, #tpu.memory_space<hbm>> -> memref<10000x128xf32, #tpu.memory_space<hbm>>
      tpu.enqueue_indirect_dma source(%dma_start3A_307 : memref<10000x128xf32, #tpu.memory_space<hbm>>) target(%arg11 : memref<128x128xf32, #tpu.memory_space<vmem>>) offsets(%dma_start3A_304 : memref<128xi32, #tpu.memory_space<vmem>>) semaphore(%arg14 : memref<!tpu.dma_semaphore, #tpu.memory_space<semaphore_mem>>)
      %dma_wait3A = arith.constant 0 : i32
      %dma_wait3A_308 = arith.constant 0 : i32
      %dma_wait3A_309 = tpu.memref_slice %arg6[%dma_wait3A, %dma_wait3A_308] : memref<1x128xi32, #tpu.memory_space<vmem>> -> memref<1x128xi32, #tpu.memory_space<vmem>>
      %dma_wait3A_310 = tpu.memref_squeeze %dma_wait3A_309 : memref<1x128xi32, #tpu.memory_space<vmem>> -> memref<128xi32, #tpu.memory_space<vmem>>
      %dma_wait3A_311 = arith.constant 0 : i32
      %dma_wait3A_312 = arith.constant 0 : i32
      %dma_wait3A_313 = tpu.memref_slice %arg2[%dma_wait3A_311, %dma_wait3A_312] : memref<10000x128xf32, #tpu.memory_space<hbm>> -> memref<10000x128xf32, #tpu.memory_space<hbm>>
      tpu.wait_indirect_dma semaphore(%arg13 : memref<!tpu.dma_semaphore, #tpu.memory_space<semaphore_mem>>) src(%dma_wait3A_313 : memref<10000x128xf32, #tpu.memory_space<hbm>>) dst(%arg10 : memref<128x128xf32, #tpu.memory_space<vmem>>)
      %run_scoped3A = arith.constant 0 : i32
      "tpu.region"() ({
        %run_scoped3A_326 = tpu.sem_alloc : memref<!tpu.dma_semaphore, #tpu.memory_space<semaphore_mem>>
        %dma_start3A_327 = arith.constant 0 : i32
        %dma_start3A_328 = tpu.memref_slice %arg7[%run_scoped3A, %dma_start3A_327] : memref<1x128xi32, #tpu.memory_space<vmem>> -> memref<1x128xi32, #tpu.memory_space<vmem>>
        %dma_start3A_329 = tpu.memref_squeeze %dma_start3A_328 : memref<1x128xi32, #tpu.memory_space<vmem>> -> memref<128xi32, #tpu.memory_space<vmem>>
        %dma_start3A_330 = arith.constant 0 : i32
        %dma_start3A_331 = arith.constant 0 : i32
        %dma_start3A_332 = tpu.memref_slice %arg12[%dma_start3A_330, %dma_start3A_331] : memref<1024x128xf32, #tpu.memory_space<vmem_shared>> -> memref<1024x128xf32, #tpu.memory_space<vmem_shared>>
        tpu.enqueue_indirect_dma source(%arg10 : memref<128x128xf32, #tpu.memory_space<vmem>>) target(%dma_start3A_332 : memref<1024x128xf32, #tpu.memory_space<vmem_shared>>) offsets(%dma_start3A_329 : memref<128xi32, #tpu.memory_space<vmem>>) semaphore(%run_scoped3A_326 : memref<!tpu.dma_semaphore, #tpu.memory_space<semaphore_mem>>) {add = true}
        %dma_wait3A_333 = arith.constant 0 : i32
        %dma_wait3A_334 = tpu.memref_slice %arg7[%run_scoped3A, %dma_wait3A_333] : memref<1x128xi32, #tpu.memory_space<vmem>> -> memref<1x128xi32, #tpu.memory_space<vmem>>
        %dma_wait3A_335 = tpu.memref_squeeze %dma_wait3A_334 : memref<1x128xi32, #tpu.memory_space<vmem>> -> memref<128xi32, #tpu.memory_space<vmem>>
        %dma_wait3A_336 = arith.constant 0 : i32
        %dma_wait3A_337 = arith.constant 0 : i32
        %dma_wait3A_338 = tpu.memref_slice %arg12[%dma_wait3A_336, %dma_wait3A_337] : memref<1024x128xf32, #tpu.memory_space<vmem_shared>> -> memref<1024x128xf32, #tpu.memory_space<vmem_shared>>
        tpu.wait_indirect_dma semaphore(%run_scoped3A_326 : memref<!tpu.dma_semaphore, #tpu.memory_space<semaphore_mem>>) src(%arg10 : memref<128x128xf32, #tpu.memory_space<vmem>>) dst(%dma_wait3A_338 : memref<1024x128xf32, #tpu.memory_space<vmem_shared>>)
        tpu.yield
      }) : () -> ()
      %add3A_314 = arith.constant 2 : i32
      %add3A_315 = arith.addi %add3A_162, %add3A_314 : i32
      %lt3A = arith.constant 4 : i32
      %lt3A_316 = arith.cmpi slt, %add3A_315, %lt3A : i32
      %convert_element_type3A = arith.extui %lt3A_316 : i1 to i32
      %cond3A = arith.constant 0 : i32
      %cond3A_317 = arith.cmpi ne, %convert_element_type3A, %cond3A : i32
      scf.if %cond3A_317 {
        %add3A_326 = arith.constant 2 : i32
        %add3A_327 = arith.addi %add3A_162, %add3A_326 : i32
        %get3A_328 = arith.index_cast %add3A_327 : i32 to index
        %get3A_329 = arith.constant 0 : index
        %get3A_330 = tpu.vector_load %arg5[%get3A_328, %get3A_329] {strides = array<i32>} : memref<4x128xi32, #tpu.memory_space<vmem>>, vector<16xi32>,
        %and3A_331 = arith.constant 32767 : i32
        %and3A_332 = vector.broadcast %and3A_331 : i32 to vector<16xi32>
        %and3A_333 = arith.andi %get3A_330, %and3A_332 : vector<16xi32>
        %swap3A_334 = arith.constant 0 : i32
        %swap3A_335 = arith.index_cast %swap3A_334 : i32 to index
        %swap3A_336 = arith.constant 0 : index
        %swap3A_337 = tpu.vector_load %arg6[%swap3A_335, %swap3A_336] {strides = array<i32>} : memref<1x128xi32, #tpu.memory_space<vmem>>, vector<16xi32>,
        tpu.vector_store %arg6[%swap3A_335, %swap3A_336], %and3A_333 {strides = array<i32>} : memref<1x128xi32, #tpu.memory_space<vmem>>, vector<16xi32>,
        %shift_right_logical3A_338 = arith.constant 15 : i32
        %shift_right_logical3A_339 = vector.broadcast %shift_right_logical3A_338 : i32 to vector<16xi32>
        %shift_right_logical3A_340 = arith.shrui %get3A_330, %shift_right_logical3A_339 : vector<16xi32>
        %swap3A_341 = arith.constant 0 : i32
        %swap3A_342 = arith.index_cast %swap3A_341 : i32 to index
        %swap3A_343 = arith.constant 0 : index
        %swap3A_344 = tpu.vector_load %arg7[%swap3A_342, %swap3A_343] {strides = array<i32>} : memref<1x128xi32, #tpu.memory_space<vmem>>, vector<16xi32>,
        tpu.vector_store %arg7[%swap3A_342, %swap3A_343], %shift_right_logical3A_340 {strides = array<i32>} : memref<1x128xi32, #tpu.memory_space<vmem>>, vector<16xi32>,
        %get3A_345 = arith.index_cast %add3A_327 : i32 to index
        %get3A_346 = arith.constant 16 : index
        %get3A_347 = tpu.vector_load %arg5[%get3A_345, %get3A_346] {strides = array<i32>} : memref<4x128xi32, #tpu.memory_space<vmem>>, vector<16xi32>,
        %and3A_348 = arith.constant 32767 : i32
        %and3A_349 = vector.broadcast %and3A_348 : i32 to vector<16xi32>
        %and3A_350 = arith.andi %get3A_347, %and3A_349 : vector<16xi32>
        %swap3A_351 = arith.constant 0 : i32
        %swap3A_352 = arith.index_cast %swap3A_351 : i32 to index
        %swap3A_353 = arith.constant 16 : index
        %swap3A_354 = tpu.vector_load %arg6[%swap3A_352, %swap3A_353] {strides = array<i32>} : memref<1x128xi32, #tpu.memory_space<vmem>>, vector<16xi32>,
        tpu.vector_store %arg6[%swap3A_352, %swap3A_353], %and3A_350 {strides = array<i32>} : memref<1x128xi32, #tpu.memory_space<vmem>>, vector<16xi32>,
        %shift_right_logical3A_355 = arith.constant 15 : i32
        %shift_right_logical3A_356 = vector.broadcast %shift_right_logical3A_355 : i32 to vector<16xi32>
        %shift_right_logical3A_357 = arith.shrui %get3A_347, %shift_right_logical3A_356 : vector<16xi32>
        %swap3A_358 = arith.constant 0 : i32
        %swap3A_359 = arith.index_cast %swap3A_358 : i32 to index
        %swap3A_360 = arith.constant 16 : index
        %swap3A_361 = tpu.vector_load %arg7[%swap3A_359, %swap3A_360] {strides = array<i32>} : memref<1x128xi32, #tpu.memory_space<vmem>>, vector<16xi32>,
        tpu.vector_store %arg7[%swap3A_359, %swap3A_360], %shift_right_logical3A_357 {strides = array<i32>} : memref<1x128xi32, #tpu.memory_space<vmem>>, vector<16xi32>,
        %get3A_362 = arith.index_cast %add3A_327 : i32 to index
        %get3A_363 = arith.constant 32 : index
        %get3A_364 = tpu.vector_load %arg5[%get3A_362, %get3A_363] {strides = array<i32>} : memref<4x128xi32, #tpu.memory_space<vmem>>, vector<16xi32>,
        %and3A_365 = arith.constant 32767 : i32
        %and3A_366 = vector.broadcast %and3A_365 : i32 to vector<16xi32>
        %and3A_367 = arith.andi %get3A_364, %and3A_366 : vector<16xi32>
        %swap3A_368 = arith.constant 0 : i32
        %swap3A_369 = arith.index_cast %swap3A_368 : i32 to index
        %swap3A_370 = arith.constant 32 : index
        %swap3A_371 = tpu.vector_load %arg6[%swap3A_369, %swap3A_370] {strides = array<i32>} : memref<1x128xi32, #tpu.memory_space<vmem>>, vector<16xi32>,
        tpu.vector_store %arg6[%swap3A_369, %swap3A_370], %and3A_367 {strides = array<i32>} : memref<1x128xi32, #tpu.memory_space<vmem>>, vector<16xi32>,
        %shift_right_logical3A_372 = arith.constant 15 : i32
        %shift_right_logical3A_373 = vector.broadcast %shift_right_logical3A_372 : i32 to vector<16xi32>
        %shift_right_logical3A_374 = arith.shrui %get3A_364, %shift_right_logical3A_373 : vector<16xi32>
        %swap3A_375 = arith.constant 0 : i32
        %swap3A_376 = arith.index_cast %swap3A_375 : i32 to index
        %swap3A_377 = arith.constant 32 : index
        %swap3A_378 = tpu.vector_load %arg7[%swap3A_376, %swap3A_377] {strides = array<i32>} : memref<1x128xi32, #tpu.memory_space<vmem>>, vector<16xi32>,
        tpu.vector_store %arg7[%swap3A_376, %swap3A_377], %shift_right_logical3A_374 {strides = array<i32>} : memref<1x128xi32, #tpu.memory_space<vmem>>, vector<16xi32>,
        %get3A_379 = arith.index_cast %add3A_327 : i32 to index
        %get3A_380 = arith.constant 48 : index
        %get3A_381 = tpu.vector_load %arg5[%get3A_379, %get3A_380] {strides = array<i32>} : memref<4x128xi32, #tpu.memory_space<vmem>>, vector<16xi32>,
        %and3A_382 = arith.constant 32767 : i32
        %and3A_383 = vector.broadcast %and3A_382 : i32 to vector<16xi32>
        %and3A_384 = arith.andi %get3A_381, %and3A_383 : vector<16xi32>
        %swap3A_385 = arith.constant 0 : i32
        %swap3A_386 = arith.index_cast %swap3A_385 : i32 to index
        %swap3A_387 = arith.constant 48 : index
        %swap3A_388 = tpu.vector_load %arg6[%swap3A_386, %swap3A_387] {strides = array<i32>} : memref<1x128xi32, #tpu.memory_space<vmem>>, vector<16xi32>,
        tpu.vector_store %arg6[%swap3A_386, %swap3A_387], %and3A_384 {strides = array<i32>} : memref<1x128xi32, #tpu.memory_space<vmem>>, vector<16xi32>,
        %shift_right_logical3A_389 = arith.constant 15 : i32
        %shift_right_logical3A_390 = vector.broadcast %shift_right_logical3A_389 : i32 to vector<16xi32>
        %shift_right_logical3A_391 = arith.shrui %get3A_381, %shift_right_logical3A_390 : vector<16xi32>
        %swap3A_392 = arith.constant 0 : i32
        %swap3A_393 = arith.index_cast %swap3A_392 : i32 to index
        %swap3A_394 = arith.constant 48 : index
        %swap3A_395 = tpu.vector_load %arg7[%swap3A_393, %swap3A_394] {strides = array<i32>} : memref<1x128xi32, #tpu.memory_space<vmem>>, vector<16xi32>,
        tpu.vector_store %arg7[%swap3A_393, %swap3A_394], %shift_right_logical3A_391 {strides = array<i32>} : memref<1x128xi32, #tpu.memory_space<vmem>>, vector<16xi32>,
        %get3A_396 = arith.index_cast %add3A_327 : i32 to index
        %get3A_397 = arith.constant 64 : index
        %get3A_398 = tpu.vector_load %arg5[%get3A_396, %get3A_397] {strides = array<i32>} : memref<4x128xi32, #tpu.memory_space<vmem>>, vector<16xi32>,
        %and3A_399 = arith.constant 32767 : i32
        %and3A_400 = vector.broadcast %and3A_399 : i32 to vector<16xi32>
        %and3A_401 = arith.andi %get3A_398, %and3A_400 : vector<16xi32>
        %swap3A_402 = arith.constant 0 : i32
        %swap3A_403 = arith.index_cast %swap3A_402 : i32 to index
        %swap3A_404 = arith.constant 64 : index
        %swap3A_405 = tpu.vector_load %arg6[%swap3A_403, %swap3A_404] {strides = array<i32>} : memref<1x128xi32, #tpu.memory_space<vmem>>, vector<16xi32>,
        tpu.vector_store %arg6[%swap3A_403, %swap3A_404], %and3A_401 {strides = array<i32>} : memref<1x128xi32, #tpu.memory_space<vmem>>, vector<16xi32>,
        %shift_right_logical3A_406 = arith.constant 15 : i32
        %shift_right_logical3A_407 = vector.broadcast %shift_right_logical3A_406 : i32 to vector<16xi32>
        %shift_right_logical3A_408 = arith.shrui %get3A_398, %shift_right_logical3A_407 : vector<16xi32>
        %swap3A_409 = arith.constant 0 : i32
        %swap3A_410 = arith.index_cast %swap3A_409 : i32 to index
        %swap3A_411 = arith.constant 64 : index
        %swap3A_412 = tpu.vector_load %arg7[%swap3A_410, %swap3A_411] {strides = array<i32>} : memref<1x128xi32, #tpu.memory_space<vmem>>, vector<16xi32>,
        tpu.vector_store %arg7[%swap3A_410, %swap3A_411], %shift_right_logical3A_408 {strides = array<i32>} : memref<1x128xi32, #tpu.memory_space<vmem>>, vector<16xi32>,
        %get3A_413 = arith.index_cast %add3A_327 : i32 to index
        %get3A_414 = arith.constant 80 : index
        %get3A_415 = tpu.vector_load %arg5[%get3A_413, %get3A_414] {strides = array<i32>} : memref<4x128xi32, #tpu.memory_space<vmem>>, vector<16xi32>,
        %and3A_416 = arith.constant 32767 : i32
        %and3A_417 = vector.broadcast %and3A_416 : i32 to vector<16xi32>
        %and3A_418 = arith.andi %get3A_415, %and3A_417 : vector<16xi32>
        %swap3A_419 = arith.constant 0 : i32
        %swap3A_420 = arith.index_cast %swap3A_419 : i32 to index
        %swap3A_421 = arith.constant 80 : index
        %swap3A_422 = tpu.vector_load %arg6[%swap3A_420, %swap3A_421] {strides = array<i32>} : memref<1x128xi32, #tpu.memory_space<vmem>>, vector<16xi32>,
        tpu.vector_store %arg6[%swap3A_420, %swap3A_421], %and3A_418 {strides = array<i32>} : memref<1x128xi32, #tpu.memory_space<vmem>>, vector<16xi32>,
        %shift_right_logical3A_423 = arith.constant 15 : i32
        %shift_right_logical3A_424 = vector.broadcast %shift_right_logical3A_423 : i32 to vector<16xi32>
        %shift_right_logical3A_425 = arith.shrui %get3A_415, %shift_right_logical3A_424 : vector<16xi32>
        %swap3A_426 = arith.constant 0 : i32
        %swap3A_427 = arith.index_cast %swap3A_426 : i32 to index
        %swap3A_428 = arith.constant 80 : index
        %swap3A_429 = tpu.vector_load %arg7[%swap3A_427, %swap3A_428] {strides = array<i32>} : memref<1x128xi32, #tpu.memory_space<vmem>>, vector<16xi32>,
        tpu.vector_store %arg7[%swap3A_427, %swap3A_428], %shift_right_logical3A_425 {strides = array<i32>} : memref<1x128xi32, #tpu.memory_space<vmem>>, vector<16xi32>,
        %get3A_430 = arith.index_cast %add3A_327 : i32 to index
        %get3A_431 = arith.constant 96 : index
        %get3A_432 = tpu.vector_load %arg5[%get3A_430, %get3A_431] {strides = array<i32>} : memref<4x128xi32, #tpu.memory_space<vmem>>, vector<16xi32>,
        %and3A_433 = arith.constant 32767 : i32
        %and3A_434 = vector.broadcast %and3A_433 : i32 to vector<16xi32>
        %and3A_435 = arith.andi %get3A_432, %and3A_434 : vector<16xi32>
        %swap3A_436 = arith.constant 0 : i32
        %swap3A_437 = arith.index_cast %swap3A_436 : i32 to index
        %swap3A_438 = arith.constant 96 : index
        %swap3A_439 = tpu.vector_load %arg6[%swap3A_437, %swap3A_438] {strides = array<i32>} : memref<1x128xi32, #tpu.memory_space<vmem>>, vector<16xi32>,
        tpu.vector_store %arg6[%swap3A_437, %swap3A_438], %and3A_435 {strides = array<i32>} : memref<1x128xi32, #tpu.memory_space<vmem>>, vector<16xi32>,
        %shift_right_logical3A_440 = arith.constant 15 : i32
        %shift_right_logical3A_441 = vector.broadcast %shift_right_logical3A_440 : i32 to vector<16xi32>
        %shift_right_logical3A_442 = arith.shrui %get3A_432, %shift_right_logical3A_441 : vector<16xi32>
        %swap3A_443 = arith.constant 0 : i32
        %swap3A_444 = arith.index_cast %swap3A_443 : i32 to index
        %swap3A_445 = arith.constant 96 : index
        %swap3A_446 = tpu.vector_load %arg7[%swap3A_444, %swap3A_445] {strides = array<i32>} : memref<1x128xi32, #tpu.memory_space<vmem>>, vector<16xi32>,
        tpu.vector_store %arg7[%swap3A_444, %swap3A_445], %shift_right_logical3A_442 {strides = array<i32>} : memref<1x128xi32, #tpu.memory_space<vmem>>, vector<16xi32>,
        %get3A_447 = arith.index_cast %add3A_327 : i32 to index
        %get3A_448 = arith.constant 112 : index
        %get3A_449 = tpu.vector_load %arg5[%get3A_447, %get3A_448] {strides = array<i32>} : memref<4x128xi32, #tpu.memory_space<vmem>>, vector<16xi32>,
        %and3A_450 = arith.constant 32767 : i32
        %and3A_451 = vector.broadcast %and3A_450 : i32 to vector<16xi32>
        %and3A_452 = arith.andi %get3A_449, %and3A_451 : vector<16xi32>
        %swap3A_453 = arith.constant 0 : i32
        %swap3A_454 = arith.index_cast %swap3A_453 : i32 to index
        %swap3A_455 = arith.constant 112 : index
        %swap3A_456 = tpu.vector_load %arg6[%swap3A_454, %swap3A_455] {strides = array<i32>} : memref<1x128xi32, #tpu.memory_space<vmem>>, vector<16xi32>,
        tpu.vector_store %arg6[%swap3A_454, %swap3A_455], %and3A_452 {strides = array<i32>} : memref<1x128xi32, #tpu.memory_space<vmem>>, vector<16xi32>,
        %shift_right_logical3A_457 = arith.constant 15 : i32
        %shift_right_logical3A_458 = vector.broadcast %shift_right_logical3A_457 : i32 to vector<16xi32>
        %shift_right_logical3A_459 = arith.shrui %get3A_449, %shift_right_logical3A_458 : vector<16xi32>
        %swap3A_460 = arith.constant 0 : i32
        %swap3A_461 = arith.index_cast %swap3A_460 : i32 to index
        %swap3A_462 = arith.constant 112 : index
        %swap3A_463 = tpu.vector_load %arg7[%swap3A_461, %swap3A_462] {strides = array<i32>} : memref<1x128xi32, #tpu.memory_space<vmem>>, vector<16xi32>,
        tpu.vector_store %arg7[%swap3A_461, %swap3A_462], %shift_right_logical3A_459 {strides = array<i32>} : memref<1x128xi32, #tpu.memory_space<vmem>>, vector<16xi32>,
        %dma_start3A_464 = arith.constant 0 : i32
        %dma_start3A_465 = arith.constant 0 : i32
        %dma_start3A_466 = tpu.memref_slice %arg6[%dma_start3A_464, %dma_start3A_465] : memref<1x128xi32, #tpu.memory_space<vmem>> -> memref<1x128xi32, #tpu.memory_space<vmem>>
        %dma_start3A_467 = tpu.memref_squeeze %dma_start3A_466 : memref<1x128xi32, #tpu.memory_space<vmem>> -> memref<128xi32, #tpu.memory_space<vmem>>
        %dma_start3A_468 = arith.constant 0 : i32
        %dma_start3A_469 = arith.constant 0 : i32
        %dma_start3A_470 = tpu.memref_slice %arg2[%dma_start3A_468, %dma_start3A_469] : memref<10000x128xf32, #tpu.memory_space<hbm>> -> memref<10000x128xf32, #tpu.memory_space<hbm>>
        tpu.enqueue_indirect_dma source(%dma_start3A_470 : memref<10000x128xf32, #tpu.memory_space<hbm>>) target(%arg10 : memref<128x128xf32, #tpu.memory_space<vmem>>) offsets(%dma_start3A_467 : memref<128xi32, #tpu.memory_space<vmem>>) semaphore(%arg13 : memref<!tpu.dma_semaphore, #tpu.memory_space<semaphore_mem>>)
      } else {
      }
      %dma_wait3A_318 = arith.constant 0 : i32
      %dma_wait3A_319 = arith.constant 0 : i32
      %dma_wait3A_320 = tpu.memref_slice %arg8[%dma_wait3A_318, %dma_wait3A_319] : memref<1x128xi32, #tpu.memory_space<vmem>> -> memref<1x128xi32, #tpu.memory_space<vmem>>
      %dma_wait3A_321 = tpu.memref_squeeze %dma_wait3A_320 : memref<1x128xi32, #tpu.memory_space<vmem>> -> memref<128xi32, #tpu.memory_space<vmem>>
      %dma_wait3A_322 = arith.constant 0 : i32
      %dma_wait3A_323 = arith.constant 0 : i32
      %dma_wait3A_324 = tpu.memref_slice %arg2[%dma_wait3A_322, %dma_wait3A_323] : memref<10000x128xf32, #tpu.memory_space<hbm>> -> memref<10000x128xf32, #tpu.memory_space<hbm>>
      tpu.wait_indirect_dma semaphore(%arg14 : memref<!tpu.dma_semaphore, #tpu.memory_space<semaphore_mem>>) src(%dma_wait3A_324 : memref<10000x128xf32, #tpu.memory_space<hbm>>) dst(%arg11 : memref<128x128xf32, #tpu.memory_space<vmem>>)
      %run_scoped3A_325 = arith.constant 0 : i32
      "tpu.region"() ({
        %run_scoped3A_326 = tpu.sem_alloc : memref<!tpu.dma_semaphore, #tpu.memory_space<semaphore_mem>>
        %dma_start3A_327 = arith.constant 0 : i32
        %dma_start3A_328 = tpu.memref_slice %arg9[%run_scoped3A_325, %dma_start3A_327] : memref<1x128xi32, #tpu.memory_space<vmem>> -> memref<1x128xi32, #tpu.memory_space<vmem>>
        %dma_start3A_329 = tpu.memref_squeeze %dma_start3A_328 : memref<1x128xi32, #tpu.memory_space<vmem>> -> memref<128xi32, #tpu.memory_space<vmem>>
        %dma_start3A_330 = arith.constant 0 : i32
        %dma_start3A_331 = arith.constant 0 : i32
        %dma_start3A_332 = tpu.memref_slice %arg12[%dma_start3A_330, %dma_start3A_331] : memref<1024x128xf32, #tpu.memory_space<vmem_shared>> -> memref<1024x128xf32, #tpu.memory_space<vmem_shared>>
        tpu.enqueue_indirect_dma source(%arg11 : memref<128x128xf32, #tpu.memory_space<vmem>>) target(%dma_start3A_332 : memref<1024x128xf32, #tpu.memory_space<vmem_shared>>) offsets(%dma_start3A_329 : memref<128xi32, #tpu.memory_space<vmem>>) semaphore(%run_scoped3A_326 : memref<!tpu.dma_semaphore, #tpu.memory_space<semaphore_mem>>) {add = true}
        %dma_wait3A_333 = arith.constant 0 : i32
        %dma_wait3A_334 = tpu.memref_slice %arg9[%run_scoped3A_325, %dma_wait3A_333] : memref<1x128xi32, #tpu.memory_space<vmem>> -> memref<1x128xi32, #tpu.memory_space<vmem>>
        %dma_wait3A_335 = tpu.memref_squeeze %dma_wait3A_334 : memref<1x128xi32, #tpu.memory_space<vmem>> -> memref<128xi32, #tpu.memory_space<vmem>>
        %dma_wait3A_336 = arith.constant 0 : i32
        %dma_wait3A_337 = arith.constant 0 : i32
        %dma_wait3A_338 = tpu.memref_slice %arg12[%dma_wait3A_336, %dma_wait3A_337] : memref<1024x128xf32, #tpu.memory_space<vmem_shared>> -> memref<1024x128xf32, #tpu.memory_space<vmem_shared>>
        tpu.wait_indirect_dma semaphore(%run_scoped3A_326 : memref<!tpu.dma_semaphore, #tpu.memory_space<semaphore_mem>>) src(%arg11 : memref<128x128xf32, #tpu.memory_space<vmem>>) dst(%dma_wait3A_338 : memref<1024x128xf32, #tpu.memory_space<vmem_shared>>)
        tpu.yield
      }) : () -> ()
    }
    %scan3A_156 = arith.constant 2 : i32
    %barrier3A_157 = arith.constant 0 : index
    tpu.barrier barrier_id(%barrier3A_157)
    "tpu.region"() ({
      %run_scoped3A = tpu.sem_alloc : memref<!tpu.dma_semaphore, #tpu.memory_space<semaphore_mem>>
      %dma_start3A_158 = arith.constant 0 : i32
      %dma_start3A_159 = arith.constant 0 : i32
      %dma_start3A_160 = tpu.memref_slice %arg4[%arg0, %dma_start3A_158, %dma_start3A_159] : memref<2x1024x128xf32, #tpu.memory_space<hbm>> -> memref<1x1024x128xf32, #tpu.memory_space<hbm>>
      %dma_start3A_161 = tpu.memref_squeeze %dma_start3A_160 : memref<1x1024x128xf32, #tpu.memory_space<hbm>> -> memref<1024x128xf32, #tpu.memory_space<hbm>>
      %dma_start3A_162 = arith.constant 0 : i32
      %dma_start3A_163 = tpu.memref_slice %dma_start3A_161[%mul3A_4, %dma_start3A_162] : memref<1024x128xf32, #tpu.memory_space<hbm>> -> memref<64x128xf32, #tpu.memory_space<hbm>>
      %dma_start3A_164 = arith.constant 0 : i32
      %dma_start3A_165 = tpu.memref_slice %arg12[%mul3A_4, %dma_start3A_164] : memref<1024x128xf32, #tpu.memory_space<vmem_shared>> -> memref<64x128xf32, #tpu.memory_space<vmem_shared>>
      tpu.enqueue_dma source(%dma_start3A_165 : memref<64x128xf32, #tpu.memory_space<vmem_shared>>) target(%dma_start3A_163 : memref<64x128xf32, #tpu.memory_space<hbm>>) target_semaphore(%run_scoped3A : memref<!tpu.dma_semaphore, #tpu.memory_space<semaphore_mem>>)
      %dma_wait3A = arith.constant 0 : i32
      %dma_wait3A_166 = arith.constant 0 : i32
      %dma_wait3A_167 = tpu.memref_slice %arg4[%arg0, %dma_wait3A, %dma_wait3A_166] : memref<2x1024x128xf32, #tpu.memory_space<hbm>> -> memref<1x1024x128xf32, #tpu.memory_space<hbm>>
      %dma_wait3A_168 = tpu.memref_squeeze %dma_wait3A_167 : memref<1x1024x128xf32, #tpu.memory_space<hbm>> -> memref<1024x128xf32, #tpu.memory_space<hbm>>
      %dma_wait3A_169 = arith.constant 0 : i32
      %dma_wait3A_170 = tpu.memref_slice %dma_wait3A_168[%mul3A_4, %dma_wait3A_169] : memref<1024x128xf32, #tpu.memory_space<hbm>> -> memref<64x128xf32, #tpu.memory_space<hbm>>
      %dma_wait3A_171 = arith.constant 0 : i32
      %dma_wait3A_172 = tpu.memref_slice %arg12[%mul3A_4, %dma_wait3A_171] : memref<1024x128xf32, #tpu.memory_space<vmem_shared>> -> memref<64x128xf32, #tpu.memory_space<vmem_shared>>
      tpu.wait_dma2 semaphore(%run_scoped3A : memref<!tpu.dma_semaphore, #tpu.memory_space<semaphore_mem>>) src(%dma_wait3A_172 : memref<64x128xf32, #tpu.memory_space<vmem_shared>>) dst(%dma_wait3A_170 : memref<64x128xf32, #tpu.memory_space<hbm>>)
      tpu.yield
    }) : () -> ()
    return
  }
}

#map = affine_map<(d0, d1) -> (0, 0, 0, 0)>
#map1 = affine_map<(d0, d1) -> (0, 0, 0)>
module attributes {stable_mosaic.version = 14 : i64} {
  func.func @_cnt_body(%arg0: i32, %arg1: i32, %arg2: memref<2x16x80x128xi32, #tpu.memory_space<hbm>>, %arg3: memref<2x80x128xf32, #tpu.memory_space<hbm>>, %arg4: memref<80x128xi32, #tpu.memory_space<vmem>>, %arg5: memref<1x128xf32, #tpu.memory_space<vmem>>, %arg6: memref<80x128xf32, #tpu.memory_space<vmem>>, %arg7: memref<80xi32, #tpu.memory_space<vmem>>, %arg8: memref<80x128xf32, #tpu.memory_space<vmem_shared>>) attributes {dimension_semantics = [#tpu.dimension_semantics<core_parallel>, #tpu.dimension_semantics<subcore_parallel>], iteration_bounds = array<i64: 2, 16>, scalar_prefetch = 0 : i64, scratch_operands = 5 : i64, tpu.core_type = #tpu.core_type<sc_vector_subcore>, window_params = [{transform_indices = #map}, {transform_indices = #map1}]} {
    %scan3A = arith.constant 0 : i32
    %scan3A_0 = arith.constant 80 : i32
    %scan3A_1 = arith.addi %scan3A, %scan3A_0 : i32
    %scan3A_2 = arith.constant 1 : i32
    scf.for %scan3A_44 = %scan3A to %scan3A_1 step %scan3A_2  : i32 {
      %mul3A = arith.constant 1 : i32
      %mul3A_45 = arith.muli %scan3A_44, %mul3A : i32
      %add3A_46 = arith.constant 0 : i32
      %add3A_47 = arith.addi %add3A_46, %mul3A_45 : i32
      %broadcast_in_dim3A = arith.constant 0.000000e+00 : f32
      %broadcast_in_dim3A_48 = vector.broadcast %broadcast_in_dim3A : f32 to vector<16xf32>
      %swap3A_49 = arith.index_cast %add3A_47 : i32 to index
      %swap3A_50 = arith.constant 0 : index
      %swap3A_51 = tpu.vector_load %arg6[%swap3A_49, %swap3A_50] {strides = array<i32>} : memref<80x128xf32, #tpu.memory_space<vmem>>, vector<16xf32>,
      tpu.vector_store %arg6[%swap3A_49, %swap3A_50], %broadcast_in_dim3A_48 {strides = array<i32>} : memref<80x128xf32, #tpu.memory_space<vmem>>, vector<16xf32>,
      %broadcast_in_dim3A_52 = arith.constant 0.000000e+00 : f32
      %broadcast_in_dim3A_53 = vector.broadcast %broadcast_in_dim3A_52 : f32 to vector<16xf32>
      %swap3A_54 = arith.constant 0 : i32
      %swap3A_55 = arith.index_cast %swap3A_54 : i32 to index
      %swap3A_56 = arith.constant 0 : index
      %swap3A_57 = tpu.vector_load %arg5[%swap3A_55, %swap3A_56] {strides = array<i32>} : memref<1x128xf32, #tpu.memory_space<vmem>>, vector<16xf32>,
      tpu.vector_store %arg5[%swap3A_55, %swap3A_56], %broadcast_in_dim3A_53 {strides = array<i32>} : memref<1x128xf32, #tpu.memory_space<vmem>>, vector<16xf32>,
      %broadcast_in_dim3A_58 = arith.constant 0.000000e+00 : f32
      %broadcast_in_dim3A_59 = vector.broadcast %broadcast_in_dim3A_58 : f32 to vector<16xf32>
      %swap3A_60 = arith.index_cast %add3A_47 : i32 to index
      %swap3A_61 = arith.constant 16 : index
      %swap3A_62 = tpu.vector_load %arg6[%swap3A_60, %swap3A_61] {strides = array<i32>} : memref<80x128xf32, #tpu.memory_space<vmem>>, vector<16xf32>,
      tpu.vector_store %arg6[%swap3A_60, %swap3A_61], %broadcast_in_dim3A_59 {strides = array<i32>} : memref<80x128xf32, #tpu.memory_space<vmem>>, vector<16xf32>,
      %broadcast_in_dim3A_63 = arith.constant 0.000000e+00 : f32
      %broadcast_in_dim3A_64 = vector.broadcast %broadcast_in_dim3A_63 : f32 to vector<16xf32>
      %swap3A_65 = arith.constant 0 : i32
      %swap3A_66 = arith.index_cast %swap3A_65 : i32 to index
      %swap3A_67 = arith.constant 16 : index
      %swap3A_68 = tpu.vector_load %arg5[%swap3A_66, %swap3A_67] {strides = array<i32>} : memref<1x128xf32, #tpu.memory_space<vmem>>, vector<16xf32>,
      tpu.vector_store %arg5[%swap3A_66, %swap3A_67], %broadcast_in_dim3A_64 {strides = array<i32>} : memref<1x128xf32, #tpu.memory_space<vmem>>, vector<16xf32>,
      %broadcast_in_dim3A_69 = arith.constant 0.000000e+00 : f32
      %broadcast_in_dim3A_70 = vector.broadcast %broadcast_in_dim3A_69 : f32 to vector<16xf32>
      %swap3A_71 = arith.index_cast %add3A_47 : i32 to index
      %swap3A_72 = arith.constant 32 : index
      %swap3A_73 = tpu.vector_load %arg6[%swap3A_71, %swap3A_72] {strides = array<i32>} : memref<80x128xf32, #tpu.memory_space<vmem>>, vector<16xf32>,
      tpu.vector_store %arg6[%swap3A_71, %swap3A_72], %broadcast_in_dim3A_70 {strides = array<i32>} : memref<80x128xf32, #tpu.memory_space<vmem>>, vector<16xf32>,
      %broadcast_in_dim3A_74 = arith.constant 0.000000e+00 : f32
      %broadcast_in_dim3A_75 = vector.broadcast %broadcast_in_dim3A_74 : f32 to vector<16xf32>
      %swap3A_76 = arith.constant 0 : i32
      %swap3A_77 = arith.index_cast %swap3A_76 : i32 to index
      %swap3A_78 = arith.constant 32 : index
      %swap3A_79 = tpu.vector_load %arg5[%swap3A_77, %swap3A_78] {strides = array<i32>} : memref<1x128xf32, #tpu.memory_space<vmem>>, vector<16xf32>,
      tpu.vector_store %arg5[%swap3A_77, %swap3A_78], %broadcast_in_dim3A_75 {strides = array<i32>} : memref<1x128xf32, #tpu.memory_space<vmem>>, vector<16xf32>,
      %broadcast_in_dim3A_80 = arith.constant 0.000000e+00 : f32
      %broadcast_in_dim3A_81 = vector.broadcast %broadcast_in_dim3A_80 : f32 to vector<16xf32>
      %swap3A_82 = arith.index_cast %add3A_47 : i32 to index
      %swap3A_83 = arith.constant 48 : index
      %swap3A_84 = tpu.vector_load %arg6[%swap3A_82, %swap3A_83] {strides = array<i32>} : memref<80x128xf32, #tpu.memory_space<vmem>>, vector<16xf32>,
      tpu.vector_store %arg6[%swap3A_82, %swap3A_83], %broadcast_in_dim3A_81 {strides = array<i32>} : memref<80x128xf32, #tpu.memory_space<vmem>>, vector<16xf32>,
      %broadcast_in_dim3A_85 = arith.constant 0.000000e+00 : f32
      %broadcast_in_dim3A_86 = vector.broadcast %broadcast_in_dim3A_85 : f32 to vector<16xf32>
      %swap3A_87 = arith.constant 0 : i32
      %swap3A_88 = arith.index_cast %swap3A_87 : i32 to index
      %swap3A_89 = arith.constant 48 : index
      %swap3A_90 = tpu.vector_load %arg5[%swap3A_88, %swap3A_89] {strides = array<i32>} : memref<1x128xf32, #tpu.memory_space<vmem>>, vector<16xf32>,
      tpu.vector_store %arg5[%swap3A_88, %swap3A_89], %broadcast_in_dim3A_86 {strides = array<i32>} : memref<1x128xf32, #tpu.memory_space<vmem>>, vector<16xf32>,
      %broadcast_in_dim3A_91 = arith.constant 0.000000e+00 : f32
      %broadcast_in_dim3A_92 = vector.broadcast %broadcast_in_dim3A_91 : f32 to vector<16xf32>
      %swap3A_93 = arith.index_cast %add3A_47 : i32 to index
      %swap3A_94 = arith.constant 64 : index
      %swap3A_95 = tpu.vector_load %arg6[%swap3A_93, %swap3A_94] {strides = array<i32>} : memref<80x128xf32, #tpu.memory_space<vmem>>, vector<16xf32>,
      tpu.vector_store %arg6[%swap3A_93, %swap3A_94], %broadcast_in_dim3A_92 {strides = array<i32>} : memref<80x128xf32, #tpu.memory_space<vmem>>, vector<16xf32>,
      %broadcast_in_dim3A_96 = arith.constant 0.000000e+00 : f32
      %broadcast_in_dim3A_97 = vector.broadcast %broadcast_in_dim3A_96 : f32 to vector<16xf32>
      %swap3A_98 = arith.constant 0 : i32
      %swap3A_99 = arith.index_cast %swap3A_98 : i32 to index
      %swap3A_100 = arith.constant 64 : index
      %swap3A_101 = tpu.vector_load %arg5[%swap3A_99, %swap3A_100] {strides = array<i32>} : memref<1x128xf32, #tpu.memory_space<vmem>>, vector<16xf32>,
      tpu.vector_store %arg5[%swap3A_99, %swap3A_100], %broadcast_in_dim3A_97 {strides = array<i32>} : memref<1x128xf32, #tpu.memory_space<vmem>>, vector<16xf32>,
      %broadcast_in_dim3A_102 = arith.constant 0.000000e+00 : f32
      %broadcast_in_dim3A_103 = vector.broadcast %broadcast_in_dim3A_102 : f32 to vector<16xf32>
      %swap3A_104 = arith.index_cast %add3A_47 : i32 to index
      %swap3A_105 = arith.constant 80 : index
      %swap3A_106 = tpu.vector_load %arg6[%swap3A_104, %swap3A_105] {strides = array<i32>} : memref<80x128xf32, #tpu.memory_space<vmem>>, vector<16xf32>,
      tpu.vector_store %arg6[%swap3A_104, %swap3A_105], %broadcast_in_dim3A_103 {strides = array<i32>} : memref<80x128xf32, #tpu.memory_space<vmem>>, vector<16xf32>,
      %broadcast_in_dim3A_107 = arith.constant 0.000000e+00 : f32
      %broadcast_in_dim3A_108 = vector.broadcast %broadcast_in_dim3A_107 : f32 to vector<16xf32>
      %swap3A_109 = arith.constant 0 : i32
      %swap3A_110 = arith.index_cast %swap3A_109 : i32 to index
      %swap3A_111 = arith.constant 80 : index
      %swap3A_112 = tpu.vector_load %arg5[%swap3A_110, %swap3A_111] {strides = array<i32>} : memref<1x128xf32, #tpu.memory_space<vmem>>, vector<16xf32>,
      tpu.vector_store %arg5[%swap3A_110, %swap3A_111], %broadcast_in_dim3A_108 {strides = array<i32>} : memref<1x128xf32, #tpu.memory_space<vmem>>, vector<16xf32>,
      %broadcast_in_dim3A_113 = arith.constant 0.000000e+00 : f32
      %broadcast_in_dim3A_114 = vector.broadcast %broadcast_in_dim3A_113 : f32 to vector<16xf32>
      %swap3A_115 = arith.index_cast %add3A_47 : i32 to index
      %swap3A_116 = arith.constant 96 : index
      %swap3A_117 = tpu.vector_load %arg6[%swap3A_115, %swap3A_116] {strides = array<i32>} : memref<80x128xf32, #tpu.memory_space<vmem>>, vector<16xf32>,
      tpu.vector_store %arg6[%swap3A_115, %swap3A_116], %broadcast_in_dim3A_114 {strides = array<i32>} : memref<80x128xf32, #tpu.memory_space<vmem>>, vector<16xf32>,
      %broadcast_in_dim3A_118 = arith.constant 0.000000e+00 : f32
      %broadcast_in_dim3A_119 = vector.broadcast %broadcast_in_dim3A_118 : f32 to vector<16xf32>
      %swap3A_120 = arith.constant 0 : i32
      %swap3A_121 = arith.index_cast %swap3A_120 : i32 to index
      %swap3A_122 = arith.constant 96 : index
      %swap3A_123 = tpu.vector_load %arg5[%swap3A_121, %swap3A_122] {strides = array<i32>} : memref<1x128xf32, #tpu.memory_space<vmem>>, vector<16xf32>,
      tpu.vector_store %arg5[%swap3A_121, %swap3A_122], %broadcast_in_dim3A_119 {strides = array<i32>} : memref<1x128xf32, #tpu.memory_space<vmem>>, vector<16xf32>,
      %broadcast_in_dim3A_124 = arith.constant 0.000000e+00 : f32
      %broadcast_in_dim3A_125 = vector.broadcast %broadcast_in_dim3A_124 : f32 to vector<16xf32>
      %swap3A_126 = arith.index_cast %add3A_47 : i32 to index
      %swap3A_127 = arith.constant 112 : index
      %swap3A_128 = tpu.vector_load %arg6[%swap3A_126, %swap3A_127] {strides = array<i32>} : memref<80x128xf32, #tpu.memory_space<vmem>>, vector<16xf32>,
      tpu.vector_store %arg6[%swap3A_126, %swap3A_127], %broadcast_in_dim3A_125 {strides = array<i32>} : memref<80x128xf32, #tpu.memory_space<vmem>>, vector<16xf32>,
      %broadcast_in_dim3A_129 = arith.constant 0.000000e+00 : f32
      %broadcast_in_dim3A_130 = vector.broadcast %broadcast_in_dim3A_129 : f32 to vector<16xf32>
      %swap3A_131 = arith.constant 0 : i32
      %swap3A_132 = arith.index_cast %swap3A_131 : i32 to index
      %swap3A_133 = arith.constant 112 : index
      %swap3A_134 = tpu.vector_load %arg5[%swap3A_132, %swap3A_133] {strides = array<i32>} : memref<1x128xf32, #tpu.memory_space<vmem>>, vector<16xf32>,
      tpu.vector_store %arg5[%swap3A_132, %swap3A_133], %broadcast_in_dim3A_130 {strides = array<i32>} : memref<1x128xf32, #tpu.memory_space<vmem>>, vector<16xf32>,
    }
    %scan3A_3 = arith.constant 80 : i32
    %iota3A = tpu.iota {dimensions = array<i32: 0>} : vector<16xi32>
    %add3A = arith.constant 0 : i32
    %add3A_4 = vector.broadcast %add3A : i32 to vector<16xi32>
    %add3A_5 = arith.addi %iota3A, %add3A_4 : vector<16xi32>
    %swap3A = arith.constant 0 : index
    %swap3A_6 = tpu.vector_load %arg7[%swap3A] {strides = array<i32>} : memref<80xi32, #tpu.memory_space<vmem>>, vector<16xi32>,
    tpu.vector_store %arg7[%swap3A], %add3A_5 {strides = array<i32>} : memref<80xi32, #tpu.memory_space<vmem>>, vector<16xi32>,
    %iota3A_7 = tpu.iota {dimensions = array<i32: 0>} : vector<16xi32>
    %add3A_8 = arith.constant 16 : i32
    %add3A_9 = vector.broadcast %add3A_8 : i32 to vector<16xi32>
    %add3A_10 = arith.addi %iota3A_7, %add3A_9 : vector<16xi32>
    %swap3A_11 = arith.constant 16 : index
    %swap3A_12 = tpu.vector_load %arg7[%swap3A_11] {strides = array<i32>} : memref<80xi32, #tpu.memory_space<vmem>>, vector<16xi32>,
    tpu.vector_store %arg7[%swap3A_11], %add3A_10 {strides = array<i32>} : memref<80xi32, #tpu.memory_space<vmem>>, vector<16xi32>,
    %iota3A_13 = tpu.iota {dimensions = array<i32: 0>} : vector<16xi32>
    %add3A_14 = arith.constant 32 : i32
    %add3A_15 = vector.broadcast %add3A_14 : i32 to vector<16xi32>
    %add3A_16 = arith.addi %iota3A_13, %add3A_15 : vector<16xi32>
    %swap3A_17 = arith.constant 32 : index
    %swap3A_18 = tpu.vector_load %arg7[%swap3A_17] {strides = array<i32>} : memref<80xi32, #tpu.memory_space<vmem>>, vector<16xi32>,
    tpu.vector_store %arg7[%swap3A_17], %add3A_16 {strides = array<i32>} : memref<80xi32, #tpu.memory_space<vmem>>, vector<16xi32>,
    %iota3A_19 = tpu.iota {dimensions = array<i32: 0>} : vector<16xi32>
    %add3A_20 = arith.constant 48 : i32
    %add3A_21 = vector.broadcast %add3A_20 : i32 to vector<16xi32>
    %add3A_22 = arith.addi %iota3A_19, %add3A_21 : vector<16xi32>
    %swap3A_23 = arith.constant 48 : index
    %swap3A_24 = tpu.vector_load %arg7[%swap3A_23] {strides = array<i32>} : memref<80xi32, #tpu.memory_space<vmem>>, vector<16xi32>,
    tpu.vector_store %arg7[%swap3A_23], %add3A_22 {strides = array<i32>} : memref<80xi32, #tpu.memory_space<vmem>>, vector<16xi32>,
    %iota3A_25 = tpu.iota {dimensions = array<i32: 0>} : vector<16xi32>
    %add3A_26 = arith.constant 64 : i32
    %add3A_27 = vector.broadcast %add3A_26 : i32 to vector<16xi32>
    %add3A_28 = arith.addi %iota3A_25, %add3A_27 : vector<16xi32>
    %swap3A_29 = arith.constant 64 : index
    %swap3A_30 = tpu.vector_load %arg7[%swap3A_29] {strides = array<i32>} : memref<80xi32, #tpu.memory_space<vmem>>, vector<16xi32>,
    tpu.vector_store %arg7[%swap3A_29], %add3A_28 {strides = array<i32>} : memref<80xi32, #tpu.memory_space<vmem>>, vector<16xi32>,
    %lt3A = arith.constant 10 : i32
    %lt3A_31 = arith.cmpi slt, %arg1, %lt3A : i32
    %convert_element_type3A = arith.extui %lt3A_31 : i1 to i32
    %cond3A = arith.constant 0 : i32
    %cond3A_32 = arith.cmpi ne, %convert_element_type3A, %cond3A : i32
    scf.if %cond3A_32 {
      %mul3A = arith.constant 8 : i32
      %mul3A_44 = arith.muli %arg1, %mul3A : i32
      %add3A_45 = arith.constant 0 : i32
      %add3A_46 = arith.addi %mul3A_44, %add3A_45 : i32
      "tpu.region"() ({
        %run_scoped3A = tpu.sem_alloc : memref<!tpu.dma_semaphore, #tpu.memory_space<semaphore_mem>>
        %dma_start3A = arith.constant 0 : i32
        %dma_start3A_75 = tpu.memref_slice %arg8[%add3A_46, %dma_start3A] : memref<80x128xf32, #tpu.memory_space<vmem_shared>> -> memref<1x128xf32, #tpu.memory_space<vmem_shared>>
        %dma_start3A_76 = arith.constant 0 : i32
        %dma_start3A_77 = tpu.memref_slice %arg8[%add3A_46, %dma_start3A_76] : memref<80x128xf32, #tpu.memory_space<vmem_shared>> -> memref<1x128xf32, #tpu.memory_space<vmem_shared>>
        tpu.enqueue_dma source(%arg5 : memref<1x128xf32, #tpu.memory_space<vmem>>) target(%dma_start3A_77 : memref<1x128xf32, #tpu.memory_space<vmem_shared>>) target_semaphore(%run_scoped3A : memref<!tpu.dma_semaphore, #tpu.memory_space<semaphore_mem>>)
        %dma_wait3A = arith.constant 0 : i32
        %dma_wait3A_78 = tpu.memref_slice %arg8[%add3A_46, %dma_wait3A] : memref<80x128xf32, #tpu.memory_space<vmem_shared>> -> memref<1x128xf32, #tpu.memory_space<vmem_shared>>
        %dma_wait3A_79 = arith.constant 0 : i32
        %dma_wait3A_80 = tpu.memref_slice %arg8[%add3A_46, %dma_wait3A_79] : memref<80x128xf32, #tpu.memory_space<vmem_shared>> -> memref<1x128xf32, #tpu.memory_space<vmem_shared>>
        tpu.wait_dma2 semaphore(%run_scoped3A : memref<!tpu.dma_semaphore, #tpu.memory_space<semaphore_mem>>) src(%arg5 : memref<1x128xf32, #tpu.memory_space<vmem>>) dst(%dma_wait3A_80 : memref<1x128xf32, #tpu.memory_space<vmem_shared>>)
        tpu.yield
      }) : () -> ()
      %mul3A_47 = arith.constant 8 : i32
      %mul3A_48 = arith.muli %arg1, %mul3A_47 : i32
      %add3A_49 = arith.constant 1 : i32
      %add3A_50 = arith.addi %mul3A_48, %add3A_49 : i32
      "tpu.region"() ({
        %run_scoped3A = tpu.sem_alloc : memref<!tpu.dma_semaphore, #tpu.memory_space<semaphore_mem>>
        %dma_start3A = arith.constant 0 : i32
        %dma_start3A_75 = tpu.memref_slice %arg8[%add3A_50, %dma_start3A] : memref<80x128xf32, #tpu.memory_space<vmem_shared>> -> memref<1x128xf32, #tpu.memory_space<vmem_shared>>
        %dma_start3A_76 = arith.constant 0 : i32
        %dma_start3A_77 = tpu.memref_slice %arg8[%add3A_50, %dma_start3A_76] : memref<80x128xf32, #tpu.memory_space<vmem_shared>> -> memref<1x128xf32, #tpu.memory_space<vmem_shared>>
        tpu.enqueue_dma source(%arg5 : memref<1x128xf32, #tpu.memory_space<vmem>>) target(%dma_start3A_77 : memref<1x128xf32, #tpu.memory_space<vmem_shared>>) target_semaphore(%run_scoped3A : memref<!tpu.dma_semaphore, #tpu.memory_space<semaphore_mem>>)
        %dma_wait3A = arith.constant 0 : i32
        %dma_wait3A_78 = tpu.memref_slice %arg8[%add3A_50, %dma_wait3A] : memref<80x128xf32, #tpu.memory_space<vmem_shared>> -> memref<1x128xf32, #tpu.memory_space<vmem_shared>>
        %dma_wait3A_79 = arith.constant 0 : i32
        %dma_wait3A_80 = tpu.memref_slice %arg8[%add3A_50, %dma_wait3A_79] : memref<80x128xf32, #tpu.memory_space<vmem_shared>> -> memref<1x128xf32, #tpu.memory_space<vmem_shared>>
        tpu.wait_dma2 semaphore(%run_scoped3A : memref<!tpu.dma_semaphore, #tpu.memory_space<semaphore_mem>>) src(%arg5 : memref<1x128xf32, #tpu.memory_space<vmem>>) dst(%dma_wait3A_80 : memref<1x128xf32, #tpu.memory_space<vmem_shared>>)
        tpu.yield
      }) : () -> ()
      %mul3A_51 = arith.constant 8 : i32
      %mul3A_52 = arith.muli %arg1, %mul3A_51 : i32
      %add3A_53 = arith.constant 2 : i32
      %add3A_54 = arith.addi %mul3A_52, %add3A_53 : i32
      "tpu.region"() ({
        %run_scoped3A = tpu.sem_alloc : memref<!tpu.dma_semaphore, #tpu.memory_space<semaphore_mem>>
        %dma_start3A = arith.constant 0 : i32
        %dma_start3A_75 = tpu.memref_slice %arg8[%add3A_54, %dma_start3A] : memref<80x128xf32, #tpu.memory_space<vmem_shared>> -> memref<1x128xf32, #tpu.memory_space<vmem_shared>>
        %dma_start3A_76 = arith.constant 0 : i32
        %dma_start3A_77 = tpu.memref_slice %arg8[%add3A_54, %dma_start3A_76] : memref<80x128xf32, #tpu.memory_space<vmem_shared>> -> memref<1x128xf32, #tpu.memory_space<vmem_shared>>
        tpu.enqueue_dma source(%arg5 : memref<1x128xf32, #tpu.memory_space<vmem>>) target(%dma_start3A_77 : memref<1x128xf32, #tpu.memory_space<vmem_shared>>) target_semaphore(%run_scoped3A : memref<!tpu.dma_semaphore, #tpu.memory_space<semaphore_mem>>)
        %dma_wait3A = arith.constant 0 : i32
        %dma_wait3A_78 = tpu.memref_slice %arg8[%add3A_54, %dma_wait3A] : memref<80x128xf32, #tpu.memory_space<vmem_shared>> -> memref<1x128xf32, #tpu.memory_space<vmem_shared>>
        %dma_wait3A_79 = arith.constant 0 : i32
        %dma_wait3A_80 = tpu.memref_slice %arg8[%add3A_54, %dma_wait3A_79] : memref<80x128xf32, #tpu.memory_space<vmem_shared>> -> memref<1x128xf32, #tpu.memory_space<vmem_shared>>
        tpu.wait_dma2 semaphore(%run_scoped3A : memref<!tpu.dma_semaphore, #tpu.memory_space<semaphore_mem>>) src(%arg5 : memref<1x128xf32, #tpu.memory_space<vmem>>) dst(%dma_wait3A_80 : memref<1x128xf32, #tpu.memory_space<vmem_shared>>)
        tpu.yield
      }) : () -> ()
      %mul3A_55 = arith.constant 8 : i32
      %mul3A_56 = arith.muli %arg1, %mul3A_55 : i32
      %add3A_57 = arith.constant 3 : i32
      %add3A_58 = arith.addi %mul3A_56, %add3A_57 : i32
      "tpu.region"() ({
        %run_scoped3A = tpu.sem_alloc : memref<!tpu.dma_semaphore, #tpu.memory_space<semaphore_mem>>
        %dma_start3A = arith.constant 0 : i32
        %dma_start3A_75 = tpu.memref_slice %arg8[%add3A_58, %dma_start3A] : memref<80x128xf32, #tpu.memory_space<vmem_shared>> -> memref<1x128xf32, #tpu.memory_space<vmem_shared>>
        %dma_start3A_76 = arith.constant 0 : i32
        %dma_start3A_77 = tpu.memref_slice %arg8[%add3A_58, %dma_start3A_76] : memref<80x128xf32, #tpu.memory_space<vmem_shared>> -> memref<1x128xf32, #tpu.memory_space<vmem_shared>>
        tpu.enqueue_dma source(%arg5 : memref<1x128xf32, #tpu.memory_space<vmem>>) target(%dma_start3A_77 : memref<1x128xf32, #tpu.memory_space<vmem_shared>>) target_semaphore(%run_scoped3A : memref<!tpu.dma_semaphore, #tpu.memory_space<semaphore_mem>>)
        %dma_wait3A = arith.constant 0 : i32
        %dma_wait3A_78 = tpu.memref_slice %arg8[%add3A_58, %dma_wait3A] : memref<80x128xf32, #tpu.memory_space<vmem_shared>> -> memref<1x128xf32, #tpu.memory_space<vmem_shared>>
        %dma_wait3A_79 = arith.constant 0 : i32
        %dma_wait3A_80 = tpu.memref_slice %arg8[%add3A_58, %dma_wait3A_79] : memref<80x128xf32, #tpu.memory_space<vmem_shared>> -> memref<1x128xf32, #tpu.memory_space<vmem_shared>>
        tpu.wait_dma2 semaphore(%run_scoped3A : memref<!tpu.dma_semaphore, #tpu.memory_space<semaphore_mem>>) src(%arg5 : memref<1x128xf32, #tpu.memory_space<vmem>>) dst(%dma_wait3A_80 : memref<1x128xf32, #tpu.memory_space<vmem_shared>>)
        tpu.yield
      }) : () -> ()
      %mul3A_59 = arith.constant 8 : i32
      %mul3A_60 = arith.muli %arg1, %mul3A_59 : i32
      %add3A_61 = arith.constant 4 : i32
      %add3A_62 = arith.addi %mul3A_60, %add3A_61 : i32
      "tpu.region"() ({
        %run_scoped3A = tpu.sem_alloc : memref<!tpu.dma_semaphore, #tpu.memory_space<semaphore_mem>>
        %dma_start3A = arith.constant 0 : i32
        %dma_start3A_75 = tpu.memref_slice %arg8[%add3A_62, %dma_start3A] : memref<80x128xf32, #tpu.memory_space<vmem_shared>> -> memref<1x128xf32, #tpu.memory_space<vmem_shared>>
        %dma_start3A_76 = arith.constant 0 : i32
        %dma_start3A_77 = tpu.memref_slice %arg8[%add3A_62, %dma_start3A_76] : memref<80x128xf32, #tpu.memory_space<vmem_shared>> -> memref<1x128xf32, #tpu.memory_space<vmem_shared>>
        tpu.enqueue_dma source(%arg5 : memref<1x128xf32, #tpu.memory_space<vmem>>) target(%dma_start3A_77 : memref<1x128xf32, #tpu.memory_space<vmem_shared>>) target_semaphore(%run_scoped3A : memref<!tpu.dma_semaphore, #tpu.memory_space<semaphore_mem>>)
        %dma_wait3A = arith.constant 0 : i32
        %dma_wait3A_78 = tpu.memref_slice %arg8[%add3A_62, %dma_wait3A] : memref<80x128xf32, #tpu.memory_space<vmem_shared>> -> memref<1x128xf32, #tpu.memory_space<vmem_shared>>
        %dma_wait3A_79 = arith.constant 0 : i32
        %dma_wait3A_80 = tpu.memref_slice %arg8[%add3A_62, %dma_wait3A_79] : memref<80x128xf32, #tpu.memory_space<vmem_shared>> -> memref<1x128xf32, #tpu.memory_space<vmem_shared>>
        tpu.wait_dma2 semaphore(%run_scoped3A : memref<!tpu.dma_semaphore, #tpu.memory_space<semaphore_mem>>) src(%arg5 : memref<1x128xf32, #tpu.memory_space<vmem>>) dst(%dma_wait3A_80 : memref<1x128xf32, #tpu.memory_space<vmem_shared>>)
        tpu.yield
      }) : () -> ()
      %mul3A_63 = arith.constant 8 : i32
      %mul3A_64 = arith.muli %arg1, %mul3A_63 : i32
      %add3A_65 = arith.constant 5 : i32
      %add3A_66 = arith.addi %mul3A_64, %add3A_65 : i32
      "tpu.region"() ({
        %run_scoped3A = tpu.sem_alloc : memref<!tpu.dma_semaphore, #tpu.memory_space<semaphore_mem>>
        %dma_start3A = arith.constant 0 : i32
        %dma_start3A_75 = tpu.memref_slice %arg8[%add3A_66, %dma_start3A] : memref<80x128xf32, #tpu.memory_space<vmem_shared>> -> memref<1x128xf32, #tpu.memory_space<vmem_shared>>
        %dma_start3A_76 = arith.constant 0 : i32
        %dma_start3A_77 = tpu.memref_slice %arg8[%add3A_66, %dma_start3A_76] : memref<80x128xf32, #tpu.memory_space<vmem_shared>> -> memref<1x128xf32, #tpu.memory_space<vmem_shared>>
        tpu.enqueue_dma source(%arg5 : memref<1x128xf32, #tpu.memory_space<vmem>>) target(%dma_start3A_77 : memref<1x128xf32, #tpu.memory_space<vmem_shared>>) target_semaphore(%run_scoped3A : memref<!tpu.dma_semaphore, #tpu.memory_space<semaphore_mem>>)
        %dma_wait3A = arith.constant 0 : i32
        %dma_wait3A_78 = tpu.memref_slice %arg8[%add3A_66, %dma_wait3A] : memref<80x128xf32, #tpu.memory_space<vmem_shared>> -> memref<1x128xf32, #tpu.memory_space<vmem_shared>>
        %dma_wait3A_79 = arith.constant 0 : i32
        %dma_wait3A_80 = tpu.memref_slice %arg8[%add3A_66, %dma_wait3A_79] : memref<80x128xf32, #tpu.memory_space<vmem_shared>> -> memref<1x128xf32, #tpu.memory_space<vmem_shared>>
        tpu.wait_dma2 semaphore(%run_scoped3A : memref<!tpu.dma_semaphore, #tpu.memory_space<semaphore_mem>>) src(%arg5 : memref<1x128xf32, #tpu.memory_space<vmem>>) dst(%dma_wait3A_80 : memref<1x128xf32, #tpu.memory_space<vmem_shared>>)
        tpu.yield
      }) : () -> ()
      %mul3A_67 = arith.constant 8 : i32
      %mul3A_68 = arith.muli %arg1, %mul3A_67 : i32
      %add3A_69 = arith.constant 6 : i32
      %add3A_70 = arith.addi %mul3A_68, %add3A_69 : i32
      "tpu.region"() ({
        %run_scoped3A = tpu.sem_alloc : memref<!tpu.dma_semaphore, #tpu.memory_space<semaphore_mem>>
        %dma_start3A = arith.constant 0 : i32
        %dma_start3A_75 = tpu.memref_slice %arg8[%add3A_70, %dma_start3A] : memref<80x128xf32, #tpu.memory_space<vmem_shared>> -> memref<1x128xf32, #tpu.memory_space<vmem_shared>>
        %dma_start3A_76 = arith.constant 0 : i32
        %dma_start3A_77 = tpu.memref_slice %arg8[%add3A_70, %dma_start3A_76] : memref<80x128xf32, #tpu.memory_space<vmem_shared>> -> memref<1x128xf32, #tpu.memory_space<vmem_shared>>
        tpu.enqueue_dma source(%arg5 : memref<1x128xf32, #tpu.memory_space<vmem>>) target(%dma_start3A_77 : memref<1x128xf32, #tpu.memory_space<vmem_shared>>) target_semaphore(%run_scoped3A : memref<!tpu.dma_semaphore, #tpu.memory_space<semaphore_mem>>)
        %dma_wait3A = arith.constant 0 : i32
        %dma_wait3A_78 = tpu.memref_slice %arg8[%add3A_70, %dma_wait3A] : memref<80x128xf32, #tpu.memory_space<vmem_shared>> -> memref<1x128xf32, #tpu.memory_space<vmem_shared>>
        %dma_wait3A_79 = arith.constant 0 : i32
        %dma_wait3A_80 = tpu.memref_slice %arg8[%add3A_70, %dma_wait3A_79] : memref<80x128xf32, #tpu.memory_space<vmem_shared>> -> memref<1x128xf32, #tpu.memory_space<vmem_shared>>
        tpu.wait_dma2 semaphore(%run_scoped3A : memref<!tpu.dma_semaphore, #tpu.memory_space<semaphore_mem>>) src(%arg5 : memref<1x128xf32, #tpu.memory_space<vmem>>) dst(%dma_wait3A_80 : memref<1x128xf32, #tpu.memory_space<vmem_shared>>)
        tpu.yield
      }) : () -> ()
      %mul3A_71 = arith.constant 8 : i32
      %mul3A_72 = arith.muli %arg1, %mul3A_71 : i32
      %add3A_73 = arith.constant 7 : i32
      %add3A_74 = arith.addi %mul3A_72, %add3A_73 : i32
      "tpu.region"() ({
        %run_scoped3A = tpu.sem_alloc : memref<!tpu.dma_semaphore, #tpu.memory_space<semaphore_mem>>
        %dma_start3A = arith.constant 0 : i32
        %dma_start3A_75 = tpu.memref_slice %arg8[%add3A_74, %dma_start3A] : memref<80x128xf32, #tpu.memory_space<vmem_shared>> -> memref<1x128xf32, #tpu.memory_space<vmem_shared>>
        %dma_start3A_76 = arith.constant 0 : i32
        %dma_start3A_77 = tpu.memref_slice %arg8[%add3A_74, %dma_start3A_76] : memref<80x128xf32, #tpu.memory_space<vmem_shared>> -> memref<1x128xf32, #tpu.memory_space<vmem_shared>>
        tpu.enqueue_dma source(%arg5 : memref<1x128xf32, #tpu.memory_space<vmem>>) target(%dma_start3A_77 : memref<1x128xf32, #tpu.memory_space<vmem_shared>>) target_semaphore(%run_scoped3A : memref<!tpu.dma_semaphore, #tpu.memory_space<semaphore_mem>>)
        %dma_wait3A = arith.constant 0 : i32
        %dma_wait3A_78 = tpu.memref_slice %arg8[%add3A_74, %dma_wait3A] : memref<80x128xf32, #tpu.memory_space<vmem_shared>> -> memref<1x128xf32, #tpu.memory_space<vmem_shared>>
        %dma_wait3A_79 = arith.constant 0 : i32
        %dma_wait3A_80 = tpu.memref_slice %arg8[%add3A_74, %dma_wait3A_79] : memref<80x128xf32, #tpu.memory_space<vmem_shared>> -> memref<1x128xf32, #tpu.memory_space<vmem_shared>>
        tpu.wait_dma2 semaphore(%run_scoped3A : memref<!tpu.dma_semaphore, #tpu.memory_space<semaphore_mem>>) src(%arg5 : memref<1x128xf32, #tpu.memory_space<vmem>>) dst(%dma_wait3A_80 : memref<1x128xf32, #tpu.memory_space<vmem_shared>>)
        tpu.yield
      }) : () -> ()
    } else {
    }
    "tpu.region"() ({
      %run_scoped3A = tpu.sem_alloc : memref<!tpu.dma_semaphore, #tpu.memory_space<semaphore_mem>>
      %dma_start3A = arith.constant 0 : i32
      %dma_start3A_44 = arith.constant 0 : i32
      %dma_start3A_45 = tpu.memref_slice %arg2[%arg0, %arg1, %dma_start3A, %dma_start3A_44] : memref<2x16x80x128xi32, #tpu.memory_space<hbm>> -> memref<1x1x80x128xi32, #tpu.memory_space<hbm>>
      %dma_start3A_46 = tpu.memref_squeeze %dma_start3A_45 : memref<1x1x80x128xi32, #tpu.memory_space<hbm>> -> memref<80x128xi32, #tpu.memory_space<hbm>>
      %dma_start3A_47 = arith.constant 0 : i32
      %dma_start3A_48 = arith.constant 0 : i32
      %dma_start3A_49 = tpu.memref_slice %arg2[%arg0, %arg1, %dma_start3A_47, %dma_start3A_48] : memref<2x16x80x128xi32, #tpu.memory_space<hbm>> -> memref<1x1x80x128xi32, #tpu.memory_space<hbm>>
      %dma_start3A_50 = tpu.memref_squeeze %dma_start3A_49 : memref<1x1x80x128xi32, #tpu.memory_space<hbm>> -> memref<80x128xi32, #tpu.memory_space<hbm>>
      tpu.enqueue_dma source(%dma_start3A_50 : memref<80x128xi32, #tpu.memory_space<hbm>>) target(%arg4 : memref<80x128xi32, #tpu.memory_space<vmem>>) target_semaphore(%run_scoped3A : memref<!tpu.dma_semaphore, #tpu.memory_space<semaphore_mem>>)
      %dma_wait3A = arith.constant 0 : i32
      %dma_wait3A_51 = arith.constant 0 : i32
      %dma_wait3A_52 = tpu.memref_slice %arg2[%arg0, %arg1, %dma_wait3A, %dma_wait3A_51] : memref<2x16x80x128xi32, #tpu.memory_space<hbm>> -> memref<1x1x80x128xi32, #tpu.memory_space<hbm>>
      %dma_wait3A_53 = tpu.memref_squeeze %dma_wait3A_52 : memref<1x1x80x128xi32, #tpu.memory_space<hbm>> -> memref<80x128xi32, #tpu.memory_space<hbm>>
      %dma_wait3A_54 = arith.constant 0 : i32
      %dma_wait3A_55 = arith.constant 0 : i32
      %dma_wait3A_56 = tpu.memref_slice %arg2[%arg0, %arg1, %dma_wait3A_54, %dma_wait3A_55] : memref<2x16x80x128xi32, #tpu.memory_space<hbm>> -> memref<1x1x80x128xi32, #tpu.memory_space<hbm>>
      %dma_wait3A_57 = tpu.memref_squeeze %dma_wait3A_56 : memref<1x1x80x128xi32, #tpu.memory_space<hbm>> -> memref<80x128xi32, #tpu.memory_space<hbm>>
      tpu.wait_dma2 semaphore(%run_scoped3A : memref<!tpu.dma_semaphore, #tpu.memory_space<semaphore_mem>>) src(%dma_wait3A_57 : memref<80x128xi32, #tpu.memory_space<hbm>>) dst(%arg4 : memref<80x128xi32, #tpu.memory_space<vmem>>)
      tpu.yield
    }) : () -> ()
    %barrier3A = arith.constant 0 : index
    tpu.barrier barrier_id(%barrier3A)
    %scan3A_33 = arith.constant 0 : i32
    %scan3A_34 = arith.constant 80 : i32
    %scan3A_35 = arith.addi %scan3A_33, %scan3A_34 : i32
    %scan3A_36 = arith.constant 1 : i32
    scf.for %scan3A_44 = %scan3A_33 to %scan3A_35 step %scan3A_36  : i32 {
      %mul3A = arith.constant 1 : i32
      %mul3A_45 = arith.muli %scan3A_44, %mul3A : i32
      %add3A_46 = arith.constant 0 : i32
      %add3A_47 = arith.addi %add3A_46, %mul3A_45 : i32
      %get3A = arith.index_cast %add3A_47 : i32 to index
      %get3A_48 = arith.constant 0 : index
      %get3A_49 = tpu.vector_load %arg4[%get3A, %get3A_48] {strides = array<i32>} : memref<80x128xi32, #tpu.memory_space<vmem>>, vector<16xi32>,
      %shift_right_logical3A = arith.constant 22 : i32
      %shift_right_logical3A_50 = vector.broadcast %shift_right_logical3A : i32 to vector<16xi32>
      %shift_right_logical3A_51 = arith.shrui %get3A_49, %shift_right_logical3A_50 : vector<16xi32>
      %shift_right_logical3A_52 = arith.constant 15 : i32
      %shift_right_logical3A_53 = vector.broadcast %shift_right_logical3A_52 : i32 to vector<16xi32>
      %shift_right_logical3A_54 = arith.shrui %get3A_49, %shift_right_logical3A_53 : vector<16xi32>
      %and3A = arith.constant 127 : i32
      %and3A_55 = vector.broadcast %and3A : i32 to vector<16xi32>
      %and3A_56 = arith.andi %shift_right_logical3A_54, %and3A_55 : vector<16xi32>
      %broadcast_in_dim3A = arith.constant 1.000000e+00 : f32
      %broadcast_in_dim3A_57 = vector.broadcast %broadcast_in_dim3A : f32 to vector<16xf32>
      tpu.vector_store_idx %arg6[%shift_right_logical3A_51, %and3A_56], %broadcast_in_dim3A_57 {add = true} : memref<80x128xf32, #tpu.memory_space<vmem>>[vector<16xi32>, vector<16xi32>], vector<16xf32>,
      %get3A_58 = arith.index_cast %add3A_47 : i32 to index
      %get3A_59 = arith.constant 16 : index
      %get3A_60 = tpu.vector_load %arg4[%get3A_58, %get3A_59] {strides = array<i32>} : memref<80x128xi32, #tpu.memory_space<vmem>>, vector<16xi32>,
      %shift_right_logical3A_61 = arith.constant 22 : i32
      %shift_right_logical3A_62 = vector.broadcast %shift_right_logical3A_61 : i32 to vector<16xi32>
      %shift_right_logical3A_63 = arith.shrui %get3A_60, %shift_right_logical3A_62 : vector<16xi32>
      %shift_right_logical3A_64 = arith.constant 15 : i32
      %shift_right_logical3A_65 = vector.broadcast %shift_right_logical3A_64 : i32 to vector<16xi32>
      %shift_right_logical3A_66 = arith.shrui %get3A_60, %shift_right_logical3A_65 : vector<16xi32>
      %and3A_67 = arith.constant 127 : i32
      %and3A_68 = vector.broadcast %and3A_67 : i32 to vector<16xi32>
      %and3A_69 = arith.andi %shift_right_logical3A_66, %and3A_68 : vector<16xi32>
      %broadcast_in_dim3A_70 = arith.constant 1.000000e+00 : f32
      %broadcast_in_dim3A_71 = vector.broadcast %broadcast_in_dim3A_70 : f32 to vector<16xf32>
      tpu.vector_store_idx %arg6[%shift_right_logical3A_63, %and3A_69], %broadcast_in_dim3A_71 {add = true} : memref<80x128xf32, #tpu.memory_space<vmem>>[vector<16xi32>, vector<16xi32>], vector<16xf32>,
      %get3A_72 = arith.index_cast %add3A_47 : i32 to index
      %get3A_73 = arith.constant 32 : index
      %get3A_74 = tpu.vector_load %arg4[%get3A_72, %get3A_73] {strides = array<i32>} : memref<80x128xi32, #tpu.memory_space<vmem>>, vector<16xi32>,
      %shift_right_logical3A_75 = arith.constant 22 : i32
      %shift_right_logical3A_76 = vector.broadcast %shift_right_logical3A_75 : i32 to vector<16xi32>
      %shift_right_logical3A_77 = arith.shrui %get3A_74, %shift_right_logical3A_76 : vector<16xi32>
      %shift_right_logical3A_78 = arith.constant 15 : i32
      %shift_right_logical3A_79 = vector.broadcast %shift_right_logical3A_78 : i32 to vector<16xi32>
      %shift_right_logical3A_80 = arith.shrui %get3A_74, %shift_right_logical3A_79 : vector<16xi32>
      %and3A_81 = arith.constant 127 : i32
      %and3A_82 = vector.broadcast %and3A_81 : i32 to vector<16xi32>
      %and3A_83 = arith.andi %shift_right_logical3A_80, %and3A_82 : vector<16xi32>
      %broadcast_in_dim3A_84 = arith.constant 1.000000e+00 : f32
      %broadcast_in_dim3A_85 = vector.broadcast %broadcast_in_dim3A_84 : f32 to vector<16xf32>
      tpu.vector_store_idx %arg6[%shift_right_logical3A_77, %and3A_83], %broadcast_in_dim3A_85 {add = true} : memref<80x128xf32, #tpu.memory_space<vmem>>[vector<16xi32>, vector<16xi32>], vector<16xf32>,
      %get3A_86 = arith.index_cast %add3A_47 : i32 to index
      %get3A_87 = arith.constant 48 : index
      %get3A_88 = tpu.vector_load %arg4[%get3A_86, %get3A_87] {strides = array<i32>} : memref<80x128xi32, #tpu.memory_space<vmem>>, vector<16xi32>,
      %shift_right_logical3A_89 = arith.constant 22 : i32
      %shift_right_logical3A_90 = vector.broadcast %shift_right_logical3A_89 : i32 to vector<16xi32>
      %shift_right_logical3A_91 = arith.shrui %get3A_88, %shift_right_logical3A_90 : vector<16xi32>
      %shift_right_logical3A_92 = arith.constant 15 : i32
      %shift_right_logical3A_93 = vector.broadcast %shift_right_logical3A_92 : i32 to vector<16xi32>
      %shift_right_logical3A_94 = arith.shrui %get3A_88, %shift_right_logical3A_93 : vector<16xi32>
      %and3A_95 = arith.constant 127 : i32
      %and3A_96 = vector.broadcast %and3A_95 : i32 to vector<16xi32>
      %and3A_97 = arith.andi %shift_right_logical3A_94, %and3A_96 : vector<16xi32>
      %broadcast_in_dim3A_98 = arith.constant 1.000000e+00 : f32
      %broadcast_in_dim3A_99 = vector.broadcast %broadcast_in_dim3A_98 : f32 to vector<16xf32>
      tpu.vector_store_idx %arg6[%shift_right_logical3A_91, %and3A_97], %broadcast_in_dim3A_99 {add = true} : memref<80x128xf32, #tpu.memory_space<vmem>>[vector<16xi32>, vector<16xi32>], vector<16xf32>,
      %get3A_100 = arith.index_cast %add3A_47 : i32 to index
      %get3A_101 = arith.constant 64 : index
      %get3A_102 = tpu.vector_load %arg4[%get3A_100, %get3A_101] {strides = array<i32>} : memref<80x128xi32, #tpu.memory_space<vmem>>, vector<16xi32>,
      %shift_right_logical3A_103 = arith.constant 22 : i32
      %shift_right_logical3A_104 = vector.broadcast %shift_right_logical3A_103 : i32 to vector<16xi32>
      %shift_right_logical3A_105 = arith.shrui %get3A_102, %shift_right_logical3A_104 : vector<16xi32>
      %shift_right_logical3A_106 = arith.constant 15 : i32
      %shift_right_logical3A_107 = vector.broadcast %shift_right_logical3A_106 : i32 to vector<16xi32>
      %shift_right_logical3A_108 = arith.shrui %get3A_102, %shift_right_logical3A_107 : vector<16xi32>
      %and3A_109 = arith.constant 127 : i32
      %and3A_110 = vector.broadcast %and3A_109 : i32 to vector<16xi32>
      %and3A_111 = arith.andi %shift_right_logical3A_108, %and3A_110 : vector<16xi32>
      %broadcast_in_dim3A_112 = arith.constant 1.000000e+00 : f32
      %broadcast_in_dim3A_113 = vector.broadcast %broadcast_in_dim3A_112 : f32 to vector<16xf32>
      tpu.vector_store_idx %arg6[%shift_right_logical3A_105, %and3A_111], %broadcast_in_dim3A_113 {add = true} : memref<80x128xf32, #tpu.memory_space<vmem>>[vector<16xi32>, vector<16xi32>], vector<16xf32>,
      %get3A_114 = arith.index_cast %add3A_47 : i32 to index
      %get3A_115 = arith.constant 80 : index
      %get3A_116 = tpu.vector_load %arg4[%get3A_114, %get3A_115] {strides = array<i32>} : memref<80x128xi32, #tpu.memory_space<vmem>>, vector<16xi32>,
      %shift_right_logical3A_117 = arith.constant 22 : i32
      %shift_right_logical3A_118 = vector.broadcast %shift_right_logical3A_117 : i32 to vector<16xi32>
      %shift_right_logical3A_119 = arith.shrui %get3A_116, %shift_right_logical3A_118 : vector<16xi32>
      %shift_right_logical3A_120 = arith.constant 15 : i32
      %shift_right_logical3A_121 = vector.broadcast %shift_right_logical3A_120 : i32 to vector<16xi32>
      %shift_right_logical3A_122 = arith.shrui %get3A_116, %shift_right_logical3A_121 : vector<16xi32>
      %and3A_123 = arith.constant 127 : i32
      %and3A_124 = vector.broadcast %and3A_123 : i32 to vector<16xi32>
      %and3A_125 = arith.andi %shift_right_logical3A_122, %and3A_124 : vector<16xi32>
      %broadcast_in_dim3A_126 = arith.constant 1.000000e+00 : f32
      %broadcast_in_dim3A_127 = vector.broadcast %broadcast_in_dim3A_126 : f32 to vector<16xf32>
      tpu.vector_store_idx %arg6[%shift_right_logical3A_119, %and3A_125], %broadcast_in_dim3A_127 {add = true} : memref<80x128xf32, #tpu.memory_space<vmem>>[vector<16xi32>, vector<16xi32>], vector<16xf32>,
      %get3A_128 = arith.index_cast %add3A_47 : i32 to index
      %get3A_129 = arith.constant 96 : index
      %get3A_130 = tpu.vector_load %arg4[%get3A_128, %get3A_129] {strides = array<i32>} : memref<80x128xi32, #tpu.memory_space<vmem>>, vector<16xi32>,
      %shift_right_logical3A_131 = arith.constant 22 : i32
      %shift_right_logical3A_132 = vector.broadcast %shift_right_logical3A_131 : i32 to vector<16xi32>
      %shift_right_logical3A_133 = arith.shrui %get3A_130, %shift_right_logical3A_132 : vector<16xi32>
      %shift_right_logical3A_134 = arith.constant 15 : i32
      %shift_right_logical3A_135 = vector.broadcast %shift_right_logical3A_134 : i32 to vector<16xi32>
      %shift_right_logical3A_136 = arith.shrui %get3A_130, %shift_right_logical3A_135 : vector<16xi32>
      %and3A_137 = arith.constant 127 : i32
      %and3A_138 = vector.broadcast %and3A_137 : i32 to vector<16xi32>
      %and3A_139 = arith.andi %shift_right_logical3A_136, %and3A_138 : vector<16xi32>
      %broadcast_in_dim3A_140 = arith.constant 1.000000e+00 : f32
      %broadcast_in_dim3A_141 = vector.broadcast %broadcast_in_dim3A_140 : f32 to vector<16xf32>
      tpu.vector_store_idx %arg6[%shift_right_logical3A_133, %and3A_139], %broadcast_in_dim3A_141 {add = true} : memref<80x128xf32, #tpu.memory_space<vmem>>[vector<16xi32>, vector<16xi32>], vector<16xf32>,
      %get3A_142 = arith.index_cast %add3A_47 : i32 to index
      %get3A_143 = arith.constant 112 : index
      %get3A_144 = tpu.vector_load %arg4[%get3A_142, %get3A_143] {strides = array<i32>} : memref<80x128xi32, #tpu.memory_space<vmem>>, vector<16xi32>,
      %shift_right_logical3A_145 = arith.constant 22 : i32
      %shift_right_logical3A_146 = vector.broadcast %shift_right_logical3A_145 : i32 to vector<16xi32>
      %shift_right_logical3A_147 = arith.shrui %get3A_144, %shift_right_logical3A_146 : vector<16xi32>
      %shift_right_logical3A_148 = arith.constant 15 : i32
      %shift_right_logical3A_149 = vector.broadcast %shift_right_logical3A_148 : i32 to vector<16xi32>
      %shift_right_logical3A_150 = arith.shrui %get3A_144, %shift_right_logical3A_149 : vector<16xi32>
      %and3A_151 = arith.constant 127 : i32
      %and3A_152 = vector.broadcast %and3A_151 : i32 to vector<16xi32>
      %and3A_153 = arith.andi %shift_right_logical3A_150, %and3A_152 : vector<16xi32>
      %broadcast_in_dim3A_154 = arith.constant 1.000000e+00 : f32
      %broadcast_in_dim3A_155 = vector.broadcast %broadcast_in_dim3A_154 : f32 to vector<16xf32>
      tpu.vector_store_idx %arg6[%shift_right_logical3A_147, %and3A_153], %broadcast_in_dim3A_155 {add = true} : memref<80x128xf32, #tpu.memory_space<vmem>>[vector<16xi32>, vector<16xi32>], vector<16xf32>,
    }
    %scan3A_37 = arith.constant 80 : i32
    "tpu.region"() ({
      %run_scoped3A = tpu.sem_alloc : memref<!tpu.dma_semaphore, #tpu.memory_space<semaphore_mem>>
      %dma_start3A = arith.constant 0 : i32
      %dma_start3A_44 = arith.constant 0 : i32
      %dma_start3A_45 = tpu.memref_slice %arg8[%dma_start3A, %dma_start3A_44] : memref<80x128xf32, #tpu.memory_space<vmem_shared>> -> memref<80x128xf32, #tpu.memory_space<vmem_shared>>
      tpu.enqueue_indirect_dma source(%arg6 : memref<80x128xf32, #tpu.memory_space<vmem>>) target(%dma_start3A_45 : memref<80x128xf32, #tpu.memory_space<vmem_shared>>) offsets(%arg7 : memref<80xi32, #tpu.memory_space<vmem>>) semaphore(%run_scoped3A : memref<!tpu.dma_semaphore, #tpu.memory_space<semaphore_mem>>) {add = true}
      %dma_wait3A = arith.constant 0 : i32
      %dma_wait3A_46 = arith.constant 0 : i32
      %dma_wait3A_47 = tpu.memref_slice %arg8[%dma_wait3A, %dma_wait3A_46] : memref<80x128xf32, #tpu.memory_space<vmem_shared>> -> memref<80x128xf32, #tpu.memory_space<vmem_shared>>
      tpu.wait_indirect_dma semaphore(%run_scoped3A : memref<!tpu.dma_semaphore, #tpu.memory_space<semaphore_mem>>) src(%arg6 : memref<80x128xf32, #tpu.memory_space<vmem>>) dst(%dma_wait3A_47 : memref<80x128xf32, #tpu.memory_space<vmem_shared>>)
      tpu.yield
    }) : () -> ()
    %barrier3A_38 = arith.constant 0 : index
    tpu.barrier barrier_id(%barrier3A_38)
    %lt3A_39 = arith.constant 10 : i32
    %lt3A_40 = arith.cmpi slt, %arg1, %lt3A_39 : i32
    %convert_element_type3A_41 = arith.extui %lt3A_40 : i1 to i32
    %cond3A_42 = arith.constant 0 : i32
    %cond3A_43 = arith.cmpi ne, %convert_element_type3A_41, %cond3A_42 : i32
    scf.if %cond3A_43 {
      %mul3A = arith.constant 8 : i32
      %mul3A_44 = arith.muli %arg1, %mul3A : i32
      %mul3A_45 = arith.constant 8 : i32
      %mul3A_46 = arith.muli %arg1, %mul3A_45 : i32
      "tpu.region"() ({
        %run_scoped3A = tpu.sem_alloc : memref<!tpu.dma_semaphore, #tpu.memory_space<semaphore_mem>>
        %dma_start3A = arith.constant 0 : i32
        %dma_start3A_47 = arith.constant 0 : i32
        %dma_start3A_48 = tpu.memref_slice %arg3[%arg0, %dma_start3A, %dma_start3A_47] : memref<2x80x128xf32, #tpu.memory_space<hbm>> -> memref<1x80x128xf32, #tpu.memory_space<hbm>>
        %dma_start3A_49 = tpu.memref_squeeze %dma_start3A_48 : memref<1x80x128xf32, #tpu.memory_space<hbm>> -> memref<80x128xf32, #tpu.memory_space<hbm>>
        %dma_start3A_50 = arith.constant 0 : i32
        %dma_start3A_51 = tpu.memref_slice %dma_start3A_49[%mul3A_46, %dma_start3A_50] : memref<80x128xf32, #tpu.memory_space<hbm>> -> memref<8x128xf32, #tpu.memory_space<hbm>>
        %dma_start3A_52 = arith.constant 0 : i32
        %dma_start3A_53 = tpu.memref_slice %arg8[%mul3A_44, %dma_start3A_52] : memref<80x128xf32, #tpu.memory_space<vmem_shared>> -> memref<8x128xf32, #tpu.memory_space<vmem_shared>>
        tpu.enqueue_dma source(%dma_start3A_53 : memref<8x128xf32, #tpu.memory_space<vmem_shared>>) target(%dma_start3A_51 : memref<8x128xf32, #tpu.memory_space<hbm>>) target_semaphore(%run_scoped3A : memref<!tpu.dma_semaphore, #tpu.memory_space<semaphore_mem>>)
        %dma_wait3A = arith.constant 0 : i32
        %dma_wait3A_54 = arith.constant 0 : i32
        %dma_wait3A_55 = tpu.memref_slice %arg3[%arg0, %dma_wait3A, %dma_wait3A_54] : memref<2x80x128xf32, #tpu.memory_space<hbm>> -> memref<1x80x128xf32, #tpu.memory_space<hbm>>
        %dma_wait3A_56 = tpu.memref_squeeze %dma_wait3A_55 : memref<1x80x128xf32, #tpu.memory_space<hbm>> -> memref<80x128xf32, #tpu.memory_space<hbm>>
        %dma_wait3A_57 = arith.constant 0 : i32
        %dma_wait3A_58 = tpu.memref_slice %dma_wait3A_56[%mul3A_46, %dma_wait3A_57] : memref<80x128xf32, #tpu.memory_space<hbm>> -> memref<8x128xf32, #tpu.memory_space<hbm>>
        %dma_wait3A_59 = arith.constant 0 : i32
        %dma_wait3A_60 = tpu.memref_slice %arg8[%mul3A_44, %dma_wait3A_59] : memref<80x128xf32, #tpu.memory_space<vmem_shared>> -> memref<8x128xf32, #tpu.memory_space<vmem_shared>>
        tpu.wait_dma2 semaphore(%run_scoped3A : memref<!tpu.dma_semaphore, #tpu.memory_space<semaphore_mem>>) src(%dma_wait3A_60 : memref<8x128xf32, #tpu.memory_space<vmem_shared>>) dst(%dma_wait3A_58 : memref<8x128xf32, #tpu.memory_space<hbm>>)
        tpu.yield
      }) : () -> ()
    } else {
    }
    return
  }
}

module attributes {stable_mosaic.version = 14 : i64} {
  func.func @_img_proj_body(%arg0: i32, %arg1: memref<2000x1024xf32, #tpu.memory_space<vmem>>, %arg2: memref<2000x5xf32, #tpu.memory_space<vmem>>, %arg3: memref<1024x128xf32, #tpu.memory_space<vmem>>, %arg4: memref<1x128xf32, #tpu.memory_space<vmem>>, %arg5: memref<5x128xf32, #tpu.memory_space<vmem>>, %arg6: memref<1x128xf32, #tpu.memory_space<vmem>>, %arg7: memref<128x128xf32, #tpu.memory_space<vmem>>, %arg8: memref<128x128xf32, #tpu.memory_space<vmem>>, %arg9: memref<1x128xf32, #tpu.memory_space<vmem>>, %arg10: memref<2000x128xf32, #tpu.memory_space<vmem>>, %arg11: memref<2000x128xf32, #tpu.memory_space<vmem>>, %arg12: memref<2000x128xf32, #tpu.memory_space<vmem>>, %arg13: memref<2000x128xf32, #tpu.memory_space<vmem>>) attributes {dimension_semantics = [#tpu.dimension_semantics<arbitrary>], iteration_bounds = array<i64: 10>, scalar_prefetch = 0 : i64, scratch_operands = 0 : i64, tpu.core_type = #tpu.core_type<tc>, window_params = [{transform_indices = @transform_0, window_bounds = array<i64: 2000, 1024>}, {transform_indices = @transform_1, window_bounds = array<i64: 2000, 5>}, {pipeline_mode = #tpu.pipeline_mode<synchronous>, transform_indices = @transform_2, window_bounds = array<i64: 1024, 128>}, {pipeline_mode = #tpu.pipeline_mode<synchronous>, transform_indices = @transform_3, window_bounds = array<i64: 1, 128>}, {pipeline_mode = #tpu.pipeline_mode<synchronous>, transform_indices = @transform_4, window_bounds = array<i64: 5, 128>}, {pipeline_mode = #tpu.pipeline_mode<synchronous>, transform_indices = @transform_5, window_bounds = array<i64: 1, 128>}, {pipeline_mode = #tpu.pipeline_mode<synchronous>, transform_indices = @transform_6, window_bounds = array<i64: 128, 128>}, {pipeline_mode = #tpu.pipeline_mode<synchronous>, transform_indices = @transform_7, window_bounds = array<i64: 128, 128>}, {pipeline_mode = #tpu.pipeline_mode<synchronous>, transform_indices = @transform_8, window_bounds = array<i64: 1, 128>}, {transform_indices = @transform_9, window_bounds = array<i64: 2000, 128>}, {transform_indices = @transform_10, window_bounds = array<i64: 2000, 128>}, {transform_indices = @transform_11, window_bounds = array<i64: 2000, 128>}, {transform_indices = @transform_12, window_bounds = array<i64: 2000, 128>}]} {
    %get3A = arith.constant 0 : index
    %get3A_0 = arith.constant 0 : index
    %get3A_1 = vector.load %arg1[%get3A, %get3A_0] : memref<2000x1024xf32, #tpu.memory_space<vmem>>, vector<2000x1024xf32>
    %get3A_2 = arith.constant 0 : index
    %get3A_3 = arith.constant 0 : index
    %get3A_4 = vector.load %arg3[%get3A_2, %get3A_3] : memref<1024x128xf32, #tpu.memory_space<vmem>>, vector<1024x128xf32>
    %dot_general3A = arith.constant dense<0.000000e+00> : vector<2000x128xf32>
    %dot_general3A_5 = tpu.matmul %get3A_1, %get3A_4, %dot_general3A {dimension_numbers = #tpu.dot_dimension_numbers<[1], [0], [0], [1], [0, 0, 1, 1], [], []>, transpose_lhs_hint = false} : vector<2000x1024xf32>, vector<1024x128xf32>, vector<2000x128xf32> -> vector<2000x128xf32>
    %get3A_6 = arith.constant 0 : index
    %get3A_7 = arith.constant 0 : index
    %get3A_8 = vector.load %arg4[%get3A_6, %get3A_7] : memref<1x128xf32, #tpu.memory_space<vmem>>, vector<1x128xf32>
    %add3A = vector.broadcast %get3A_8 : vector<1x128xf32> to vector<2000x128xf32>
    %add3A_9 = arith.addf %dot_general3A_5, %add3A : vector<2000x128xf32>
    %get3A_10 = arith.constant 0 : index
    %get3A_11 = arith.constant 0 : index
    %get3A_12 = vector.load %arg2[%get3A_10, %get3A_11] : memref<2000x5xf32, #tpu.memory_space<vmem>>, vector<2000x5xf32>
    %get3A_13 = arith.constant 0 : index
    %get3A_14 = arith.constant 0 : index
    %get3A_15 = vector.load %arg5[%get3A_13, %get3A_14] : memref<5x128xf32, #tpu.memory_space<vmem>>, vector<5x128xf32>
    %dot_general3A_16 = arith.constant dense<0.000000e+00> : vector<2000x128xf32>
    %dot_general3A_17 = tpu.matmul %get3A_12, %get3A_15, %dot_general3A_16 {dimension_numbers = #tpu.dot_dimension_numbers<[1], [0], [0], [1], [0, 0, 1, 1], [], []>, transpose_lhs_hint = false} : vector<2000x5xf32>, vector<5x128xf32>, vector<2000x128xf32> -> vector<2000x128xf32>
    %get3A_18 = arith.constant 0 : index
    %get3A_19 = arith.constant 0 : index
    %get3A_20 = vector.load %arg6[%get3A_18, %get3A_19] : memref<1x128xf32, #tpu.memory_space<vmem>>, vector<1x128xf32>
    %add3A_21 = vector.broadcast %get3A_20 : vector<1x128xf32> to vector<2000x128xf32>
    %add3A_22 = arith.addf %dot_general3A_17, %add3A_21 : vector<2000x128xf32>
    %swap3A = arith.constant 0 : index
    %swap3A_23 = arith.constant 0 : index
    %swap3A_24 = vector.load %arg10[%swap3A, %swap3A_23] : memref<2000x128xf32, #tpu.memory_space<vmem>>, vector<2000x128xf32>
    tpu.vector_store %arg10[%swap3A, %swap3A_23], %add3A_9 {strides = array<i32>} : memref<2000x128xf32, #tpu.memory_space<vmem>>, vector<2000x128xf32>,
    %add3A_25 = arith.addf %add3A_9, %add3A_22 : vector<2000x128xf32>
    %swap3A_26 = arith.constant 0 : index
    %swap3A_27 = arith.constant 0 : index
    %swap3A_28 = vector.load %arg11[%swap3A_26, %swap3A_27] : memref<2000x128xf32, #tpu.memory_space<vmem>>, vector<2000x128xf32>
    tpu.vector_store %arg11[%swap3A_26, %swap3A_27], %add3A_25 {strides = array<i32>} : memref<2000x128xf32, #tpu.memory_space<vmem>>, vector<2000x128xf32>,
    %get3A_29 = arith.constant 0 : index
    %get3A_30 = arith.constant 0 : index
    %get3A_31 = vector.load %arg7[%get3A_29, %get3A_30] : memref<128x128xf32, #tpu.memory_space<vmem>>, vector<128x128xf32>
    %dot_general3A_32 = arith.constant dense<0.000000e+00> : vector<2000x128xf32>
    %dot_general3A_33 = tpu.matmul %add3A_9, %get3A_31, %dot_general3A_32 {dimension_numbers = #tpu.dot_dimension_numbers<[1], [0], [0], [1], [0, 0, 1, 1], [], []>, transpose_lhs_hint = false} : vector<2000x128xf32>, vector<128x128xf32>, vector<2000x128xf32> -> vector<2000x128xf32>
    %swap3A_34 = arith.constant 0 : index
    %swap3A_35 = arith.constant 0 : index
    %swap3A_36 = vector.load %arg12[%swap3A_34, %swap3A_35] : memref<2000x128xf32, #tpu.memory_space<vmem>>, vector<2000x128xf32>
    tpu.vector_store %arg12[%swap3A_34, %swap3A_35], %dot_general3A_33 {strides = array<i32>} : memref<2000x128xf32, #tpu.memory_space<vmem>>, vector<2000x128xf32>,
    %get3A_37 = arith.constant 0 : index
    %get3A_38 = arith.constant 0 : index
    %get3A_39 = vector.load %arg8[%get3A_37, %get3A_38] : memref<128x128xf32, #tpu.memory_space<vmem>>, vector<128x128xf32>
    %dot_general3A_40 = arith.constant dense<0.000000e+00> : vector<2000x128xf32>
    %dot_general3A_41 = tpu.matmul %add3A_9, %get3A_39, %dot_general3A_40 {dimension_numbers = #tpu.dot_dimension_numbers<[1], [0], [0], [1], [0, 0, 1, 1], [], []>, transpose_lhs_hint = false} : vector<2000x128xf32>, vector<128x128xf32>, vector<2000x128xf32> -> vector<2000x128xf32>
    %get3A_42 = arith.constant 0 : index
    %get3A_43 = arith.constant 0 : index
    %get3A_44 = vector.load %arg9[%get3A_42, %get3A_43] : memref<1x128xf32, #tpu.memory_space<vmem>>, vector<1x128xf32>
    %add3A_45 = vector.broadcast %get3A_44 : vector<1x128xf32> to vector<2000x128xf32>
    %add3A_46 = arith.addf %dot_general3A_41, %add3A_45 : vector<2000x128xf32>
    %swap3A_47 = arith.constant 0 : index
    %swap3A_48 = arith.constant 0 : index
    %swap3A_49 = vector.load %arg13[%swap3A_47, %swap3A_48] : memref<2000x128xf32, #tpu.memory_space<vmem>>, vector<2000x128xf32>
    tpu.vector_store %arg13[%swap3A_47, %swap3A_48], %add3A_46 {strides = array<i32>} : memref<2000x128xf32, #tpu.memory_space<vmem>>, vector<2000x128xf32>,
    return
  }
  func.func @transform_0(%arg0: i32) -> (i32, i32) {
    %c0_i32 = arith.constant 0 : i32
    %c0_i32_0 = arith.constant 0 : i32
    return %arg0, %c0_i32 : i32, i32
  }
  func.func @transform_1(%arg0: i32) -> (i32, i32) {
    %c0_i32 = arith.constant 0 : i32
    %c0_i32_0 = arith.constant 0 : i32
    return %arg0, %c0_i32 : i32, i32
  }
  func.func @transform_2(%arg0: i32) -> (i32, i32) {
    %c0_i32 = arith.constant 0 : i32
    %c0_i32_0 = arith.constant 0 : i32
    %c0_i32_1 = arith.constant 0 : i32
    return %c0_i32, %c0_i32_0 : i32, i32
  }
  func.func @transform_3(%arg0: i32) -> (i32, i32) {
    %c0_i32 = arith.constant 0 : i32
    %c0_i32_0 = arith.constant 0 : i32
    %c0_i32_1 = arith.constant 0 : i32
    return %c0_i32, %c0_i32_0 : i32, i32
  }
  func.func @transform_4(%arg0: i32) -> (i32, i32) {
    %c0_i32 = arith.constant 0 : i32
    %c0_i32_0 = arith.constant 0 : i32
    %c0_i32_1 = arith.constant 0 : i32
    return %c0_i32, %c0_i32_0 : i32, i32
  }
  func.func @transform_5(%arg0: i32) -> (i32, i32) {
    %c0_i32 = arith.constant 0 : i32
    %c0_i32_0 = arith.constant 0 : i32
    %c0_i32_1 = arith.constant 0 : i32
    return %c0_i32, %c0_i32_0 : i32, i32
  }
  func.func @transform_6(%arg0: i32) -> (i32, i32) {
    %c0_i32 = arith.constant 0 : i32
    %c0_i32_0 = arith.constant 0 : i32
    %c0_i32_1 = arith.constant 0 : i32
    return %c0_i32, %c0_i32_0 : i32, i32
  }
  func.func @transform_7(%arg0: i32) -> (i32, i32) {
    %c0_i32 = arith.constant 0 : i32
    %c0_i32_0 = arith.constant 0 : i32
    %c0_i32_1 = arith.constant 0 : i32
    return %c0_i32, %c0_i32_0 : i32, i32
  }
  func.func @transform_8(%arg0: i32) -> (i32, i32) {
    %c0_i32 = arith.constant 0 : i32
    %c0_i32_0 = arith.constant 0 : i32
    %c0_i32_1 = arith.constant 0 : i32
    return %c0_i32, %c0_i32_0 : i32, i32
  }
  func.func @transform_9(%arg0: i32) -> (i32, i32) {
    %c0_i32 = arith.constant 0 : i32
    %c0_i32_0 = arith.constant 0 : i32
    return %arg0, %c0_i32 : i32, i32
  }
  func.func @transform_10(%arg0: i32) -> (i32, i32) {
    %c0_i32 = arith.constant 0 : i32
    %c0_i32_0 = arith.constant 0 : i32
    return %arg0, %c0_i32 : i32, i32
  }
  func.func @transform_11(%arg0: i32) -> (i32, i32) {
    %c0_i32 = arith.constant 0 : i32
    %c0_i32_0 = arith.constant 0 : i32
    return %arg0, %c0_i32 : i32, i32
  }
  func.func @transform_12(%arg0: i32) -> (i32, i32) {
    %c0_i32 = arith.constant 0 : i32
    %c0_i32_0 = arith.constant 0 : i32
    return %arg0, %c0_i32 : i32, i32
  }
}

module attributes {stable_mosaic.version = 14 : i64} {
  func.func @_attn_body(%arg0: i32, %arg1: i32, %arg2: memref<1x1376x128xf32, #tpu.memory_space<vmem>>, %arg3: memref<1x1x1376xf32, #tpu.memory_space<vmem>>, %arg4: memref<1x8x128xf32, #tpu.memory_space<vmem>>, %arg5: memref<128x128xf32, #tpu.memory_space<vmem>>, %arg6: memref<1x128xf32, #tpu.memory_space<vmem>>, %arg7: memref<1x1x8xf32, #tpu.memory_space<vmem>>, %arg8: memref<128x3000xf32, #tpu.memory_space<vmem>>, %arg9: memref<1x3000xf32, #tpu.memory_space<vmem>>, %arg10: memref<1x1x3000xf32, #tpu.memory_space<vmem>>, %arg11: memref<8x128xf32, #tpu.memory_space<vmem>>, %arg12: memref<8x128xf32, #tpu.memory_space<vmem>>) attributes {dimension_semantics = [#tpu.dimension_semantics<parallel>, #tpu.dimension_semantics<arbitrary>], iteration_bounds = array<i64: 2, 8>, scalar_prefetch = 0 : i64, scratch_operands = 2 : i64, tpu.core_type = #tpu.core_type<tc>, window_params = [{transform_indices = @transform_0, window_bounds = array<i64: 1, 1376, 128>}, {transform_indices = @transform_1, window_bounds = array<i64: 1, 1, 1376>}, {transform_indices = @transform_2, window_bounds = array<i64: 1, 8, 128>}, {pipeline_mode = #tpu.pipeline_mode<synchronous>, transform_indices = @transform_3, window_bounds = array<i64: 128, 128>}, {pipeline_mode = #tpu.pipeline_mode<synchronous>, transform_indices = @transform_4, window_bounds = array<i64: 1, 128>}, {transform_indices = @transform_5, window_bounds = array<i64: 1, 1, 8>}, {pipeline_mode = #tpu.pipeline_mode<synchronous>, transform_indices = @transform_6, window_bounds = array<i64: 128, 3000>}, {pipeline_mode = #tpu.pipeline_mode<synchronous>, transform_indices = @transform_7, window_bounds = array<i64: 1, 3000>}, {transform_indices = @transform_8, window_bounds = array<i64: 1, 1, 3000>}]} {
    %eq3A = arith.constant 0 : i32
    %eq3A_0 = arith.cmpi eq, %arg1, %eq3A : i32
    %convert_element_type3A = arith.extui %eq3A_0 : i1 to i32
    %cond3A = arith.constant 0 : i32
    %cond3A_1 = arith.cmpi ne, %convert_element_type3A, %cond3A : i32
    scf.if %cond3A_1 {
      %broadcast_in_dim3A_328 = arith.constant 0.000000e+00 : f32
      %broadcast_in_dim3A_329 = vector.broadcast %broadcast_in_dim3A_328 : f32 to vector<8x128xf32>
      %swap3A_330 = arith.constant 0 : index
      %swap3A_331 = arith.constant 0 : index
      %swap3A_332 = vector.load %arg11[%swap3A_330, %swap3A_331] : memref<8x128xf32, #tpu.memory_space<vmem>>, vector<8x128xf32>
      tpu.vector_store %arg11[%swap3A_330, %swap3A_331], %broadcast_in_dim3A_329 {strides = array<i32>} : memref<8x128xf32, #tpu.memory_space<vmem>>, vector<8x128xf32>,
      %broadcast_in_dim3A_333 = arith.constant 0.000000e+00 : f32
      %broadcast_in_dim3A_334 = vector.broadcast %broadcast_in_dim3A_333 : f32 to vector<8x128xf32>
      %swap3A_335 = arith.constant 0 : index
      %swap3A_336 = arith.constant 0 : index
      %swap3A_337 = vector.load %arg12[%swap3A_335, %swap3A_336] : memref<8x128xf32, #tpu.memory_space<vmem>>, vector<8x128xf32>
      tpu.vector_store %arg12[%swap3A_335, %swap3A_336], %broadcast_in_dim3A_334 {strides = array<i32>} : memref<8x128xf32, #tpu.memory_space<vmem>>, vector<8x128xf32>,
    } else {
    }
    %get3A = arith.constant 0 : index
    %get3A_2 = arith.constant 0 : index
    %get3A_3 = arith.constant 0 : index
    %get3A_4 = vector.load %arg2[%get3A, %get3A_2, %get3A_3] : memref<1x1376x128xf32, #tpu.memory_space<vmem>>, vector<1x1376x128xf32>
    %get3A_5 = vector.shape_cast %get3A_4 : vector<1x1376x128xf32> to vector<1376x128xf32>
    %get3A_6 = arith.constant 0 : index
    %get3A_7 = arith.constant 0 : index
    %get3A_8 = vector.load %arg5[%get3A_6, %get3A_7] : memref<128x128xf32, #tpu.memory_space<vmem>>, vector<128x128xf32>
    %dot_general3A = arith.constant dense<0.000000e+00> : vector<1376x128xf32>
    %dot_general3A_9 = tpu.matmul %get3A_5, %get3A_8, %dot_general3A {dimension_numbers = #tpu.dot_dimension_numbers<[1], [0], [0], [1], [0, 0, 1, 1], [], []>, transpose_lhs_hint = false} : vector<1376x128xf32>, vector<128x128xf32>, vector<1376x128xf32> -> vector<1376x128xf32>
    %get3A_10 = arith.constant 0 : index
    %get3A_11 = arith.constant 0 : index
    %get3A_12 = arith.constant 0 : index
    %get3A_13 = vector.load %arg4[%get3A_10, %get3A_11, %get3A_12] : memref<1x8x128xf32, #tpu.memory_space<vmem>>, vector<1x8x128xf32>
    %get3A_14 = vector.shape_cast %get3A_13 : vector<1x8x128xf32> to vector<8x128xf32>
    %get3A_15 = arith.constant 0 : index
    %get3A_16 = arith.constant 0 : index
    %get3A_17 = arith.constant 0 : index
    %get3A_18 = vector.load %arg3[%get3A_15, %get3A_16, %get3A_17] : memref<1x1x1376xf32, #tpu.memory_space<vmem>>, vector<1x1x1376xf32>
    %get3A_19 = vector.shape_cast %get3A_18 : vector<1x1x1376xf32> to vector<1x1376xf32>
    %get3A_20 = arith.constant 0 : index
    %get3A_21 = arith.constant 0 : index
    %get3A_22 = vector.load %arg6[%get3A_20, %get3A_21] : memref<1x128xf32, #tpu.memory_space<vmem>>, vector<1x128xf32>
    %slice3A = vector.extract_strided_slice %get3A_14 {offsets = [0, 0], sizes = [1, 128], strides = [1, 1]} : vector<8x128xf32> to vector<1x128xf32>
    %add3A = vector.broadcast %slice3A : vector<1x128xf32> to vector<1376x128xf32>
    %add3A_23 = arith.addf %dot_general3A_9, %add3A : vector<1376x128xf32>
    %tanh3A = math.tanh %add3A_23 : vector<1376x128xf32>
    %mul3A = vector.broadcast %get3A_22 : vector<1x128xf32> to vector<1376x128xf32>
    %mul3A_24 = arith.mulf %tanh3A, %mul3A : vector<1376x128xf32>
    %reduce_sum3A = arith.constant dense<0.000000e+00> : vector<1376xf32>
    %reduce_sum3A_25 = vector.multi_reduction <add>, %mul3A_24, %reduce_sum3A [1] : vector<1376x128xf32> to vector<1376xf32>
    %broadcast_in_dim3A = vector.shape_cast %reduce_sum3A_25 : vector<1376xf32> to vector<1376x1xf32>
    %transpose3A = tpu.transpose %get3A_19, [1, 0] : vector<1x1376xf32> -> vector<1376x1xf32>
    %gt3A = arith.constant 0.000000e+00 : f32
    %gt3A_26 = vector.broadcast %gt3A : f32 to vector<1376x1xf32>
    %gt3A_27 = arith.cmpf ogt, %transpose3A, %gt3A_26 : vector<1376x1xf32>
    %exp3A = math.exp %broadcast_in_dim3A : vector<1376x1xf32>
    %jit3A = arith.constant 0.000000e+00 : f32
    %broadcast_in_dim3A_28 = vector.broadcast %jit3A : f32 to vector<1376x1xf32>
    %select_n3A = arith.select %gt3A_27, %exp3A, %broadcast_in_dim3A_28 : vector<1376x1xi1>, vector<1376x1xf32>
    %get3A_29 = arith.constant 0 : index
    %get3A_30 = arith.constant 0 : index
    %get3A_31 = vector.load %arg11[%get3A_29, %get3A_30] : memref<8x128xf32, #tpu.memory_space<vmem>>, vector<1x128xf32>
    %dot_general3A_32 = arith.constant dense<0.000000e+00> : vector<1x128xf32>
    %dot_general3A_33 = tpu.matmul %select_n3A, %get3A_5, %dot_general3A_32 {dimension_numbers = #tpu.dot_dimension_numbers<[0], [0], [1], [1], [0, 1, 1, 1], [], []>, transpose_lhs_hint = false} : vector<1376x1xf32>, vector<1376x128xf32>, vector<1x128xf32> -> vector<1x128xf32>
    %add3A_34 = arith.addf %get3A_31, %dot_general3A_33 : vector<1x128xf32>
    %swap3A = arith.constant 0 : index
    %swap3A_35 = arith.constant 0 : index
    %swap3A_36 = vector.load %arg11[%swap3A, %swap3A_35] : memref<8x128xf32, #tpu.memory_space<vmem>>, vector<1x128xf32>
    tpu.vector_store %arg11[%swap3A, %swap3A_35], %add3A_34 {strides = array<i32>} : memref<8x128xf32, #tpu.memory_space<vmem>>, vector<1x128xf32>,
    %get3A_37 = arith.constant 0 : index
    %get3A_38 = arith.constant 0 : index
    %get3A_39 = vector.load %arg12[%get3A_37, %get3A_38] : memref<8x128xf32, #tpu.memory_space<vmem>>, vector<1x128xf32>
    %reduce_sum3A_40 = vector.shape_cast %select_n3A : vector<1376x1xf32> to vector<1x1376x1xf32>
    %reduce_sum3A_41 = arith.constant dense<0.000000e+00> : vector<1xf32>
    %reduce_sum3A_42 = vector.multi_reduction <add>, %reduce_sum3A_40, %reduce_sum3A_41 [1, 2] : vector<1x1376x1xf32> to vector<1xf32>
    %reduce_sum3A_43 = vector.shape_cast %reduce_sum3A_42 : vector<1xf32> to vector<1x1x1xf32>
    %reduce_sum3A_44 = vector.extract %reduce_sum3A_43[0, 0, 0] : f32 from vector<1x1x1xf32>
    %broadcast_in_dim3A_45 = vector.broadcast %reduce_sum3A_44 : f32 to vector<1x128xf32>
    %add3A_46 = arith.addf %get3A_39, %broadcast_in_dim3A_45 : vector<1x128xf32>
    %swap3A_47 = arith.constant 0 : index
    %swap3A_48 = arith.constant 0 : index
    %swap3A_49 = vector.load %arg12[%swap3A_47, %swap3A_48] : memref<8x128xf32, #tpu.memory_space<vmem>>, vector<1x128xf32>
    tpu.vector_store %arg12[%swap3A_47, %swap3A_48], %add3A_46 {strides = array<i32>} : memref<8x128xf32, #tpu.memory_space<vmem>>, vector<1x128xf32>,
    %slice3A_50 = vector.extract_strided_slice %get3A_14 {offsets = [1, 0], sizes = [1, 128], strides = [1, 1]} : vector<8x128xf32> to vector<1x128xf32>
    %add3A_51 = vector.broadcast %slice3A_50 : vector<1x128xf32> to vector<1376x128xf32>
    %add3A_52 = arith.addf %dot_general3A_9, %add3A_51 : vector<1376x128xf32>
    %tanh3A_53 = math.tanh %add3A_52 : vector<1376x128xf32>
    %mul3A_54 = vector.broadcast %get3A_22 : vector<1x128xf32> to vector<1376x128xf32>
    %mul3A_55 = arith.mulf %tanh3A_53, %mul3A_54 : vector<1376x128xf32>
    %reduce_sum3A_56 = arith.constant dense<0.000000e+00> : vector<1376xf32>
    %reduce_sum3A_57 = vector.multi_reduction <add>, %mul3A_55, %reduce_sum3A_56 [1] : vector<1376x128xf32> to vector<1376xf32>
    %broadcast_in_dim3A_58 = vector.shape_cast %reduce_sum3A_57 : vector<1376xf32> to vector<1376x1xf32>
    %transpose3A_59 = tpu.transpose %get3A_19, [1, 0] : vector<1x1376xf32> -> vector<1376x1xf32>
    %gt3A_60 = arith.constant 0.000000e+00 : f32
    %gt3A_61 = vector.broadcast %gt3A_60 : f32 to vector<1376x1xf32>
    %gt3A_62 = arith.cmpf ogt, %transpose3A_59, %gt3A_61 : vector<1376x1xf32>
    %exp3A_63 = math.exp %broadcast_in_dim3A_58 : vector<1376x1xf32>
    %jit3A_64 = arith.constant 0.000000e+00 : f32
    %broadcast_in_dim3A_65 = vector.broadcast %jit3A_64 : f32 to vector<1376x1xf32>
    %select_n3A_66 = arith.select %gt3A_62, %exp3A_63, %broadcast_in_dim3A_65 : vector<1376x1xi1>, vector<1376x1xf32>
    %get3A_67 = arith.constant 1 : index
    %get3A_68 = arith.constant 0 : index
    %get3A_69 = vector.load %arg11[%get3A_67, %get3A_68] : memref<8x128xf32, #tpu.memory_space<vmem>>, vector<1x128xf32>
    %dot_general3A_70 = arith.constant dense<0.000000e+00> : vector<1x128xf32>
    %dot_general3A_71 = tpu.matmul %select_n3A_66, %get3A_5, %dot_general3A_70 {dimension_numbers = #tpu.dot_dimension_numbers<[0], [0], [1], [1], [0, 1, 1, 1], [], []>, transpose_lhs_hint = false} : vector<1376x1xf32>, vector<1376x128xf32>, vector<1x128xf32> -> vector<1x128xf32>
    %add3A_72 = arith.addf %get3A_69, %dot_general3A_71 : vector<1x128xf32>
    %swap3A_73 = arith.constant 1 : index
    %swap3A_74 = arith.constant 0 : index
    %swap3A_75 = vector.load %arg11[%swap3A_73, %swap3A_74] : memref<8x128xf32, #tpu.memory_space<vmem>>, vector<1x128xf32>
    tpu.vector_store %arg11[%swap3A_73, %swap3A_74], %add3A_72 {strides = array<i32>} : memref<8x128xf32, #tpu.memory_space<vmem>>, vector<1x128xf32>,
    %get3A_76 = arith.constant 1 : index
    %get3A_77 = arith.constant 0 : index
    %get3A_78 = vector.load %arg12[%get3A_76, %get3A_77] : memref<8x128xf32, #tpu.memory_space<vmem>>, vector<1x128xf32>
    %reduce_sum3A_79 = vector.shape_cast %select_n3A_66 : vector<1376x1xf32> to vector<1x1376x1xf32>
    %reduce_sum3A_80 = arith.constant dense<0.000000e+00> : vector<1xf32>
    %reduce_sum3A_81 = vector.multi_reduction <add>, %reduce_sum3A_79, %reduce_sum3A_80 [1, 2] : vector<1x1376x1xf32> to vector<1xf32>
    %reduce_sum3A_82 = vector.shape_cast %reduce_sum3A_81 : vector<1xf32> to vector<1x1x1xf32>
    %reduce_sum3A_83 = vector.extract %reduce_sum3A_82[0, 0, 0] : f32 from vector<1x1x1xf32>
    %broadcast_in_dim3A_84 = vector.broadcast %reduce_sum3A_83 : f32 to vector<1x128xf32>
    %add3A_85 = arith.addf %get3A_78, %broadcast_in_dim3A_84 : vector<1x128xf32>
    %swap3A_86 = arith.constant 1 : index
    %swap3A_87 = arith.constant 0 : index
    %swap3A_88 = vector.load %arg12[%swap3A_86, %swap3A_87] : memref<8x128xf32, #tpu.memory_space<vmem>>, vector<1x128xf32>
    tpu.vector_store %arg12[%swap3A_86, %swap3A_87], %add3A_85 {strides = array<i32>} : memref<8x128xf32, #tpu.memory_space<vmem>>, vector<1x128xf32>,
    %slice3A_89 = vector.extract_strided_slice %get3A_14 {offsets = [2, 0], sizes = [1, 128], strides = [1, 1]} : vector<8x128xf32> to vector<1x128xf32>
    %add3A_90 = vector.broadcast %slice3A_89 : vector<1x128xf32> to vector<1376x128xf32>
    %add3A_91 = arith.addf %dot_general3A_9, %add3A_90 : vector<1376x128xf32>
    %tanh3A_92 = math.tanh %add3A_91 : vector<1376x128xf32>
    %mul3A_93 = vector.broadcast %get3A_22 : vector<1x128xf32> to vector<1376x128xf32>
    %mul3A_94 = arith.mulf %tanh3A_92, %mul3A_93 : vector<1376x128xf32>
    %reduce_sum3A_95 = arith.constant dense<0.000000e+00> : vector<1376xf32>
    %reduce_sum3A_96 = vector.multi_reduction <add>, %mul3A_94, %reduce_sum3A_95 [1] : vector<1376x128xf32> to vector<1376xf32>
    %broadcast_in_dim3A_97 = vector.shape_cast %reduce_sum3A_96 : vector<1376xf32> to vector<1376x1xf32>
    %transpose3A_98 = tpu.transpose %get3A_19, [1, 0] : vector<1x1376xf32> -> vector<1376x1xf32>
    %gt3A_99 = arith.constant 0.000000e+00 : f32
    %gt3A_100 = vector.broadcast %gt3A_99 : f32 to vector<1376x1xf32>
    %gt3A_101 = arith.cmpf ogt, %transpose3A_98, %gt3A_100 : vector<1376x1xf32>
    %exp3A_102 = math.exp %broadcast_in_dim3A_97 : vector<1376x1xf32>
    %jit3A_103 = arith.constant 0.000000e+00 : f32
    %broadcast_in_dim3A_104 = vector.broadcast %jit3A_103 : f32 to vector<1376x1xf32>
    %select_n3A_105 = arith.select %gt3A_101, %exp3A_102, %broadcast_in_dim3A_104 : vector<1376x1xi1>, vector<1376x1xf32>
    %get3A_106 = arith.constant 2 : index
    %get3A_107 = arith.constant 0 : index
    %get3A_108 = vector.load %arg11[%get3A_106, %get3A_107] : memref<8x128xf32, #tpu.memory_space<vmem>>, vector<1x128xf32>
    %dot_general3A_109 = arith.constant dense<0.000000e+00> : vector<1x128xf32>
    %dot_general3A_110 = tpu.matmul %select_n3A_105, %get3A_5, %dot_general3A_109 {dimension_numbers = #tpu.dot_dimension_numbers<[0], [0], [1], [1], [0, 1, 1, 1], [], []>, transpose_lhs_hint = false} : vector<1376x1xf32>, vector<1376x128xf32>, vector<1x128xf32> -> vector<1x128xf32>
    %add3A_111 = arith.addf %get3A_108, %dot_general3A_110 : vector<1x128xf32>
    %swap3A_112 = arith.constant 2 : index
    %swap3A_113 = arith.constant 0 : index
    %swap3A_114 = vector.load %arg11[%swap3A_112, %swap3A_113] : memref<8x128xf32, #tpu.memory_space<vmem>>, vector<1x128xf32>
    tpu.vector_store %arg11[%swap3A_112, %swap3A_113], %add3A_111 {strides = array<i32>} : memref<8x128xf32, #tpu.memory_space<vmem>>, vector<1x128xf32>,
    %get3A_115 = arith.constant 2 : index
    %get3A_116 = arith.constant 0 : index
    %get3A_117 = vector.load %arg12[%get3A_115, %get3A_116] : memref<8x128xf32, #tpu.memory_space<vmem>>, vector<1x128xf32>
    %reduce_sum3A_118 = vector.shape_cast %select_n3A_105 : vector<1376x1xf32> to vector<1x1376x1xf32>
    %reduce_sum3A_119 = arith.constant dense<0.000000e+00> : vector<1xf32>
    %reduce_sum3A_120 = vector.multi_reduction <add>, %reduce_sum3A_118, %reduce_sum3A_119 [1, 2] : vector<1x1376x1xf32> to vector<1xf32>
    %reduce_sum3A_121 = vector.shape_cast %reduce_sum3A_120 : vector<1xf32> to vector<1x1x1xf32>
    %reduce_sum3A_122 = vector.extract %reduce_sum3A_121[0, 0, 0] : f32 from vector<1x1x1xf32>
    %broadcast_in_dim3A_123 = vector.broadcast %reduce_sum3A_122 : f32 to vector<1x128xf32>
    %add3A_124 = arith.addf %get3A_117, %broadcast_in_dim3A_123 : vector<1x128xf32>
    %swap3A_125 = arith.constant 2 : index
    %swap3A_126 = arith.constant 0 : index
    %swap3A_127 = vector.load %arg12[%swap3A_125, %swap3A_126] : memref<8x128xf32, #tpu.memory_space<vmem>>, vector<1x128xf32>
    tpu.vector_store %arg12[%swap3A_125, %swap3A_126], %add3A_124 {strides = array<i32>} : memref<8x128xf32, #tpu.memory_space<vmem>>, vector<1x128xf32>,
    %slice3A_128 = vector.extract_strided_slice %get3A_14 {offsets = [3, 0], sizes = [1, 128], strides = [1, 1]} : vector<8x128xf32> to vector<1x128xf32>
    %add3A_129 = vector.broadcast %slice3A_128 : vector<1x128xf32> to vector<1376x128xf32>
    %add3A_130 = arith.addf %dot_general3A_9, %add3A_129 : vector<1376x128xf32>
    %tanh3A_131 = math.tanh %add3A_130 : vector<1376x128xf32>
    %mul3A_132 = vector.broadcast %get3A_22 : vector<1x128xf32> to vector<1376x128xf32>
    %mul3A_133 = arith.mulf %tanh3A_131, %mul3A_132 : vector<1376x128xf32>
    %reduce_sum3A_134 = arith.constant dense<0.000000e+00> : vector<1376xf32>
    %reduce_sum3A_135 = vector.multi_reduction <add>, %mul3A_133, %reduce_sum3A_134 [1] : vector<1376x128xf32> to vector<1376xf32>
    %broadcast_in_dim3A_136 = vector.shape_cast %reduce_sum3A_135 : vector<1376xf32> to vector<1376x1xf32>
    %transpose3A_137 = tpu.transpose %get3A_19, [1, 0] : vector<1x1376xf32> -> vector<1376x1xf32>
    %gt3A_138 = arith.constant 0.000000e+00 : f32
    %gt3A_139 = vector.broadcast %gt3A_138 : f32 to vector<1376x1xf32>
    %gt3A_140 = arith.cmpf ogt, %transpose3A_137, %gt3A_139 : vector<1376x1xf32>
    %exp3A_141 = math.exp %broadcast_in_dim3A_136 : vector<1376x1xf32>
    %jit3A_142 = arith.constant 0.000000e+00 : f32
    %broadcast_in_dim3A_143 = vector.broadcast %jit3A_142 : f32 to vector<1376x1xf32>
    %select_n3A_144 = arith.select %gt3A_140, %exp3A_141, %broadcast_in_dim3A_143 : vector<1376x1xi1>, vector<1376x1xf32>
    %get3A_145 = arith.constant 3 : index
    %get3A_146 = arith.constant 0 : index
    %get3A_147 = vector.load %arg11[%get3A_145, %get3A_146] : memref<8x128xf32, #tpu.memory_space<vmem>>, vector<1x128xf32>
    %dot_general3A_148 = arith.constant dense<0.000000e+00> : vector<1x128xf32>
    %dot_general3A_149 = tpu.matmul %select_n3A_144, %get3A_5, %dot_general3A_148 {dimension_numbers = #tpu.dot_dimension_numbers<[0], [0], [1], [1], [0, 1, 1, 1], [], []>, transpose_lhs_hint = false} : vector<1376x1xf32>, vector<1376x128xf32>, vector<1x128xf32> -> vector<1x128xf32>
    %add3A_150 = arith.addf %get3A_147, %dot_general3A_149 : vector<1x128xf32>
    %swap3A_151 = arith.constant 3 : index
    %swap3A_152 = arith.constant 0 : index
    %swap3A_153 = vector.load %arg11[%swap3A_151, %swap3A_152] : memref<8x128xf32, #tpu.memory_space<vmem>>, vector<1x128xf32>
    tpu.vector_store %arg11[%swap3A_151, %swap3A_152], %add3A_150 {strides = array<i32>} : memref<8x128xf32, #tpu.memory_space<vmem>>, vector<1x128xf32>,
    %get3A_154 = arith.constant 3 : index
    %get3A_155 = arith.constant 0 : index
    %get3A_156 = vector.load %arg12[%get3A_154, %get3A_155] : memref<8x128xf32, #tpu.memory_space<vmem>>, vector<1x128xf32>
    %reduce_sum3A_157 = vector.shape_cast %select_n3A_144 : vector<1376x1xf32> to vector<1x1376x1xf32>
    %reduce_sum3A_158 = arith.constant dense<0.000000e+00> : vector<1xf32>
    %reduce_sum3A_159 = vector.multi_reduction <add>, %reduce_sum3A_157, %reduce_sum3A_158 [1, 2] : vector<1x1376x1xf32> to vector<1xf32>
    %reduce_sum3A_160 = vector.shape_cast %reduce_sum3A_159 : vector<1xf32> to vector<1x1x1xf32>
    %reduce_sum3A_161 = vector.extract %reduce_sum3A_160[0, 0, 0] : f32 from vector<1x1x1xf32>
    %broadcast_in_dim3A_162 = vector.broadcast %reduce_sum3A_161 : f32 to vector<1x128xf32>
    %add3A_163 = arith.addf %get3A_156, %broadcast_in_dim3A_162 : vector<1x128xf32>
    %swap3A_164 = arith.constant 3 : index
    %swap3A_165 = arith.constant 0 : index
    %swap3A_166 = vector.load %arg12[%swap3A_164, %swap3A_165] : memref<8x128xf32, #tpu.memory_space<vmem>>, vector<1x128xf32>
    tpu.vector_store %arg12[%swap3A_164, %swap3A_165], %add3A_163 {strides = array<i32>} : memref<8x128xf32, #tpu.memory_space<vmem>>, vector<1x128xf32>,
    %slice3A_167 = vector.extract_strided_slice %get3A_14 {offsets = [4, 0], sizes = [1, 128], strides = [1, 1]} : vector<8x128xf32> to vector<1x128xf32>
    %add3A_168 = vector.broadcast %slice3A_167 : vector<1x128xf32> to vector<1376x128xf32>
    %add3A_169 = arith.addf %dot_general3A_9, %add3A_168 : vector<1376x128xf32>
    %tanh3A_170 = math.tanh %add3A_169 : vector<1376x128xf32>
    %mul3A_171 = vector.broadcast %get3A_22 : vector<1x128xf32> to vector<1376x128xf32>
    %mul3A_172 = arith.mulf %tanh3A_170, %mul3A_171 : vector<1376x128xf32>
    %reduce_sum3A_173 = arith.constant dense<0.000000e+00> : vector<1376xf32>
    %reduce_sum3A_174 = vector.multi_reduction <add>, %mul3A_172, %reduce_sum3A_173 [1] : vector<1376x128xf32> to vector<1376xf32>
    %broadcast_in_dim3A_175 = vector.shape_cast %reduce_sum3A_174 : vector<1376xf32> to vector<1376x1xf32>
    %transpose3A_176 = tpu.transpose %get3A_19, [1, 0] : vector<1x1376xf32> -> vector<1376x1xf32>
    %gt3A_177 = arith.constant 0.000000e+00 : f32
    %gt3A_178 = vector.broadcast %gt3A_177 : f32 to vector<1376x1xf32>
    %gt3A_179 = arith.cmpf ogt, %transpose3A_176, %gt3A_178 : vector<1376x1xf32>
    %exp3A_180 = math.exp %broadcast_in_dim3A_175 : vector<1376x1xf32>
    %jit3A_181 = arith.constant 0.000000e+00 : f32
    %broadcast_in_dim3A_182 = vector.broadcast %jit3A_181 : f32 to vector<1376x1xf32>
    %select_n3A_183 = arith.select %gt3A_179, %exp3A_180, %broadcast_in_dim3A_182 : vector<1376x1xi1>, vector<1376x1xf32>
    %get3A_184 = arith.constant 4 : index
    %get3A_185 = arith.constant 0 : index
    %get3A_186 = vector.load %arg11[%get3A_184, %get3A_185] : memref<8x128xf32, #tpu.memory_space<vmem>>, vector<1x128xf32>
    %dot_general3A_187 = arith.constant dense<0.000000e+00> : vector<1x128xf32>
    %dot_general3A_188 = tpu.matmul %select_n3A_183, %get3A_5, %dot_general3A_187 {dimension_numbers = #tpu.dot_dimension_numbers<[0], [0], [1], [1], [0, 1, 1, 1], [], []>, transpose_lhs_hint = false} : vector<1376x1xf32>, vector<1376x128xf32>, vector<1x128xf32> -> vector<1x128xf32>
    %add3A_189 = arith.addf %get3A_186, %dot_general3A_188 : vector<1x128xf32>
    %swap3A_190 = arith.constant 4 : index
    %swap3A_191 = arith.constant 0 : index
    %swap3A_192 = vector.load %arg11[%swap3A_190, %swap3A_191] : memref<8x128xf32, #tpu.memory_space<vmem>>, vector<1x128xf32>
    tpu.vector_store %arg11[%swap3A_190, %swap3A_191], %add3A_189 {strides = array<i32>} : memref<8x128xf32, #tpu.memory_space<vmem>>, vector<1x128xf32>,
    %get3A_193 = arith.constant 4 : index
    %get3A_194 = arith.constant 0 : index
    %get3A_195 = vector.load %arg12[%get3A_193, %get3A_194] : memref<8x128xf32, #tpu.memory_space<vmem>>, vector<1x128xf32>
    %reduce_sum3A_196 = vector.shape_cast %select_n3A_183 : vector<1376x1xf32> to vector<1x1376x1xf32>
    %reduce_sum3A_197 = arith.constant dense<0.000000e+00> : vector<1xf32>
    %reduce_sum3A_198 = vector.multi_reduction <add>, %reduce_sum3A_196, %reduce_sum3A_197 [1, 2] : vector<1x1376x1xf32> to vector<1xf32>
    %reduce_sum3A_199 = vector.shape_cast %reduce_sum3A_198 : vector<1xf32> to vector<1x1x1xf32>
    %reduce_sum3A_200 = vector.extract %reduce_sum3A_199[0, 0, 0] : f32 from vector<1x1x1xf32>
    %broadcast_in_dim3A_201 = vector.broadcast %reduce_sum3A_200 : f32 to vector<1x128xf32>
    %add3A_202 = arith.addf %get3A_195, %broadcast_in_dim3A_201 : vector<1x128xf32>
    %swap3A_203 = arith.constant 4 : index
    %swap3A_204 = arith.constant 0 : index
    %swap3A_205 = vector.load %arg12[%swap3A_203, %swap3A_204] : memref<8x128xf32, #tpu.memory_space<vmem>>, vector<1x128xf32>
    tpu.vector_store %arg12[%swap3A_203, %swap3A_204], %add3A_202 {strides = array<i32>} : memref<8x128xf32, #tpu.memory_space<vmem>>, vector<1x128xf32>,
    %slice3A_206 = vector.extract_strided_slice %get3A_14 {offsets = [5, 0], sizes = [1, 128], strides = [1, 1]} : vector<8x128xf32> to vector<1x128xf32>
    %add3A_207 = vector.broadcast %slice3A_206 : vector<1x128xf32> to vector<1376x128xf32>
    %add3A_208 = arith.addf %dot_general3A_9, %add3A_207 : vector<1376x128xf32>
    %tanh3A_209 = math.tanh %add3A_208 : vector<1376x128xf32>
    %mul3A_210 = vector.broadcast %get3A_22 : vector<1x128xf32> to vector<1376x128xf32>
    %mul3A_211 = arith.mulf %tanh3A_209, %mul3A_210 : vector<1376x128xf32>
    %reduce_sum3A_212 = arith.constant dense<0.000000e+00> : vector<1376xf32>
    %reduce_sum3A_213 = vector.multi_reduction <add>, %mul3A_211, %reduce_sum3A_212 [1] : vector<1376x128xf32> to vector<1376xf32>
    %broadcast_in_dim3A_214 = vector.shape_cast %reduce_sum3A_213 : vector<1376xf32> to vector<1376x1xf32>
    %transpose3A_215 = tpu.transpose %get3A_19, [1, 0] : vector<1x1376xf32> -> vector<1376x1xf32>
    %gt3A_216 = arith.constant 0.000000e+00 : f32
    %gt3A_217 = vector.broadcast %gt3A_216 : f32 to vector<1376x1xf32>
    %gt3A_218 = arith.cmpf ogt, %transpose3A_215, %gt3A_217 : vector<1376x1xf32>
    %exp3A_219 = math.exp %broadcast_in_dim3A_214 : vector<1376x1xf32>
    %jit3A_220 = arith.constant 0.000000e+00 : f32
    %broadcast_in_dim3A_221 = vector.broadcast %jit3A_220 : f32 to vector<1376x1xf32>
    %select_n3A_222 = arith.select %gt3A_218, %exp3A_219, %broadcast_in_dim3A_221 : vector<1376x1xi1>, vector<1376x1xf32>
    %get3A_223 = arith.constant 5 : index
    %get3A_224 = arith.constant 0 : index
    %get3A_225 = vector.load %arg11[%get3A_223, %get3A_224] : memref<8x128xf32, #tpu.memory_space<vmem>>, vector<1x128xf32>
    %dot_general3A_226 = arith.constant dense<0.000000e+00> : vector<1x128xf32>
    %dot_general3A_227 = tpu.matmul %select_n3A_222, %get3A_5, %dot_general3A_226 {dimension_numbers = #tpu.dot_dimension_numbers<[0], [0], [1], [1], [0, 1, 1, 1], [], []>, transpose_lhs_hint = false} : vector<1376x1xf32>, vector<1376x128xf32>, vector<1x128xf32> -> vector<1x128xf32>
    %add3A_228 = arith.addf %get3A_225, %dot_general3A_227 : vector<1x128xf32>
    %swap3A_229 = arith.constant 5 : index
    %swap3A_230 = arith.constant 0 : index
    %swap3A_231 = vector.load %arg11[%swap3A_229, %swap3A_230] : memref<8x128xf32, #tpu.memory_space<vmem>>, vector<1x128xf32>
    tpu.vector_store %arg11[%swap3A_229, %swap3A_230], %add3A_228 {strides = array<i32>} : memref<8x128xf32, #tpu.memory_space<vmem>>, vector<1x128xf32>,
    %get3A_232 = arith.constant 5 : index
    %get3A_233 = arith.constant 0 : index
    %get3A_234 = vector.load %arg12[%get3A_232, %get3A_233] : memref<8x128xf32, #tpu.memory_space<vmem>>, vector<1x128xf32>
    %reduce_sum3A_235 = vector.shape_cast %select_n3A_222 : vector<1376x1xf32> to vector<1x1376x1xf32>
    %reduce_sum3A_236 = arith.constant dense<0.000000e+00> : vector<1xf32>
    %reduce_sum3A_237 = vector.multi_reduction <add>, %reduce_sum3A_235, %reduce_sum3A_236 [1, 2] : vector<1x1376x1xf32> to vector<1xf32>
    %reduce_sum3A_238 = vector.shape_cast %reduce_sum3A_237 : vector<1xf32> to vector<1x1x1xf32>
    %reduce_sum3A_239 = vector.extract %reduce_sum3A_238[0, 0, 0] : f32 from vector<1x1x1xf32>
    %broadcast_in_dim3A_240 = vector.broadcast %reduce_sum3A_239 : f32 to vector<1x128xf32>
    %add3A_241 = arith.addf %get3A_234, %broadcast_in_dim3A_240 : vector<1x128xf32>
    %swap3A_242 = arith.constant 5 : index
    %swap3A_243 = arith.constant 0 : index
    %swap3A_244 = vector.load %arg12[%swap3A_242, %swap3A_243] : memref<8x128xf32, #tpu.memory_space<vmem>>, vector<1x128xf32>
    tpu.vector_store %arg12[%swap3A_242, %swap3A_243], %add3A_241 {strides = array<i32>} : memref<8x128xf32, #tpu.memory_space<vmem>>, vector<1x128xf32>,
    %slice3A_245 = vector.extract_strided_slice %get3A_14 {offsets = [6, 0], sizes = [1, 128], strides = [1, 1]} : vector<8x128xf32> to vector<1x128xf32>
    %add3A_246 = vector.broadcast %slice3A_245 : vector<1x128xf32> to vector<1376x128xf32>
    %add3A_247 = arith.addf %dot_general3A_9, %add3A_246 : vector<1376x128xf32>
    %tanh3A_248 = math.tanh %add3A_247 : vector<1376x128xf32>
    %mul3A_249 = vector.broadcast %get3A_22 : vector<1x128xf32> to vector<1376x128xf32>
    %mul3A_250 = arith.mulf %tanh3A_248, %mul3A_249 : vector<1376x128xf32>
    %reduce_sum3A_251 = arith.constant dense<0.000000e+00> : vector<1376xf32>
    %reduce_sum3A_252 = vector.multi_reduction <add>, %mul3A_250, %reduce_sum3A_251 [1] : vector<1376x128xf32> to vector<1376xf32>
    %broadcast_in_dim3A_253 = vector.shape_cast %reduce_sum3A_252 : vector<1376xf32> to vector<1376x1xf32>
    %transpose3A_254 = tpu.transpose %get3A_19, [1, 0] : vector<1x1376xf32> -> vector<1376x1xf32>
    %gt3A_255 = arith.constant 0.000000e+00 : f32
    %gt3A_256 = vector.broadcast %gt3A_255 : f32 to vector<1376x1xf32>
    %gt3A_257 = arith.cmpf ogt, %transpose3A_254, %gt3A_256 : vector<1376x1xf32>
    %exp3A_258 = math.exp %broadcast_in_dim3A_253 : vector<1376x1xf32>
    %jit3A_259 = arith.constant 0.000000e+00 : f32
    %broadcast_in_dim3A_260 = vector.broadcast %jit3A_259 : f32 to vector<1376x1xf32>
    %select_n3A_261 = arith.select %gt3A_257, %exp3A_258, %broadcast_in_dim3A_260 : vector<1376x1xi1>, vector<1376x1xf32>
    %get3A_262 = arith.constant 6 : index
    %get3A_263 = arith.constant 0 : index
    %get3A_264 = vector.load %arg11[%get3A_262, %get3A_263] : memref<8x128xf32, #tpu.memory_space<vmem>>, vector<1x128xf32>
    %dot_general3A_265 = arith.constant dense<0.000000e+00> : vector<1x128xf32>
    %dot_general3A_266 = tpu.matmul %select_n3A_261, %get3A_5, %dot_general3A_265 {dimension_numbers = #tpu.dot_dimension_numbers<[0], [0], [1], [1], [0, 1, 1, 1], [], []>, transpose_lhs_hint = false} : vector<1376x1xf32>, vector<1376x128xf32>, vector<1x128xf32> -> vector<1x128xf32>
    %add3A_267 = arith.addf %get3A_264, %dot_general3A_266 : vector<1x128xf32>
    %swap3A_268 = arith.constant 6 : index
    %swap3A_269 = arith.constant 0 : index
    %swap3A_270 = vector.load %arg11[%swap3A_268, %swap3A_269] : memref<8x128xf32, #tpu.memory_space<vmem>>, vector<1x128xf32>
    tpu.vector_store %arg11[%swap3A_268, %swap3A_269], %add3A_267 {strides = array<i32>} : memref<8x128xf32, #tpu.memory_space<vmem>>, vector<1x128xf32>,
    %get3A_271 = arith.constant 6 : index
    %get3A_272 = arith.constant 0 : index
    %get3A_273 = vector.load %arg12[%get3A_271, %get3A_272] : memref<8x128xf32, #tpu.memory_space<vmem>>, vector<1x128xf32>
    %reduce_sum3A_274 = vector.shape_cast %select_n3A_261 : vector<1376x1xf32> to vector<1x1376x1xf32>
    %reduce_sum3A_275 = arith.constant dense<0.000000e+00> : vector<1xf32>
    %reduce_sum3A_276 = vector.multi_reduction <add>, %reduce_sum3A_274, %reduce_sum3A_275 [1, 2] : vector<1x1376x1xf32> to vector<1xf32>
    %reduce_sum3A_277 = vector.shape_cast %reduce_sum3A_276 : vector<1xf32> to vector<1x1x1xf32>
    %reduce_sum3A_278 = vector.extract %reduce_sum3A_277[0, 0, 0] : f32 from vector<1x1x1xf32>
    %broadcast_in_dim3A_279 = vector.broadcast %reduce_sum3A_278 : f32 to vector<1x128xf32>
    %add3A_280 = arith.addf %get3A_273, %broadcast_in_dim3A_279 : vector<1x128xf32>
    %swap3A_281 = arith.constant 6 : index
    %swap3A_282 = arith.constant 0 : index
    %swap3A_283 = vector.load %arg12[%swap3A_281, %swap3A_282] : memref<8x128xf32, #tpu.memory_space<vmem>>, vector<1x128xf32>
    tpu.vector_store %arg12[%swap3A_281, %swap3A_282], %add3A_280 {strides = array<i32>} : memref<8x128xf32, #tpu.memory_space<vmem>>, vector<1x128xf32>,
    %slice3A_284 = vector.extract_strided_slice %get3A_14 {offsets = [7, 0], sizes = [1, 128], strides = [1, 1]} : vector<8x128xf32> to vector<1x128xf32>
    %add3A_285 = vector.broadcast %slice3A_284 : vector<1x128xf32> to vector<1376x128xf32>
    %add3A_286 = arith.addf %dot_general3A_9, %add3A_285 : vector<1376x128xf32>
    %tanh3A_287 = math.tanh %add3A_286 : vector<1376x128xf32>
    %mul3A_288 = vector.broadcast %get3A_22 : vector<1x128xf32> to vector<1376x128xf32>
    %mul3A_289 = arith.mulf %tanh3A_287, %mul3A_288 : vector<1376x128xf32>
    %reduce_sum3A_290 = arith.constant dense<0.000000e+00> : vector<1376xf32>
    %reduce_sum3A_291 = vector.multi_reduction <add>, %mul3A_289, %reduce_sum3A_290 [1] : vector<1376x128xf32> to vector<1376xf32>
    %broadcast_in_dim3A_292 = vector.shape_cast %reduce_sum3A_291 : vector<1376xf32> to vector<1376x1xf32>
    %transpose3A_293 = tpu.transpose %get3A_19, [1, 0] : vector<1x1376xf32> -> vector<1376x1xf32>
    %gt3A_294 = arith.constant 0.000000e+00 : f32
    %gt3A_295 = vector.broadcast %gt3A_294 : f32 to vector<1376x1xf32>
    %gt3A_296 = arith.cmpf ogt, %transpose3A_293, %gt3A_295 : vector<1376x1xf32>
    %exp3A_297 = math.exp %broadcast_in_dim3A_292 : vector<1376x1xf32>
    %jit3A_298 = arith.constant 0.000000e+00 : f32
    %broadcast_in_dim3A_299 = vector.broadcast %jit3A_298 : f32 to vector<1376x1xf32>
    %select_n3A_300 = arith.select %gt3A_296, %exp3A_297, %broadcast_in_dim3A_299 : vector<1376x1xi1>, vector<1376x1xf32>
    %get3A_301 = arith.constant 7 : index
    %get3A_302 = arith.constant 0 : index
    %get3A_303 = vector.load %arg11[%get3A_301, %get3A_302] : memref<8x128xf32, #tpu.memory_space<vmem>>, vector<1x128xf32>
    %dot_general3A_304 = arith.constant dense<0.000000e+00> : vector<1x128xf32>
    %dot_general3A_305 = tpu.matmul %select_n3A_300, %get3A_5, %dot_general3A_304 {dimension_numbers = #tpu.dot_dimension_numbers<[0], [0], [1], [1], [0, 1, 1, 1], [], []>, transpose_lhs_hint = false} : vector<1376x1xf32>, vector<1376x128xf32>, vector<1x128xf32> -> vector<1x128xf32>
    %add3A_306 = arith.addf %get3A_303, %dot_general3A_305 : vector<1x128xf32>
    %swap3A_307 = arith.constant 7 : index
    %swap3A_308 = arith.constant 0 : index
    %swap3A_309 = vector.load %arg11[%swap3A_307, %swap3A_308] : memref<8x128xf32, #tpu.memory_space<vmem>>, vector<1x128xf32>
    tpu.vector_store %arg11[%swap3A_307, %swap3A_308], %add3A_306 {strides = array<i32>} : memref<8x128xf32, #tpu.memory_space<vmem>>, vector<1x128xf32>,
    %get3A_310 = arith.constant 7 : index
    %get3A_311 = arith.constant 0 : index
    %get3A_312 = vector.load %arg12[%get3A_310, %get3A_311] : memref<8x128xf32, #tpu.memory_space<vmem>>, vector<1x128xf32>
    %reduce_sum3A_313 = vector.shape_cast %select_n3A_300 : vector<1376x1xf32> to vector<1x1376x1xf32>
    %reduce_sum3A_314 = arith.constant dense<0.000000e+00> : vector<1xf32>
    %reduce_sum3A_315 = vector.multi_reduction <add>, %reduce_sum3A_313, %reduce_sum3A_314 [1, 2] : vector<1x1376x1xf32> to vector<1xf32>
    %reduce_sum3A_316 = vector.shape_cast %reduce_sum3A_315 : vector<1xf32> to vector<1x1x1xf32>
    %reduce_sum3A_317 = vector.extract %reduce_sum3A_316[0, 0, 0] : f32 from vector<1x1x1xf32>
    %broadcast_in_dim3A_318 = vector.broadcast %reduce_sum3A_317 : f32 to vector<1x128xf32>
    %add3A_319 = arith.addf %get3A_312, %broadcast_in_dim3A_318 : vector<1x128xf32>
    %swap3A_320 = arith.constant 7 : index
    %swap3A_321 = arith.constant 0 : index
    %swap3A_322 = vector.load %arg12[%swap3A_320, %swap3A_321] : memref<8x128xf32, #tpu.memory_space<vmem>>, vector<1x128xf32>
    tpu.vector_store %arg12[%swap3A_320, %swap3A_321], %add3A_319 {strides = array<i32>} : memref<8x128xf32, #tpu.memory_space<vmem>>, vector<1x128xf32>,
    %eq3A_323 = arith.constant 7 : i32
    %eq3A_324 = arith.cmpi eq, %arg1, %eq3A_323 : i32
    %convert_element_type3A_325 = arith.extui %eq3A_324 : i1 to i32
    %cond3A_326 = arith.constant 0 : i32
    %cond3A_327 = arith.cmpi ne, %convert_element_type3A_325, %cond3A_326 : i32
    scf.if %cond3A_327 {
      %get3A_328 = arith.constant 0 : index
      %get3A_329 = arith.constant 0 : index
      %get3A_330 = vector.load %arg11[%get3A_328, %get3A_329] : memref<8x128xf32, #tpu.memory_space<vmem>>, vector<8x128xf32>
      %get3A_331 = arith.constant 0 : index
      %get3A_332 = arith.constant 0 : index
      %get3A_333 = vector.load %arg12[%get3A_331, %get3A_332] : memref<8x128xf32, #tpu.memory_space<vmem>>, vector<8x128xf32>
      %div3A = arith.divf %get3A_330, %get3A_333 : vector<8x128xf32>
      %get3A_334 = arith.constant 0 : index
      %get3A_335 = arith.constant 0 : index
      %get3A_336 = arith.constant 0 : index
      %get3A_337 = vector.load %arg7[%get3A_334, %get3A_335, %get3A_336] : memref<1x1x8xf32, #tpu.memory_space<vmem>>, vector<1x1x8xf32>
      %get3A_338 = vector.shape_cast %get3A_337 : vector<1x1x8xf32> to vector<1x8xf32>
      %dot_general3A_339 = arith.constant dense<0.000000e+00> : vector<1x128xf32>
      %dot_general3A_340 = tpu.matmul %get3A_338, %div3A, %dot_general3A_339 {dimension_numbers = #tpu.dot_dimension_numbers<[1], [0], [0], [1], [0, 0, 1, 1], [], []>, transpose_lhs_hint = false} : vector<1x8xf32>, vector<8x128xf32>, vector<1x128xf32> -> vector<1x128xf32>
      %get3A_341 = arith.constant 0 : index
      %get3A_342 = arith.constant 0 : index
      %get3A_343 = vector.load %arg8[%get3A_341, %get3A_342] : memref<128x3000xf32, #tpu.memory_space<vmem>>, vector<128x3000xf32>
      %dot_general3A_344 = arith.constant dense<0.000000e+00> : vector<1x3000xf32>
      %dot_general3A_345 = tpu.matmul %dot_general3A_340, %get3A_343, %dot_general3A_344 {dimension_numbers = #tpu.dot_dimension_numbers<[1], [0], [0], [1], [0, 0, 1, 1], [], []>, transpose_lhs_hint = false} : vector<1x128xf32>, vector<128x3000xf32>, vector<1x3000xf32> -> vector<1x3000xf32>
      %get3A_346 = arith.constant 0 : index
      %get3A_347 = arith.constant 0 : index
      %get3A_348 = vector.load %arg9[%get3A_346, %get3A_347] : memref<1x3000xf32, #tpu.memory_space<vmem>>, vector<1x3000xf32>
      %add3A_349 = arith.addf %dot_general3A_345, %get3A_348 : vector<1x3000xf32>
      %swap3A_350 = arith.constant 0 : index
      %swap3A_351 = arith.constant 0 : index
      %swap3A_352 = arith.constant 0 : index
      %swap3A_353 = vector.load %arg10[%swap3A_350, %swap3A_351, %swap3A_352] : memref<1x1x3000xf32, #tpu.memory_space<vmem>>, vector<1x1x3000xf32>
      %swap3A_354 = vector.shape_cast %swap3A_353 : vector<1x1x3000xf32> to vector<1x3000xf32>
      %swap3A_355 = vector.shape_cast %add3A_349 : vector<1x3000xf32> to vector<1x1x3000xf32>
      tpu.vector_store %arg10[%swap3A_350, %swap3A_351, %swap3A_352], %swap3A_355 {strides = array<i32>} : memref<1x1x3000xf32, #tpu.memory_space<vmem>>, vector<1x1x3000xf32>,
    } else {
    }
    return
  }
  func.func @transform_0(%arg0: i32, %arg1: i32) -> (i32, i32, i32) {
    %c0_i32 = arith.constant 0 : i32
    %c0_i32_0 = arith.constant 0 : i32
    return %arg0, %arg1, %c0_i32 : i32, i32, i32
  }
  func.func @transform_1(%arg0: i32, %arg1: i32) -> (i32, i32, i32) {
    %mul3A = arith.constant 8 : i32
    %mul3A_0 = arith.muli %arg0, %mul3A : i32
    %add3A = arith.addi %mul3A_0, %arg1 : i32
    %c0_i32 = arith.constant 0 : i32
    %c0_i32_1 = arith.constant 0 : i32
    %c0_i32_2 = arith.constant 0 : i32
    return %add3A, %c0_i32, %c0_i32_1 : i32, i32, i32
  }
  func.func @transform_2(%arg0: i32, %arg1: i32) -> (i32, i32, i32) {
    %c0_i32 = arith.constant 0 : i32
    %c0_i32_0 = arith.constant 0 : i32
    %c0_i32_1 = arith.constant 0 : i32
    return %arg0, %c0_i32, %c0_i32_0 : i32, i32, i32
  }
  func.func @transform_3(%arg0: i32, %arg1: i32) -> (i32, i32) {
    %c0_i32 = arith.constant 0 : i32
    %c0_i32_0 = arith.constant 0 : i32
    %c0_i32_1 = arith.constant 0 : i32
    return %c0_i32, %c0_i32_0 : i32, i32
  }
  func.func @transform_4(%arg0: i32, %arg1: i32) -> (i32, i32) {
    %c0_i32 = arith.constant 0 : i32
    %c0_i32_0 = arith.constant 0 : i32
    %c0_i32_1 = arith.constant 0 : i32
    return %c0_i32, %c0_i32_0 : i32, i32
  }
  func.func @transform_5(%arg0: i32, %arg1: i32) -> (i32, i32, i32) {
    %c0_i32 = arith.constant 0 : i32
    %c0_i32_0 = arith.constant 0 : i32
    %c0_i32_1 = arith.constant 0 : i32
    return %arg0, %c0_i32, %c0_i32_0 : i32, i32, i32
  }
  func.func @transform_6(%arg0: i32, %arg1: i32) -> (i32, i32) {
    %c0_i32 = arith.constant 0 : i32
    %c0_i32_0 = arith.constant 0 : i32
    %c0_i32_1 = arith.constant 0 : i32
    return %c0_i32, %c0_i32_0 : i32, i32
  }
  func.func @transform_7(%arg0: i32, %arg1: i32) -> (i32, i32) {
    %c0_i32 = arith.constant 0 : i32
    %c0_i32_0 = arith.constant 0 : i32
    %c0_i32_1 = arith.constant 0 : i32
    return %c0_i32, %c0_i32_0 : i32, i32
  }
  func.func @transform_8(%arg0: i32, %arg1: i32) -> (i32, i32, i32) {
    %c0_i32 = arith.constant 0 : i32
    %c0_i32_0 = arith.constant 0 : i32
    %c0_i32_1 = arith.constant 0 : i32
    return %arg0, %c0_i32, %c0_i32_0 : i32, i32, i32
  }
}

</mosaic_0001>

<sc_bundles>
// kernel: gather_offload_async_start
scs
__scs_entry_jumppad:
0x0: {  	(pc) =	sbr.rel $0x88, $3  }
0x1: {  	(tag) =	ssettag $0x0;
	lr =	simm.s32 $0x1  }
0x2: {  	[smem:$0x3F88] =	sst lr;
	_ =	strace $0xD0000000  }
0x3: {  	_ = 	snop  }
0x4: {  	_ = 	snop  }
0x5: {  	_ = 	snop  }
0x6: {  	_ = 	snop  }
0x7: {  	_ = 	snop  }
__scs_overlays_trampoline_lowered:
0x8: {  	[smem:$0x3F97] =	sst s0  }
0x9: {  	[smem:$0x3F98] =	sst s1  }
0xa: {  	[smem:$0x3F99] =	sst s2  }
0xb: {  	[smem:$0x3F9A] =	sst s3  }
0xc: {  	[smem:$0x3F9B] =	sst s4  }
0xd: {  	[smem:$0x3F9C] =	sst s5  }
0xe: {  	[smem:$0x3F9D] =	sst s6  }
0xf: {  	[smem:$0x3F9E] =	sst s7  }
0x10: {  	[smem:$0x3F9F] =	sst s8  }
0x11: {  	[smem:$0x3FA0] =	sst s9;
	s0 =	simm.s32 @!p0 $0x0  }
0x12: {  	s1 =	sld [smem:$0x3F86];
	s0 =	simm.s32 @p0 $0x1  }
0x13: {  	[smem:$0x3FA1] =	sst s0;
	s0 =	simm.s32 @!p1 $0x0  }
0x14: {  	s2 =	sld [smem:$0x3F85];
	s0 =	simm.s32 @p1 $0x1  }
0x15: {  	[smem:$0x3FA2] =	sst s0;
	s0 =	simm.s32 @!p2 $0x0  }
0x16: {  	s3 =	sld [smem:$0x3FDB];
	s0 =	simm.s32 @p2 $0x1  }
0x17: {  	s4 =	simm.s32 $0x1BF5;
	[smem:$0x3FA4] =	sst s0  }
0x18: {  	s0 =	sld [smem:$0x3F87];
	_ =	swait.ge [sflag:s4], $0x0  }
0x19: {  	s7 =	sld [smem:$0x3F88]  }
0x1a: {  	s8 =	sadd.s32 $0xFFFFE003, lr  }
0x1b: {  	s9 =	sadd.s32 $0xFFFFFEF7, lr;
	s5 =	simm.s32 $0xFFFFFFFF;
	p2 =	slt.u32 s8, $0xFFFFF086  }
0x1c: {  	p1 =	slt.u32 s9, $0xF7A;
	s5 =	simm.s32 @!p2 $0x0  }
0x1d: {  	s5 =	simm.s32 @p1 $0x1;
	p0 =	seq.s32 s7, s2  }
0x1e: {  	s7 =	smul.u32 @!p0 $0xF7A, s2;
	p2 =	seq.s32 @!p0 s5, $0x0  }
0x1f: {  	s9 =	smul.u32 $0xF7A, s1;
	s8 =	simm.s32 @!p0 $0x1BF5;
	p2 =	por !p2, p0  }
0x20: {  	[sflag:s8] =	ssyncset.s32 @!p0 $0xFFFFF086;
	s6 =	sadd.s32 @!p0 s3, s7;
	s7 =	simm.s32 @!p0 $0x108  }
0x21: {  	s3 =	sadd.s32 s3, s9;
	s6 =	sadd.s32 @!p0 $0x88, s6;
	s7 =	simm.s32 @p2 $0x1082  }
0x22: {  	[simem:s7], [sflag:s8] =	dma.local @!p0 [hbm:s6], $0xF7A  }
0x23: {  	s9 =	sor.u32 $0xD0000000, s2;
	s6 =	simm.s32 $0x108;
	_ =	swait.ge @!p0 [sflag:s8], $0x0  }
0x24: {  	s3 =	sadd.s32 $0x88, s3;
	s6 =	simm.s32 @!p1 $0x1082;
	[sflag:s4] =	ssyncset.s32 $0xFFFFF086  }
0x25: {  	[simem:s6], [sflag:s4] =	dma.local [hbm:s3], $0xF7A  }
0x26: {  	[smem:$0x3F88] =	sst s1;
	(tag) =	ssettag s2;
	_ =	strace s9  }
0x27: {  	s1 =	sld [smem:$0x3F98]  }
0x28: {  	s2 =	sld [smem:$0x3F99]  }
0x29: {  	s4 =	sld [smem:$0x3F9B]  }
0x2a: {  	p0 =	seq.s32 s5, $0x0;
	s5 =	sld [smem:$0x3F9C]  }
0x2b: {  	s6 =	sld [smem:$0x3F9D]  }
0x2c: {  	s7 =	sld [smem:$0x3F9E]  }
0x2d: {  	s3 =	simm.s32 $0x108;
	s8 =	sld [smem:$0x3F9F]  }
0x2e: {  	s3 =	simm.s32 @!p0 $0x1082;
	s9 =	sld [smem:$0x3FA0]  }
0x2f: {  	lr =	sadd.s32 s0, s3;
	s0 =	sld [smem:$0x3F97]  }
0x30: {  	s3 =	sld [smem:$0x3F9A]  }
0x31: {  	[smem:$0x3FA3] =	sst s10  }
0x32: {  	s10 =	sld [smem:$0x3FA1];
	_ =	sdelay $0x3  }
0x33: {  	p0 =	seq.s32 s10, $0x1;
	s10 =	sld [smem:$0x3FA3];
	_ =	sdelay $0x3  }
0x34: {  	[smem:$0x3FA3] =	sst s10  }
0x35: {  	s10 =	sld [smem:$0x3FA2];
	_ =	sdelay $0x3  }
0x36: {  	p1 =	seq.s32 s10, $0x1;
	s10 =	sld [smem:$0x3FA3];
	_ =	sdelay $0x3  }
0x37: {  	[smem:$0x3FA3] =	sst s10  }
0x38: {  	s10 =	sld [smem:$0x3FA4]  }
0x39: {  	_ = 	snop;
	(pc) =	sbr.ind lr, $3  }
0x3a: {  	_ = 	snop  }
0x3b: {  	_ = 	snop  }
0x3c: {  	p2 =	seq.s32 s10, $0x1;
	s10 =	sld [smem:$0x3FA3]  }
0x3d: {  	_ =	shalt  }
0x3e: {  	_ =	shalt  }
0x3f: {  	_ =	shalt  }
0x40: {  	_ =	shalt  }
0x41: {  	_ =	shalt  }
0x42: {  	_ =	shalt  }
0x43: {  	_ =	shalt  }
0x44: {  	_ =	shalt  }
0x45: {  	_ =	shalt  }
0x46: {  	_ =	shalt  }
0x47: {  	_ =	shalt  }
0x48: {  	_ =	shalt  }
0x49: {  	_ =	shalt  }
0x4a: {  	_ =	shalt  }
0x4b: {  	_ =	shalt  }
0x4c: {  	_ =	shalt  }
0x4d: {  	_ =	shalt  }
0x4e: {  	_ =	shalt  }
0x4f: {  	_ =	shalt  }
0x50: {  	_ =	shalt  }
0x51: {  	_ =	shalt  }
0x52: {  	_ =	shalt  }
0x53: {  	_ =	shalt  }
0x54: {  	_ =	shalt  }
0x55: {  	_ =	shalt  }
0x56: {  	_ =	shalt  }
0x57: {  	_ =	shalt  }
0x58: {  	_ =	shalt  }
0x59: {  	_ =	shalt  }
0x5a: {  	_ =	shalt  }
0x5b: {  	_ =	shalt  }
0x5c: {  	_ =	shalt  }
0x5d: {  	_ =	shalt  }
0x5e: {  	_ =	shalt  }
0x5f: {  	_ =	shalt  }
0x60: {  	_ =	shalt  }
0x61: {  	_ =	shalt  }
0x62: {  	_ =	shalt  }
0x63: {  	_ =	shalt  }
0x64: {  	_ =	shalt  }
0x65: {  	_ =	shalt  }
0x66: {  	_ =	shalt  }
0x67: {  	_ =	shalt  }
0x68: {  	_ =	shalt  }
0x69: {  	_ =	shalt  }
0x6a: {  	_ =	shalt  }
0x6b: {  	_ =	shalt  }
0x6c: {  	_ =	shalt  }
0x6d: {  	_ =	shalt  }
0x6e: {  	_ =	shalt  }
0x6f: {  	_ =	shalt  }
0x70: {  	_ =	shalt  }
0x71: {  	_ =	shalt  }
0x72: {  	_ =	shalt  }
0x73: {  	_ =	shalt  }
0x74: {  	_ =	shalt  }
0x75: {  	_ =	shalt  }
0x76: {  	_ =	shalt  }
0x77: {  	_ =	shalt  }
0x78: {  	_ =	shalt  }
0x79: {  	_ =	shalt  }
0x7a: {  	_ =	shalt  }
0x7b: {  	_ =	shalt  }
0x7c: {  	_ =	shalt  }
0x7d: {  	_ =	shalt  }
0x7e: {  	_ =	shalt  }
0x7f: {  	_ =	shalt  }
0x80: {  	_ =	shalt  }
0x81: {  	_ =	shalt  }
0x82: {  	_ =	shalt  }
0x83: {  	_ =	shalt  }
0x84: {  	_ =	shalt  }
0x85: {  	_ =	shalt  }
0x86: {  	_ =	shalt  }
0x87: {  	_ =	shalt  }
.Lfunc_end0:
.L_simem_size_0:
called_computation_lowered:
.L_overlay_start_0:
0x88: {  	s2 =	sld [smem:$0x3FD9]  }
0x89: {  	s3 =	sld [smem:$0x3FFE];
	_ =	sdelay $0x1  }
0x8a: {  	s1 =	srdreg.scid  }
0x8b: {  	s0 =	sand.u32 $0x1, s1  }
0x8c: {  	s17 =	sshll.u32 s0, $0xA;
	s2 =	sadd.s32 s3, s2  }
0x8d: {  	s2 =	sadd.s32 s2, s17  }
0x8e: {  	[smem:$0x3FAF] =	sst s2  }
0x8f: {  	_ = 	snop  }
0x90: {  	s2 =	sld [smem:$0x3FB8];
	(tm) =	ssettm $0x1  }
0x91: {  	s18 =	sld [smem:$0x3FFB];
	_ =	sdelay $0x3  }
0x92: {  	_ =	strace s18  }
0x93: {  	s3 =	sld [smem:$0x3FFC];
	_ =	sdelay $0x3  }
0x94: {  	_ =	strace s3  }
0x95: {  	s3 =	sld [smem:$0x3FFD];
	_ =	sdelay $0x3  }
0x96: {  	_ =	strace s3  }
0x97: {  	_ =	strace $0x8FFFFFFF  }
0x98: {  	s19 =	sld [smem:$0x3FDB];
	_ =	sdelay $0x1  }
0x99: {  	s4 =	simm.s32 $_scs_section_size  }
0x9a: {  	s5 =	simm.s32 $_size__tile_overlayer_lowered;
	s6 =	simm.s32 $_tile_overlayer_lowered  }
0x9b: {  	s22 =	simm.s32 $0x1BFF;
	s21 =	sshll.u32 s6, $0x1;
	s3 =	sadd.s32 s4, s19  }
0x9c: {  	s7 =	simm.s32 $0x0;
	s20 =	sshll.u32 s5, $0x1;
	s5 =	sadd.s32 s21, s3  }
0x9d: {  	[timem:s7], [sflag:s22] =	dma.local [hbm:s5], s20  }
0x9e: {  	_ =	swait.ge [sflag:s22], s20  }
0x9f: {  	s4 =	ssub.s32 $0x0, s20;
	[sflag:s22] =	ssyncset.done $0x0  }
0xa0: {  	[sflag:s22] =	ssyncadd.s32 s4;
	_ =	sdelay $0x1  }
0xa1: {  	s23 =	simm.s32 $0x1B8B  }
0xa2: {  	_ =	swait.ge [sflag:s23], $0x1  }
0xa3: {  	[sflag:s23] =	ssyncset.done $0x0  }
0xa4: {  	s25 =	simm.s32 $0x1B8E;
	s24 =	sld [smem:$0x3FFE];
	[sflag:s23] =	ssyncadd.s32 $0xFFFFFFFF  }
0xa5: {  	s26 =	simm.s32 $execute0_lowered;
	[smem:$0x3FD2] =	sst s25  }
0xa6: {  	s5 =	sshll.u32 s26, $0x1;
	_ =	strace $0x80000046;
	[dreg:$0x1] =	wrdreg $0xFFFFFFFF  }
0xa7: {  	s28 =	simm.s32 $_size_execute0_lowered;
	s3 =	sadd.s32 s3, s5;
	[dreg:$0x0] =	wrdreg $0x0  }
0xa8: {  	s5 =	sshll.u32 s28, $0x1;
	[dreg:$0x2] =	wrdreg s3  }
0xa9: {  	[dreg:$0x3] =	wrdreg s5  }
0xaa: {  	[dreg:$0x4] =	wrdreg $0xC0  }
0xab: {  	_ =	task [dreg:s7], $0x5FFFF  }
0xac: {  	[dreg:$0x1] =	wrdreg $0xFFFFFFFF  }
0xad: {  	[dreg:$0x0] =	wrdreg $0x60  }
0xae: {  	[dreg:$0x2] =	wrdreg s2  }
0xaf: {  	[dreg:$0x3] =	wrdreg s24  }
0xb0: {  	[dreg:$0x4] =	wrdreg $0xB  }
0xb1: {  	_ =	task.clear_ibuf [dreg:s7], $0x5FFFF;
	_ =	strace $0x90000046  }
0xb2: {  	s29 =	simm.s32 $0xB;
	_ =	strace $0x80000048  }
0xb3: {  	_ =	swait.ge [sflag:s29], $0x1  }
0xb4: {  	[sflag:s29] =	ssyncadd.s32 $0xFFFFFFFF  }
0xb5: {  	_ =	strace $0x90000048  }
0xb6: {  	_ =	sfence  }
0xb7: {  	s30 =	sld [smem:$0x0];
	_ =	sdelay $0x2  }
0xb8: {  	s31 =	sshll.u32 s1, $0xD;
	s1 =	sshrl.u32 s1, $0x2  }
0xb9: {  	s3 =	sand.u32 $0x4000, s31;
	s1 =	sadd.s32 s1, s30  }
0xba: {  	s0 =	sor.u32 s3, s0;
	s1 =	sshll.u32 s1, $0x11  }
0xbb: {  	s0 =	sor.u32 s1, s0  }
0xbc: {  	s0 =	sadd.s32 $0x8F2B, s0  }
0xbd: {  	[sflag:s0] =	ssyncadd.remote.s32 $0x1  }
0xbe: {  	_ =	sfence.sel $0xFFFF  }
0xbf: {  	[dreg:$0x0] =	wrdreg $0xFFFFFFFF;
	(pc) =	sbr.abs _section_cstart, $3  }
0xc0: {  	[dreg:$0x1] =	wrdreg $0xFFFFFFFF  }
0xc1: {  	_ =	task.clear_ibuf [dreg:s7], $0x2FFFF;
	_ =	strace $0x9FFFFFFF  }
0xc2: {  	(tm) =	ssettm $0x7FFFFFFF  }
0xc3: {  	_ =	shalt  }
tec
execute0_lowered:
.L_overlay_start_1:
0x0: {  	(tag) =	ssettag $0x1  }
0x1: {  	s0 =	srdreg.scid  }
0x2: {  	s1 =	sshll.u32 s0, $0x4  }
0x3: {  	s0 =	stileid.u32;
	s1 =	sand.u32 $0x10, s1  }
0x4: {  	s2 =	sor.u32 s0, s1  }
0x5: {  	s1 =	smin.u32 s2, $0x12  }
0x6: {  	s1 =	sadd.s32 s2, s1  }
0x7: {  	p0 =	slt.u32 s2, $0x12;
	s2 =	simm.s32 $0x280;
	s1 =	smul.u32 $0x140, s1  }
0x8: {  	s2 =	simm.s32 @!p0 $0x140  }
0x9: {  	s2 =	sadd.s32 s2, s1  }
0xa: {  	s3 =	smin.u32 s2, $0x3E80  }
0xb: {  	s7 =	ssub.s32 s3, s1  }
0xc: {  	p0 =	sgt.s32 s7, $0x0  }
0xd: {  	s7 =	simm.s32 @!p0 $0x0  }
0xe: {  	s4 =	rddreg [dreg:$0x0];
	s31 =	smul.u32 $0xCCCD, s7  }
0xf: {  	s9 =	rddreg [dreg:$0x1];
	s6 =	simm.s32 $0x1  }
0x10: {  	s11 =	simm.s32 $0x3;
	s13 =	simm.s32 $0x0;
	s8 =	sshrl.u32 s31, $0x18  }
0x11: {  	s12 =	simm.s32 $0x0;
	s5 =	sadd.s32 $0x2400, s9;
	s10 =	smul.u32 $0x140, s8  }
.Ltmp0:
0x12: {  	s9 =	sadd.s32 $0x2C00, s9;
	s2 =	rddreg [dreg:$0x2];
	(pc) =	sbr.rel .LBB2_1-.Ltmp0, $4  }
0x13: {  	_ =	strace $0x80000047;
	p0 =	sne.s32 s7, s10;
	s10 =	simm.s32 $0x1  }
0x14: {  	[sflag:s6] =	ssyncpa.u1 $0x0;
	s7 =	simm.s32 $0x2;
	s10 =	simm.s32 @!p0 $0x0  }
0x15: {  	[sflag:s7] =	ssyncpa.u1 $0x0;
	p0 =	por $0x0, $0x0;
	s8 =	sadd.s32 s8, s10  }
0x16: {  	vm0 =	vmmov $0xff;
	vm1 =	vcmask $0x3F20;
	[sflag:s11] =	ssyncpa.u1 $0x0;
	s11 =	smov.u32 s1;
	s10 =	sadd.s32 $0x1, s8  }
.LBB2_6:
0x17: {  	[hbm:s17] =	stream.linear.scatter [tilespmem:s14], [sflag:$0x3], $0x400, $0x38;
	[tilespmem:$0x14280] =	vst v63  }
.LBB2_7:
0x18: {  	s13 =	sadd.s32 $0x140, s11  }
0x19: {  	s15 =	smov.u32 s1;
	p2 =	slt.s32 s13, s3  }
0x1a: {  	s15 =	smov.u32 @p2 s13;
	p2 =	sne.s32 s12, s10  }
.Ltmp1:
0x1b: {  	p1 =	slt.u32 s12, $0x2;
	(pc) =	sbr.rel @!p2 .LBB2_8-.Ltmp1, $4  }
0x1c: {  	s14 =	simm.s32 @!p1 $0x3  }
0x1d: {  	s16 =	sadd.s32 $0x1, s12;
	_ =	swait.ge @!p1 [sflag:s14], $0xA000  }
0x1e: {  	p0 =	por !p0, !p0;
	s13 =	smov.u32 s11;
	[sflag:s14] =	ssyncset.done @!p1 $0x0  }
0x1f: {  	s12 =	smov.u32 s16;
	s11 =	smov.u32 s15;
	[sflag:s14] =	ssyncadd.s32 @!p1 $0xFFFF6000  }
.LBB2_1:
0x20: {  	p1 =	sge.u32 s12, s8  }
0x21: {  	s14 =	sxor.u32 @!p1 $0xFFFFFFFF, s12  }
0x22: {  	s14 =	sand.u32 @!p1 $0x1, s14  }
0x23: {  	s14 =	smul.u32 @!p1 $0x500, s14  }
0x24: {  	s31 =	sadd.s32 $0xFFFFFFFF, s12;
	s15 =	sshrl.u32 @!p1 s11, $0x3  }
0x25: {  	s16 =	sand.u32 @!p1 $0x7, s11;
	s15 =	sadd.s32 @!p1 s5, s15;
	s14 =	sshrl.u32 @!p1 s14, $0x2  }
0x26: {  	[tilespmem:s14], [sflag:$0x2] =	stream.linear.gather @!p1 [hbm4b:s15+s16], $0x140, $0x38;
	[tilespmem:$0x14280] =	vst v63  }
0x27: {  	p1 =	sge.u32 s31, s8  }
.Ltmp2:
0x28: {  	_ = 	snop;
	(pc) =	sbr.rel @p1 .LBB2_7-.Ltmp2, $1  }
0x29: {  	_ =	sdelay $0x3  }
0x2a: {  	s14 =	simm.s32 $0x1  }
0x2b: {  	s14 =	simm.s32 @!p0 $0x0  }
0x2c: {  	s15 =	smul.u32 $0x500, s14  }
0x2d: {  	_ =	swait.ge [sflag:s7], $0x140  }
0x2e: {  	[sflag:s7] =	ssyncset.done $0x0;
	s16 =	sshrl.u32 s15, $0x2  }
0x2f: {  	[sflag:s7] =	ssyncadd.s32 $0xFFFFFEC0;
	s15 =	sadd.s32 $0x0, s16  }
0x30: {  	v0 =	vld.msk [tilespmem:s15+$0x0 ss:$0x1], $0xffff;
	_ =	sdelay $0x4  }
0x31: {  	vm2 =	vgt.s32 v0, $0x0  }
0x32: {  	v0 =	vnsel vm2, $0x0, v0  }
0x33: {  	v0 =	vmin.u32 v0, $0x270F  }
0x34: {  	v0 =	vshll.u32 v0, $0x4  }
0x35: {  	s14 =	smul.u32 $0x28000, s14;
	_ =	sdelay $0x1  }
0x36: {  	s14 =	sshrl.u32 s14, $0x2  }
0x37: {  	s14 =	sor.u32 $0x280, s14  }
0x38: {  	[tilespmem:s14], [sflag:$0x1] =	stream.indirect_vreg.gather [hbm:s4], $0x80, v0, vm0, $0x38;
	[tilespmem:$0x14280] =	vst v63  }
0x39: {  	s17 =	sadd.s32 $0x10, s16;
	s15 =	sadd.s32 $0x400, s14  }
0x3a: {  	[tilespmem:s15], [sflag:$0x1] =	stream.indirect_vreg.gather [hbm:s4], $0x80, v0, vm1, $0x38;
	[tilespmem:$0x14280] =	vst v63  }
0x3b: {  	s18 =	simm.s32 $0x80;
	v0 =	vld.msk [tilespmem:s17+$0x0 ss:$0x1], $0xffff;
	s17 =	smov.u32 s14  }
.LBB2_3:
0x3c: {  	p1 =	sne.s32 s18, $0x4C0;
	_ =	sdelay $0x4  }
0x3d: {  	vm2 =	vgt.s32 v0, $0x0  }
0x3e: {  	v0 =	vnsel vm2, $0x0, v0  }
0x3f: {  	v0 =	vmin.u32 v0, $0x270F  }
0x40: {  	v0 =	vshll.u32 v0, $0x4;
	_ =	sdelay $0x3  }
.Ltmp3:
0x41: {  	s19 =	sshra.s32 s18, $0x2;
	s17 =	sadd.s32 $0x800, s17;
	(pc) =	sbr.rel @p1 .LBB2_3-.Ltmp3, $4  }
0x42: {  	[tilespmem:s17], [sflag:$0x1] =	stream.indirect_vreg.gather [hbm:s4], $0x80, v0, vm0, $0x38;
	[tilespmem:$0x14280] =	vst v63  }
0x43: {  	s19 =	sadd.s32 s19, s16;
	s20 =	sadd.s32 $0x400, s17  }
0x44: {  	[tilespmem:s20], [sflag:$0x1] =	stream.indirect_vreg.gather [hbm:s4], $0x80, v0, vm1, $0x38;
	[tilespmem:$0x14280] =	vst v63  }
0x45: {  	s18 =	sadd.s32 $0x40, s18;
	v0 =	vld.msk [tilespmem:s19+$0x0 ss:$0x1], $0xffff  }
0x46: {  	_ =	sdelay $0x3  }
0x47: {  	vm2 =	vgt.s32 v0, $0x0  }
0x48: {  	v0 =	vnsel vm2, $0x0, v0  }
0x49: {  	v0 =	vmin.u32 v0, $0x270F  }
0x4a: {  	v0 =	vshll.u32 v0, $0x4;
	_ =	sdelay $0x3  }
0x4b: {  	s16 =	sadd.s32 $0x800, s17  }
0x4c: {  	[tilespmem:s16], [sflag:$0x1] =	stream.indirect_vreg.gather [hbm:s4], $0x80, v0, vm0, $0x38;
	[tilespmem:$0x14280] =	vst v63  }
0x4d: {  	s16 =	sadd.s32 $0x400, s16  }
0x4e: {  	[tilespmem:s16], [sflag:$0x1] =	stream.indirect_vreg.gather [hbm:s4], $0x80, v0, vm1, $0x38;
	[tilespmem:$0x14280] =	vst v63  }
0x4f: {  	s13 =	sshll.u32 s13, $0x4;
	_ =	swait.ge [sflag:s6], $0xA000  }
0x50: {  	s13 =	sadd.s32 s13, s9;
	[sflag:s6] =	ssyncset.done $0x0  }
0x51: {  	s17 =	sadd.s32 $0x0, s13;
	s16 =	simm.s32 $0x80;
	[sflag:s6] =	ssyncadd.s32 $0xFFFF6000  }
.LBB2_5:
0x52: {  	[hbm:s17] =	stream.linear.scatter [tilespmem:s14], [sflag:$0x3], $0x400, $0x38;
	[tilespmem:$0x14280] =	vst v63  }
0x53: {  	s17 =	smov.u32 s16;
	s14 =	smov.u32 s15;
	p1 =	sne.s32 s16, $0x1380  }
.Ltmp4:
0x54: {  	s16 =	sadd.s32 $0x80, s16;
	(pc) =	sbr.rel @p1 .LBB2_5-.Ltmp4, $2  }
0x55: {  	_ =	sdelay $0x2  }
0x56: {  	s15 =	sadd.s32 $0x400, s15;
	s17 =	sadd.s32 s17, s13  }
.Ltmp5:
0x57: {  	_ = 	snop;
	(pc) =	sbr.rel .LBB2_6-.Ltmp5, $1  }
0x58: {  	_ =	sdelay $0x3  }
.LBB2_8:
0x59: {  	_ =	sfence.sel $0x180000  }
0x5a: {  	s1 =	simm.s32 $0x2;
	[bflag:$0x0] =	sbarrier.arrive $0xFFFF  }
0x5b: {  	s30 =	simm.s32 $0x3;
	[sflag:s1] =	ssyncpa.u1 $0x1  }
0x5c: {  	s31 =	simm.s32 $0x1;
	[sflag:s30] =	ssyncpa.u1 $0x1  }
0x5d: {  	[sflag:s31] =	ssyncpa.u1 $0x1  }
0x5e: {  	p0 =	sne.s32 s0, $0x0;
	_ =	strace $0x90000047  }
0x5f: {  	s0 =	sadd.s32 @!p0 $0x100000, s2;
	[bflag:$0x2] =	sbarrier.arrive $0xFFFF  }
0x60: {  	[sflag:s0] =	ssyncadd.tile.s32 @!p0 $0x1;
	_ =	shalt  }
.Lfunc_end2:
_tile_overlayer_lowered:
.L_overlay_start_2:
0x61: {  	(tag) =	ssettag $0x2  }
0x62: {  	s0 =	rddreg [dreg:$0x0];
	s2 =	stileid.u32  }
0x63: {  	s1 =	rddreg [dreg:$0x1];
	p0 =	sne.s32 s2, $0x0  }
0x64: {  	s3 =	rddreg [dreg:$0x2];
	[bflag:$0x3] =	sbarrier.arrive $0xFFFF;
	s2 =	simm.s32 @!p0 $0x1C01  }
0x65: {  	[timem:s3], [sflag:s2] =	dma.local @!p0 [hbm:s0], s1  }
0x66: {  	s0 =	simm.s32 @!p0 $0x1  }
0x67: {  	_ =	swait.ge @!p0 [sflag:s0], s1  }
0x68: {  	s1 =	ssub.s32 @!p0 $0x0, s1;
	[sflag:s0] =	ssyncset.done @!p0 $0x0  }
0x69: {  	[sflag:s0] =	ssyncadd.s32 @!p0 s1  }
0x6a: {  	[bflag:$0x3] =	sbarrier.arrive $0xFFFF  }
0x6b: {  	_ =	shalt  }

// kernel: kernel.10.cloned.1.call-start
scs
__scs_entry_jumppad:
0x0: {  	(pc) =	sbr.rel $0x88, $3  }
0x1: {  	(tag) =	ssettag $0x0;
	lr =	simm.s32 $0x1  }
0x2: {  	[smem:$0x3F88] =	sst lr;
	_ =	strace $0xD0000000  }
0x3: {  	_ = 	snop  }
0x4: {  	_ = 	snop  }
0x5: {  	_ = 	snop  }
0x6: {  	_ = 	snop  }
0x7: {  	_ = 	snop  }
__scs_overlays_trampoline_lowered:
0x8: {  	[smem:$0x3F97] =	sst s0  }
0x9: {  	[smem:$0x3F98] =	sst s1  }
0xa: {  	[smem:$0x3F99] =	sst s2  }
0xb: {  	[smem:$0x3F9A] =	sst s3  }
0xc: {  	[smem:$0x3F9B] =	sst s4  }
0xd: {  	[smem:$0x3F9C] =	sst s5  }
0xe: {  	[smem:$0x3F9D] =	sst s6  }
0xf: {  	[smem:$0x3F9E] =	sst s7  }
0x10: {  	[smem:$0x3F9F] =	sst s8  }
0x11: {  	[smem:$0x3FA0] =	sst s9;
	s0 =	simm.s32 @!p0 $0x0  }
0x12: {  	s1 =	sld [smem:$0x3F86];
	s0 =	simm.s32 @p0 $0x1  }
0x13: {  	[smem:$0x3FA1] =	sst s0;
	s0 =	simm.s32 @!p1 $0x0  }
0x14: {  	s2 =	sld [smem:$0x3F85];
	s0 =	simm.s32 @p1 $0x1  }
0x15: {  	[smem:$0x3FA2] =	sst s0;
	s0 =	simm.s32 @!p2 $0x0  }
0x16: {  	s3 =	sld [smem:$0x3FDB];
	s0 =	simm.s32 @p2 $0x1  }
0x17: {  	s4 =	simm.s32 $0x1BF5;
	[smem:$0x3FA4] =	sst s0  }
0x18: {  	s0 =	sld [smem:$0x3F87];
	_ =	swait.ge [sflag:s4], $0x0  }
0x19: {  	s7 =	sld [smem:$0x3F88]  }
0x1a: {  	s8 =	sadd.s32 $0xFFFFE003, lr  }
0x1b: {  	s9 =	sadd.s32 $0xFFFFFEF7, lr;
	s5 =	simm.s32 $0xFFFFFFFF;
	p2 =	slt.u32 s8, $0xFFFFF086  }
0x1c: {  	p1 =	slt.u32 s9, $0xF7A;
	s5 =	simm.s32 @!p2 $0x0  }
0x1d: {  	s5 =	simm.s32 @p1 $0x1;
	p0 =	seq.s32 s7, s2  }
0x1e: {  	s7 =	smul.u32 @!p0 $0xF7A, s2;
	p2 =	seq.s32 @!p0 s5, $0x0  }
0x1f: {  	s9 =	smul.u32 $0xF7A, s1;
	s8 =	simm.s32 @!p0 $0x1BF5;
	p2 =	por !p2, p0  }
0x20: {  	[sflag:s8] =	ssyncset.s32 @!p0 $0xFFFFF086;
	s6 =	sadd.s32 @!p0 s3, s7;
	s7 =	simm.s32 @!p0 $0x108  }
0x21: {  	s3 =	sadd.s32 s3, s9;
	s6 =	sadd.s32 @!p0 $0x88, s6;
	s7 =	simm.s32 @p2 $0x1082  }
0x22: {  	[simem:s7], [sflag:s8] =	dma.local @!p0 [hbm:s6], $0xF7A  }
0x23: {  	s9 =	sor.u32 $0xD0000000, s2;
	s6 =	simm.s32 $0x108;
	_ =	swait.ge @!p0 [sflag:s8], $0x0  }
0x24: {  	s3 =	sadd.s32 $0x88, s3;
	s6 =	simm.s32 @!p1 $0x1082;
	[sflag:s4] =	ssyncset.s32 $0xFFFFF086  }
0x25: {  	[simem:s6], [sflag:s4] =	dma.local [hbm:s3], $0xF7A  }
0x26: {  	[smem:$0x3F88] =	sst s1;
	(tag) =	ssettag s2;
	_ =	strace s9  }
0x27: {  	s1 =	sld [smem:$0x3F98]  }
0x28: {  	s2 =	sld [smem:$0x3F99]  }
0x29: {  	s4 =	sld [smem:$0x3F9B]  }
0x2a: {  	p0 =	seq.s32 s5, $0x0;
	s5 =	sld [smem:$0x3F9C]  }
0x2b: {  	s6 =	sld [smem:$0x3F9D]  }
0x2c: {  	s7 =	sld [smem:$0x3F9E]  }
0x2d: {  	s3 =	simm.s32 $0x108;
	s8 =	sld [smem:$0x3F9F]  }
0x2e: {  	s3 =	simm.s32 @!p0 $0x1082;
	s9 =	sld [smem:$0x3FA0]  }
0x2f: {  	lr =	sadd.s32 s0, s3;
	s0 =	sld [smem:$0x3F97]  }
0x30: {  	s3 =	sld [smem:$0x3F9A]  }
0x31: {  	[smem:$0x3FA3] =	sst s10  }
0x32: {  	s10 =	sld [smem:$0x3FA1];
	_ =	sdelay $0x3  }
0x33: {  	p0 =	seq.s32 s10, $0x1;
	s10 =	sld [smem:$0x3FA3];
	_ =	sdelay $0x3  }
0x34: {  	[smem:$0x3FA3] =	sst s10  }
0x35: {  	s10 =	sld [smem:$0x3FA2];
	_ =	sdelay $0x3  }
0x36: {  	p1 =	seq.s32 s10, $0x1;
	s10 =	sld [smem:$0x3FA3];
	_ =	sdelay $0x3  }
0x37: {  	[smem:$0x3FA3] =	sst s10  }
0x38: {  	s10 =	sld [smem:$0x3FA4]  }
0x39: {  	_ = 	snop;
	(pc) =	sbr.ind lr, $3  }
0x3a: {  	_ = 	snop  }
0x3b: {  	_ = 	snop  }
0x3c: {  	p2 =	seq.s32 s10, $0x1;
	s10 =	sld [smem:$0x3FA3]  }
0x3d: {  	_ =	shalt  }
0x3e: {  	_ =	shalt  }
0x3f: {  	_ =	shalt  }
0x40: {  	_ =	shalt  }
0x41: {  	_ =	shalt  }
0x42: {  	_ =	shalt  }
0x43: {  	_ =	shalt  }
0x44: {  	_ =	shalt  }
0x45: {  	_ =	shalt  }
0x46: {  	_ =	shalt  }
0x47: {  	_ =	shalt  }
0x48: {  	_ =	shalt  }
0x49: {  	_ =	shalt  }
0x4a: {  	_ =	shalt  }
0x4b: {  	_ =	shalt  }
0x4c: {  	_ =	shalt  }
0x4d: {  	_ =	shalt  }
0x4e: {  	_ =	shalt  }
0x4f: {  	_ =	shalt  }
0x50: {  	_ =	shalt  }
0x51: {  	_ =	shalt  }
0x52: {  	_ =	shalt  }
0x53: {  	_ =	shalt  }
0x54: {  	_ =	shalt  }
0x55: {  	_ =	shalt  }
0x56: {  	_ =	shalt  }
0x57: {  	_ =	shalt  }
0x58: {  	_ =	shalt  }
0x59: {  	_ =	shalt  }
0x5a: {  	_ =	shalt  }
0x5b: {  	_ =	shalt  }
0x5c: {  	_ =	shalt  }
0x5d: {  	_ =	shalt  }
0x5e: {  	_ =	shalt  }
0x5f: {  	_ =	shalt  }
0x60: {  	_ =	shalt  }
0x61: {  	_ =	shalt  }
0x62: {  	_ =	shalt  }
0x63: {  	_ =	shalt  }
0x64: {  	_ =	shalt  }
0x65: {  	_ =	shalt  }
0x66: {  	_ =	shalt  }
0x67: {  	_ =	shalt  }
0x68: {  	_ =	shalt  }
0x69: {  	_ =	shalt  }
0x6a: {  	_ =	shalt  }
0x6b: {  	_ =	shalt  }
0x6c: {  	_ =	shalt  }
0x6d: {  	_ =	shalt  }
0x6e: {  	_ =	shalt  }
0x6f: {  	_ =	shalt  }
0x70: {  	_ =	shalt  }
0x71: {  	_ =	shalt  }
0x72: {  	_ =	shalt  }
0x73: {  	_ =	shalt  }
0x74: {  	_ =	shalt  }
0x75: {  	_ =	shalt  }
0x76: {  	_ =	shalt  }
0x77: {  	_ =	shalt  }
0x78: {  	_ =	shalt  }
0x79: {  	_ =	shalt  }
0x7a: {  	_ =	shalt  }
0x7b: {  	_ =	shalt  }
0x7c: {  	_ =	shalt  }
0x7d: {  	_ =	shalt  }
0x7e: {  	_ =	shalt  }
0x7f: {  	_ =	shalt  }
0x80: {  	_ =	shalt  }
0x81: {  	_ =	shalt  }
0x82: {  	_ =	shalt  }
0x83: {  	_ =	shalt  }
0x84: {  	_ =	shalt  }
0x85: {  	_ =	shalt  }
0x86: {  	_ =	shalt  }
0x87: {  	_ =	shalt  }
.Lfunc_end0:
.L_simem_size_0:
called_computation.2_lowered:
.L_overlay_start_0:
0x88: {  	s2 =	sld [smem:$0x3FD9]  }
0x89: {  	s3 =	sld [smem:$0x3FFE];
	_ =	sdelay $0x1  }
0x8a: {  	s1 =	srdreg.scid  }
0x8b: {  	s0 =	sand.u32 $0x1, s1  }
0x8c: {  	s17 =	sshll.u32 s0, $0xA;
	s2 =	sadd.s32 s3, s2  }
0x8d: {  	s2 =	sadd.s32 s2, s17  }
0x8e: {  	[smem:$0x3FAF] =	sst s2  }
0x8f: {  	_ = 	snop  }
0x90: {  	(tm) =	ssettm $0x1  }
0x91: {  	s18 =	sld [smem:$0x3FFB];
	_ =	sdelay $0x3  }
0x92: {  	_ =	strace s18  }
0x93: {  	s2 =	sld [smem:$0x3FFC];
	_ =	sdelay $0x3  }
0x94: {  	_ =	strace s2  }
0x95: {  	s2 =	sld [smem:$0x3FFD];
	_ =	sdelay $0x3  }
0x96: {  	_ =	strace s2  }
0x97: {  	_ =	strace $0x8FFFFFFF  }
0x98: {  	s19 =	sld [smem:$0x3FDB];
	_ =	sdelay $0x1  }
0x99: {  	s20 =	simm.s32 $_scs_section_size  }
0x9a: {  	s4 =	simm.s32 $_size__tile_overlayer_lowered;
	s5 =	simm.s32 $_tile_overlayer_lowered  }
0x9b: {  	s6 =	simm.s32 $0x1BFF;
	s21 =	sshll.u32 s5, $0x1;
	s3 =	sadd.s32 s20, s19  }
0x9c: {  	s22 =	simm.s32 $0x0;
	s4 =	sshll.u32 s4, $0x1;
	s5 =	sadd.s32 s21, s3  }
0x9d: {  	[timem:s22], [sflag:s6] =	dma.local [hbm:s5], s4  }
0x9e: {  	_ =	swait.ge [sflag:s6], s4  }
0x9f: {  	s4 =	ssub.s32 $0x0, s4;
	[sflag:s6] =	ssyncset.done $0x0  }
0xa0: {  	[sflag:s6] =	ssyncadd.s32 s4;
	_ =	sdelay $0x1  }
0xa1: {  	s23 =	simm.s32 $0x1B8B  }
0xa2: {  	_ =	swait.ge [sflag:s23], $0x1  }
0xa3: {  	[sflag:s23] =	ssyncset.done $0x0  }
0xa4: {  	[sflag:s23] =	ssyncadd.s32 $0xFFFFFFFF  }
0xa5: {  	s4 =	sld [smem:$0x0]  }
0xa6: {  	s5 =	sand.u32 $0xFFFFFFFE, s1  }
0xa7: {  	p0 =	sne.s32 s1, s5  }
0xa8: {  	s5 =	sshll.u32 @p0 s5, $0xE  }
0xa9: {  	s5 =	sadd.s32 @p0 $0x11B8D, s5;
	s6 =	sshll.u32 @p0 s4, $0x11  }
0xaa: {  	s5 =	sor.u32 @p0 s6, s5  }
0xab: {  	[sflag:s5] =	ssyncadd.remote.s32 @p0 $0x1;
	_ =	sdelay $0x1  }
0xac: {  	s5 =	simm.s32 @p0 $0x1B8D  }
0xad: {  	_ =	swait.eq @p0 [sflag:s5], $0x1  }
0xae: {  	[sflag:s5] =	ssyncadd.s32 @p0 $0xFFFFFFFF  }
0xaf: {  	s6 =	sshll.u32 @!p0 s1, $0xE  }
0xb0: {  	s6 =	sor.u32 @!p0 $0x4000, s6;
	s5 =	simm.s32 @!p0 $0x1B8D  }
0xb1: {  	s4 =	sshll.u32 @!p0 s4, $0x11;
	s6 =	sadd.s32 @!p0 $0x11B8D, s6;
	_ =	swait.eq @!p0 [sflag:s5], $0x1  }
0xb2: {  	s4 =	sor.u32 @!p0 s4, s6;
	[sflag:s5] =	ssyncadd.s32 @!p0 $0xFFFFFFFF  }
0xb3: {  	s25 =	simm.s32 $0x1B8E;
	s24 =	sld [smem:$0x3FFE];
	[sflag:s4] =	ssyncadd.remote.s32 @!p0 $0x1  }
0xb4: {  	s26 =	simm.s32 $execute0_lowered;
	[smem:$0x3FD2] =	sst s25  }
0xb5: {  	s5 =	sshll.u32 s26, $0x1;
	_ =	strace $0x80000049;
	[dreg:$0x1] =	wrdreg $0xFFFFFFFF  }
0xb6: {  	s28 =	simm.s32 $_size_execute0_lowered;
	s3 =	sadd.s32 s3, s5;
	[dreg:$0x0] =	wrdreg $0x0  }
0xb7: {  	s5 =	sshll.u32 s28, $0x1;
	[dreg:$0x2] =	wrdreg s3  }
0xb8: {  	[dreg:$0x3] =	wrdreg s5  }
0xb9: {  	[dreg:$0x4] =	wrdreg $0xC0  }
0xba: {  	_ =	task [dreg:s22], $0x5FFFF  }
0xbb: {  	[dreg:$0x1] =	wrdreg $0xFFFFFFFF  }
0xbc: {  	[dreg:$0x0] =	wrdreg $0x60  }
0xbd: {  	[dreg:$0x2] =	wrdreg s24  }
0xbe: {  	[dreg:$0x3] =	wrdreg $0x51000  }
0xbf: {  	[dreg:$0x4] =	wrdreg $0xA  }
0xc0: {  	_ =	task.clear_ibuf [dreg:s22], $0x5FFFF;
	_ =	strace $0x90000049  }
0xc1: {  	s29 =	simm.s32 $0xA;
	_ =	strace $0x8000004B  }
0xc2: {  	_ =	swait.ge [sflag:s29], $0x1  }
0xc3: {  	[sflag:s29] =	ssyncadd.s32 $0xFFFFFFFF  }
0xc4: {  	_ =	strace $0x9000004B  }
0xc5: {  	_ =	sfence  }
0xc6: {  	s30 =	sld [smem:$0x0];
	_ =	sdelay $0x2  }
0xc7: {  	s31 =	sshll.u32 s1, $0xD;
	s1 =	sshrl.u32 s1, $0x2  }
0xc8: {  	s4 =	sand.u32 $0x4000, s31;
	s1 =	sadd.s32 s1, s30  }
0xc9: {  	s0 =	sor.u32 s4, s0;
	s1 =	sshll.u32 s1, $0x11  }
0xca: {  	s0 =	sor.u32 s1, s0  }
0xcb: {  	s0 =	sadd.s32 $0x8F2B, s0  }
0xcc: {  	[sflag:s0] =	ssyncadd.remote.s32 $0x1  }
0xcd: {  	_ =	sfence.sel $0xFFFF  }
0xce: {  	[dreg:$0x0] =	wrdreg $0xFFFFFFFF;
	(pc) =	sbr.abs _section_cstart, $3  }
0xcf: {  	[dreg:$0x1] =	wrdreg $0xFFFFFFFF  }
0xd0: {  	_ =	task.clear_ibuf [dreg:s22], $0x2FFFF;
	_ =	strace $0x9FFFFFFF  }
0xd1: {  	(tm) =	ssettm $0x7FFFFFFF  }
tec
execute0_lowered:
.L_overlay_start_1:
0x0: {  	(tag) =	ssettag $0x1  }
0x1: {  	s4 =	rddreg [dreg:$0x0]  }
0x2: {  	s2 =	rddreg [dreg:$0x1]  }
0x3: {  	s0 =	srdreg.scid;
	s1 =	rddreg [dreg:$0x2];
	s3 =	simm.s32 $0x0  }
0x4: {  	s15 =	simm.s32 $0x2880;
	s5 =	sand.u32 $0x1, s0;
	s0 =	stileid.u32  }
0x5: {  	s16 =	simm.s32 $0x50;
	[smem:$0x7FF] =	sst s3;
	s6 =	smul.u32 $0x28000, s5  }
0x6: {  	s17 =	simm.s32 $0x5080;
	s7 =	smul.u32 $0x2800, s0;
	_ =	strace $0x8000004A  }
0x7: {  	s29 =	smul.u32 $0x500, s5;
	s5 =	ssub.s32 $0x2, s5;
	s30 =	sshll.u32 s0, $0xA  }
0x8: {  	s19 =	sshll.u32 s0, $0x7;
	p0 =	sgt.u32 s0, $0x9;
	s31 =	sshrl.u32 s5, $0x1  }
0x9: {  	s20 =	sshll.u32 @!p0 s0, $0x6;
	s6 =	sadd.s32 s7, s6;
	s13 =	sadd.s32 s29, s4  }
0xa: {  	s14 =	ssub.s32 s5, s31;
	s6 =	sshrl.u32 s6, $0x3;
	s18 =	sadd.s32 $0x4B400, s13  }
0xb: {  	s13 =	smax.u32 s14, $0x1;
	s14 =	simm.s32 $0x1;
	s12 =	sadd.s32 s6, s4  }
0xc: {  	s4 =	sadd.s32 s30, s2;
	s18 =	sadd.s32 @!p0 s19, s18;
	s19 =	sor.u32 @!p0 $0x1C01, s20  }
0xd: {  	v0 =	vlaneseq.u32;
	s5 =	sadd.s32 $0x80, s4;
	s6 =	sadd.s32 $0x100, s4;
	s7 =	sadd.s32 $0x180, s4  }
0xe: {  	v1 =	vimm.f32 $0.0e+00;
	v6 =	vimm.f32 $1.000000000e+00;
	v2 =	vor.u32 $0x10, v0;
	s8 =	sadd.s32 $0x200, s4;
	s9 =	sadd.s32 $0x280, s4;
	s10 =	sadd.s32 $0x300, s4  }
0xf: {  	v3 =	vor.u32 $0x20, v0;
	v4 =	vor.u32 $0x30, v0;
	v5 =	vor.u32 $0x40, v0;
	s11 =	sadd.s32 $0x380, s4;
	s12 =	sadd.s32 $0x41400, s12;
	s20 =	sshrl.u32 @!p0 s4, $0x3  }
.LBB2_1:
0x10: {  	s21 =	simm.s32 $0x0  }
0x11: {  	[tilespmem:s21+$0x2880] =	vst v1  }
0x12: {  	[tilespmem:$0x2800] =	vst v1  }
0x13: {  	[tilespmem:s21+$0x2890] =	vst v1  }
0x14: {  	[tilespmem:$0x2810] =	vst v1  }
0x15: {  	[tilespmem:s21+$0x28A0] =	vst v1  }
0x16: {  	[tilespmem:$0x2820] =	vst v1  }
0x17: {  	[tilespmem:s21+$0x28B0] =	vst v1  }
0x18: {  	[tilespmem:$0x2830] =	vst v1  }
0x19: {  	[tilespmem:s21+$0x28C0] =	vst v1  }
0x1a: {  	[tilespmem:$0x2840] =	vst v1  }
0x1b: {  	[tilespmem:s21+$0x28D0] =	vst v1  }
0x1c: {  	[tilespmem:$0x2850] =	vst v1  }
0x1d: {  	[tilespmem:s21+$0x28E0] =	vst v1  }
0x1e: {  	[tilespmem:$0x2860] =	vst v1  }
0x1f: {  	[tilespmem:s21+$0x28F0] =	vst v1;
	s21 =	simm.s32 $0x200  }
.LBB2_2:
0x20: {  	s22 =	sshra.s32 s21, $0x2;
	p1 =	sne.s32 s21, $0x9E00;
	[tilespmem:$0x2870] =	vst v1  }
0x21: {  	[tilespmem:s22+$0x2880] =	vst v1  }
0x22: {  	[tilespmem:$0x2800] =	vst v1  }
0x23: {  	[tilespmem:s22+$0x2890] =	vst v1  }
0x24: {  	[tilespmem:$0x2810] =	vst v1  }
0x25: {  	[tilespmem:s22+$0x28A0] =	vst v1  }
0x26: {  	[tilespmem:$0x2820] =	vst v1  }
0x27: {  	[tilespmem:s22+$0x28B0] =	vst v1  }
0x28: {  	[tilespmem:$0x2830] =	vst v1  }
0x29: {  	[tilespmem:s22+$0x28C0] =	vst v1  }
0x2a: {  	[tilespmem:$0x2840] =	vst v1  }
.Ltmp0:
0x2b: {  	[tilespmem:s22+$0x28D0] =	vst v1;
	(pc) =	sbr.rel @p1 .LBB2_2-.Ltmp0, $4  }
0x2c: {  	[tilespmem:$0x2850] =	vst v1  }
0x2d: {  	[tilespmem:s22+$0x28E0] =	vst v1  }
0x2e: {  	[tilespmem:$0x2860] =	vst v1  }
0x2f: {  	s21 =	sadd.s32 $0x200, s21;
	[tilespmem:s22+$0x28F0] =	vst v1  }
0x30: {  	[tilespmem:$0x2870] =	vst v1  }
0x31: {  	[tilespmem:$0x5080] =	vst v0  }
0x32: {  	[tilespmem:$0x5090] =	vst v2  }
0x33: {  	[tilespmem:$0x50A0] =	vst v3  }
0x34: {  	[tilespmem:$0x50B0] =	vst v4  }
0x35: {  	[tilespmem:$0x50C0] =	vst v5;
	s21 =	simm.s32 @!p0 $0x2800;
	s22 =	simm.s32 @!p0 $0x1  }
0x36: {  	[spmem:s4] =	stream.linear.scatter @!p0 [tilespmem:s21], [sflag:$0x1], $0x80, $0x38;
	[tilespmem:$0x5380] =	vst v63  }
0x37: {  	_ =	swait.ge @!p0 [sflag:s22], $0x80  }
0x38: {  	[sflag:s22] =	ssyncset.done @!p0 $0x0  }
0x39: {  	[sflag:s22] =	ssyncadd.s32 @!p0 $0xFFFFFF80  }
0x3a: {  	[spmem:s5] =	stream.linear.scatter @!p0 [tilespmem:s21], [sflag:$0x1], $0x80, $0x38;
	[tilespmem:$0x5380] =	vst v63  }
0x3b: {  	_ =	swait.ge @!p0 [sflag:s22], $0x80  }
0x3c: {  	[sflag:s22] =	ssyncset.done @!p0 $0x0  }
0x3d: {  	[sflag:s22] =	ssyncadd.s32 @!p0 $0xFFFFFF80  }
0x3e: {  	[spmem:s6] =	stream.linear.scatter @!p0 [tilespmem:s21], [sflag:$0x1], $0x80, $0x38;
	[tilespmem:$0x5380] =	vst v63  }
0x3f: {  	_ =	swait.ge @!p0 [sflag:s22], $0x80  }
0x40: {  	[sflag:s22] =	ssyncset.done @!p0 $0x0  }
0x41: {  	[sflag:s22] =	ssyncadd.s32 @!p0 $0xFFFFFF80  }
0x42: {  	[spmem:s7] =	stream.linear.scatter @!p0 [tilespmem:s21], [sflag:$0x1], $0x80, $0x38;
	[tilespmem:$0x5380] =	vst v63  }
0x43: {  	_ =	swait.ge @!p0 [sflag:s22], $0x80  }
0x44: {  	[sflag:s22] =	ssyncset.done @!p0 $0x0  }
0x45: {  	[sflag:s22] =	ssyncadd.s32 @!p0 $0xFFFFFF80  }
0x46: {  	[spmem:s8] =	stream.linear.scatter @!p0 [tilespmem:s21], [sflag:$0x1], $0x80, $0x38;
	[tilespmem:$0x5380] =	vst v63  }
0x47: {  	_ =	swait.ge @!p0 [sflag:s22], $0x80  }
0x48: {  	[sflag:s22] =	ssyncset.done @!p0 $0x0  }
0x49: {  	[sflag:s22] =	ssyncadd.s32 @!p0 $0xFFFFFF80  }
0x4a: {  	[spmem:s9] =	stream.linear.scatter @!p0 [tilespmem:s21], [sflag:$0x1], $0x80, $0x38;
	[tilespmem:$0x5380] =	vst v63  }
0x4b: {  	_ =	swait.ge @!p0 [sflag:s22], $0x80  }
0x4c: {  	[sflag:s22] =	ssyncset.done @!p0 $0x0  }
0x4d: {  	[sflag:s22] =	ssyncadd.s32 @!p0 $0xFFFFFF80  }
0x4e: {  	[spmem:s10] =	stream.linear.scatter @!p0 [tilespmem:s21], [sflag:$0x1], $0x80, $0x38;
	[tilespmem:$0x5380] =	vst v63  }
0x4f: {  	_ =	swait.ge @!p0 [sflag:s22], $0x80  }
0x50: {  	[sflag:s22] =	ssyncset.done @!p0 $0x0  }
0x51: {  	[sflag:s22] =	ssyncadd.s32 @!p0 $0xFFFFFF80  }
0x52: {  	[spmem:s11] =	stream.linear.scatter @!p0 [tilespmem:s21], [sflag:$0x1], $0x80, $0x38;
	[tilespmem:$0x5380] =	vst v63  }
0x53: {  	_ =	swait.ge @!p0 [sflag:s22], $0x80  }
0x54: {  	[sflag:s22] =	ssyncset.done @!p0 $0x0  }
0x55: {  	s21 =	simm.s32 $0x0;
	[sflag:s22] =	ssyncadd.s32 @!p0 $0xFFFFFF80  }
0x56: {  	[tilespmem:s21], [sflag:$0x1] =	stream.linear.gather [hbm4b:s12+s21], $0x2800, $0x38;
	[tilespmem:$0x5380] =	vst v63  }
0x57: {  	_ =	swait.ge [sflag:s14], $0x2800  }
0x58: {  	[sflag:s14] =	ssyncset.done $0x0  }
0x59: {  	[sflag:s14] =	ssyncadd.s32 $0xFFFFD800  }
0x5a: {  	[bflag:$0x0] =	sbarrier.arrive $0xFFFF  }
.LBB2_4:
0x5b: {  	s22 =	sshra.s32 s21, $0x2  }
0x5c: {  	v7 =	vld [tilespmem:s22+$0x0];
	_ =	sdelay $0x4  }
0x5d: {  	v7 =	vshrl.u32 v7, $0xF;
	_ =	sdelay $0x4  }
0x5e: {  	[tilespmem:v7+s15+$0x0] =	vst.idx.add.f32.msk $0xffff, v6  }
0x5f: {  	v7 =	vld [tilespmem:s22+$0x10];
	_ =	sdelay $0x4  }
0x60: {  	v7 =	vshrl.u32 v7, $0xF;
	_ =	sdelay $0x4  }
0x61: {  	[tilespmem:v7+s15+$0x0] =	vst.idx.add.f32.msk $0xffff, v6  }
0x62: {  	v7 =	vld [tilespmem:s22+$0x20];
	_ =	sdelay $0x4  }
0x63: {  	v7 =	vshrl.u32 v7, $0xF;
	_ =	sdelay $0x4  }
0x64: {  	[tilespmem:v7+s15+$0x0] =	vst.idx.add.f32.msk $0xffff, v6  }
0x65: {  	v7 =	vld [tilespmem:s22+$0x30];
	_ =	sdelay $0x4  }
0x66: {  	v7 =	vshrl.u32 v7, $0xF;
	_ =	sdelay $0x4  }
0x67: {  	[tilespmem:v7+s15+$0x0] =	vst.idx.add.f32.msk $0xffff, v6  }
0x68: {  	v7 =	vld [tilespmem:s22+$0x40];
	_ =	sdelay $0x4  }
0x69: {  	v7 =	vshrl.u32 v7, $0xF;
	_ =	sdelay $0x4  }
0x6a: {  	[tilespmem:v7+s15+$0x0] =	vst.idx.add.f32.msk $0xffff, v6  }
0x6b: {  	v7 =	vld [tilespmem:s22+$0x50];
	_ =	sdelay $0x4  }
0x6c: {  	v7 =	vshrl.u32 v7, $0xF;
	_ =	sdelay $0x4  }
0x6d: {  	[tilespmem:v7+s15+$0x0] =	vst.idx.add.f32.msk $0xffff, v6  }
0x6e: {  	v7 =	vld [tilespmem:s22+$0x60];
	_ =	sdelay $0x4  }
0x6f: {  	v7 =	vshrl.u32 v7, $0xF;
	_ =	sdelay $0x4  }
0x70: {  	[tilespmem:v7+s15+$0x0] =	vst.idx.add.f32.msk $0xffff, v6  }
0x71: {  	v7 =	vld [tilespmem:s22+$0x70];
	_ =	sdelay $0x4  }
0x72: {  	p1 =	sne.s32 s21, $0x9E00;
	v7 =	vshrl.u32 v7, $0xF  }
.Ltmp1:
0x73: {  	_ = 	snop;
	(pc) =	sbr.rel @p1 .LBB2_4-.Ltmp1, $2  }
0x74: {  	_ =	sdelay $0x2  }
0x75: {  	s21 =	sadd.s32 $0x200, s21;
	[tilespmem:v7+s15+$0x0] =	vst.idx.add.f32.msk $0xffff, v6  }
0x76: {  	[spmem:s2] =	stream.indirect.scatter.add.f32 [tilespmem:s15], [sflag:$0x1], $0x80, s17, s16, $0xb8;
	[tilespmem:$0x5380] =	vst v63  }
0x77: {  	_ =	swait.ge [sflag:s14], $0x2800  }
0x78: {  	s3 =	sadd.s32 $0x1, s3;
	[sflag:s14] =	ssyncset.done $0x0  }
0x79: {  	p1 =	sne.s32 s3, s13;
	[sflag:s14] =	ssyncadd.s32 $0xFFFFD800  }
.Ltmp2:
0x7a: {  	s21 =	simm.s32 @!p0 $0x1;
	[bflag:$0x0] =	sbarrier.arrive $0xFFFF;
	(pc) =	sbr.rel @p1 .LBB2_1-.Ltmp2, $4  }
0x7b: {  	[hbm:s18], [sflag:s19] =	dma.local @!p0 [spmem:s20], $0x80  }
0x7c: {  	_ =	swait.ge @!p0 [sflag:s21], $0x80  }
0x7d: {  	[sflag:s21] =	ssyncset.done @!p0 $0x0  }
0x7e: {  	[sflag:s21] =	ssyncadd.s32 @!p0 $0xFFFFFF80  }
0x7f: {  	_ =	sfence.sel $0x180000  }
0x80: {  	[bflag:$0x0] =	sbarrier.arrive $0xFFFF  }
0x81: {  	p0 =	sne.s32 s0, $0x0;
	_ =	strace $0x9000004A  }
0x82: {  	s0 =	sadd.s32 @!p0 $0x100000, s1;
	[bflag:$0x2] =	sbarrier.arrive $0xFFFF  }
0x83: {  	[sflag:s0] =	ssyncadd.tile.s32 @!p0 $0x1;
	_ =	shalt  }
.Lfunc_end2:
_tile_overlayer_lowered:
.L_overlay_start_2:
0x84: {  	(tag) =	ssettag $0x2  }
0x85: {  	s0 =	rddreg [dreg:$0x0];
	s2 =	stileid.u32  }
0x86: {  	s1 =	rddreg [dreg:$0x1];
	p0 =	sne.s32 s2, $0x0  }
0x87: {  	s3 =	rddreg [dreg:$0x2];
	[bflag:$0x3] =	sbarrier.arrive $0xFFFF;
	s2 =	simm.s32 @!p0 $0x1C01  }
0x88: {  	[timem:s3], [sflag:s2] =	dma.local @!p0 [hbm:s0], s1  }
0x89: {  	s0 =	simm.s32 @!p0 $0x1  }
0x8a: {  	_ =	swait.ge @!p0 [sflag:s0], s1  }
0x8b: {  	s1 =	ssub.s32 @!p0 $0x0, s1;
	[sflag:s0] =	ssyncset.done @!p0 $0x0  }
0x8c: {  	[sflag:s0] =	ssyncadd.s32 @!p0 s1  }
0x8d: {  	[bflag:$0x3] =	sbarrier.arrive $0xFFFF  }
0x8e: {  	_ =	shalt  }

// kernel: kernel.13.cloned.1.call-start
scs
__scs_entry_jumppad:
0x0: {  	(pc) =	sbr.rel $0x88, $3  }
0x1: {  	(tag) =	ssettag $0x0;
	lr =	simm.s32 $0x1  }
0x2: {  	[smem:$0x3F88] =	sst lr;
	_ =	strace $0xD0000000  }
0x3: {  	_ = 	snop  }
0x4: {  	_ = 	snop  }
0x5: {  	_ = 	snop  }
0x6: {  	_ = 	snop  }
0x7: {  	_ = 	snop  }
__scs_overlays_trampoline_lowered:
0x8: {  	[smem:$0x3F97] =	sst s0  }
0x9: {  	[smem:$0x3F98] =	sst s1  }
0xa: {  	[smem:$0x3F99] =	sst s2  }
0xb: {  	[smem:$0x3F9A] =	sst s3  }
0xc: {  	[smem:$0x3F9B] =	sst s4  }
0xd: {  	[smem:$0x3F9C] =	sst s5  }
0xe: {  	[smem:$0x3F9D] =	sst s6  }
0xf: {  	[smem:$0x3F9E] =	sst s7  }
0x10: {  	[smem:$0x3F9F] =	sst s8  }
0x11: {  	[smem:$0x3FA0] =	sst s9;
	s0 =	simm.s32 @!p0 $0x0  }
0x12: {  	s1 =	sld [smem:$0x3F86];
	s0 =	simm.s32 @p0 $0x1  }
0x13: {  	[smem:$0x3FA1] =	sst s0;
	s0 =	simm.s32 @!p1 $0x0  }
0x14: {  	s2 =	sld [smem:$0x3F85];
	s0 =	simm.s32 @p1 $0x1  }
0x15: {  	[smem:$0x3FA2] =	sst s0;
	s0 =	simm.s32 @!p2 $0x0  }
0x16: {  	s3 =	sld [smem:$0x3FDB];
	s0 =	simm.s32 @p2 $0x1  }
0x17: {  	s4 =	simm.s32 $0x1BF5;
	[smem:$0x3FA4] =	sst s0  }
0x18: {  	s0 =	sld [smem:$0x3F87];
	_ =	swait.ge [sflag:s4], $0x0  }
0x19: {  	s7 =	sld [smem:$0x3F88]  }
0x1a: {  	s8 =	sadd.s32 $0xFFFFE003, lr  }
0x1b: {  	s9 =	sadd.s32 $0xFFFFFEF7, lr;
	s5 =	simm.s32 $0xFFFFFFFF;
	p2 =	slt.u32 s8, $0xFFFFF086  }
0x1c: {  	p1 =	slt.u32 s9, $0xF7A;
	s5 =	simm.s32 @!p2 $0x0  }
0x1d: {  	s5 =	simm.s32 @p1 $0x1;
	p0 =	seq.s32 s7, s2  }
0x1e: {  	s7 =	smul.u32 @!p0 $0xF7A, s2;
	p2 =	seq.s32 @!p0 s5, $0x0  }
0x1f: {  	s9 =	smul.u32 $0xF7A, s1;
	s8 =	simm.s32 @!p0 $0x1BF5;
	p2 =	por !p2, p0  }
0x20: {  	[sflag:s8] =	ssyncset.s32 @!p0 $0xFFFFF086;
	s6 =	sadd.s32 @!p0 s3, s7;
	s7 =	simm.s32 @!p0 $0x108  }
0x21: {  	s3 =	sadd.s32 s3, s9;
	s6 =	sadd.s32 @!p0 $0x88, s6;
	s7 =	simm.s32 @p2 $0x1082  }
0x22: {  	[simem:s7], [sflag:s8] =	dma.local @!p0 [hbm:s6], $0xF7A  }
0x23: {  	s9 =	sor.u32 $0xD0000000, s2;
	s6 =	simm.s32 $0x108;
	_ =	swait.ge @!p0 [sflag:s8], $0x0  }
0x24: {  	s3 =	sadd.s32 $0x88, s3;
	s6 =	simm.s32 @!p1 $0x1082;
	[sflag:s4] =	ssyncset.s32 $0xFFFFF086  }
0x25: {  	[simem:s6], [sflag:s4] =	dma.local [hbm:s3], $0xF7A  }
0x26: {  	[smem:$0x3F88] =	sst s1;
	(tag) =	ssettag s2;
	_ =	strace s9  }
0x27: {  	s1 =	sld [smem:$0x3F98]  }
0x28: {  	s2 =	sld [smem:$0x3F99]  }
0x29: {  	s4 =	sld [smem:$0x3F9B]  }
0x2a: {  	p0 =	seq.s32 s5, $0x0;
	s5 =	sld [smem:$0x3F9C]  }
0x2b: {  	s6 =	sld [smem:$0x3F9D]  }
0x2c: {  	s7 =	sld [smem:$0x3F9E]  }
0x2d: {  	s3 =	simm.s32 $0x108;
	s8 =	sld [smem:$0x3F9F]  }
0x2e: {  	s3 =	simm.s32 @!p0 $0x1082;
	s9 =	sld [smem:$0x3FA0]  }
0x2f: {  	lr =	sadd.s32 s0, s3;
	s0 =	sld [smem:$0x3F97]  }
0x30: {  	s3 =	sld [smem:$0x3F9A]  }
0x31: {  	[smem:$0x3FA3] =	sst s10  }
0x32: {  	s10 =	sld [smem:$0x3FA1];
	_ =	sdelay $0x3  }
0x33: {  	p0 =	seq.s32 s10, $0x1;
	s10 =	sld [smem:$0x3FA3];
	_ =	sdelay $0x3  }
0x34: {  	[smem:$0x3FA3] =	sst s10  }
0x35: {  	s10 =	sld [smem:$0x3FA2];
	_ =	sdelay $0x3  }
0x36: {  	p1 =	seq.s32 s10, $0x1;
	s10 =	sld [smem:$0x3FA3];
	_ =	sdelay $0x3  }
0x37: {  	[smem:$0x3FA3] =	sst s10  }
0x38: {  	s10 =	sld [smem:$0x3FA4]  }
0x39: {  	_ = 	snop;
	(pc) =	sbr.ind lr, $3  }
0x3a: {  	_ = 	snop  }
0x3b: {  	_ = 	snop  }
0x3c: {  	p2 =	seq.s32 s10, $0x1;
	s10 =	sld [smem:$0x3FA3]  }
0x3d: {  	_ =	shalt  }
0x3e: {  	_ =	shalt  }
0x3f: {  	_ =	shalt  }
0x40: {  	_ =	shalt  }
0x41: {  	_ =	shalt  }
0x42: {  	_ =	shalt  }
0x43: {  	_ =	shalt  }
0x44: {  	_ =	shalt  }
0x45: {  	_ =	shalt  }
0x46: {  	_ =	shalt  }
0x47: {  	_ =	shalt  }
0x48: {  	_ =	shalt  }
0x49: {  	_ =	shalt  }
0x4a: {  	_ =	shalt  }
0x4b: {  	_ =	shalt  }
0x4c: {  	_ =	shalt  }
0x4d: {  	_ =	shalt  }
0x4e: {  	_ =	shalt  }
0x4f: {  	_ =	shalt  }
0x50: {  	_ =	shalt  }
0x51: {  	_ =	shalt  }
0x52: {  	_ =	shalt  }
0x53: {  	_ =	shalt  }
0x54: {  	_ =	shalt  }
0x55: {  	_ =	shalt  }
0x56: {  	_ =	shalt  }
0x57: {  	_ =	shalt  }
0x58: {  	_ =	shalt  }
0x59: {  	_ =	shalt  }
0x5a: {  	_ =	shalt  }
0x5b: {  	_ =	shalt  }
0x5c: {  	_ =	shalt  }
0x5d: {  	_ =	shalt  }
0x5e: {  	_ =	shalt  }
0x5f: {  	_ =	shalt  }
0x60: {  	_ =	shalt  }
0x61: {  	_ =	shalt  }
0x62: {  	_ =	shalt  }
0x63: {  	_ =	shalt  }
0x64: {  	_ =	shalt  }
0x65: {  	_ =	shalt  }
0x66: {  	_ =	shalt  }
0x67: {  	_ =	shalt  }
0x68: {  	_ =	shalt  }
0x69: {  	_ =	shalt  }
0x6a: {  	_ =	shalt  }
0x6b: {  	_ =	shalt  }
0x6c: {  	_ =	shalt  }
0x6d: {  	_ =	shalt  }
0x6e: {  	_ =	shalt  }
0x6f: {  	_ =	shalt  }
0x70: {  	_ =	shalt  }
0x71: {  	_ =	shalt  }
0x72: {  	_ =	shalt  }
0x73: {  	_ =	shalt  }
0x74: {  	_ =	shalt  }
0x75: {  	_ =	shalt  }
0x76: {  	_ =	shalt  }
0x77: {  	_ =	shalt  }
0x78: {  	_ =	shalt  }
0x79: {  	_ =	shalt  }
0x7a: {  	_ =	shalt  }
0x7b: {  	_ =	shalt  }
0x7c: {  	_ =	shalt  }
0x7d: {  	_ =	shalt  }
0x7e: {  	_ =	shalt  }
0x7f: {  	_ =	shalt  }
0x80: {  	_ =	shalt  }
0x81: {  	_ =	shalt  }
0x82: {  	_ =	shalt  }
0x83: {  	_ =	shalt  }
0x84: {  	_ =	shalt  }
0x85: {  	_ =	shalt  }
0x86: {  	_ =	shalt  }
0x87: {  	_ =	shalt  }
.Lfunc_end0:
.L_simem_size_0:
called_computation.3_lowered:
.L_overlay_start_0:
0x88: {  	s2 =	sld [smem:$0x3FD9]  }
0x89: {  	s3 =	sld [smem:$0x3FFE];
	_ =	sdelay $0x1  }
0x8a: {  	s1 =	srdreg.scid  }
0x8b: {  	s0 =	sand.u32 $0x1, s1  }
0x8c: {  	s17 =	sshll.u32 s0, $0xA;
	s2 =	sadd.s32 s3, s2  }
0x8d: {  	s2 =	sadd.s32 s2, s17  }
0x8e: {  	[smem:$0x3FAF] =	sst s2  }
0x8f: {  	_ = 	snop  }
0x90: {  	(tm) =	ssettm $0x1  }
0x91: {  	s18 =	sld [smem:$0x3FFB];
	_ =	sdelay $0x3  }
0x92: {  	_ =	strace s18  }
0x93: {  	s2 =	sld [smem:$0x3FFC];
	_ =	sdelay $0x3  }
0x94: {  	_ =	strace s2  }
0x95: {  	s2 =	sld [smem:$0x3FFD];
	_ =	sdelay $0x3  }
0x96: {  	_ =	strace s2  }
0x97: {  	_ =	strace $0x8FFFFFFF  }
0x98: {  	s19 =	sld [smem:$0x3FDB];
	_ =	sdelay $0x1  }
0x99: {  	s20 =	simm.s32 $_scs_section_size  }
0x9a: {  	s4 =	simm.s32 $_size__tile_overlayer_lowered;
	s5 =	simm.s32 $_tile_overlayer_lowered  }
0x9b: {  	s6 =	simm.s32 $0x1BFF;
	s21 =	sshll.u32 s5, $0x1;
	s3 =	sadd.s32 s20, s19  }
0x9c: {  	s22 =	simm.s32 $0x0;
	s4 =	sshll.u32 s4, $0x1;
	s5 =	sadd.s32 s21, s3  }
0x9d: {  	[timem:s22], [sflag:s6] =	dma.local [hbm:s5], s4  }
0x9e: {  	_ =	swait.ge [sflag:s6], s4  }
0x9f: {  	s4 =	ssub.s32 $0x0, s4;
	[sflag:s6] =	ssyncset.done $0x0  }
0xa0: {  	[sflag:s6] =	ssyncadd.s32 s4;
	_ =	sdelay $0x1  }
0xa1: {  	s23 =	simm.s32 $0x1B8B  }
0xa2: {  	_ =	swait.ge [sflag:s23], $0x1  }
0xa3: {  	[sflag:s23] =	ssyncset.done $0x0  }
0xa4: {  	[sflag:s23] =	ssyncadd.s32 $0xFFFFFFFF  }
0xa5: {  	s4 =	sld [smem:$0x0]  }
0xa6: {  	s5 =	sand.u32 $0xFFFFFFFE, s1  }
0xa7: {  	p0 =	sne.s32 s1, s5  }
0xa8: {  	s5 =	sshll.u32 @p0 s5, $0xE  }
0xa9: {  	s5 =	sadd.s32 @p0 $0x11B8D, s5;
	s6 =	sshll.u32 @p0 s4, $0x11  }
0xaa: {  	s5 =	sor.u32 @p0 s6, s5  }
0xab: {  	[sflag:s5] =	ssyncadd.remote.s32 @p0 $0x1;
	_ =	sdelay $0x1  }
0xac: {  	s5 =	simm.s32 @p0 $0x1B8D  }
0xad: {  	_ =	swait.eq @p0 [sflag:s5], $0x1  }
0xae: {  	[sflag:s5] =	ssyncadd.s32 @p0 $0xFFFFFFFF  }
0xaf: {  	s6 =	sshll.u32 @!p0 s1, $0xE  }
0xb0: {  	s6 =	sor.u32 @!p0 $0x4000, s6;
	s5 =	simm.s32 @!p0 $0x1B8D  }
0xb1: {  	s4 =	sshll.u32 @!p0 s4, $0x11;
	s6 =	sadd.s32 @!p0 $0x11B8D, s6;
	_ =	swait.eq @!p0 [sflag:s5], $0x1  }
0xb2: {  	s4 =	sor.u32 @!p0 s4, s6;
	[sflag:s5] =	ssyncadd.s32 @!p0 $0xFFFFFFFF  }
0xb3: {  	s25 =	simm.s32 $0x1B8E;
	s24 =	sld [smem:$0x3FFE];
	[sflag:s4] =	ssyncadd.remote.s32 @!p0 $0x1  }
0xb4: {  	s26 =	simm.s32 $execute0_lowered;
	[smem:$0x3FD2] =	sst s25  }
0xb5: {  	s5 =	sshll.u32 s26, $0x1;
	_ =	strace $0x8000004F;
	[dreg:$0x1] =	wrdreg $0xFFFFFFFF  }
0xb6: {  	s28 =	simm.s32 $_size_execute0_lowered;
	s3 =	sadd.s32 s3, s5;
	[dreg:$0x0] =	wrdreg $0x0  }
0xb7: {  	s5 =	sshll.u32 s28, $0x1;
	[dreg:$0x2] =	wrdreg s3  }
0xb8: {  	[dreg:$0x3] =	wrdreg s5  }
0xb9: {  	[dreg:$0x4] =	wrdreg $0xC0  }
0xba: {  	_ =	task [dreg:s22], $0x5FFFF  }
0xbb: {  	[dreg:$0x1] =	wrdreg $0xFFFFFFFF  }
0xbc: {  	[dreg:$0x0] =	wrdreg $0x60  }
0xbd: {  	[dreg:$0x2] =	wrdreg s24  }
0xbe: {  	[dreg:$0x3] =	wrdreg $0x84000  }
0xbf: {  	[dreg:$0x4] =	wrdreg $0xB  }
0xc0: {  	_ =	task.clear_ibuf [dreg:s22], $0x5FFFF;
	_ =	strace $0x9000004F  }
0xc1: {  	s29 =	simm.s32 $0xB;
	_ =	strace $0x80000051  }
0xc2: {  	_ =	swait.ge [sflag:s29], $0x1  }
0xc3: {  	[sflag:s29] =	ssyncadd.s32 $0xFFFFFFFF  }
0xc4: {  	_ =	strace $0x90000051  }
0xc5: {  	_ =	sfence  }
0xc6: {  	s30 =	sld [smem:$0x0];
	_ =	sdelay $0x2  }
0xc7: {  	s31 =	sshll.u32 s1, $0xD;
	s1 =	sshrl.u32 s1, $0x2  }
0xc8: {  	s4 =	sand.u32 $0x4000, s31;
	s1 =	sadd.s32 s1, s30  }
0xc9: {  	s0 =	sor.u32 s4, s0;
	s1 =	sshll.u32 s1, $0x11  }
0xca: {  	s0 =	sor.u32 s1, s0  }
0xcb: {  	s0 =	sadd.s32 $0x8F2B, s0  }
0xcc: {  	[sflag:s0] =	ssyncadd.remote.s32 $0x1  }
0xcd: {  	_ =	sfence.sel $0xFFFF  }
0xce: {  	[dreg:$0x0] =	wrdreg $0xFFFFFFFF;
	(pc) =	sbr.abs _section_cstart, $3  }
0xcf: {  	[dreg:$0x1] =	wrdreg $0xFFFFFFFF  }
0xd0: {  	_ =	task.clear_ibuf [dreg:s22], $0x2FFFF;
	_ =	strace $0x9FFFFFFF  }
0xd1: {  	(tm) =	ssettm $0x7FFFFFFF  }
tec
execute0_lowered:
.L_overlay_start_1:
0x0: {  	(tag) =	ssettag $0x1  }
0x1: {  	s5 =	rddreg [dreg:$0x0]  }
0x2: {  	s1 =	rddreg [dreg:$0x1]  }
0x3: {  	s0 =	rddreg [dreg:$0x2]  }
0x4: {  	s3 =	simm.s32 $0x0;
	s4 =	srdreg.scid;
	s2 =	stileid.u32  }
0x5: {  	s11 =	simm.s32 $0x200;
	s12 =	simm.s32 $0x300;
	s13 =	simm.s32 $0x4400  }
0x6: {  	s14 =	simm.s32 $0x1;
	s15 =	simm.s32 $0x280;
	s16 =	simm.s32 $0x2  }
0x7: {  	s17 =	simm.s32 $0x380;
	s21 =	simm.s32 $0x0;
	[smem:$0x7FF] =	sst s3  }
0x8: {  	s6 =	sand.u32 $0x1, s4;
	s4 =	sadd.s32 $0x2400, s5;
	s19 =	sshll.u32 s2, $0x6  }
0x9: {  	s10 =	sshll.u32 s2, $0xD;
	s20 =	sshll.u32 s2, $0xA;
	_ =	strace $0x80000050  }
0xa: {  	s7 =	sshll.u32 s6, $0xE;
	s8 =	sadd.s32 s19, s5;
	s31 =	ssub.s32 $0x2, s6  }
0xb: {  	s6 =	sshll.u32 s6, $0xA;
	s19 =	sor.u32 $0x1C03, s19;
	s7 =	sadd.s32 s7, s5  }
0xc: {  	s9 =	sshrl.u32 s31, $0x1;
	s5 =	sadd.s32 s10, s1;
	s6 =	sadd.s32 s6, s8  }
0xd: {  	s8 =	simm.s32 $0x400;
	s10 =	simm.s32 $0x80;
	s9 =	ssub.s32 s31, s9  }
0xe: {  	s6 =	sadd.s32 $0x9BE00, s6;
	s18 =	sadd.s32 $0x29600, s7;
	s7 =	smax.u32 s9, $0x1  }
0xf: {  	v0 =	vimm.f32 $0.0e+00;
	s9 =	simm.s32 $0x3;
	s18 =	sadd.s32 s20, s18;
	s20 =	sshrl.u32 s5, $0x3  }
.LBB2_1:
0x10: {  	s22 =	simm.s32 $0x0;
	s23 =	simm.s32 $0x200  }
.LBB2_2:
0x11: {  	p0 =	sne.s32 s23, $0xFE00;
	[tilespmem:s22+$0x470] =	vst v0  }
0x12: {  	[tilespmem:s22+$0x400] =	vst v0  }
0x13: {  	[tilespmem:s22+$0x410] =	vst v0  }
.Ltmp0:
0x14: {  	[tilespmem:s22+$0x420] =	vst v0;
	(pc) =	sbr.rel @p0 .LBB2_2-.Ltmp0, $4  }
0x15: {  	[tilespmem:s22+$0x430] =	vst v0  }
0x16: {  	[tilespmem:s22+$0x440] =	vst v0  }
0x17: {  	[tilespmem:s22+$0x450] =	vst v0  }
0x18: {  	[tilespmem:s22+$0x460] =	vst v0;
	s22 =	sshra.s32 s23, $0x2;
	s23 =	sadd.s32 $0x200, s23  }
0x19: {  	[tilespmem:s22+$0x470] =	vst v0  }
0x1a: {  	[tilespmem:s22+$0x400] =	vst v0  }
0x1b: {  	[tilespmem:s22+$0x410] =	vst v0  }
0x1c: {  	[tilespmem:s22+$0x420] =	vst v0  }
0x1d: {  	[tilespmem:s22+$0x430] =	vst v0  }
0x1e: {  	[tilespmem:s22+$0x440] =	vst v0  }
0x1f: {  	[tilespmem:s22+$0x450] =	vst v0  }
0x20: {  	[tilespmem:s22+$0x460] =	vst v0  }
0x21: {  	[spmem:s5] =	stream.linear.scatter [tilespmem:s8], [sflag:$0x3], $0x2000, $0x38;
	[tilespmem:$0xA400] =	vst v63  }
0x22: {  	_ =	swait.ge [sflag:s9], $0x2000  }
0x23: {  	[sflag:s9] =	ssyncset.done $0x0  }
0x24: {  	[sflag:s9] =	ssyncadd.s32 $0xFFFFE000  }
0x25: {  	[tilespmem:s3], [sflag:$0x3] =	stream.linear.gather [hbm4b:s6+s3], $0x200, $0x38;
	[tilespmem:$0xA400] =	vst v63  }
0x26: {  	_ =	swait.ge [sflag:s9], $0x200  }
0x27: {  	[sflag:s9] =	ssyncset.done $0x0  }
0x28: {  	[sflag:s9] =	ssyncadd.s32 $0xFFFFFE00  }
0x29: {  	[bflag:$0x0] =	sbarrier.arrive $0xFFFF  }
0x2a: {  	v1 =	vld [tilespmem:$0x0];
	_ =	sdelay $0x1  }
0x2b: {  	v2 =	vld [tilespmem:$0x10];
	_ =	sdelay $0x1  }
0x2c: {  	v3 =	vld [tilespmem:$0x20]  }
0x2d: {  	v4 =	vand.u32 $0x7FFF, v1  }
0x2e: {  	v53 =	vld [tilespmem:$0x30];
	v1 =	vshrl.u32 v1, $0xF;
	[tilespmem:$0x200] =	vst v4  }
0x2f: {  	[tilespmem:$0x280] =	vst v1;
	v1 =	vand.u32 $0x7FFF, v2  }
0x30: {  	[tilespmem:$0x210] =	vst v1;
	v1 =	vshrl.u32 v2, $0xF;
	v2 =	vld [tilespmem:$0x40]  }
0x31: {  	[tilespmem:$0x290] =	vst v1;
	v1 =	vand.u32 $0x7FFF, v3  }
0x32: {  	[tilespmem:$0x220] =	vst v1;
	v1 =	vshrl.u32 v3, $0xF;
	v3 =	vld [tilespmem:$0x50]  }
0x33: {  	[tilespmem:$0x2A0] =	vst v1;
	v1 =	vand.u32 $0x7FFF, v53  }
0x34: {  	v54 =	vld [tilespmem:$0x60];
	[tilespmem:$0x230] =	vst v1;
	v1 =	vshrl.u32 v53, $0xF  }
0x35: {  	[tilespmem:$0x2B0] =	vst v1;
	v1 =	vand.u32 $0x7FFF, v2  }
0x36: {  	[tilespmem:$0x240] =	vst v1;
	v1 =	vshrl.u32 v2, $0xF;
	v2 =	vld [tilespmem:$0x70]  }
0x37: {  	[tilespmem:$0x2C0] =	vst v1;
	v1 =	vand.u32 $0x7FFF, v3  }
0x38: {  	[tilespmem:$0x250] =	vst v1;
	v1 =	vshrl.u32 v3, $0xF  }
0x39: {  	[tilespmem:$0x2D0] =	vst v1;
	v1 =	vand.u32 $0x7FFF, v54  }
0x3a: {  	[tilespmem:$0x260] =	vst v1;
	v1 =	vshrl.u32 v54, $0xF  }
0x3b: {  	[tilespmem:$0x2E0] =	vst v1;
	v1 =	vand.u32 $0x7FFF, v2  }
0x3c: {  	[tilespmem:$0x270] =	vst v1;
	v1 =	vshrl.u32 v2, $0xF  }
0x3d: {  	[tilespmem:$0x2F0] =	vst v1  }
0x3e: {  	[tilespmem:s8], [sflag:$0x1] =	stream.indirect.gather [hbm4b:s4+s10], $0x80, s11, s10, $0xb8;
	[tilespmem:$0xA400] =	vst v63  }
0x3f: {  	v1 =	vld [tilespmem:$0x80];
	_ =	sdelay $0x1  }
0x40: {  	v2 =	vld [tilespmem:$0x90];
	_ =	sdelay $0x1  }
0x41: {  	v3 =	vld [tilespmem:$0xA0]  }
0x42: {  	v55 =	vand.u32 $0x7FFF, v1  }
0x43: {  	v56 =	vld [tilespmem:$0xB0];
	v1 =	vshrl.u32 v1, $0xF;
	[tilespmem:$0x300] =	vst v55  }
0x44: {  	[tilespmem:$0x380] =	vst v1;
	v1 =	vand.u32 $0x7FFF, v2  }
0x45: {  	[tilespmem:$0x310] =	vst v1;
	v1 =	vshrl.u32 v2, $0xF;
	v2 =	vld [tilespmem:$0xC0]  }
0x46: {  	[tilespmem:$0x390] =	vst v1;
	v1 =	vand.u32 $0x7FFF, v3  }
0x47: {  	[tilespmem:$0x320] =	vst v1;
	v1 =	vshrl.u32 v3, $0xF;
	v3 =	vld [tilespmem:$0xD0]  }
0x48: {  	[tilespmem:$0x3A0] =	vst v1;
	v1 =	vand.u32 $0x7FFF, v56  }
0x49: {  	v57 =	vld [tilespmem:$0xE0];
	[tilespmem:$0x330] =	vst v1;
	v1 =	vshrl.u32 v56, $0xF  }
0x4a: {  	[tilespmem:$0x3B0] =	vst v1;
	v1 =	vand.u32 $0x7FFF, v2  }
0x4b: {  	[tilespmem:$0x340] =	vst v1;
	v1 =	vshrl.u32 v2, $0xF;
	v2 =	vld [tilespmem:$0xF0]  }
0x4c: {  	[tilespmem:$0x3C0] =	vst v1;
	v1 =	vand.u32 $0x7FFF, v3  }
0x4d: {  	[tilespmem:$0x350] =	vst v1;
	v1 =	vshrl.u32 v3, $0xF  }
0x4e: {  	[tilespmem:$0x3D0] =	vst v1;
	v1 =	vand.u32 $0x7FFF, v57  }
0x4f: {  	[tilespmem:$0x360] =	vst v1;
	v1 =	vshrl.u32 v57, $0xF  }
0x50: {  	[tilespmem:$0x3E0] =	vst v1;
	v1 =	vand.u32 $0x7FFF, v2  }
0x51: {  	[tilespmem:$0x370] =	vst v1;
	v1 =	vshrl.u32 v2, $0xF  }
0x52: {  	[tilespmem:$0x3F0] =	vst v1  }
0x53: {  	[tilespmem:s13], [sflag:$0x2] =	stream.indirect.gather [hbm4b:s4+s10], $0x80, s12, s10, $0xb8;
	[tilespmem:$0xA400] =	vst v63  }
0x54: {  	_ =	swait.ge [sflag:s14], $0x4000  }
0x55: {  	[sflag:s14] =	ssyncset.done $0x0  }
0x56: {  	[sflag:s14] =	ssyncadd.s32 $0xFFFFC000  }
0x57: {  	[spmem:s1] =	stream.indirect.scatter.add.f32 [tilespmem:s8], [sflag:$0x3], $0x80, s15, s10, $0xb8;
	[tilespmem:$0xA400] =	vst v63  }
0x58: {  	_ =	swait.ge [sflag:s9], $0x4000  }
0x59: {  	[sflag:s9] =	ssyncset.done $0x0  }
0x5a: {  	[sflag:s9] =	ssyncadd.s32 $0xFFFFC000  }
0x5b: {  	v1 =	vld [tilespmem:$0x100];
	_ =	sdelay $0x1  }
0x5c: {  	v2 =	vld [tilespmem:$0x110];
	_ =	sdelay $0x1  }
0x5d: {  	v3 =	vld [tilespmem:$0x120]  }
0x5e: {  	v58 =	vand.u32 $0x7FFF, v1  }
0x5f: {  	v59 =	vld [tilespmem:$0x130];
	v1 =	vshrl.u32 v1, $0xF;
	[tilespmem:$0x200] =	vst v58  }
0x60: {  	[tilespmem:$0x280] =	vst v1;
	v1 =	vand.u32 $0x7FFF, v2  }
0x61: {  	[tilespmem:$0x210] =	vst v1;
	v1 =	vshrl.u32 v2, $0xF;
	v2 =	vld [tilespmem:$0x140]  }
0x62: {  	[tilespmem:$0x290] =	vst v1;
	v1 =	vand.u32 $0x7FFF, v3  }
0x63: {  	[tilespmem:$0x220] =	vst v1;
	v1 =	vshrl.u32 v3, $0xF;
	v3 =	vld [tilespmem:$0x150]  }
0x64: {  	[tilespmem:$0x2A0] =	vst v1;
	v1 =	vand.u32 $0x7FFF, v59  }
0x65: {  	v60 =	vld [tilespmem:$0x160];
	[tilespmem:$0x230] =	vst v1;
	v1 =	vshrl.u32 v59, $0xF  }
0x66: {  	[tilespmem:$0x2B0] =	vst v1;
	v1 =	vand.u32 $0x7FFF, v2  }
0x67: {  	[tilespmem:$0x240] =	vst v1;
	v1 =	vshrl.u32 v2, $0xF;
	v2 =	vld [tilespmem:$0x170]  }
0x68: {  	[tilespmem:$0x2C0] =	vst v1;
	v1 =	vand.u32 $0x7FFF, v3  }
0x69: {  	[tilespmem:$0x250] =	vst v1;
	v1 =	vshrl.u32 v3, $0xF  }
0x6a: {  	[tilespmem:$0x2D0] =	vst v1;
	v1 =	vand.u32 $0x7FFF, v60  }
0x6b: {  	[tilespmem:$0x260] =	vst v1;
	v1 =	vshrl.u32 v60, $0xF  }
0x6c: {  	[tilespmem:$0x2E0] =	vst v1;
	v1 =	vand.u32 $0x7FFF, v2  }
0x6d: {  	[tilespmem:$0x270] =	vst v1;
	v1 =	vshrl.u32 v2, $0xF  }
0x6e: {  	[tilespmem:$0x2F0] =	vst v1  }
0x6f: {  	[tilespmem:s8], [sflag:$0x1] =	stream.indirect.gather [hbm4b:s4+s10], $0x80, s11, s10, $0xb8;
	[tilespmem:$0xA400] =	vst v63  }
0x70: {  	_ =	swait.ge [sflag:s16], $0x4000  }
0x71: {  	[sflag:s16] =	ssyncset.done $0x0  }
0x72: {  	[sflag:s16] =	ssyncadd.s32 $0xFFFFC000  }
0x73: {  	[spmem:s1] =	stream.indirect.scatter.add.f32 [tilespmem:s13], [sflag:$0x3], $0x80, s17, s10, $0xb8;
	[tilespmem:$0xA400] =	vst v63  }
0x74: {  	_ =	swait.ge [sflag:s9], $0x4000  }
0x75: {  	[sflag:s9] =	ssyncset.done $0x0  }
0x76: {  	[sflag:s9] =	ssyncadd.s32 $0xFFFFC000  }
0x77: {  	v1 =	vld [tilespmem:$0x180];
	_ =	sdelay $0x1  }
0x78: {  	v2 =	vld [tilespmem:$0x190];
	_ =	sdelay $0x1  }
0x79: {  	v3 =	vld [tilespmem:$0x1A0]  }
0x7a: {  	v61 =	vand.u32 $0x7FFF, v1  }
0x7b: {  	v62 =	vld [tilespmem:$0x1B0];
	v1 =	vshrl.u32 v1, $0xF;
	[tilespmem:$0x300] =	vst v61  }
0x7c: {  	[tilespmem:$0x380] =	vst v1;
	v1 =	vand.u32 $0x7FFF, v2  }
0x7d: {  	[tilespmem:$0x310] =	vst v1;
	v1 =	vshrl.u32 v2, $0xF;
	v2 =	vld [tilespmem:$0x1C0]  }
0x7e: {  	[tilespmem:$0x390] =	vst v1;
	v1 =	vand.u32 $0x7FFF, v3  }
0x7f: {  	[tilespmem:$0x320] =	vst v1;
	v1 =	vshrl.u32 v3, $0xF;
	v3 =	vld [tilespmem:$0x1D0]  }
0x80: {  	[tilespmem:$0x3A0] =	vst v1;
	v1 =	vand.u32 $0x7FFF, v62  }
0x81: {  	v63 =	vld [tilespmem:$0x1E0];
	[tilespmem:$0x330] =	vst v1;
	v1 =	vshrl.u32 v62, $0xF  }
0x82: {  	[tilespmem:$0x3B0] =	vst v1;
	v1 =	vand.u32 $0x7FFF, v2  }
0x83: {  	[tilespmem:$0x340] =	vst v1;
	v1 =	vshrl.u32 v2, $0xF;
	v2 =	vld [tilespmem:$0x1F0]  }
0x84: {  	[tilespmem:$0x3C0] =	vst v1;
	v1 =	vand.u32 $0x7FFF, v3  }
0x85: {  	[tilespmem:$0x350] =	vst v1;
	v1 =	vshrl.u32 v3, $0xF  }
0x86: {  	[tilespmem:$0x3D0] =	vst v1;
	v1 =	vand.u32 $0x7FFF, v63  }
0x87: {  	[tilespmem:$0x360] =	vst v1;
	v1 =	vshrl.u32 v63, $0xF  }
0x88: {  	[tilespmem:$0x3E0] =	vst v1;
	v1 =	vand.u32 $0x7FFF, v2  }
0x89: {  	[tilespmem:$0x370] =	vst v1;
	v1 =	vshrl.u32 v2, $0xF  }
0x8a: {  	[tilespmem:$0x3F0] =	vst v1  }
0x8b: {  	[tilespmem:s13], [sflag:$0x2] =	stream.indirect.gather [hbm4b:s4+s10], $0x80, s12, s10, $0xb8;
	[tilespmem:$0xA400] =	vst v63  }
0x8c: {  	_ =	swait.ge [sflag:s14], $0x4000  }
0x8d: {  	[sflag:s14] =	ssyncset.done $0x0  }
0x8e: {  	[sflag:s14] =	ssyncadd.s32 $0xFFFFC000  }
0x8f: {  	[spmem:s1] =	stream.indirect.scatter.add.f32 [tilespmem:s8], [sflag:$0x3], $0x80, s15, s10, $0xb8;
	[tilespmem:$0xA400] =	vst v63  }
0x90: {  	_ =	swait.ge [sflag:s9], $0x4000  }
0x91: {  	[sflag:s9] =	ssyncset.done $0x0  }
0x92: {  	[sflag:s9] =	ssyncadd.s32 $0xFFFFC000  }
0x93: {  	_ =	swait.ge [sflag:s16], $0x4000  }
0x94: {  	[sflag:s16] =	ssyncset.done $0x0  }
0x95: {  	[sflag:s16] =	ssyncadd.s32 $0xFFFFC000  }
0x96: {  	[spmem:s1] =	stream.indirect.scatter.add.f32 [tilespmem:s13], [sflag:$0x3], $0x80, s17, s10, $0xb8;
	[tilespmem:$0xA400] =	vst v63  }
0x97: {  	_ =	swait.ge [sflag:s9], $0x4000  }
0x98: {  	s21 =	sadd.s32 $0x1, s21;
	[sflag:s9] =	ssyncset.done $0x0  }
0x99: {  	p0 =	sne.s32 s21, s7;
	[sflag:s9] =	ssyncadd.s32 $0xFFFFC000  }
.Ltmp1:
0x9a: {  	[bflag:$0x0] =	sbarrier.arrive $0xFFFF;
	(pc) =	sbr.rel @p0 .LBB2_1-.Ltmp1, $4  }
0x9b: {  	[hbm:s18], [sflag:s19] =	dma.local [spmem:s20], $0x400  }
0x9c: {  	_ =	swait.ge [sflag:s9], $0x400  }
0x9d: {  	[sflag:s9] =	ssyncset.done $0x0  }
0x9e: {  	[sflag:s9] =	ssyncadd.s32 $0xFFFFFC00  }
0x9f: {  	_ =	sfence.sel $0x180000  }
0xa0: {  	[bflag:$0x0] =	sbarrier.arrive $0xFFFF  }
0xa1: {  	p0 =	sne.s32 s2, $0x0;
	_ =	strace $0x90000050  }
0xa2: {  	s0 =	sadd.s32 @!p0 $0x100000, s0;
	[bflag:$0x2] =	sbarrier.arrive $0xFFFF  }
0xa3: {  	[sflag:s0] =	ssyncadd.tile.s32 @!p0 $0x1;
	_ =	shalt  }
.Lfunc_end2:
_tile_overlayer_lowered:
.L_overlay_start_2:
0xa4: {  	(tag) =	ssettag $0x2  }
0xa5: {  	s0 =	rddreg [dreg:$0x0];
	s2 =	stileid.u32  }
0xa6: {  	s1 =	rddreg [dreg:$0x1];
	p0 =	sne.s32 s2, $0x0  }
0xa7: {  	s3 =	rddreg [dreg:$0x2];
	[bflag:$0x3] =	sbarrier.arrive $0xFFFF;
	s2 =	simm.s32 @!p0 $0x1C03  }
0xa8: {  	[timem:s3], [sflag:s2] =	dma.local @!p0 [hbm:s0], s1  }
0xa9: {  	s0 =	simm.s32 @!p0 $0x3  }
0xaa: {  	_ =	swait.ge @!p0 [sflag:s0], s1  }
0xab: {  	s1 =	ssub.s32 @!p0 $0x0, s1;
	[sflag:s0] =	ssyncset.done @!p0 $0x0  }
0xac: {  	[sflag:s0] =	ssyncadd.s32 @!p0 s1  }
0xad: {  	[bflag:$0x3] =	sbarrier.arrive $0xFFFF  }
0xae: {  	_ =	shalt  }

// kernel: kernel.7.cloned.1.call-start
scs
__scs_entry_jumppad:
0x0: {  	(pc) =	sbr.rel $0x88, $3  }
0x1: {  	(tag) =	ssettag $0x0;
	lr =	simm.s32 $0x1  }
0x2: {  	[smem:$0x3F88] =	sst lr;
	_ =	strace $0xD0000000  }
0x3: {  	_ = 	snop  }
0x4: {  	_ = 	snop  }
0x5: {  	_ = 	snop  }
0x6: {  	_ = 	snop  }
0x7: {  	_ = 	snop  }
__scs_overlays_trampoline_lowered:
0x8: {  	[smem:$0x3F97] =	sst s0  }
0x9: {  	[smem:$0x3F98] =	sst s1  }
0xa: {  	[smem:$0x3F99] =	sst s2  }
0xb: {  	[smem:$0x3F9A] =	sst s3  }
0xc: {  	[smem:$0x3F9B] =	sst s4  }
0xd: {  	[smem:$0x3F9C] =	sst s5  }
0xe: {  	[smem:$0x3F9D] =	sst s6  }
0xf: {  	[smem:$0x3F9E] =	sst s7  }
0x10: {  	[smem:$0x3F9F] =	sst s8  }
0x11: {  	[smem:$0x3FA0] =	sst s9;
	s0 =	simm.s32 @!p0 $0x0  }
0x12: {  	s1 =	sld [smem:$0x3F86];
	s0 =	simm.s32 @p0 $0x1  }
0x13: {  	[smem:$0x3FA1] =	sst s0;
	s0 =	simm.s32 @!p1 $0x0  }
0x14: {  	s2 =	sld [smem:$0x3F85];
	s0 =	simm.s32 @p1 $0x1  }
0x15: {  	[smem:$0x3FA2] =	sst s0;
	s0 =	simm.s32 @!p2 $0x0  }
0x16: {  	s3 =	sld [smem:$0x3FDB];
	s0 =	simm.s32 @p2 $0x1  }
0x17: {  	s4 =	simm.s32 $0x1BF5;
	[smem:$0x3FA4] =	sst s0  }
0x18: {  	s0 =	sld [smem:$0x3F87];
	_ =	swait.ge [sflag:s4], $0x0  }
0x19: {  	s7 =	sld [smem:$0x3F88]  }
0x1a: {  	s8 =	sadd.s32 $0xFFFFE003, lr  }
0x1b: {  	s9 =	sadd.s32 $0xFFFFFEF7, lr;
	s5 =	simm.s32 $0xFFFFFFFF;
	p2 =	slt.u32 s8, $0xFFFFF086  }
0x1c: {  	p1 =	slt.u32 s9, $0xF7A;
	s5 =	simm.s32 @!p2 $0x0  }
0x1d: {  	s5 =	simm.s32 @p1 $0x1;
	p0 =	seq.s32 s7, s2  }
0x1e: {  	s7 =	smul.u32 @!p0 $0xF7A, s2;
	p2 =	seq.s32 @!p0 s5, $0x0  }
0x1f: {  	s9 =	smul.u32 $0xF7A, s1;
	s8 =	simm.s32 @!p0 $0x1BF5;
	p2 =	por !p2, p0  }
0x20: {  	[sflag:s8] =	ssyncset.s32 @!p0 $0xFFFFF086;
	s6 =	sadd.s32 @!p0 s3, s7;
	s7 =	simm.s32 @!p0 $0x108  }
0x21: {  	s3 =	sadd.s32 s3, s9;
	s6 =	sadd.s32 @!p0 $0x88, s6;
	s7 =	simm.s32 @p2 $0x1082  }
0x22: {  	[simem:s7], [sflag:s8] =	dma.local @!p0 [hbm:s6], $0xF7A  }
0x23: {  	s9 =	sor.u32 $0xD0000000, s2;
	s6 =	simm.s32 $0x108;
	_ =	swait.ge @!p0 [sflag:s8], $0x0  }
0x24: {  	s3 =	sadd.s32 $0x88, s3;
	s6 =	simm.s32 @!p1 $0x1082;
	[sflag:s4] =	ssyncset.s32 $0xFFFFF086  }
0x25: {  	[simem:s6], [sflag:s4] =	dma.local [hbm:s3], $0xF7A  }
0x26: {  	[smem:$0x3F88] =	sst s1;
	(tag) =	ssettag s2;
	_ =	strace s9  }
0x27: {  	s1 =	sld [smem:$0x3F98]  }
0x28: {  	s2 =	sld [smem:$0x3F99]  }
0x29: {  	s4 =	sld [smem:$0x3F9B]  }
0x2a: {  	p0 =	seq.s32 s5, $0x0;
	s5 =	sld [smem:$0x3F9C]  }
0x2b: {  	s6 =	sld [smem:$0x3F9D]  }
0x2c: {  	s7 =	sld [smem:$0x3F9E]  }
0x2d: {  	s3 =	simm.s32 $0x108;
	s8 =	sld [smem:$0x3F9F]  }
0x2e: {  	s3 =	simm.s32 @!p0 $0x1082;
	s9 =	sld [smem:$0x3FA0]  }
0x2f: {  	lr =	sadd.s32 s0, s3;
	s0 =	sld [smem:$0x3F97]  }
0x30: {  	s3 =	sld [smem:$0x3F9A]  }
0x31: {  	[smem:$0x3FA3] =	sst s10  }
0x32: {  	s10 =	sld [smem:$0x3FA1];
	_ =	sdelay $0x3  }
0x33: {  	p0 =	seq.s32 s10, $0x1;
	s10 =	sld [smem:$0x3FA3];
	_ =	sdelay $0x3  }
0x34: {  	[smem:$0x3FA3] =	sst s10  }
0x35: {  	s10 =	sld [smem:$0x3FA2];
	_ =	sdelay $0x3  }
0x36: {  	p1 =	seq.s32 s10, $0x1;
	s10 =	sld [smem:$0x3FA3];
	_ =	sdelay $0x3  }
0x37: {  	[smem:$0x3FA3] =	sst s10  }
0x38: {  	s10 =	sld [smem:$0x3FA4]  }
0x39: {  	_ = 	snop;
	(pc) =	sbr.ind lr, $3  }
0x3a: {  	_ = 	snop  }
0x3b: {  	_ = 	snop  }
0x3c: {  	p2 =	seq.s32 s10, $0x1;
	s10 =	sld [smem:$0x3FA3]  }
0x3d: {  	_ =	shalt  }
0x3e: {  	_ =	shalt  }
0x3f: {  	_ =	shalt  }
0x40: {  	_ =	shalt  }
0x41: {  	_ =	shalt  }
0x42: {  	_ =	shalt  }
0x43: {  	_ =	shalt  }
0x44: {  	_ =	shalt  }
0x45: {  	_ =	shalt  }
0x46: {  	_ =	shalt  }
0x47: {  	_ =	shalt  }
0x48: {  	_ =	shalt  }
0x49: {  	_ =	shalt  }
0x4a: {  	_ =	shalt  }
0x4b: {  	_ =	shalt  }
0x4c: {  	_ =	shalt  }
0x4d: {  	_ =	shalt  }
0x4e: {  	_ =	shalt  }
0x4f: {  	_ =	shalt  }
0x50: {  	_ =	shalt  }
0x51: {  	_ =	shalt  }
0x52: {  	_ =	shalt  }
0x53: {  	_ =	shalt  }
0x54: {  	_ =	shalt  }
0x55: {  	_ =	shalt  }
0x56: {  	_ =	shalt  }
0x57: {  	_ =	shalt  }
0x58: {  	_ =	shalt  }
0x59: {  	_ =	shalt  }
0x5a: {  	_ =	shalt  }
0x5b: {  	_ =	shalt  }
0x5c: {  	_ =	shalt  }
0x5d: {  	_ =	shalt  }
0x5e: {  	_ =	shalt  }
0x5f: {  	_ =	shalt  }
0x60: {  	_ =	shalt  }
0x61: {  	_ =	shalt  }
0x62: {  	_ =	shalt  }
0x63: {  	_ =	shalt  }
0x64: {  	_ =	shalt  }
0x65: {  	_ =	shalt  }
0x66: {  	_ =	shalt  }
0x67: {  	_ =	shalt  }
0x68: {  	_ =	shalt  }
0x69: {  	_ =	shalt  }
0x6a: {  	_ =	shalt  }
0x6b: {  	_ =	shalt  }
0x6c: {  	_ =	shalt  }
0x6d: {  	_ =	shalt  }
0x6e: {  	_ =	shalt  }
0x6f: {  	_ =	shalt  }
0x70: {  	_ =	shalt  }
0x71: {  	_ =	shalt  }
0x72: {  	_ =	shalt  }
0x73: {  	_ =	shalt  }
0x74: {  	_ =	shalt  }
0x75: {  	_ =	shalt  }
0x76: {  	_ =	shalt  }
0x77: {  	_ =	shalt  }
0x78: {  	_ =	shalt  }
0x79: {  	_ =	shalt  }
0x7a: {  	_ =	shalt  }
0x7b: {  	_ =	shalt  }
0x7c: {  	_ =	shalt  }
0x7d: {  	_ =	shalt  }
0x7e: {  	_ =	shalt  }
0x7f: {  	_ =	shalt  }
0x80: {  	_ =	shalt  }
0x81: {  	_ =	shalt  }
0x82: {  	_ =	shalt  }
0x83: {  	_ =	shalt  }
0x84: {  	_ =	shalt  }
0x85: {  	_ =	shalt  }
0x86: {  	_ =	shalt  }
0x87: {  	_ =	shalt  }
.Lfunc_end0:
.L_simem_size_0:
called_computation.1_lowered:
.L_overlay_start_0:
0x88: {  	s2 =	sld [smem:$0x3FD9]  }
0x89: {  	s3 =	sld [smem:$0x3FFE];
	_ =	sdelay $0x1  }
0x8a: {  	s1 =	srdreg.scid  }
0x8b: {  	s0 =	sand.u32 $0x1, s1  }
0x8c: {  	s17 =	sshll.u32 s0, $0xA;
	s2 =	sadd.s32 s3, s2  }
0x8d: {  	s2 =	sadd.s32 s2, s17  }
0x8e: {  	[smem:$0x3FAF] =	sst s2  }
0x8f: {  	_ = 	snop  }
0x90: {  	(tm) =	ssettm $0x1  }
0x91: {  	s18 =	sld [smem:$0x3FFB];
	_ =	sdelay $0x3  }
0x92: {  	_ =	strace s18  }
0x93: {  	s2 =	sld [smem:$0x3FFC];
	_ =	sdelay $0x3  }
0x94: {  	_ =	strace s2  }
0x95: {  	s2 =	sld [smem:$0x3FFD];
	_ =	sdelay $0x3  }
0x96: {  	_ =	strace s2  }
0x97: {  	_ =	strace $0x8FFFFFFF  }
0x98: {  	s19 =	sld [smem:$0x3FDB];
	_ =	sdelay $0x1  }
0x99: {  	s20 =	simm.s32 $_scs_section_size  }
0x9a: {  	s4 =	simm.s32 $_size__tile_overlayer_lowered;
	s5 =	simm.s32 $_tile_overlayer_lowered  }
0x9b: {  	s6 =	simm.s32 $0x1BFF;
	s21 =	sshll.u32 s5, $0x1;
	s3 =	sadd.s32 s20, s19  }
0x9c: {  	s22 =	simm.s32 $0x0;
	s4 =	sshll.u32 s4, $0x1;
	s5 =	sadd.s32 s21, s3  }
0x9d: {  	[timem:s22], [sflag:s6] =	dma.local [hbm:s5], s4  }
0x9e: {  	_ =	swait.ge [sflag:s6], s4  }
0x9f: {  	s4 =	ssub.s32 $0x0, s4;
	[sflag:s6] =	ssyncset.done $0x0  }
0xa0: {  	[sflag:s6] =	ssyncadd.s32 s4;
	_ =	sdelay $0x1  }
0xa1: {  	s23 =	simm.s32 $0x1B8B  }
0xa2: {  	_ =	swait.ge [sflag:s23], $0x1  }
0xa3: {  	[sflag:s23] =	ssyncset.done $0x0  }
0xa4: {  	[sflag:s23] =	ssyncadd.s32 $0xFFFFFFFF  }
0xa5: {  	s4 =	sld [smem:$0x0]  }
0xa6: {  	s5 =	sand.u32 $0xFFFFFFFE, s1  }
0xa7: {  	p0 =	sne.s32 s1, s5  }
0xa8: {  	s5 =	sshll.u32 @p0 s5, $0xE  }
0xa9: {  	s5 =	sadd.s32 @p0 $0x11B8D, s5;
	s6 =	sshll.u32 @p0 s4, $0x11  }
0xaa: {  	s5 =	sor.u32 @p0 s6, s5  }
0xab: {  	[sflag:s5] =	ssyncadd.remote.s32 @p0 $0x1;
	_ =	sdelay $0x1  }
0xac: {  	s5 =	simm.s32 @p0 $0x1B8D  }
0xad: {  	_ =	swait.eq @p0 [sflag:s5], $0x1  }
0xae: {  	[sflag:s5] =	ssyncadd.s32 @p0 $0xFFFFFFFF  }
0xaf: {  	s6 =	sshll.u32 @!p0 s1, $0xE  }
0xb0: {  	s6 =	sor.u32 @!p0 $0x4000, s6;
	s5 =	simm.s32 @!p0 $0x1B8D  }
0xb1: {  	s4 =	sshll.u32 @!p0 s4, $0x11;
	s6 =	sadd.s32 @!p0 $0x11B8D, s6;
	_ =	swait.eq @!p0 [sflag:s5], $0x1  }
0xb2: {  	s4 =	sor.u32 @!p0 s4, s6;
	[sflag:s5] =	ssyncadd.s32 @!p0 $0xFFFFFFFF  }
0xb3: {  	s25 =	simm.s32 $0x1B8E;
	s24 =	sld [smem:$0x3FFE];
	[sflag:s4] =	ssyncadd.remote.s32 @!p0 $0x1  }
0xb4: {  	s26 =	simm.s32 $execute0_lowered;
	[smem:$0x3FD2] =	sst s25  }
0xb5: {  	s5 =	sshll.u32 s26, $0x1;
	_ =	strace $0x8000004C;
	[dreg:$0x1] =	wrdreg $0xFFFFFFFF  }
0xb6: {  	s28 =	simm.s32 $_size_execute0_lowered;
	s3 =	sadd.s32 s3, s5;
	[dreg:$0x0] =	wrdreg $0x0  }
0xb7: {  	s5 =	sshll.u32 s28, $0x1;
	[dreg:$0x2] =	wrdreg s3  }
0xb8: {  	[dreg:$0x3] =	wrdreg s5  }
0xb9: {  	[dreg:$0x4] =	wrdreg $0xC0  }
0xba: {  	_ =	task [dreg:s22], $0x5FFFF  }
0xbb: {  	[dreg:$0x1] =	wrdreg $0xFFFFFFFF  }
0xbc: {  	[dreg:$0x0] =	wrdreg $0x60  }
0xbd: {  	[dreg:$0x2] =	wrdreg s24  }
0xbe: {  	[dreg:$0x3] =	wrdreg $0xAA000  }
0xbf: {  	[dreg:$0x4] =	wrdreg $0x9  }
0xc0: {  	_ =	task.clear_ibuf [dreg:s22], $0x5FFFF;
	_ =	strace $0x9000004C  }
0xc1: {  	s29 =	simm.s32 $0x9;
	_ =	strace $0x8000004E  }
0xc2: {  	_ =	swait.ge [sflag:s29], $0x1  }
0xc3: {  	[sflag:s29] =	ssyncadd.s32 $0xFFFFFFFF  }
0xc4: {  	_ =	strace $0x9000004E  }
0xc5: {  	_ =	sfence  }
0xc6: {  	s30 =	sld [smem:$0x0];
	_ =	sdelay $0x2  }
0xc7: {  	s31 =	sshll.u32 s1, $0xD;
	s1 =	sshrl.u32 s1, $0x2  }
0xc8: {  	s4 =	sand.u32 $0x4000, s31;
	s1 =	sadd.s32 s1, s30  }
0xc9: {  	s0 =	sor.u32 s4, s0;
	s1 =	sshll.u32 s1, $0x11  }
0xca: {  	s0 =	sor.u32 s1, s0  }
0xcb: {  	s0 =	sadd.s32 $0x8F2B, s0  }
0xcc: {  	[sflag:s0] =	ssyncadd.remote.s32 $0x1  }
0xcd: {  	_ =	sfence.sel $0xFFFF  }
0xce: {  	[dreg:$0x0] =	wrdreg $0xFFFFFFFF;
	(pc) =	sbr.abs _section_cstart, $3  }
0xcf: {  	[dreg:$0x1] =	wrdreg $0xFFFFFFFF  }
0xd0: {  	_ =	task.clear_ibuf [dreg:s22], $0x2FFFF;
	_ =	strace $0x9FFFFFFF  }
0xd1: {  	(tm) =	ssettm $0x7FFFFFFF  }
tec
execute0_lowered:
.L_overlay_start_1:
0x0: {  	(tag) =	ssettag $0x1  }
0x1: {  	s5 =	rddreg [dreg:$0x0];
	s0 =	srdreg.scid  }
0x2: {  	s2 =	rddreg [dreg:$0x1];
	s1 =	stileid.u32  }
0x3: {  	s3 =	simm.s32 $0x0;
	s13 =	simm.s32 $0x3;
	s14 =	simm.s32 $0x80  }
0x4: {  	s15 =	simm.s32 $0x2800;
	s16 =	simm.s32 $0x2900;
	s17 =	simm.s32 $0x6A00  }
0x5: {  	s18 =	simm.s32 $0x1;
	s19 =	simm.s32 $0x2880;
	s20 =	simm.s32 $0x2  }
0x6: {  	s6 =	sand.u32 $0x1, s0;
	s0 =	rddreg [dreg:$0x2];
	s22 =	smul.u32 $0x2800, s1  }
0x7: {  	s21 =	simm.s32 $0x2980;
	[smem:$0x7FF] =	sst s3;
	s9 =	smul.u32 $0x50000, s1  }
0x8: {  	s4 =	sadd.s32 $0xE8200, s5;
	s7 =	smul.u32 $0x28000, s6;
	s6 =	ssub.s32 $0x2, s6  }
0x9: {  	_ =	strace $0x8000004D;
	s31 =	sshrl.u32 s6, $0x1;
	s9 =	sshrl.u32 s9, $0x2  }
0xa: {  	s8 =	sadd.s32 s22, s7;
	s11 =	sadd.s32 s7, s5;
	s12 =	ssub.s32 s6, s31  }
0xb: {  	s8 =	sshrl.u32 s8, $0x3;
	s23 =	sadd.s32 $0x4BE00, s11;
	s11 =	smax.u32 s12, $0x1  }
0xc: {  	s12 =	simm.s32 $0x2A00;
	s10 =	sadd.s32 s8, s5;
	s5 =	sadd.s32 s9, s2  }
0xd: {  	s22 =	sadd.s32 s22, s23;
	s6 =	sadd.s32 $0x4000, s5;
	s7 =	sadd.s32 $0x8000, s5  }
0xe: {  	v0 =	vimm.f32 $0.0e+00;
	s8 =	sadd.s32 $0xC000, s5;
	s9 =	sadd.s32 $0x10000, s5;
	s10 =	sadd.s32 $0x41400, s10  }
.LBB2_1:
0xf: {  	s23 =	simm.s32 $0x0;
	s24 =	simm.s32 $0x200  }
.LBB2_2:
0x10: {  	p0 =	sne.s32 s24, $0xFE00;
	[tilespmem:s23+$0x2A70] =	vst v0  }
0x11: {  	[tilespmem:s23+$0x2A00] =	vst v0  }
0x12: {  	[tilespmem:s23+$0x2A10] =	vst v0  }
.Ltmp0:
0x13: {  	[tilespmem:s23+$0x2A20] =	vst v0;
	(pc) =	sbr.rel @p0 .LBB2_2-.Ltmp0, $4  }
0x14: {  	[tilespmem:s23+$0x2A30] =	vst v0  }
0x15: {  	[tilespmem:s23+$0x2A40] =	vst v0  }
0x16: {  	[tilespmem:s23+$0x2A50] =	vst v0  }
0x17: {  	[tilespmem:s23+$0x2A60] =	vst v0;
	s23 =	sshra.s32 s24, $0x2;
	s24 =	sadd.s32 $0x200, s24  }
0x18: {  	[tilespmem:s23+$0x2A70] =	vst v0  }
0x19: {  	[tilespmem:s23+$0x2A00] =	vst v0  }
0x1a: {  	[tilespmem:s23+$0x2A10] =	vst v0  }
0x1b: {  	[tilespmem:s23+$0x2A20] =	vst v0  }
0x1c: {  	[tilespmem:s23+$0x2A30] =	vst v0  }
0x1d: {  	[tilespmem:s23+$0x2A40] =	vst v0  }
0x1e: {  	[tilespmem:s23+$0x2A50] =	vst v0  }
0x1f: {  	[tilespmem:s23+$0x2A60] =	vst v0  }
0x20: {  	[spmem:s5] =	stream.linear.scatter [tilespmem:s12], [sflag:$0x3], $0x4000, $0x38;
	[tilespmem:$0x1EA00] =	vst v63  }
0x21: {  	_ =	swait.ge [sflag:s13], $0x4000  }
0x22: {  	[sflag:s13] =	ssyncset.done $0x0  }
0x23: {  	[sflag:s13] =	ssyncadd.s32 $0xFFFFC000  }
0x24: {  	[spmem:s6] =	stream.linear.scatter [tilespmem:s12], [sflag:$0x3], $0x4000, $0x38;
	[tilespmem:$0x1EA00] =	vst v63  }
0x25: {  	_ =	swait.ge [sflag:s13], $0x4000  }
0x26: {  	[sflag:s13] =	ssyncset.done $0x0  }
0x27: {  	[sflag:s13] =	ssyncadd.s32 $0xFFFFC000  }
0x28: {  	[spmem:s7] =	stream.linear.scatter [tilespmem:s12], [sflag:$0x3], $0x4000, $0x38;
	[tilespmem:$0x1EA00] =	vst v63  }
0x29: {  	_ =	swait.ge [sflag:s13], $0x4000  }
0x2a: {  	[sflag:s13] =	ssyncset.done $0x0  }
0x2b: {  	[sflag:s13] =	ssyncadd.s32 $0xFFFFC000  }
0x2c: {  	[spmem:s8] =	stream.linear.scatter [tilespmem:s12], [sflag:$0x3], $0x4000, $0x38;
	[tilespmem:$0x1EA00] =	vst v63  }
0x2d: {  	_ =	swait.ge [sflag:s13], $0x4000  }
0x2e: {  	[sflag:s13] =	ssyncset.done $0x0  }
0x2f: {  	[sflag:s13] =	ssyncadd.s32 $0xFFFFC000  }
0x30: {  	[spmem:s9] =	stream.linear.scatter [tilespmem:s12], [sflag:$0x3], $0x4000, $0x38;
	[tilespmem:$0x1EA00] =	vst v63  }
0x31: {  	_ =	swait.ge [sflag:s13], $0x4000  }
0x32: {  	[sflag:s13] =	ssyncset.done $0x0  }
0x33: {  	s30 =	simm.s32 $0x0;
	[sflag:s13] =	ssyncadd.s32 $0xFFFFC000  }
0x34: {  	[tilespmem:s30], [sflag:$0x3] =	stream.linear.gather [hbm4b:s10+s30], $0x2800, $0x38;
	[tilespmem:$0x1EA00] =	vst v63  }
0x35: {  	_ =	swait.ge [sflag:s13], $0x2800  }
0x36: {  	[sflag:s13] =	ssyncset.done $0x0  }
0x37: {  	[sflag:s13] =	ssyncadd.s32 $0xFFFFD800  }
0x38: {  	[bflag:$0x0] =	sbarrier.arrive $0xFFFF  }
0x39: {  	v1 =	vld [tilespmem:$0x0];
	_ =	sdelay $0x1  }
0x3a: {  	v2 =	vld [tilespmem:$0x10];
	_ =	sdelay $0x1  }
0x3b: {  	v3 =	vld [tilespmem:$0x20]  }
0x3c: {  	v4 =	vand.u32 $0x7FFF, v1  }
0x3d: {  	v62 =	vld [tilespmem:$0x30];
	v1 =	vshrl.u32 v1, $0xF;
	[tilespmem:$0x2800] =	vst v4  }
0x3e: {  	[tilespmem:$0x2880] =	vst v1;
	v1 =	vand.u32 $0x7FFF, v2  }
0x3f: {  	[tilespmem:$0x2810] =	vst v1;
	v1 =	vshrl.u32 v2, $0xF;
	v2 =	vld [tilespmem:$0x40]  }
0x40: {  	[tilespmem:$0x2890] =	vst v1;
	v1 =	vand.u32 $0x7FFF, v3  }
0x41: {  	[tilespmem:$0x2820] =	vst v1;
	v1 =	vshrl.u32 v3, $0xF;
	v3 =	vld [tilespmem:$0x50]  }
0x42: {  	[tilespmem:$0x28A0] =	vst v1;
	v1 =	vand.u32 $0x7FFF, v62  }
0x43: {  	v63 =	vld [tilespmem:$0x60];
	[tilespmem:$0x2830] =	vst v1;
	v1 =	vshrl.u32 v62, $0xF  }
0x44: {  	[tilespmem:$0x28B0] =	vst v1;
	v1 =	vand.u32 $0x7FFF, v2  }
0x45: {  	[tilespmem:$0x2840] =	vst v1;
	v1 =	vshrl.u32 v2, $0xF;
	v2 =	vld [tilespmem:$0x70]  }
0x46: {  	[tilespmem:$0x28C0] =	vst v1;
	v1 =	vand.u32 $0x7FFF, v3  }
0x47: {  	[tilespmem:$0x2850] =	vst v1;
	v1 =	vshrl.u32 v3, $0xF  }
0x48: {  	[tilespmem:$0x28D0] =	vst v1;
	v1 =	vand.u32 $0x7FFF, v63  }
0x49: {  	[tilespmem:$0x2860] =	vst v1;
	v1 =	vshrl.u32 v63, $0xF  }
0x4a: {  	[tilespmem:$0x28E0] =	vst v1;
	v1 =	vand.u32 $0x7FFF, v2  }
0x4b: {  	[tilespmem:$0x2870] =	vst v1;
	v1 =	vshrl.u32 v2, $0xF  }
0x4c: {  	s31 =	simm.s32 $0x0;
	[tilespmem:$0x28F0] =	vst v1  }
0x4d: {  	[tilespmem:s12], [sflag:$0x1] =	stream.indirect.gather [hbm4b:s4+s14], $0x80, s15, s14, $0xb8;
	[tilespmem:$0x1EA00] =	vst v63  }
0x4e: {  	v1 =	vld [tilespmem:s31+$0x80];
	_ =	sdelay $0x4  }
0x4f: {  	v2 =	vand.u32 $0x7FFF, v1  }
0x50: {  	v1 =	vshrl.u32 v1, $0xF;
	[tilespmem:$0x2900] =	vst v2  }
0x51: {  	[tilespmem:$0x2980] =	vst v1  }
0x52: {  	v1 =	vld [tilespmem:s31+$0x90];
	_ =	sdelay $0x4  }
0x53: {  	v2 =	vand.u32 $0x7FFF, v1  }
0x54: {  	v1 =	vshrl.u32 v1, $0xF;
	[tilespmem:$0x2910] =	vst v2  }
0x55: {  	[tilespmem:$0x2990] =	vst v1  }
0x56: {  	v1 =	vld [tilespmem:s31+$0xA0];
	_ =	sdelay $0x4  }
0x57: {  	v2 =	vand.u32 $0x7FFF, v1  }
0x58: {  	v1 =	vshrl.u32 v1, $0xF;
	[tilespmem:$0x2920] =	vst v2  }
0x59: {  	[tilespmem:$0x29A0] =	vst v1  }
0x5a: {  	v1 =	vld [tilespmem:s31+$0xB0];
	_ =	sdelay $0x4  }
0x5b: {  	v2 =	vand.u32 $0x7FFF, v1  }
0x5c: {  	v1 =	vshrl.u32 v1, $0xF;
	[tilespmem:$0x2930] =	vst v2  }
0x5d: {  	[tilespmem:$0x29B0] =	vst v1  }
0x5e: {  	v1 =	vld [tilespmem:s31+$0xC0];
	_ =	sdelay $0x4  }
0x5f: {  	v2 =	vand.u32 $0x7FFF, v1  }
0x60: {  	v1 =	vshrl.u32 v1, $0xF;
	[tilespmem:$0x2940] =	vst v2  }
0x61: {  	[tilespmem:$0x29C0] =	vst v1  }
0x62: {  	v1 =	vld [tilespmem:s31+$0xD0];
	_ =	sdelay $0x4  }
0x63: {  	v2 =	vand.u32 $0x7FFF, v1  }
0x64: {  	v1 =	vshrl.u32 v1, $0xF;
	[tilespmem:$0x2950] =	vst v2  }
0x65: {  	[tilespmem:$0x29D0] =	vst v1  }
0x66: {  	v1 =	vld [tilespmem:s31+$0xE0];
	_ =	sdelay $0x4  }
0x67: {  	v2 =	vand.u32 $0x7FFF, v1  }
0x68: {  	v1 =	vshrl.u32 v1, $0xF;
	[tilespmem:$0x2960] =	vst v2  }
0x69: {  	[tilespmem:$0x29E0] =	vst v1  }
0x6a: {  	v1 =	vld [tilespmem:s31+$0xF0];
	_ =	sdelay $0x4  }
0x6b: {  	v2 =	vand.u32 $0x7FFF, v1  }
0x6c: {  	v1 =	vshrl.u32 v1, $0xF;
	[tilespmem:$0x2970] =	vst v2  }
0x6d: {  	[tilespmem:$0x29F0] =	vst v1  }
0x6e: {  	[tilespmem:s17], [sflag:$0x2] =	stream.indirect.gather [hbm4b:s4+s14], $0x80, s16, s14, $0xb8;
	[tilespmem:$0x1EA00] =	vst v63  }
0x6f: {  	_ =	swait.ge [sflag:s18], $0x4000  }
0x70: {  	[sflag:s18] =	ssyncset.done $0x0  }
0x71: {  	[sflag:s18] =	ssyncadd.s32 $0xFFFFC000  }
0x72: {  	[spmem:s2] =	stream.indirect.scatter.add.f32 [tilespmem:s12], [sflag:$0x3], $0x80, s19, s14, $0xb8;
	[tilespmem:$0x1EA00] =	vst v63  }
0x73: {  	_ =	swait.ge [sflag:s13], $0x4000  }
0x74: {  	p1 =	por $0x0, $0x0;
	[sflag:s13] =	ssyncset.done $0x0  }
0x75: {  	s24 =	simm.s32 @!p1 $0x0;
	[sflag:s13] =	ssyncadd.s32 $0xFFFFC000  }
0x76: {  	v1 =	vld @!p1 [tilespmem:s24+$0x100];
	_ =	sdelay $0x4  }
0x77: {  	v2 =	vand.u32 @!p1 $0x7FFF, v1  }
0x78: {  	v1 =	vshrl.u32 @!p1 v1, $0xF;
	[tilespmem:$0x2800] =	vst @!p1 v2  }
0x79: {  	[tilespmem:$0x2880] =	vst @!p1 v1  }
0x7a: {  	v1 =	vld @!p1 [tilespmem:s24+$0x110];
	_ =	sdelay $0x4  }
0x7b: {  	v2 =	vand.u32 @!p1 $0x7FFF, v1  }
0x7c: {  	v1 =	vshrl.u32 @!p1 v1, $0xF;
	[tilespmem:$0x2810] =	vst @!p1 v2  }
0x7d: {  	[tilespmem:$0x2890] =	vst @!p1 v1  }
0x7e: {  	v1 =	vld @!p1 [tilespmem:s24+$0x120];
	_ =	sdelay $0x4  }
0x7f: {  	v2 =	vand.u32 @!p1 $0x7FFF, v1  }
0x80: {  	v1 =	vshrl.u32 @!p1 v1, $0xF;
	[tilespmem:$0x2820] =	vst @!p1 v2  }
0x81: {  	[tilespmem:$0x28A0] =	vst @!p1 v1  }
0x82: {  	v1 =	vld @!p1 [tilespmem:s24+$0x130];
	_ =	sdelay $0x4  }
0x83: {  	v2 =	vand.u32 @!p1 $0x7FFF, v1  }
0x84: {  	v1 =	vshrl.u32 @!p1 v1, $0xF;
	[tilespmem:$0x2830] =	vst @!p1 v2  }
0x85: {  	[tilespmem:$0x28B0] =	vst @!p1 v1  }
0x86: {  	v1 =	vld @!p1 [tilespmem:s24+$0x140];
	_ =	sdelay $0x4  }
0x87: {  	v2 =	vand.u32 @!p1 $0x7FFF, v1  }
0x88: {  	v1 =	vshrl.u32 @!p1 v1, $0xF;
	[tilespmem:$0x2840] =	vst @!p1 v2  }
0x89: {  	[tilespmem:$0x28C0] =	vst @!p1 v1  }
0x8a: {  	v1 =	vld @!p1 [tilespmem:s24+$0x150];
	_ =	sdelay $0x4  }
0x8b: {  	v2 =	vand.u32 @!p1 $0x7FFF, v1  }
0x8c: {  	v1 =	vshrl.u32 @!p1 v1, $0xF;
	[tilespmem:$0x2850] =	vst @!p1 v2  }
0x8d: {  	[tilespmem:$0x28D0] =	vst @!p1 v1  }
0x8e: {  	v1 =	vld @!p1 [tilespmem:s24+$0x160];
	_ =	sdelay $0x4  }
0x8f: {  	s23 =	simm.s32 $0x400;
	v2 =	vand.u32 @!p1 $0x7FFF, v1  }
0x90: {  	s26 =	simm.s32 @!p1 $0x80;
	s28 =	simm.s32 @!p1 $0x2800;
	s29 =	simm.s32 @!p1 $0x2A00;
	v1 =	vshrl.u32 @!p1 v1, $0xF;
	[tilespmem:$0x2860] =	vst @!p1 v2  }
.LBB2_4:
0x91: {  	[tilespmem:$0x28E0] =	vst @!p1 v1;
	s25 =	smov.u32 s23;
	s23 =	sadd.s32 $0x400, s23  }
0x92: {  	p0 =	sne.s32 s23, $0xA000;
	v1 =	vld @!p1 [tilespmem:s24+$0x170];
	_ =	sdelay $0x4  }
0x93: {  	v2 =	vand.u32 @!p1 $0x7FFF, v1;
	v1 =	vshrl.u32 @!p1 v1, $0xF  }
0x94: {  	[tilespmem:$0x2870] =	vst @!p1 v2  }
0x95: {  	[tilespmem:$0x28F0] =	vst @!p1 v1  }
0x96: {  	[tilespmem:s29], [sflag:$0x1] =	stream.indirect.gather @!p1 [hbm4b:s4+s26], $0x80, s28, s26, $0xb8;
	[tilespmem:$0x1EA00] =	vst v63  }
0x97: {  	_ =	swait.ge [sflag:s20], $0x4000  }
0x98: {  	[sflag:s20] =	ssyncset.done $0x0  }
0x99: {  	[sflag:s20] =	ssyncadd.s32 $0xFFFFC000  }
0x9a: {  	[spmem:s2] =	stream.indirect.scatter.add.f32 [tilespmem:s17], [sflag:$0x3], $0x80, s21, s14, $0xb8;
	[tilespmem:$0x1EA00] =	vst v63  }
0x9b: {  	_ =	swait.ge [sflag:s13], $0x4000  }
0x9c: {  	[sflag:s13] =	ssyncset.done $0x0  }
0x9d: {  	s24 =	sshra.s32 s25, $0x2;
	[sflag:s13] =	ssyncadd.s32 $0xFFFFC000  }
0x9e: {  	v1 =	vld [tilespmem:s24+$0x80];
	_ =	sdelay $0x4  }
0x9f: {  	v2 =	vand.u32 $0x7FFF, v1;
	v1 =	vshrl.u32 v1, $0xF  }
0xa0: {  	[tilespmem:$0x2900] =	vst v2  }
0xa1: {  	[tilespmem:$0x2980] =	vst v1  }
0xa2: {  	v1 =	vld [tilespmem:s24+$0x90];
	_ =	sdelay $0x4  }
0xa3: {  	v2 =	vand.u32 $0x7FFF, v1;
	v1 =	vshrl.u32 v1, $0xF  }
0xa4: {  	[tilespmem:$0x2910] =	vst v2  }
0xa5: {  	[tilespmem:$0x2990] =	vst v1  }
0xa6: {  	v1 =	vld [tilespmem:s24+$0xA0];
	_ =	sdelay $0x4  }
0xa7: {  	v2 =	vand.u32 $0x7FFF, v1;
	v1 =	vshrl.u32 v1, $0xF  }
0xa8: {  	[tilespmem:$0x2920] =	vst v2  }
0xa9: {  	[tilespmem:$0x29A0] =	vst v1  }
0xaa: {  	v1 =	vld [tilespmem:s24+$0xB0];
	_ =	sdelay $0x4  }
0xab: {  	v2 =	vand.u32 $0x7FFF, v1;
	v1 =	vshrl.u32 v1, $0xF  }
0xac: {  	[tilespmem:$0x2930] =	vst v2  }
0xad: {  	[tilespmem:$0x29B0] =	vst v1  }
0xae: {  	v1 =	vld [tilespmem:s24+$0xC0];
	_ =	sdelay $0x4  }
0xaf: {  	v2 =	vand.u32 $0x7FFF, v1;
	v1 =	vshrl.u32 v1, $0xF  }
0xb0: {  	[tilespmem:$0x2940] =	vst v2  }
0xb1: {  	[tilespmem:$0x29C0] =	vst v1  }
0xb2: {  	v1 =	vld [tilespmem:s24+$0xD0];
	_ =	sdelay $0x4  }
0xb3: {  	v2 =	vand.u32 $0x7FFF, v1;
	v1 =	vshrl.u32 v1, $0xF  }
0xb4: {  	[tilespmem:$0x2950] =	vst v2  }
0xb5: {  	[tilespmem:$0x29D0] =	vst v1  }
0xb6: {  	v1 =	vld [tilespmem:s24+$0xE0];
	_ =	sdelay $0x4  }
0xb7: {  	v2 =	vand.u32 $0x7FFF, v1;
	v1 =	vshrl.u32 v1, $0xF  }
0xb8: {  	[tilespmem:$0x2960] =	vst v2  }
0xb9: {  	[tilespmem:$0x29E0] =	vst v1  }
0xba: {  	v1 =	vld [tilespmem:s24+$0xF0];
	_ =	sdelay $0x4  }
0xbb: {  	v2 =	vand.u32 $0x7FFF, v1;
	v1 =	vshrl.u32 v1, $0xF  }
0xbc: {  	p1 =	seq.s32 s25, $0x9C00;
	[tilespmem:$0x2970] =	vst v2  }
0xbd: {  	s24 =	sshra.s32 @!p1 s25, $0x2;
	[tilespmem:$0x29F0] =	vst v1  }
0xbe: {  	[tilespmem:s17], [sflag:$0x2] =	stream.indirect.gather [hbm4b:s4+s14], $0x80, s16, s14, $0xb8;
	[tilespmem:$0x1EA00] =	vst v63  }
0xbf: {  	_ =	swait.ge [sflag:s18], $0x4000  }
0xc0: {  	[sflag:s18] =	ssyncset.done $0x0  }
0xc1: {  	[sflag:s18] =	ssyncadd.s32 $0xFFFFC000  }
0xc2: {  	[spmem:s2] =	stream.indirect.scatter.add.f32 [tilespmem:s12], [sflag:$0x3], $0x80, s19, s14, $0xb8;
	[tilespmem:$0x1EA00] =	vst v63  }
0xc3: {  	_ =	swait.ge [sflag:s13], $0x4000  }
0xc4: {  	[sflag:s13] =	ssyncset.done $0x0  }
0xc5: {  	[sflag:s13] =	ssyncadd.s32 $0xFFFFC000  }
0xc6: {  	v1 =	vld @!p1 [tilespmem:s24+$0x100];
	_ =	sdelay $0x4  }
0xc7: {  	v2 =	vand.u32 @!p1 $0x7FFF, v1;
	v1 =	vshrl.u32 @!p1 v1, $0xF  }
0xc8: {  	[tilespmem:$0x2800] =	vst @!p1 v2  }
0xc9: {  	[tilespmem:$0x2880] =	vst @!p1 v1  }
0xca: {  	v1 =	vld @!p1 [tilespmem:s24+$0x110];
	_ =	sdelay $0x4  }
0xcb: {  	v2 =	vand.u32 @!p1 $0x7FFF, v1;
	v1 =	vshrl.u32 @!p1 v1, $0xF  }
0xcc: {  	[tilespmem:$0x2810] =	vst @!p1 v2  }
0xcd: {  	[tilespmem:$0x2890] =	vst @!p1 v1  }
0xce: {  	v1 =	vld @!p1 [tilespmem:s24+$0x120];
	_ =	sdelay $0x4  }
0xcf: {  	v2 =	vand.u32 @!p1 $0x7FFF, v1;
	v1 =	vshrl.u32 @!p1 v1, $0xF  }
0xd0: {  	[tilespmem:$0x2820] =	vst @!p1 v2  }
0xd1: {  	[tilespmem:$0x28A0] =	vst @!p1 v1  }
0xd2: {  	v1 =	vld @!p1 [tilespmem:s24+$0x130];
	_ =	sdelay $0x4  }
0xd3: {  	v2 =	vand.u32 @!p1 $0x7FFF, v1;
	v1 =	vshrl.u32 @!p1 v1, $0xF  }
0xd4: {  	[tilespmem:$0x2830] =	vst @!p1 v2  }
0xd5: {  	[tilespmem:$0x28B0] =	vst @!p1 v1  }
0xd6: {  	v1 =	vld @!p1 [tilespmem:s24+$0x140];
	_ =	sdelay $0x4  }
0xd7: {  	v2 =	vand.u32 @!p1 $0x7FFF, v1;
	v1 =	vshrl.u32 @!p1 v1, $0xF  }
0xd8: {  	[tilespmem:$0x2840] =	vst @!p1 v2  }
0xd9: {  	[tilespmem:$0x28C0] =	vst @!p1 v1  }
0xda: {  	v1 =	vld @!p1 [tilespmem:s24+$0x150];
	_ =	sdelay $0x4  }
0xdb: {  	v2 =	vand.u32 @!p1 $0x7FFF, v1;
	v1 =	vshrl.u32 @!p1 v1, $0xF  }
0xdc: {  	[tilespmem:$0x2850] =	vst @!p1 v2  }
0xdd: {  	s26 =	simm.s32 @!p1 $0x80;
	s28 =	simm.s32 @!p1 $0x2800;
	s29 =	simm.s32 @!p1 $0x2A00;
	[tilespmem:$0x28D0] =	vst @!p1 v1  }
0xde: {  	v1 =	vld @!p1 [tilespmem:s24+$0x160];
	_ =	sdelay $0x1  }
.Ltmp1:
0xdf: {  	(pc) =	sbr.rel @p0 .LBB2_4-.Ltmp1, $3  }
0xe0: {  	_ =	sdelay $0x1  }
0xe1: {  	v2 =	vand.u32 @!p1 $0x7FFF, v1;
	v1 =	vshrl.u32 @!p1 v1, $0xF  }
0xe2: {  	[tilespmem:$0x2860] =	vst @!p1 v2  }
0xe3: {  	[tilespmem:$0x28E0] =	vst @!p1 v1  }
0xe4: {  	v1 =	vld @!p1 [tilespmem:s24+$0x170];
	_ =	sdelay $0x4  }
0xe5: {  	v2 =	vand.u32 @!p1 $0x7FFF, v1  }
0xe6: {  	v1 =	vshrl.u32 @!p1 v1, $0xF;
	[tilespmem:$0x2870] =	vst @!p1 v2  }
0xe7: {  	[tilespmem:$0x28F0] =	vst @!p1 v1  }
0xe8: {  	[tilespmem:s29], [sflag:$0x1] =	stream.indirect.gather @!p1 [hbm4b:s4+s26], $0x80, s28, s26, $0xb8;
	[tilespmem:$0x1EA00] =	vst v63  }
0xe9: {  	_ =	swait.ge [sflag:s20], $0x4000  }
0xea: {  	[sflag:s20] =	ssyncset.done $0x0  }
0xeb: {  	[sflag:s20] =	ssyncadd.s32 $0xFFFFC000  }
0xec: {  	[spmem:s2] =	stream.indirect.scatter.add.f32 [tilespmem:s17], [sflag:$0x3], $0x80, s21, s14, $0xb8;
	[tilespmem:$0x1EA00] =	vst v63  }
0xed: {  	_ =	swait.ge [sflag:s13], $0x4000  }
0xee: {  	s23 =	sshll.u32 s1, $0x6;
	s3 =	sadd.s32 $0x1, s3;
	[sflag:s13] =	ssyncset.done $0x0  }
0xef: {  	s31 =	sshrl.u32 s5, $0x3;
	p0 =	sne.s32 s3, s11;
	[sflag:s13] =	ssyncadd.s32 $0xFFFFC000  }
.Ltmp2:
0xf0: {  	s23 =	sor.u32 $0x1C03, s23;
	[bflag:$0x0] =	sbarrier.arrive $0xFFFF;
	(pc) =	sbr.rel @p0 .LBB2_1-.Ltmp2, $4  }
0xf1: {  	[hbm:s22], [sflag:s23] =	dma.local [spmem:s31], $0x2800  }
0xf2: {  	_ =	swait.ge [sflag:s13], $0x2800  }
0xf3: {  	[sflag:s13] =	ssyncset.done $0x0  }
0xf4: {  	[sflag:s13] =	ssyncadd.s32 $0xFFFFD800  }
0xf5: {  	_ =	sfence.sel $0x180000  }
0xf6: {  	[bflag:$0x0] =	sbarrier.arrive $0xFFFF  }
0xf7: {  	p0 =	sne.s32 s1, $0x0;
	_ =	strace $0x9000004D  }
0xf8: {  	s0 =	sadd.s32 @!p0 $0x100000, s0;
	[bflag:$0x2] =	sbarrier.arrive $0xFFFF  }
0xf9: {  	[sflag:s0] =	ssyncadd.tile.s32 @!p0 $0x1;
	_ =	shalt  }
.Lfunc_end2:
_tile_overlayer_lowered:
.L_overlay_start_2:
0xfa: {  	(tag) =	ssettag $0x2  }
0xfb: {  	s0 =	rddreg [dreg:$0x0];
	s2 =	stileid.u32  }
0xfc: {  	s1 =	rddreg [dreg:$0x1];
	p0 =	sne.s32 s2, $0x0  }
0xfd: {  	s3 =	rddreg [dreg:$0x2];
	[bflag:$0x3] =	sbarrier.arrive $0xFFFF;
	s2 =	simm.s32 @!p0 $0x1C03  }
0xfe: {  	[timem:s3], [sflag:s2] =	dma.local @!p0 [hbm:s0], s1  }
0xff: {  	s0 =	simm.s32 @!p0 $0x3  }
0x100: {  	_ =	swait.ge @!p0 [sflag:s0], s1  }
0x101: {  	s1 =	ssub.s32 @!p0 $0x0, s1;
	[sflag:s0] =	ssyncset.done @!p0 $0x0  }
0x102: {  	[sflag:s0] =	ssyncadd.s32 @!p0 s1  }
0x103: {  	[bflag:$0x3] =	sbarrier.arrive $0xFFFF  }
0x104: {  	_ =	shalt  }

</sc_bundles>
